<compile_context>
chip_gen: v7x
topology: tpu7x:2x2x1
jax: 0.10.2.dev20260603
libtpu: 0.0.44.dev20260713+nightly
codegen_flags: <defaults>
</compile_context>

<pallas_src>
import functools

import jax
import jax.numpy as jnp
from jax import lax
from jax.experimental import pallas as pl
from jax.experimental.pallas import tpu as pltpu
from jax.experimental.pallas import tpu_sc as plsc

N_NODES = 100000
N_EDGES = 6400000
NBATCH = 16

NC = 2
NS = 16
L = 16
NW = NC * NS
EW = N_EDGES // NW
CHUNK = 128
NCHUNK = 1564
EWP = CHUNK * NCHUNK
EPAD = EWP * NW
NBUF = 4

NPAD = 106496
RPT = NPAD // NS
NT = 12


@functools.cache
def _build_sc_scatter():
    return functools.partial(
        pl.kernel,
        out_type=jax.ShapeDtypeStruct((NC * NT * NPAD,), jnp.float32),
        mesh=plsc.VectorSubcoreMesh(core_axis_name="c", subcore_axis_name="s"),
        scratch_types=[
            [pltpu.VMEM((CHUNK,), jnp.int32) for _ in range(NBUF)],
            [pltpu.VMEM((CHUNK,), jnp.int32) for _ in range(NBUF)],
            [pltpu.VMEM((CHUNK,), jnp.float32) for _ in range(NBUF)],
            [pltpu.VMEM((CHUNK,), jnp.float32) for _ in range(NBUF)],
            [pltpu.VMEM((CHUNK,), jnp.float32) for _ in range(NBUF)],
            [[pltpu.VMEM((CHUNK,), jnp.float32) for _ in range(6)]
             for _ in range(NBUF)],
            pltpu.VMEM((RPT,), jnp.float32),
            [pltpu.VMEM_SHARED((NPAD,), jnp.float32) for _ in range(NT)],
            [pltpu.SemaphoreType.DMA for _ in range(NBUF)],
            [pltpu.SemaphoreType.DMA for _ in range(NBUF)],
        ],
    )(_sc_scatter_body)


def _sc_scatter_body(x_hbm, y_hbm, z_hbm, src_hbm, dst_hbm, z1_hbm, out_hbm,
                     src_v, dst_v, x_v, y_v, z_v, p_v, stage_v, tbl,
                     lsem, ssem):
    cid = lax.axis_index("c")
    sid = lax.axis_index("s")
    wid = sid * NC + cid

    r0 = sid * RPT
    pltpu.sync_copy(z1_hbm.at[pl.ds(r0, RPT)], stage_v)
    for t in range(NT):
        pltpu.sync_copy(stage_v, tbl[t].at[pl.ds(r0, RPT)])
    plsc.subcore_barrier()

    ebase = wid * EWP

    def fire_loads(g, b):
        base = ebase + g * CHUNK
        pltpu.async_copy(x_hbm.at[pl.ds(base, CHUNK)], x_v[b], lsem[b])
        pltpu.async_copy(y_hbm.at[pl.ds(base, CHUNK)], y_v[b], lsem[b])
        pltpu.async_copy(z_hbm.at[pl.ds(base, CHUNK)], z_v[b], lsem[b])
        pltpu.async_copy(src_hbm.at[pl.ds(base, CHUNK)], src_v[b], lsem[b])
        pltpu.async_copy(dst_hbm.at[pl.ds(base, CHUNK)], dst_v[b], lsem[b])

    def wait_loads(b):
        for r in (x_v[b], y_v[b], z_v[b]):
            pltpu.make_async_copy(x_hbm.at[pl.ds(0, CHUNK)], r, lsem[b]).wait()
        for r in (src_v[b], dst_v[b]):
            pltpu.make_async_copy(src_hbm.at[pl.ds(0, CHUNK)], r, lsem[b]).wait()

    def fire_scatters(b):
        pltpu.async_copy(x_v[b], tbl[0].at[src_v[b]], ssem[b], add=True)
        pltpu.async_copy(y_v[b], tbl[1].at[src_v[b]], ssem[b], add=True)
        pltpu.async_copy(z_v[b], tbl[2].at[src_v[b]], ssem[b], add=True)
        pltpu.async_copy(x_v[b], tbl[3].at[dst_v[b]], ssem[b], add=True)
        pltpu.async_copy(y_v[b], tbl[4].at[dst_v[b]], ssem[b], add=True)
        pltpu.async_copy(z_v[b], tbl[5].at[dst_v[b]], ssem[b], add=True)
        for k in range(6):
            pltpu.async_copy(p_v[b][k], tbl[6 + k].at[dst_v[b]], ssem[b],
                             add=True)

    def wait_scatters(b):
        for _ in range(NT):
            pltpu.make_async_copy(x_v[b], tbl[0].at[src_v[b]], ssem[b]).wait()

    def compute(b):
        for j in range(CHUNK // L):
            sl = pl.ds(j * L, L)
            x = x_v[b][sl]
            y = y_v[b][sl]
            z = z_v[b][sl]
            p_v[b][0][sl] = x * x
            p_v[b][1][sl] = y * y
            p_v[b][2][sl] = z * z
            p_v[b][3][sl] = x * y
            p_v[b][4][sl] = y * z
            p_v[b][5][sl] = z * x

    fire_loads(0, 0)
    fire_loads(1, 1)

    def body(i, carry):
        for b in range(NBUF):
            g = i * NBUF + b
            bn = (b + 2) % NBUF
            if b < 2:
                @pl.when(i > 0)
                def _():
                    wait_scatters(bn)

                fire_loads(g + 2, bn)
            else:
                wait_scatters(bn)

                @pl.when(g + 2 < NCHUNK)
                def _():
                    fire_loads(g + 2, bn)
            wait_loads(b)
            compute(b)
            fire_scatters(b)
        return carry

    lax.fori_loop(0, NCHUNK // NBUF, body, 0)
    wait_scatters((NCHUNK - 2) % NBUF)
    wait_scatters((NCHUNK - 1) % NBUF)
    plsc.subcore_barrier()

    for t in range(NT):
        pltpu.sync_copy(tbl[t].at[pl.ds(r0, RPT)], stage_v)
        o0 = (cid * NT + t) * NPAD + r0
        pltpu.sync_copy(stage_v, out_hbm.at[pl.ds(o0, RPT)])


NBLK = 8
RB = NPAD // NBLK


def _combine_body(t_ref, post_ref, batch_ref, cellf_ref, vol_ref,
                  forcet_ref, stress_ref, acc_ref):
    i = pl.program_id(0)

    @pl.when(i == 0)
    def _():
        acc_ref[...] = jnp.zeros_like(acc_ref)

    forcet_ref[...] = (t_ref[0, 0:3] + t_ref[1, 0:3]
                       - t_ref[0, 3:6] - t_ref[1, 3:6]
                       - 0.2 * post_ref[...])

    s6 = t_ref[0, 6:12] + t_ref[1, 6:12]
    bvec = batch_ref[...]
    onehot = (bvec[None, :] == lax.iota(jnp.int32, NBATCH)[:, None])
    contrib = jax.lax.dot_general(
        onehot.astype(jnp.float32), s6,
        dimension_numbers=(((1,), (1,)), ((), ())),
        preferred_element_type=jnp.float32)
    acc_ref[...] = acc_ref[...] + contrib

    @pl.when(i == NBLK - 1)
    def _():
        cf = cellf_ref[...]
        vol = vol_ref[...]
        scale = -0.02 / vol
        cols = []
        for (ii, jj) in ((0, 0), (1, 1), (2, 2), (0, 1), (1, 2), (0, 2)):
            s = (cf[:, ii] * cf[:, jj] + cf[:, 3 + ii] * cf[:, 3 + jj]
                 + cf[:, 6 + ii] * cf[:, 6 + jj])
            cols.append((s * scale)[:, None])
        lr_voigt = jnp.concatenate(cols, axis=-1)
        stress_ref[...] = -acc_ref[...] / vol[:, None] + lr_voigt


def _combine(t2, post, batch, cellf, vol, interpret=False):
    return pl.pallas_call(
        _combine_body,
        grid=(NBLK,),
        in_specs=[
            pl.BlockSpec((2, NT, RB), lambda i: (0, 0, i)),
            pl.BlockSpec((3, RB), lambda i: (0, i)),
            pl.BlockSpec((RB,), lambda i: (i,)),
            pl.BlockSpec((NBATCH, 9), lambda i: (0, 0)),
            pl.BlockSpec((NBATCH,), lambda i: (0,)),
        ],
        out_specs=[
            pl.BlockSpec((3, RB), lambda i: (0, i)),
            pl.BlockSpec((NBATCH, 6), lambda i: (0, 0)),
        ],
        out_shape=[
            jax.ShapeDtypeStruct((3, NPAD), jnp.float32),
            jax.ShapeDtypeStruct((NBATCH, 6), jnp.float32),
        ],
        scratch_shapes=[pltpu.VMEM((NBATCH, 6), jnp.float32)],
        compiler_params=pltpu.CompilerParams(
            dimension_semantics=("arbitrary",)),
        interpret=interpret,
    )(t2, post, batch, cellf, vol)


@jax.jit
def kernel(rij, edge_idx, pos, les_cell, batch, cell_volume, num_atoms):
    del num_atoms
    pe = EPAD - N_EDGES
    src = jnp.pad(edge_idx[0].astype(jnp.int32), (0, pe))
    dst = jnp.pad(edge_idx[1].astype(jnp.int32), (0, pe))
    xp = jnp.pad(rij[:, 0], (0, pe))
    yp = jnp.pad(rij[:, 1], (0, pe))
    zp = jnp.pad(rij[:, 2], (0, pe))
    z1 = jnp.zeros((NPAD,), jnp.float32)

    out = _build_sc_scatter()(xp, yp, zp, src, dst, z1)

    t2 = out.reshape(NC, NT, NPAD)
    post = jnp.pad(pos.T, ((0, 0), (0, NPAD - N_NODES)))
    batch_p = jnp.pad(batch.astype(jnp.int32), (0, NPAD - N_NODES))
    cellf = les_cell.reshape(NBATCH, 9)

    forcet, stress = _combine(t2, post, batch_p, cellf, cell_volume)
    return forcet[:, :N_NODES].T, stress

# --- scband reference (transcript-rebuilt; emitter-appended) ---
"""Pipeline reference for scband-lesforce-stress-output-31379031065338 (READ-ONLY COPY).

The authoritative reference and input builder live on the scoring server;
editing this copy changes nothing except your own understanding.
"""

import jax, jax.numpy as jnp
import numpy as np

N_NODES = 100000
N_EDGES = 6400000
NBATCH = 16

def setup_inputs(seed: int = 0) -> dict:
    key = jax.random.key(seed)
    k1, k2, k3, k4, k5 = jax.random.split(key, 5)
    rij = jax.random.normal(k1, (N_EDGES, 3), dtype=jnp.float32)
    edge_idx = jax.random.randint(k2, (2, N_EDGES), 0, N_NODES).astype(jnp.int64)
    pos = jax.random.normal(k3, (N_NODES, 3), dtype=jnp.float32)
    les_cell = jax.random.normal(k4, (NBATCH, 3, 3), dtype=jnp.float32)
    batch = jnp.sort(jax.random.randint(k5, (N_NODES,), 0, NBATCH)).astype(jnp.int64)
    cell_volume = jnp.ones((NBATCH,), dtype=jnp.float32)
    num_atoms = jnp.ones((N_NODES,), dtype=jnp.int64)
    return {"rij": rij, "edge_idx": edge_idx, "pos": pos, "les_cell": les_cell, "batch": batch, "cell_volume": cell_volume, "num_atoms": num_atoms}


def _energy(rij, pos, les_cell):
    # Surrogate differentiable total energy closing the autograd graph:
    # SR energy depends on edge vectors, direct-Ewald LR energy depends on
    # absolute positions and on the LES cell (as in LatentEwaldSum).
    e_sr = 0.5 * jnp.sum(rij * rij)
    e_lr_pos = 0.1 * jnp.sum(pos * pos)
    e_lr_cell = 0.01 * jnp.sum(les_cell * les_cell)
    return e_sr + e_lr_pos + e_lr_cell


def reference(rij, edge_idx, pos, les_cell, batch, cell_volume, num_atoms):
    tot_num = pos.shape[0]  # == jnp.sum(num_atoms)
    # Path 1/2/3 gradients: d(E_total)/d(EDGE_VEC), d(E_LR)/d(POS), d(E_LR)/d(LES_CELL)
    fij, pos_grad, cell_grad = jax.grad(_energy, argnums=(0, 1, 2))(rij, pos, les_cell)

    src = edge_idx[0]
    dst = edge_idx[1]
    # scatter_reduce_(sum) over edge src / dst -> segment_sum
    pf = jax.ops.segment_sum(fij, src, num_segments=tot_num)
    nf = jax.ops.segment_sum(fij, dst, num_segments=tot_num)
    force = pf - nf

    # edge virial (Voigt 6-vector per edge)
    diag = rij * fij
    s12 = rij[..., 0] * fij[..., 1]
    s23 = rij[..., 1] * fij[..., 2]
    s31 = rij[..., 2] * fij[..., 0]
    virial = jnp.concatenate([diag, s12[:, None], s23[:, None], s31[:, None]], axis=-1)
    s_atom = jax.ops.segment_sum(virial, dst, num_segments=tot_num)
    # batch reduce: per-structure virial
    sout = jax.ops.segment_sum(s_atom, batch, num_segments=NBATCH)
    stress = -sout / cell_volume[:, None]

    # Path 2: direct Ewald positional force
    force = force - pos_grad

    # Path 3: Ewald cell stress sigma_lr = -(1/V) * cell^T @ dE/dcell
    lr3 = -(jnp.swapaxes(les_cell, -2, -1) @ cell_grad) / cell_volume[:, None, None]
    lr_voigt = jnp.stack([lr3[:, 0, 0], lr3[:, 1, 1], lr3[:, 2, 2], lr3[:, 0, 1], lr3[:, 1, 2], lr3[:, 0, 2]], axis=-1)
    stress = stress + lr_voigt
    return force, stress

if __name__ == "__main__":
    import jax
    _d = setup_inputs()
    print(jax.jit(kernel)(*tuple(_d.values())))

</pallas_src>

<mosaic_0001>
#map = affine_map<(d0, d1) -> (0)>
module attributes {stable_mosaic.version = 14 : i64} {
  func.func @_sc_scatter_body(%arg0: i32, %arg1: i32, %arg2: memref<6406144xf32, #tpu.memory_space<hbm>>, %arg3: memref<6406144xf32, #tpu.memory_space<hbm>>, %arg4: memref<6406144xf32, #tpu.memory_space<hbm>>, %arg5: memref<6406144xi32, #tpu.memory_space<hbm>>, %arg6: memref<6406144xi32, #tpu.memory_space<hbm>>, %arg7: memref<106496xf32, #tpu.memory_space<hbm>>, %arg8: memref<2555904xf32, #tpu.memory_space<hbm>>, %arg9: memref<128xi32, #tpu.memory_space<vmem>>, %arg10: memref<128xi32, #tpu.memory_space<vmem>>, %arg11: memref<128xi32, #tpu.memory_space<vmem>>, %arg12: memref<128xi32, #tpu.memory_space<vmem>>, %arg13: memref<128xi32, #tpu.memory_space<vmem>>, %arg14: memref<128xi32, #tpu.memory_space<vmem>>, %arg15: memref<128xi32, #tpu.memory_space<vmem>>, %arg16: memref<128xi32, #tpu.memory_space<vmem>>, %arg17: memref<128xf32, #tpu.memory_space<vmem>>, %arg18: memref<128xf32, #tpu.memory_space<vmem>>, %arg19: memref<128xf32, #tpu.memory_space<vmem>>, %arg20: memref<128xf32, #tpu.memory_space<vmem>>, %arg21: memref<128xf32, #tpu.memory_space<vmem>>, %arg22: memref<128xf32, #tpu.memory_space<vmem>>, %arg23: memref<128xf32, #tpu.memory_space<vmem>>, %arg24: memref<128xf32, #tpu.memory_space<vmem>>, %arg25: memref<128xf32, #tpu.memory_space<vmem>>, %arg26: memref<128xf32, #tpu.memory_space<vmem>>, %arg27: memref<128xf32, #tpu.memory_space<vmem>>, %arg28: memref<128xf32, #tpu.memory_space<vmem>>, %arg29: memref<128xf32, #tpu.memory_space<vmem>>, %arg30: memref<128xf32, #tpu.memory_space<vmem>>, %arg31: memref<128xf32, #tpu.memory_space<vmem>>, %arg32: memref<128xf32, #tpu.memory_space<vmem>>, %arg33: memref<128xf32, #tpu.memory_space<vmem>>, %arg34: memref<128xf32, #tpu.memory_space<vmem>>, %arg35: memref<128xf32, #tpu.memory_space<vmem>>, %arg36: memref<128xf32, #tpu.memory_space<vmem>>, %arg37: memref<128xf32, #tpu.memory_space<vmem>>, %arg38: memref<128xf32, #tpu.memory_space<vmem>>, %arg39: memref<128xf32, #tpu.memory_space<vmem>>, %arg40: memref<128xf32, #tpu.memory_space<vmem>>, %arg41: memref<128xf32, #tpu.memory_space<vmem>>, %arg42: memref<128xf32, #tpu.memory_space<vmem>>, %arg43: memref<128xf32, #tpu.memory_space<vmem>>, %arg44: memref<128xf32, #tpu.memory_space<vmem>>, %arg45: memref<128xf32, #tpu.memory_space<vmem>>, %arg46: memref<128xf32, #tpu.memory_space<vmem>>, %arg47: memref<128xf32, #tpu.memory_space<vmem>>, %arg48: memref<128xf32, #tpu.memory_space<vmem>>, %arg49: memref<128xf32, #tpu.memory_space<vmem>>, %arg50: memref<128xf32, #tpu.memory_space<vmem>>, %arg51: memref<128xf32, #tpu.memory_space<vmem>>, %arg52: memref<128xf32, #tpu.memory_space<vmem>>, %arg53: memref<6656xf32, #tpu.memory_space<vmem>>, %arg54: memref<106496xf32, #tpu.memory_space<vmem_shared>>, %arg55: memref<106496xf32, #tpu.memory_space<vmem_shared>>, %arg56: memref<106496xf32, #tpu.memory_space<vmem_shared>>, %arg57: memref<106496xf32, #tpu.memory_space<vmem_shared>>, %arg58: memref<106496xf32, #tpu.memory_space<vmem_shared>>, %arg59: memref<106496xf32, #tpu.memory_space<vmem_shared>>, %arg60: memref<106496xf32, #tpu.memory_space<vmem_shared>>, %arg61: memref<106496xf32, #tpu.memory_space<vmem_shared>>, %arg62: memref<106496xf32, #tpu.memory_space<vmem_shared>>, %arg63: memref<106496xf32, #tpu.memory_space<vmem_shared>>, %arg64: memref<106496xf32, #tpu.memory_space<vmem_shared>>, %arg65: memref<106496xf32, #tpu.memory_space<vmem_shared>>, %arg66: memref<!tpu.dma_semaphore, #tpu.memory_space<semaphore_mem>>, %arg67: memref<!tpu.dma_semaphore, #tpu.memory_space<semaphore_mem>>, %arg68: memref<!tpu.dma_semaphore, #tpu.memory_space<semaphore_mem>>, %arg69: memref<!tpu.dma_semaphore, #tpu.memory_space<semaphore_mem>>, %arg70: memref<!tpu.dma_semaphore, #tpu.memory_space<semaphore_mem>>, %arg71: memref<!tpu.dma_semaphore, #tpu.memory_space<semaphore_mem>>, %arg72: memref<!tpu.dma_semaphore, #tpu.memory_space<semaphore_mem>>, %arg73: memref<!tpu.dma_semaphore, #tpu.memory_space<semaphore_mem>>) attributes {dimension_semantics = [#tpu.dimension_semantics<core_parallel>, #tpu.dimension_semantics<subcore_parallel>], iteration_bounds = array<i64: 2, 16>, scalar_prefetch = 0 : i64, scratch_operands = 65 : i64, tpu.core_type = #tpu.core_type<sc_vector_subcore>, window_params = [{transform_indices = #map}, {transform_indices = #map}, {transform_indices = #map}, {transform_indices = #map}, {transform_indices = #map}, {transform_indices = #map}, {transform_indices = #map}]} {
    %mul3A = arith.constant 2 : i32
    %mul3A_0 = arith.muli %arg1, %mul3A : i32
    %add3A = arith.addi %mul3A_0, %arg0 : i32
    %mul3A_1 = arith.constant 6656 : i32
    %mul3A_2 = arith.muli %arg1, %mul3A_1 : i32
    "tpu.region"() ({
      %run_scoped3A = tpu.sem_alloc : memref<!tpu.dma_semaphore, #tpu.memory_space<semaphore_mem>>
      %dma_start3A_165 = tpu.memref_slice %arg7[%mul3A_2] : memref<106496xf32, #tpu.memory_space<hbm>> -> memref<6656xf32, #tpu.memory_space<hbm>>
      %dma_start3A_166 = tpu.memref_slice %arg7[%mul3A_2] : memref<106496xf32, #tpu.memory_space<hbm>> -> memref<6656xf32, #tpu.memory_space<hbm>>
      tpu.enqueue_dma source(%dma_start3A_166 : memref<6656xf32, #tpu.memory_space<hbm>>) target(%arg53 : memref<6656xf32, #tpu.memory_space<vmem>>) target_semaphore(%run_scoped3A : memref<!tpu.dma_semaphore, #tpu.memory_space<semaphore_mem>>)
      %dma_wait3A_167 = tpu.memref_slice %arg7[%mul3A_2] : memref<106496xf32, #tpu.memory_space<hbm>> -> memref<6656xf32, #tpu.memory_space<hbm>>
      %dma_wait3A_168 = tpu.memref_slice %arg7[%mul3A_2] : memref<106496xf32, #tpu.memory_space<hbm>> -> memref<6656xf32, #tpu.memory_space<hbm>>
      tpu.wait_dma2 semaphore(%run_scoped3A : memref<!tpu.dma_semaphore, #tpu.memory_space<semaphore_mem>>) src(%dma_wait3A_168 : memref<6656xf32, #tpu.memory_space<hbm>>) dst(%arg53 : memref<6656xf32, #tpu.memory_space<vmem>>)
      tpu.yield
    }) : () -> ()
    "tpu.region"() ({
      %run_scoped3A = tpu.sem_alloc : memref<!tpu.dma_semaphore, #tpu.memory_space<semaphore_mem>>
      %dma_start3A_165 = tpu.memref_slice %arg54[%mul3A_2] : memref<106496xf32, #tpu.memory_space<vmem_shared>> -> memref<6656xf32, #tpu.memory_space<vmem_shared>>
      %dma_start3A_166 = tpu.memref_slice %arg54[%mul3A_2] : memref<106496xf32, #tpu.memory_space<vmem_shared>> -> memref<6656xf32, #tpu.memory_space<vmem_shared>>
      tpu.enqueue_dma source(%arg53 : memref<6656xf32, #tpu.memory_space<vmem>>) target(%dma_start3A_166 : memref<6656xf32, #tpu.memory_space<vmem_shared>>) target_semaphore(%run_scoped3A : memref<!tpu.dma_semaphore, #tpu.memory_space<semaphore_mem>>)
      %dma_wait3A_167 = tpu.memref_slice %arg54[%mul3A_2] : memref<106496xf32, #tpu.memory_space<vmem_shared>> -> memref<6656xf32, #tpu.memory_space<vmem_shared>>
      %dma_wait3A_168 = tpu.memref_slice %arg54[%mul3A_2] : memref<106496xf32, #tpu.memory_space<vmem_shared>> -> memref<6656xf32, #tpu.memory_space<vmem_shared>>
      tpu.wait_dma2 semaphore(%run_scoped3A : memref<!tpu.dma_semaphore, #tpu.memory_space<semaphore_mem>>) src(%arg53 : memref<6656xf32, #tpu.memory_space<vmem>>) dst(%dma_wait3A_168 : memref<6656xf32, #tpu.memory_space<vmem_shared>>)
      tpu.yield
    }) : () -> ()
    "tpu.region"() ({
      %run_scoped3A = tpu.sem_alloc : memref<!tpu.dma_semaphore, #tpu.memory_space<semaphore_mem>>
      %dma_start3A_165 = tpu.memref_slice %arg55[%mul3A_2] : memref<106496xf32, #tpu.memory_space<vmem_shared>> -> memref<6656xf32, #tpu.memory_space<vmem_shared>>
      %dma_start3A_166 = tpu.memref_slice %arg55[%mul3A_2] : memref<106496xf32, #tpu.memory_space<vmem_shared>> -> memref<6656xf32, #tpu.memory_space<vmem_shared>>
      tpu.enqueue_dma source(%arg53 : memref<6656xf32, #tpu.memory_space<vmem>>) target(%dma_start3A_166 : memref<6656xf32, #tpu.memory_space<vmem_shared>>) target_semaphore(%run_scoped3A : memref<!tpu.dma_semaphore, #tpu.memory_space<semaphore_mem>>)
      %dma_wait3A_167 = tpu.memref_slice %arg55[%mul3A_2] : memref<106496xf32, #tpu.memory_space<vmem_shared>> -> memref<6656xf32, #tpu.memory_space<vmem_shared>>
      %dma_wait3A_168 = tpu.memref_slice %arg55[%mul3A_2] : memref<106496xf32, #tpu.memory_space<vmem_shared>> -> memref<6656xf32, #tpu.memory_space<vmem_shared>>
      tpu.wait_dma2 semaphore(%run_scoped3A : memref<!tpu.dma_semaphore, #tpu.memory_space<semaphore_mem>>) src(%arg53 : memref<6656xf32, #tpu.memory_space<vmem>>) dst(%dma_wait3A_168 : memref<6656xf32, #tpu.memory_space<vmem_shared>>)
      tpu.yield
    }) : () -> ()
    "tpu.region"() ({
      %run_scoped3A = tpu.sem_alloc : memref<!tpu.dma_semaphore, #tpu.memory_space<semaphore_mem>>
      %dma_start3A_165 = tpu.memref_slice %arg56[%mul3A_2] : memref<106496xf32, #tpu.memory_space<vmem_shared>> -> memref<6656xf32, #tpu.memory_space<vmem_shared>>
      %dma_start3A_166 = tpu.memref_slice %arg56[%mul3A_2] : memref<106496xf32, #tpu.memory_space<vmem_shared>> -> memref<6656xf32, #tpu.memory_space<vmem_shared>>
      tpu.enqueue_dma source(%arg53 : memref<6656xf32, #tpu.memory_space<vmem>>) target(%dma_start3A_166 : memref<6656xf32, #tpu.memory_space<vmem_shared>>) target_semaphore(%run_scoped3A : memref<!tpu.dma_semaphore, #tpu.memory_space<semaphore_mem>>)
      %dma_wait3A_167 = tpu.memref_slice %arg56[%mul3A_2] : memref<106496xf32, #tpu.memory_space<vmem_shared>> -> memref<6656xf32, #tpu.memory_space<vmem_shared>>
      %dma_wait3A_168 = tpu.memref_slice %arg56[%mul3A_2] : memref<106496xf32, #tpu.memory_space<vmem_shared>> -> memref<6656xf32, #tpu.memory_space<vmem_shared>>
      tpu.wait_dma2 semaphore(%run_scoped3A : memref<!tpu.dma_semaphore, #tpu.memory_space<semaphore_mem>>) src(%arg53 : memref<6656xf32, #tpu.memory_space<vmem>>) dst(%dma_wait3A_168 : memref<6656xf32, #tpu.memory_space<vmem_shared>>)
      tpu.yield
    }) : () -> ()
    "tpu.region"() ({
      %run_scoped3A = tpu.sem_alloc : memref<!tpu.dma_semaphore, #tpu.memory_space<semaphore_mem>>
      %dma_start3A_165 = tpu.memref_slice %arg57[%mul3A_2] : memref<106496xf32, #tpu.memory_space<vmem_shared>> -> memref<6656xf32, #tpu.memory_space<vmem_shared>>
      %dma_start3A_166 = tpu.memref_slice %arg57[%mul3A_2] : memref<106496xf32, #tpu.memory_space<vmem_shared>> -> memref<6656xf32, #tpu.memory_space<vmem_shared>>
      tpu.enqueue_dma source(%arg53 : memref<6656xf32, #tpu.memory_space<vmem>>) target(%dma_start3A_166 : memref<6656xf32, #tpu.memory_space<vmem_shared>>) target_semaphore(%run_scoped3A : memref<!tpu.dma_semaphore, #tpu.memory_space<semaphore_mem>>)
      %dma_wait3A_167 = tpu.memref_slice %arg57[%mul3A_2] : memref<106496xf32, #tpu.memory_space<vmem_shared>> -> memref<6656xf32, #tpu.memory_space<vmem_shared>>
      %dma_wait3A_168 = tpu.memref_slice %arg57[%mul3A_2] : memref<106496xf32, #tpu.memory_space<vmem_shared>> -> memref<6656xf32, #tpu.memory_space<vmem_shared>>
      tpu.wait_dma2 semaphore(%run_scoped3A : memref<!tpu.dma_semaphore, #tpu.memory_space<semaphore_mem>>) src(%arg53 : memref<6656xf32, #tpu.memory_space<vmem>>) dst(%dma_wait3A_168 : memref<6656xf32, #tpu.memory_space<vmem_shared>>)
      tpu.yield
    }) : () -> ()
    "tpu.region"() ({
      %run_scoped3A = tpu.sem_alloc : memref<!tpu.dma_semaphore, #tpu.memory_space<semaphore_mem>>
      %dma_start3A_165 = tpu.memref_slice %arg58[%mul3A_2] : memref<106496xf32, #tpu.memory_space<vmem_shared>> -> memref<6656xf32, #tpu.memory_space<vmem_shared>>
      %dma_start3A_166 = tpu.memref_slice %arg58[%mul3A_2] : memref<106496xf32, #tpu.memory_space<vmem_shared>> -> memref<6656xf32, #tpu.memory_space<vmem_shared>>
      tpu.enqueue_dma source(%arg53 : memref<6656xf32, #tpu.memory_space<vmem>>) target(%dma_start3A_166 : memref<6656xf32, #tpu.memory_space<vmem_shared>>) target_semaphore(%run_scoped3A : memref<!tpu.dma_semaphore, #tpu.memory_space<semaphore_mem>>)
      %dma_wait3A_167 = tpu.memref_slice %arg58[%mul3A_2] : memref<106496xf32, #tpu.memory_space<vmem_shared>> -> memref<6656xf32, #tpu.memory_space<vmem_shared>>
      %dma_wait3A_168 = tpu.memref_slice %arg58[%mul3A_2] : memref<106496xf32, #tpu.memory_space<vmem_shared>> -> memref<6656xf32, #tpu.memory_space<vmem_shared>>
      tpu.wait_dma2 semaphore(%run_scoped3A : memref<!tpu.dma_semaphore, #tpu.memory_space<semaphore_mem>>) src(%arg53 : memref<6656xf32, #tpu.memory_space<vmem>>) dst(%dma_wait3A_168 : memref<6656xf32, #tpu.memory_space<vmem_shared>>)
      tpu.yield
    }) : () -> ()
    "tpu.region"() ({
      %run_scoped3A = tpu.sem_alloc : memref<!tpu.dma_semaphore, #tpu.memory_space<semaphore_mem>>
      %dma_start3A_165 = tpu.memref_slice %arg59[%mul3A_2] : memref<106496xf32, #tpu.memory_space<vmem_shared>> -> memref<6656xf32, #tpu.memory_space<vmem_shared>>
      %dma_start3A_166 = tpu.memref_slice %arg59[%mul3A_2] : memref<106496xf32, #tpu.memory_space<vmem_shared>> -> memref<6656xf32, #tpu.memory_space<vmem_shared>>
      tpu.enqueue_dma source(%arg53 : memref<6656xf32, #tpu.memory_space<vmem>>) target(%dma_start3A_166 : memref<6656xf32, #tpu.memory_space<vmem_shared>>) target_semaphore(%run_scoped3A : memref<!tpu.dma_semaphore, #tpu.memory_space<semaphore_mem>>)
      %dma_wait3A_167 = tpu.memref_slice %arg59[%mul3A_2] : memref<106496xf32, #tpu.memory_space<vmem_shared>> -> memref<6656xf32, #tpu.memory_space<vmem_shared>>
      %dma_wait3A_168 = tpu.memref_slice %arg59[%mul3A_2] : memref<106496xf32, #tpu.memory_space<vmem_shared>> -> memref<6656xf32, #tpu.memory_space<vmem_shared>>
      tpu.wait_dma2 semaphore(%run_scoped3A : memref<!tpu.dma_semaphore, #tpu.memory_space<semaphore_mem>>) src(%arg53 : memref<6656xf32, #tpu.memory_space<vmem>>) dst(%dma_wait3A_168 : memref<6656xf32, #tpu.memory_space<vmem_shared>>)
      tpu.yield
    }) : () -> ()
    "tpu.region"() ({
      %run_scoped3A = tpu.sem_alloc : memref<!tpu.dma_semaphore, #tpu.memory_space<semaphore_mem>>
      %dma_start3A_165 = tpu.memref_slice %arg60[%mul3A_2] : memref<106496xf32, #tpu.memory_space<vmem_shared>> -> memref<6656xf32, #tpu.memory_space<vmem_shared>>
      %dma_start3A_166 = tpu.memref_slice %arg60[%mul3A_2] : memref<106496xf32, #tpu.memory_space<vmem_shared>> -> memref<6656xf32, #tpu.memory_space<vmem_shared>>
      tpu.enqueue_dma source(%arg53 : memref<6656xf32, #tpu.memory_space<vmem>>) target(%dma_start3A_166 : memref<6656xf32, #tpu.memory_space<vmem_shared>>) target_semaphore(%run_scoped3A : memref<!tpu.dma_semaphore, #tpu.memory_space<semaphore_mem>>)
      %dma_wait3A_167 = tpu.memref_slice %arg60[%mul3A_2] : memref<106496xf32, #tpu.memory_space<vmem_shared>> -> memref<6656xf32, #tpu.memory_space<vmem_shared>>
      %dma_wait3A_168 = tpu.memref_slice %arg60[%mul3A_2] : memref<106496xf32, #tpu.memory_space<vmem_shared>> -> memref<6656xf32, #tpu.memory_space<vmem_shared>>
      tpu.wait_dma2 semaphore(%run_scoped3A : memref<!tpu.dma_semaphore, #tpu.memory_space<semaphore_mem>>) src(%arg53 : memref<6656xf32, #tpu.memory_space<vmem>>) dst(%dma_wait3A_168 : memref<6656xf32, #tpu.memory_space<vmem_shared>>)
      tpu.yield
    }) : () -> ()
    "tpu.region"() ({
      %run_scoped3A = tpu.sem_alloc : memref<!tpu.dma_semaphore, #tpu.memory_space<semaphore_mem>>
      %dma_start3A_165 = tpu.memref_slice %arg61[%mul3A_2] : memref<106496xf32, #tpu.memory_space<vmem_shared>> -> memref<6656xf32, #tpu.memory_space<vmem_shared>>
      %dma_start3A_166 = tpu.memref_slice %arg61[%mul3A_2] : memref<106496xf32, #tpu.memory_space<vmem_shared>> -> memref<6656xf32, #tpu.memory_space<vmem_shared>>
      tpu.enqueue_dma source(%arg53 : memref<6656xf32, #tpu.memory_space<vmem>>) target(%dma_start3A_166 : memref<6656xf32, #tpu.memory_space<vmem_shared>>) target_semaphore(%run_scoped3A : memref<!tpu.dma_semaphore, #tpu.memory_space<semaphore_mem>>)
      %dma_wait3A_167 = tpu.memref_slice %arg61[%mul3A_2] : memref<106496xf32, #tpu.memory_space<vmem_shared>> -> memref<6656xf32, #tpu.memory_space<vmem_shared>>
      %dma_wait3A_168 = tpu.memref_slice %arg61[%mul3A_2] : memref<106496xf32, #tpu.memory_space<vmem_shared>> -> memref<6656xf32, #tpu.memory_space<vmem_shared>>
      tpu.wait_dma2 semaphore(%run_scoped3A : memref<!tpu.dma_semaphore, #tpu.memory_space<semaphore_mem>>) src(%arg53 : memref<6656xf32, #tpu.memory_space<vmem>>) dst(%dma_wait3A_168 : memref<6656xf32, #tpu.memory_space<vmem_shared>>)
      tpu.yield
    }) : () -> ()
    "tpu.region"() ({
      %run_scoped3A = tpu.sem_alloc : memref<!tpu.dma_semaphore, #tpu.memory_space<semaphore_mem>>
      %dma_start3A_165 = tpu.memref_slice %arg62[%mul3A_2] : memref<106496xf32, #tpu.memory_space<vmem_shared>> -> memref<6656xf32, #tpu.memory_space<vmem_shared>>
      %dma_start3A_166 = tpu.memref_slice %arg62[%mul3A_2] : memref<106496xf32, #tpu.memory_space<vmem_shared>> -> memref<6656xf32, #tpu.memory_space<vmem_shared>>
      tpu.enqueue_dma source(%arg53 : memref<6656xf32, #tpu.memory_space<vmem>>) target(%dma_start3A_166 : memref<6656xf32, #tpu.memory_space<vmem_shared>>) target_semaphore(%run_scoped3A : memref<!tpu.dma_semaphore, #tpu.memory_space<semaphore_mem>>)
      %dma_wait3A_167 = tpu.memref_slice %arg62[%mul3A_2] : memref<106496xf32, #tpu.memory_space<vmem_shared>> -> memref<6656xf32, #tpu.memory_space<vmem_shared>>
      %dma_wait3A_168 = tpu.memref_slice %arg62[%mul3A_2] : memref<106496xf32, #tpu.memory_space<vmem_shared>> -> memref<6656xf32, #tpu.memory_space<vmem_shared>>
      tpu.wait_dma2 semaphore(%run_scoped3A : memref<!tpu.dma_semaphore, #tpu.memory_space<semaphore_mem>>) src(%arg53 : memref<6656xf32, #tpu.memory_space<vmem>>) dst(%dma_wait3A_168 : memref<6656xf32, #tpu.memory_space<vmem_shared>>)
      tpu.yield
    }) : () -> ()
    "tpu.region"() ({
      %run_scoped3A = tpu.sem_alloc : memref<!tpu.dma_semaphore, #tpu.memory_space<semaphore_mem>>
      %dma_start3A_165 = tpu.memref_slice %arg63[%mul3A_2] : memref<106496xf32, #tpu.memory_space<vmem_shared>> -> memref<6656xf32, #tpu.memory_space<vmem_shared>>
      %dma_start3A_166 = tpu.memref_slice %arg63[%mul3A_2] : memref<106496xf32, #tpu.memory_space<vmem_shared>> -> memref<6656xf32, #tpu.memory_space<vmem_shared>>
      tpu.enqueue_dma source(%arg53 : memref<6656xf32, #tpu.memory_space<vmem>>) target(%dma_start3A_166 : memref<6656xf32, #tpu.memory_space<vmem_shared>>) target_semaphore(%run_scoped3A : memref<!tpu.dma_semaphore, #tpu.memory_space<semaphore_mem>>)
      %dma_wait3A_167 = tpu.memref_slice %arg63[%mul3A_2] : memref<106496xf32, #tpu.memory_space<vmem_shared>> -> memref<6656xf32, #tpu.memory_space<vmem_shared>>
      %dma_wait3A_168 = tpu.memref_slice %arg63[%mul3A_2] : memref<106496xf32, #tpu.memory_space<vmem_shared>> -> memref<6656xf32, #tpu.memory_space<vmem_shared>>
      tpu.wait_dma2 semaphore(%run_scoped3A : memref<!tpu.dma_semaphore, #tpu.memory_space<semaphore_mem>>) src(%arg53 : memref<6656xf32, #tpu.memory_space<vmem>>) dst(%dma_wait3A_168 : memref<6656xf32, #tpu.memory_space<vmem_shared>>)
      tpu.yield
    }) : () -> ()
    "tpu.region"() ({
      %run_scoped3A = tpu.sem_alloc : memref<!tpu.dma_semaphore, #tpu.memory_space<semaphore_mem>>
      %dma_start3A_165 = tpu.memref_slice %arg64[%mul3A_2] : memref<106496xf32, #tpu.memory_space<vmem_shared>> -> memref<6656xf32, #tpu.memory_space<vmem_shared>>
      %dma_start3A_166 = tpu.memref_slice %arg64[%mul3A_2] : memref<106496xf32, #tpu.memory_space<vmem_shared>> -> memref<6656xf32, #tpu.memory_space<vmem_shared>>
      tpu.enqueue_dma source(%arg53 : memref<6656xf32, #tpu.memory_space<vmem>>) target(%dma_start3A_166 : memref<6656xf32, #tpu.memory_space<vmem_shared>>) target_semaphore(%run_scoped3A : memref<!tpu.dma_semaphore, #tpu.memory_space<semaphore_mem>>)
      %dma_wait3A_167 = tpu.memref_slice %arg64[%mul3A_2] : memref<106496xf32, #tpu.memory_space<vmem_shared>> -> memref<6656xf32, #tpu.memory_space<vmem_shared>>
      %dma_wait3A_168 = tpu.memref_slice %arg64[%mul3A_2] : memref<106496xf32, #tpu.memory_space<vmem_shared>> -> memref<6656xf32, #tpu.memory_space<vmem_shared>>
      tpu.wait_dma2 semaphore(%run_scoped3A : memref<!tpu.dma_semaphore, #tpu.memory_space<semaphore_mem>>) src(%arg53 : memref<6656xf32, #tpu.memory_space<vmem>>) dst(%dma_wait3A_168 : memref<6656xf32, #tpu.memory_space<vmem_shared>>)
      tpu.yield
    }) : () -> ()
    "tpu.region"() ({
      %run_scoped3A = tpu.sem_alloc : memref<!tpu.dma_semaphore, #tpu.memory_space<semaphore_mem>>
      %dma_start3A_165 = tpu.memref_slice %arg65[%mul3A_2] : memref<106496xf32, #tpu.memory_space<vmem_shared>> -> memref<6656xf32, #tpu.memory_space<vmem_shared>>
      %dma_start3A_166 = tpu.memref_slice %arg65[%mul3A_2] : memref<106496xf32, #tpu.memory_space<vmem_shared>> -> memref<6656xf32, #tpu.memory_space<vmem_shared>>
      tpu.enqueue_dma source(%arg53 : memref<6656xf32, #tpu.memory_space<vmem>>) target(%dma_start3A_166 : memref<6656xf32, #tpu.memory_space<vmem_shared>>) target_semaphore(%run_scoped3A : memref<!tpu.dma_semaphore, #tpu.memory_space<semaphore_mem>>)
      %dma_wait3A_167 = tpu.memref_slice %arg65[%mul3A_2] : memref<106496xf32, #tpu.memory_space<vmem_shared>> -> memref<6656xf32, #tpu.memory_space<vmem_shared>>
      %dma_wait3A_168 = tpu.memref_slice %arg65[%mul3A_2] : memref<106496xf32, #tpu.memory_space<vmem_shared>> -> memref<6656xf32, #tpu.memory_space<vmem_shared>>
      tpu.wait_dma2 semaphore(%run_scoped3A : memref<!tpu.dma_semaphore, #tpu.memory_space<semaphore_mem>>) src(%arg53 : memref<6656xf32, #tpu.memory_space<vmem>>) dst(%dma_wait3A_168 : memref<6656xf32, #tpu.memory_space<vmem_shared>>)
      tpu.yield
    }) : () -> ()
    %barrier3A = arith.constant 0 : index
    tpu.barrier barrier_id(%barrier3A)
    %mul3A_3 = arith.constant 200192 : i32
    %mul3A_4 = arith.muli %add3A, %mul3A_3 : i32
    %add3A_5 = arith.constant 0 : i32
    %add3A_6 = arith.addi %mul3A_4, %add3A_5 : i32
    %dma_start3A = tpu.memref_slice %arg2[%add3A_6] : memref<6406144xf32, #tpu.memory_space<hbm>> -> memref<128xf32, #tpu.memory_space<hbm>>
    %dma_start3A_7 = tpu.memref_slice %arg2[%add3A_6] : memref<6406144xf32, #tpu.memory_space<hbm>> -> memref<128xf32, #tpu.memory_space<hbm>>
    tpu.enqueue_dma source(%dma_start3A_7 : memref<128xf32, #tpu.memory_space<hbm>>) target(%arg17 : memref<128xf32, #tpu.memory_space<vmem>>) target_semaphore(%arg66 : memref<!tpu.dma_semaphore, #tpu.memory_space<semaphore_mem>>)
    %dma_start3A_8 = tpu.memref_slice %arg3[%add3A_6] : memref<6406144xf32, #tpu.memory_space<hbm>> -> memref<128xf32, #tpu.memory_space<hbm>>
    %dma_start3A_9 = tpu.memref_slice %arg3[%add3A_6] : memref<6406144xf32, #tpu.memory_space<hbm>> -> memref<128xf32, #tpu.memory_space<hbm>>
    tpu.enqueue_dma source(%dma_start3A_9 : memref<128xf32, #tpu.memory_space<hbm>>) target(%arg21 : memref<128xf32, #tpu.memory_space<vmem>>) target_semaphore(%arg66 : memref<!tpu.dma_semaphore, #tpu.memory_space<semaphore_mem>>)
    %dma_start3A_10 = tpu.memref_slice %arg4[%add3A_6] : memref<6406144xf32, #tpu.memory_space<hbm>> -> memref<128xf32, #tpu.memory_space<hbm>>
    %dma_start3A_11 = tpu.memref_slice %arg4[%add3A_6] : memref<6406144xf32, #tpu.memory_space<hbm>> -> memref<128xf32, #tpu.memory_space<hbm>>
    tpu.enqueue_dma source(%dma_start3A_11 : memref<128xf32, #tpu.memory_space<hbm>>) target(%arg25 : memref<128xf32, #tpu.memory_space<vmem>>) target_semaphore(%arg66 : memref<!tpu.dma_semaphore, #tpu.memory_space<semaphore_mem>>)
    %dma_start3A_12 = tpu.memref_slice %arg5[%add3A_6] : memref<6406144xi32, #tpu.memory_space<hbm>> -> memref<128xi32, #tpu.memory_space<hbm>>
    %dma_start3A_13 = tpu.memref_slice %arg5[%add3A_6] : memref<6406144xi32, #tpu.memory_space<hbm>> -> memref<128xi32, #tpu.memory_space<hbm>>
    tpu.enqueue_dma source(%dma_start3A_13 : memref<128xi32, #tpu.memory_space<hbm>>) target(%arg9 : memref<128xi32, #tpu.memory_space<vmem>>) target_semaphore(%arg66 : memref<!tpu.dma_semaphore, #tpu.memory_space<semaphore_mem>>)
    %dma_start3A_14 = tpu.memref_slice %arg6[%add3A_6] : memref<6406144xi32, #tpu.memory_space<hbm>> -> memref<128xi32, #tpu.memory_space<hbm>>
    %dma_start3A_15 = tpu.memref_slice %arg6[%add3A_6] : memref<6406144xi32, #tpu.memory_space<hbm>> -> memref<128xi32, #tpu.memory_space<hbm>>
    tpu.enqueue_dma source(%dma_start3A_15 : memref<128xi32, #tpu.memory_space<hbm>>) target(%arg13 : memref<128xi32, #tpu.memory_space<vmem>>) target_semaphore(%arg66 : memref<!tpu.dma_semaphore, #tpu.memory_space<semaphore_mem>>)
    %add3A_16 = arith.constant 128 : i32
    %add3A_17 = arith.addi %mul3A_4, %add3A_16 : i32
    %dma_start3A_18 = tpu.memref_slice %arg2[%add3A_17] : memref<6406144xf32, #tpu.memory_space<hbm>> -> memref<128xf32, #tpu.memory_space<hbm>>
    %dma_start3A_19 = tpu.memref_slice %arg2[%add3A_17] : memref<6406144xf32, #tpu.memory_space<hbm>> -> memref<128xf32, #tpu.memory_space<hbm>>
    tpu.enqueue_dma source(%dma_start3A_19 : memref<128xf32, #tpu.memory_space<hbm>>) target(%arg18 : memref<128xf32, #tpu.memory_space<vmem>>) target_semaphore(%arg67 : memref<!tpu.dma_semaphore, #tpu.memory_space<semaphore_mem>>)
    %dma_start3A_20 = tpu.memref_slice %arg3[%add3A_17] : memref<6406144xf32, #tpu.memory_space<hbm>> -> memref<128xf32, #tpu.memory_space<hbm>>
    %dma_start3A_21 = tpu.memref_slice %arg3[%add3A_17] : memref<6406144xf32, #tpu.memory_space<hbm>> -> memref<128xf32, #tpu.memory_space<hbm>>
    tpu.enqueue_dma source(%dma_start3A_21 : memref<128xf32, #tpu.memory_space<hbm>>) target(%arg22 : memref<128xf32, #tpu.memory_space<vmem>>) target_semaphore(%arg67 : memref<!tpu.dma_semaphore, #tpu.memory_space<semaphore_mem>>)
    %dma_start3A_22 = tpu.memref_slice %arg4[%add3A_17] : memref<6406144xf32, #tpu.memory_space<hbm>> -> memref<128xf32, #tpu.memory_space<hbm>>
    %dma_start3A_23 = tpu.memref_slice %arg4[%add3A_17] : memref<6406144xf32, #tpu.memory_space<hbm>> -> memref<128xf32, #tpu.memory_space<hbm>>
    tpu.enqueue_dma source(%dma_start3A_23 : memref<128xf32, #tpu.memory_space<hbm>>) target(%arg26 : memref<128xf32, #tpu.memory_space<vmem>>) target_semaphore(%arg67 : memref<!tpu.dma_semaphore, #tpu.memory_space<semaphore_mem>>)
    %dma_start3A_24 = tpu.memref_slice %arg5[%add3A_17] : memref<6406144xi32, #tpu.memory_space<hbm>> -> memref<128xi32, #tpu.memory_space<hbm>>
    %dma_start3A_25 = tpu.memref_slice %arg5[%add3A_17] : memref<6406144xi32, #tpu.memory_space<hbm>> -> memref<128xi32, #tpu.memory_space<hbm>>
    tpu.enqueue_dma source(%dma_start3A_25 : memref<128xi32, #tpu.memory_space<hbm>>) target(%arg10 : memref<128xi32, #tpu.memory_space<vmem>>) target_semaphore(%arg67 : memref<!tpu.dma_semaphore, #tpu.memory_space<semaphore_mem>>)
    %dma_start3A_26 = tpu.memref_slice %arg6[%add3A_17] : memref<6406144xi32, #tpu.memory_space<hbm>> -> memref<128xi32, #tpu.memory_space<hbm>>
    %dma_start3A_27 = tpu.memref_slice %arg6[%add3A_17] : memref<6406144xi32, #tpu.memory_space<hbm>> -> memref<128xi32, #tpu.memory_space<hbm>>
    tpu.enqueue_dma source(%dma_start3A_27 : memref<128xi32, #tpu.memory_space<hbm>>) target(%arg14 : memref<128xi32, #tpu.memory_space<vmem>>) target_semaphore(%arg67 : memref<!tpu.dma_semaphore, #tpu.memory_space<semaphore_mem>>)
    %scan3A = arith.constant 0 : i32
    %scan3A_28 = arith.constant 0 : i32
    %scan3A_29 = arith.constant 391 : i32
    %scan3A_30 = arith.addi %scan3A_28, %scan3A_29 : i32
    %scan3A_31 = arith.constant 1 : i32
    scf.for %scan3A_165 = %scan3A_28 to %scan3A_30 step %scan3A_31  : i32 {
      %mul3A_166 = arith.constant 4 : i32
      %mul3A_167 = arith.muli %scan3A_165, %mul3A_166 : i32
      %add3A_168 = arith.constant 0 : i32
      %add3A_169 = arith.addi %mul3A_167, %add3A_168 : i32
      %gt3A = arith.constant 0 : i32
      %gt3A_170 = arith.cmpi sgt, %scan3A_165, %gt3A : i32
      %convert_element_type3A = arith.extui %gt3A_170 : i1 to i32
      %cond3A = arith.constant 0 : i32
      %cond3A_171 = arith.cmpi ne, %convert_element_type3A, %cond3A : i32
      scf.if %cond3A_171 {
        %dma_wait3A_1702 = arith.constant 0 : i32
        %dma_wait3A_1703 = tpu.memref_slice %arg54[%dma_wait3A_1702] : memref<106496xf32, #tpu.memory_space<vmem_shared>> -> memref<106496xf32, #tpu.memory_space<vmem_shared>>
        tpu.wait_indirect_dma semaphore(%arg72 : memref<!tpu.dma_semaphore, #tpu.memory_space<semaphore_mem>>) src(%arg19 : memref<128xf32, #tpu.memory_space<vmem>>) dst(%dma_wait3A_1703 : memref<106496xf32, #tpu.memory_space<vmem_shared>>)
        %dma_wait3A_1704 = arith.constant 0 : i32
        %dma_wait3A_1705 = tpu.memref_slice %arg54[%dma_wait3A_1704] : memref<106496xf32, #tpu.memory_space<vmem_shared>> -> memref<106496xf32, #tpu.memory_space<vmem_shared>>
        tpu.wait_indirect_dma semaphore(%arg72 : memref<!tpu.dma_semaphore, #tpu.memory_space<semaphore_mem>>) src(%arg19 : memref<128xf32, #tpu.memory_space<vmem>>) dst(%dma_wait3A_1705 : memref<106496xf32, #tpu.memory_space<vmem_shared>>)
        %dma_wait3A_1706 = arith.constant 0 : i32
        %dma_wait3A_1707 = tpu.memref_slice %arg54[%dma_wait3A_1706] : memref<106496xf32, #tpu.memory_space<vmem_shared>> -> memref<106496xf32, #tpu.memory_space<vmem_shared>>
        tpu.wait_indirect_dma semaphore(%arg72 : memref<!tpu.dma_semaphore, #tpu.memory_space<semaphore_mem>>) src(%arg19 : memref<128xf32, #tpu.memory_space<vmem>>) dst(%dma_wait3A_1707 : memref<106496xf32, #tpu.memory_space<vmem_shared>>)
        %dma_wait3A_1708 = arith.constant 0 : i32
        %dma_wait3A_1709 = tpu.memref_slice %arg54[%dma_wait3A_1708] : memref<106496xf32, #tpu.memory_space<vmem_shared>> -> memref<106496xf32, #tpu.memory_space<vmem_shared>>
        tpu.wait_indirect_dma semaphore(%arg72 : memref<!tpu.dma_semaphore, #tpu.memory_space<semaphore_mem>>) src(%arg19 : memref<128xf32, #tpu.memory_space<vmem>>) dst(%dma_wait3A_1709 : memref<106496xf32, #tpu.memory_space<vmem_shared>>)
        %dma_wait3A_1710 = arith.constant 0 : i32
        %dma_wait3A_1711 = tpu.memref_slice %arg54[%dma_wait3A_1710] : memref<106496xf32, #tpu.memory_space<vmem_shared>> -> memref<106496xf32, #tpu.memory_space<vmem_shared>>
        tpu.wait_indirect_dma semaphore(%arg72 : memref<!tpu.dma_semaphore, #tpu.memory_space<semaphore_mem>>) src(%arg19 : memref<128xf32, #tpu.memory_space<vmem>>) dst(%dma_wait3A_1711 : memref<106496xf32, #tpu.memory_space<vmem_shared>>)
        %dma_wait3A_1712 = arith.constant 0 : i32
        %dma_wait3A_1713 = tpu.memref_slice %arg54[%dma_wait3A_1712] : memref<106496xf32, #tpu.memory_space<vmem_shared>> -> memref<106496xf32, #tpu.memory_space<vmem_shared>>
        tpu.wait_indirect_dma semaphore(%arg72 : memref<!tpu.dma_semaphore, #tpu.memory_space<semaphore_mem>>) src(%arg19 : memref<128xf32, #tpu.memory_space<vmem>>) dst(%dma_wait3A_1713 : memref<106496xf32, #tpu.memory_space<vmem_shared>>)
        %dma_wait3A_1714 = arith.constant 0 : i32
        %dma_wait3A_1715 = tpu.memref_slice %arg54[%dma_wait3A_1714] : memref<106496xf32, #tpu.memory_space<vmem_shared>> -> memref<106496xf32, #tpu.memory_space<vmem_shared>>
        tpu.wait_indirect_dma semaphore(%arg72 : memref<!tpu.dma_semaphore, #tpu.memory_space<semaphore_mem>>) src(%arg19 : memref<128xf32, #tpu.memory_space<vmem>>) dst(%dma_wait3A_1715 : memref<106496xf32, #tpu.memory_space<vmem_shared>>)
        %dma_wait3A_1716 = arith.constant 0 : i32
        %dma_wait3A_1717 = tpu.memref_slice %arg54[%dma_wait3A_1716] : memref<106496xf32, #tpu.memory_space<vmem_shared>> -> memref<106496xf32, #tpu.memory_space<vmem_shared>>
        tpu.wait_indirect_dma semaphore(%arg72 : memref<!tpu.dma_semaphore, #tpu.memory_space<semaphore_mem>>) src(%arg19 : memref<128xf32, #tpu.memory_space<vmem>>) dst(%dma_wait3A_1717 : memref<106496xf32, #tpu.memory_space<vmem_shared>>)
        %dma_wait3A_1718 = arith.constant 0 : i32
        %dma_wait3A_1719 = tpu.memref_slice %arg54[%dma_wait3A_1718] : memref<106496xf32, #tpu.memory_space<vmem_shared>> -> memref<106496xf32, #tpu.memory_space<vmem_shared>>
        tpu.wait_indirect_dma semaphore(%arg72 : memref<!tpu.dma_semaphore, #tpu.memory_space<semaphore_mem>>) src(%arg19 : memref<128xf32, #tpu.memory_space<vmem>>) dst(%dma_wait3A_1719 : memref<106496xf32, #tpu.memory_space<vmem_shared>>)
        %dma_wait3A_1720 = arith.constant 0 : i32
        %dma_wait3A_1721 = tpu.memref_slice %arg54[%dma_wait3A_1720] : memref<106496xf32, #tpu.memory_space<vmem_shared>> -> memref<106496xf32, #tpu.memory_space<vmem_shared>>
        tpu.wait_indirect_dma semaphore(%arg72 : memref<!tpu.dma_semaphore, #tpu.memory_space<semaphore_mem>>) src(%arg19 : memref<128xf32, #tpu.memory_space<vmem>>) dst(%dma_wait3A_1721 : memref<106496xf32, #tpu.memory_space<vmem_shared>>)
        %dma_wait3A_1722 = arith.constant 0 : i32
        %dma_wait3A_1723 = tpu.memref_slice %arg54[%dma_wait3A_1722] : memref<106496xf32, #tpu.memory_space<vmem_shared>> -> memref<106496xf32, #tpu.memory_space<vmem_shared>>
        tpu.wait_indirect_dma semaphore(%arg72 : memref<!tpu.dma_semaphore, #tpu.memory_space<semaphore_mem>>) src(%arg19 : memref<128xf32, #tpu.memory_space<vmem>>) dst(%dma_wait3A_1723 : memref<106496xf32, #tpu.memory_space<vmem_shared>>)
        %dma_wait3A_1724 = arith.constant 0 : i32
        %dma_wait3A_1725 = tpu.memref_slice %arg54[%dma_wait3A_1724] : memref<106496xf32, #tpu.memory_space<vmem_shared>> -> memref<106496xf32, #tpu.memory_space<vmem_shared>>
        tpu.wait_indirect_dma semaphore(%arg72 : memref<!tpu.dma_semaphore, #tpu.memory_space<semaphore_mem>>) src(%arg19 : memref<128xf32, #tpu.memory_space<vmem>>) dst(%dma_wait3A_1725 : memref<106496xf32, #tpu.memory_space<vmem_shared>>)
      } else {
      }
      %add3A_172 = arith.constant 2 : i32
      %add3A_173 = arith.addi %add3A_169, %add3A_172 : i32
      %mul3A_174 = arith.constant 128 : i32
      %mul3A_175 = arith.muli %add3A_173, %mul3A_174 : i32
      %add3A_176 = arith.addi %mul3A_4, %mul3A_175 : i32
      %dma_start3A_177 = tpu.memref_slice %arg2[%add3A_176] : memref<6406144xf32, #tpu.memory_space<hbm>> -> memref<128xf32, #tpu.memory_space<hbm>>
      %dma_start3A_178 = tpu.memref_slice %arg2[%add3A_176] : memref<6406144xf32, #tpu.memory_space<hbm>> -> memref<128xf32, #tpu.memory_space<hbm>>
      tpu.enqueue_dma source(%dma_start3A_178 : memref<128xf32, #tpu.memory_space<hbm>>) target(%arg19 : memref<128xf32, #tpu.memory_space<vmem>>) target_semaphore(%arg68 : memref<!tpu.dma_semaphore, #tpu.memory_space<semaphore_mem>>)
      %dma_start3A_179 = tpu.memref_slice %arg3[%add3A_176] : memref<6406144xf32, #tpu.memory_space<hbm>> -> memref<128xf32, #tpu.memory_space<hbm>>
      %dma_start3A_180 = tpu.memref_slice %arg3[%add3A_176] : memref<6406144xf32, #tpu.memory_space<hbm>> -> memref<128xf32, #tpu.memory_space<hbm>>
      tpu.enqueue_dma source(%dma_start3A_180 : memref<128xf32, #tpu.memory_space<hbm>>) target(%arg23 : memref<128xf32, #tpu.memory_space<vmem>>) target_semaphore(%arg68 : memref<!tpu.dma_semaphore, #tpu.memory_space<semaphore_mem>>)
      %dma_start3A_181 = tpu.memref_slice %arg4[%add3A_176] : memref<6406144xf32, #tpu.memory_space<hbm>> -> memref<128xf32, #tpu.memory_space<hbm>>
      %dma_start3A_182 = tpu.memref_slice %arg4[%add3A_176] : memref<6406144xf32, #tpu.memory_space<hbm>> -> memref<128xf32, #tpu.memory_space<hbm>>
      tpu.enqueue_dma source(%dma_start3A_182 : memref<128xf32, #tpu.memory_space<hbm>>) target(%arg27 : memref<128xf32, #tpu.memory_space<vmem>>) target_semaphore(%arg68 : memref<!tpu.dma_semaphore, #tpu.memory_space<semaphore_mem>>)
      %dma_start3A_183 = tpu.memref_slice %arg5[%add3A_176] : memref<6406144xi32, #tpu.memory_space<hbm>> -> memref<128xi32, #tpu.memory_space<hbm>>
      %dma_start3A_184 = tpu.memref_slice %arg5[%add3A_176] : memref<6406144xi32, #tpu.memory_space<hbm>> -> memref<128xi32, #tpu.memory_space<hbm>>
      tpu.enqueue_dma source(%dma_start3A_184 : memref<128xi32, #tpu.memory_space<hbm>>) target(%arg11 : memref<128xi32, #tpu.memory_space<vmem>>) target_semaphore(%arg68 : memref<!tpu.dma_semaphore, #tpu.memory_space<semaphore_mem>>)
      %dma_start3A_185 = tpu.memref_slice %arg6[%add3A_176] : memref<6406144xi32, #tpu.memory_space<hbm>> -> memref<128xi32, #tpu.memory_space<hbm>>
      %dma_start3A_186 = tpu.memref_slice %arg6[%add3A_176] : memref<6406144xi32, #tpu.memory_space<hbm>> -> memref<128xi32, #tpu.memory_space<hbm>>
      tpu.enqueue_dma source(%dma_start3A_186 : memref<128xi32, #tpu.memory_space<hbm>>) target(%arg15 : memref<128xi32, #tpu.memory_space<vmem>>) target_semaphore(%arg68 : memref<!tpu.dma_semaphore, #tpu.memory_space<semaphore_mem>>)
      %dma_wait3A_187 = arith.constant 0 : i32
      %dma_wait3A_188 = tpu.memref_slice %arg2[%dma_wait3A_187] : memref<6406144xf32, #tpu.memory_space<hbm>> -> memref<128xf32, #tpu.memory_space<hbm>>
      %dma_wait3A_189 = arith.constant 0 : i32
      %dma_wait3A_190 = tpu.memref_slice %arg2[%dma_wait3A_189] : memref<6406144xf32, #tpu.memory_space<hbm>> -> memref<128xf32, #tpu.memory_space<hbm>>
      tpu.wait_dma2 semaphore(%arg66 : memref<!tpu.dma_semaphore, #tpu.memory_space<semaphore_mem>>) src(%dma_wait3A_190 : memref<128xf32, #tpu.memory_space<hbm>>) dst(%arg17 : memref<128xf32, #tpu.memory_space<vmem>>)
      %dma_wait3A_191 = arith.constant 0 : i32
      %dma_wait3A_192 = tpu.memref_slice %arg2[%dma_wait3A_191] : memref<6406144xf32, #tpu.memory_space<hbm>> -> memref<128xf32, #tpu.memory_space<hbm>>
      %dma_wait3A_193 = arith.constant 0 : i32
      %dma_wait3A_194 = tpu.memref_slice %arg2[%dma_wait3A_193] : memref<6406144xf32, #tpu.memory_space<hbm>> -> memref<128xf32, #tpu.memory_space<hbm>>
      tpu.wait_dma2 semaphore(%arg66 : memref<!tpu.dma_semaphore, #tpu.memory_space<semaphore_mem>>) src(%dma_wait3A_194 : memref<128xf32, #tpu.memory_space<hbm>>) dst(%arg21 : memref<128xf32, #tpu.memory_space<vmem>>)
      %dma_wait3A_195 = arith.constant 0 : i32
      %dma_wait3A_196 = tpu.memref_slice %arg2[%dma_wait3A_195] : memref<6406144xf32, #tpu.memory_space<hbm>> -> memref<128xf32, #tpu.memory_space<hbm>>
      %dma_wait3A_197 = arith.constant 0 : i32
      %dma_wait3A_198 = tpu.memref_slice %arg2[%dma_wait3A_197] : memref<6406144xf32, #tpu.memory_space<hbm>> -> memref<128xf32, #tpu.memory_space<hbm>>
      tpu.wait_dma2 semaphore(%arg66 : memref<!tpu.dma_semaphore, #tpu.memory_space<semaphore_mem>>) src(%dma_wait3A_198 : memref<128xf32, #tpu.memory_space<hbm>>) dst(%arg25 : memref<128xf32, #tpu.memory_space<vmem>>)
      %dma_wait3A_199 = arith.constant 0 : i32
      %dma_wait3A_200 = tpu.memref_slice %arg5[%dma_wait3A_199] : memref<6406144xi32, #tpu.memory_space<hbm>> -> memref<128xi32, #tpu.memory_space<hbm>>
      %dma_wait3A_201 = arith.constant 0 : i32
      %dma_wait3A_202 = tpu.memref_slice %arg5[%dma_wait3A_201] : memref<6406144xi32, #tpu.memory_space<hbm>> -> memref<128xi32, #tpu.memory_space<hbm>>
      tpu.wait_dma2 semaphore(%arg66 : memref<!tpu.dma_semaphore, #tpu.memory_space<semaphore_mem>>) src(%dma_wait3A_202 : memref<128xi32, #tpu.memory_space<hbm>>) dst(%arg9 : memref<128xi32, #tpu.memory_space<vmem>>)
      %dma_wait3A_203 = arith.constant 0 : i32
      %dma_wait3A_204 = tpu.memref_slice %arg5[%dma_wait3A_203] : memref<6406144xi32, #tpu.memory_space<hbm>> -> memref<128xi32, #tpu.memory_space<hbm>>
      %dma_wait3A_205 = arith.constant 0 : i32
      %dma_wait3A_206 = tpu.memref_slice %arg5[%dma_wait3A_205] : memref<6406144xi32, #tpu.memory_space<hbm>> -> memref<128xi32, #tpu.memory_space<hbm>>
      tpu.wait_dma2 semaphore(%arg66 : memref<!tpu.dma_semaphore, #tpu.memory_space<semaphore_mem>>) src(%dma_wait3A_206 : memref<128xi32, #tpu.memory_space<hbm>>) dst(%arg13 : memref<128xi32, #tpu.memory_space<vmem>>)
      %get3A = arith.constant 0 : index
      %get3A_207 = tpu.vector_load %arg17[%get3A] {strides = array<i32>} : memref<128xf32, #tpu.memory_space<vmem>>, vector<16xf32>,
      %get3A_208 = vector.shape_cast %get3A_207 : vector<16xf32> to vector<16xf32>
      %get3A_209 = arith.constant 0 : index
      %get3A_210 = tpu.vector_load %arg21[%get3A_209] {strides = array<i32>} : memref<128xf32, #tpu.memory_space<vmem>>, vector<16xf32>,
      %get3A_211 = vector.shape_cast %get3A_210 : vector<16xf32> to vector<16xf32>
      %get3A_212 = arith.constant 0 : index
      %get3A_213 = tpu.vector_load %arg25[%get3A_212] {strides = array<i32>} : memref<128xf32, #tpu.memory_space<vmem>>, vector<16xf32>,
      %get3A_214 = vector.shape_cast %get3A_213 : vector<16xf32> to vector<16xf32>
      %mul3A_215 = arith.mulf %get3A_208, %get3A_208 : vector<16xf32>
      %swap3A = arith.constant 0 : index
      %swap3A_216 = tpu.vector_load %arg29[%swap3A] {strides = array<i32>} : memref<128xf32, #tpu.memory_space<vmem>>, vector<16xf32>,
      %swap3A_217 = vector.shape_cast %swap3A_216 : vector<16xf32> to vector<16xf32>
      %swap3A_218 = vector.shape_cast %mul3A_215 : vector<16xf32> to vector<16xf32>
      tpu.vector_store %arg29[%swap3A], %swap3A_218 {strides = array<i32>} : memref<128xf32, #tpu.memory_space<vmem>>, vector<16xf32>,
      %mul3A_219 = arith.mulf %get3A_211, %get3A_211 : vector<16xf32>
      %swap3A_220 = arith.constant 0 : index
      %swap3A_221 = tpu.vector_load %arg30[%swap3A_220] {strides = array<i32>} : memref<128xf32, #tpu.memory_space<vmem>>, vector<16xf32>,
      %swap3A_222 = vector.shape_cast %swap3A_221 : vector<16xf32> to vector<16xf32>
      %swap3A_223 = vector.shape_cast %mul3A_219 : vector<16xf32> to vector<16xf32>
      tpu.vector_store %arg30[%swap3A_220], %swap3A_223 {strides = array<i32>} : memref<128xf32, #tpu.memory_space<vmem>>, vector<16xf32>,
      %mul3A_224 = arith.mulf %get3A_214, %get3A_214 : vector<16xf32>
      %swap3A_225 = arith.constant 0 : index
      %swap3A_226 = tpu.vector_load %arg31[%swap3A_225] {strides = array<i32>} : memref<128xf32, #tpu.memory_space<vmem>>, vector<16xf32>,
      %swap3A_227 = vector.shape_cast %swap3A_226 : vector<16xf32> to vector<16xf32>
      %swap3A_228 = vector.shape_cast %mul3A_224 : vector<16xf32> to vector<16xf32>
      tpu.vector_store %arg31[%swap3A_225], %swap3A_228 {strides = array<i32>} : memref<128xf32, #tpu.memory_space<vmem>>, vector<16xf32>,
      %mul3A_229 = arith.mulf %get3A_208, %get3A_211 : vector<16xf32>
      %swap3A_230 = arith.constant 0 : index
      %swap3A_231 = tpu.vector_load %arg32[%swap3A_230] {strides = array<i32>} : memref<128xf32, #tpu.memory_space<vmem>>, vector<16xf32>,
      %swap3A_232 = vector.shape_cast %swap3A_231 : vector<16xf32> to vector<16xf32>
      %swap3A_233 = vector.shape_cast %mul3A_229 : vector<16xf32> to vector<16xf32>
      tpu.vector_store %arg32[%swap3A_230], %swap3A_233 {strides = array<i32>} : memref<128xf32, #tpu.memory_space<vmem>>, vector<16xf32>,
      %mul3A_234 = arith.mulf %get3A_211, %get3A_214 : vector<16xf32>
      %swap3A_235 = arith.constant 0 : index
      %swap3A_236 = tpu.vector_load %arg33[%swap3A_235] {strides = array<i32>} : memref<128xf32, #tpu.memory_space<vmem>>, vector<16xf32>,
      %swap3A_237 = vector.shape_cast %swap3A_236 : vector<16xf32> to vector<16xf32>
      %swap3A_238 = vector.shape_cast %mul3A_234 : vector<16xf32> to vector<16xf32>
      tpu.vector_store %arg33[%swap3A_235], %swap3A_238 {strides = array<i32>} : memref<128xf32, #tpu.memory_space<vmem>>, vector<16xf32>,
      %mul3A_239 = arith.mulf %get3A_214, %get3A_208 : vector<16xf32>
      %swap3A_240 = arith.constant 0 : index
      %swap3A_241 = tpu.vector_load %arg34[%swap3A_240] {strides = array<i32>} : memref<128xf32, #tpu.memory_space<vmem>>, vector<16xf32>,
      %swap3A_242 = vector.shape_cast %swap3A_241 : vector<16xf32> to vector<16xf32>
      %swap3A_243 = vector.shape_cast %mul3A_239 : vector<16xf32> to vector<16xf32>
      tpu.vector_store %arg34[%swap3A_240], %swap3A_243 {strides = array<i32>} : memref<128xf32, #tpu.memory_space<vmem>>, vector<16xf32>,
      %get3A_244 = arith.constant 16 : index
      %get3A_245 = tpu.vector_load %arg17[%get3A_244] {strides = array<i32>} : memref<128xf32, #tpu.memory_space<vmem>>, vector<16xf32>,
      %get3A_246 = vector.shape_cast %get3A_245 : vector<16xf32> to vector<16xf32>
      %get3A_247 = arith.constant 16 : index
      %get3A_248 = tpu.vector_load %arg21[%get3A_247] {strides = array<i32>} : memref<128xf32, #tpu.memory_space<vmem>>, vector<16xf32>,
      %get3A_249 = vector.shape_cast %get3A_248 : vector<16xf32> to vector<16xf32>
      %get3A_250 = arith.constant 16 : index
      %get3A_251 = tpu.vector_load %arg25[%get3A_250] {strides = array<i32>} : memref<128xf32, #tpu.memory_space<vmem>>, vector<16xf32>,
      %get3A_252 = vector.shape_cast %get3A_251 : vector<16xf32> to vector<16xf32>
      %mul3A_253 = arith.mulf %get3A_246, %get3A_246 : vector<16xf32>
      %swap3A_254 = arith.constant 16 : index
      %swap3A_255 = tpu.vector_load %arg29[%swap3A_254] {strides = array<i32>} : memref<128xf32, #tpu.memory_space<vmem>>, vector<16xf32>,
      %swap3A_256 = vector.shape_cast %swap3A_255 : vector<16xf32> to vector<16xf32>
      %swap3A_257 = vector.shape_cast %mul3A_253 : vector<16xf32> to vector<16xf32>
      tpu.vector_store %arg29[%swap3A_254], %swap3A_257 {strides = array<i32>} : memref<128xf32, #tpu.memory_space<vmem>>, vector<16xf32>,
      %mul3A_258 = arith.mulf %get3A_249, %get3A_249 : vector<16xf32>
      %swap3A_259 = arith.constant 16 : index
      %swap3A_260 = tpu.vector_load %arg30[%swap3A_259] {strides = array<i32>} : memref<128xf32, #tpu.memory_space<vmem>>, vector<16xf32>,
      %swap3A_261 = vector.shape_cast %swap3A_260 : vector<16xf32> to vector<16xf32>
      %swap3A_262 = vector.shape_cast %mul3A_258 : vector<16xf32> to vector<16xf32>
      tpu.vector_store %arg30[%swap3A_259], %swap3A_262 {strides = array<i32>} : memref<128xf32, #tpu.memory_space<vmem>>, vector<16xf32>,
      %mul3A_263 = arith.mulf %get3A_252, %get3A_252 : vector<16xf32>
      %swap3A_264 = arith.constant 16 : index
      %swap3A_265 = tpu.vector_load %arg31[%swap3A_264] {strides = array<i32>} : memref<128xf32, #tpu.memory_space<vmem>>, vector<16xf32>,
      %swap3A_266 = vector.shape_cast %swap3A_265 : vector<16xf32> to vector<16xf32>
      %swap3A_267 = vector.shape_cast %mul3A_263 : vector<16xf32> to vector<16xf32>
      tpu.vector_store %arg31[%swap3A_264], %swap3A_267 {strides = array<i32>} : memref<128xf32, #tpu.memory_space<vmem>>, vector<16xf32>,
      %mul3A_268 = arith.mulf %get3A_246, %get3A_249 : vector<16xf32>
      %swap3A_269 = arith.constant 16 : index
      %swap3A_270 = tpu.vector_load %arg32[%swap3A_269] {strides = array<i32>} : memref<128xf32, #tpu.memory_space<vmem>>, vector<16xf32>,
      %swap3A_271 = vector.shape_cast %swap3A_270 : vector<16xf32> to vector<16xf32>
      %swap3A_272 = vector.shape_cast %mul3A_268 : vector<16xf32> to vector<16xf32>
      tpu.vector_store %arg32[%swap3A_269], %swap3A_272 {strides = array<i32>} : memref<128xf32, #tpu.memory_space<vmem>>, vector<16xf32>,
      %mul3A_273 = arith.mulf %get3A_249, %get3A_252 : vector<16xf32>
      %swap3A_274 = arith.constant 16 : index
      %swap3A_275 = tpu.vector_load %arg33[%swap3A_274] {strides = array<i32>} : memref<128xf32, #tpu.memory_space<vmem>>, vector<16xf32>,
      %swap3A_276 = vector.shape_cast %swap3A_275 : vector<16xf32> to vector<16xf32>
      %swap3A_277 = vector.shape_cast %mul3A_273 : vector<16xf32> to vector<16xf32>
      tpu.vector_store %arg33[%swap3A_274], %swap3A_277 {strides = array<i32>} : memref<128xf32, #tpu.memory_space<vmem>>, vector<16xf32>,
      %mul3A_278 = arith.mulf %get3A_252, %get3A_246 : vector<16xf32>
      %swap3A_279 = arith.constant 16 : index
      %swap3A_280 = tpu.vector_load %arg34[%swap3A_279] {strides = array<i32>} : memref<128xf32, #tpu.memory_space<vmem>>, vector<16xf32>,
      %swap3A_281 = vector.shape_cast %swap3A_280 : vector<16xf32> to vector<16xf32>
      %swap3A_282 = vector.shape_cast %mul3A_278 : vector<16xf32> to vector<16xf32>
      tpu.vector_store %arg34[%swap3A_279], %swap3A_282 {strides = array<i32>} : memref<128xf32, #tpu.memory_space<vmem>>, vector<16xf32>,
      %get3A_283 = arith.constant 32 : index
      %get3A_284 = tpu.vector_load %arg17[%get3A_283] {strides = array<i32>} : memref<128xf32, #tpu.memory_space<vmem>>, vector<16xf32>,
      %get3A_285 = vector.shape_cast %get3A_284 : vector<16xf32> to vector<16xf32>
      %get3A_286 = arith.constant 32 : index
      %get3A_287 = tpu.vector_load %arg21[%get3A_286] {strides = array<i32>} : memref<128xf32, #tpu.memory_space<vmem>>, vector<16xf32>,
      %get3A_288 = vector.shape_cast %get3A_287 : vector<16xf32> to vector<16xf32>
      %get3A_289 = arith.constant 32 : index
      %get3A_290 = tpu.vector_load %arg25[%get3A_289] {strides = array<i32>} : memref<128xf32, #tpu.memory_space<vmem>>, vector<16xf32>,
      %get3A_291 = vector.shape_cast %get3A_290 : vector<16xf32> to vector<16xf32>
      %mul3A_292 = arith.mulf %get3A_285, %get3A_285 : vector<16xf32>
      %swap3A_293 = arith.constant 32 : index
      %swap3A_294 = tpu.vector_load %arg29[%swap3A_293] {strides = array<i32>} : memref<128xf32, #tpu.memory_space<vmem>>, vector<16xf32>,
      %swap3A_295 = vector.shape_cast %swap3A_294 : vector<16xf32> to vector<16xf32>
      %swap3A_296 = vector.shape_cast %mul3A_292 : vector<16xf32> to vector<16xf32>
      tpu.vector_store %arg29[%swap3A_293], %swap3A_296 {strides = array<i32>} : memref<128xf32, #tpu.memory_space<vmem>>, vector<16xf32>,
      %mul3A_297 = arith.mulf %get3A_288, %get3A_288 : vector<16xf32>
      %swap3A_298 = arith.constant 32 : index
      %swap3A_299 = tpu.vector_load %arg30[%swap3A_298] {strides = array<i32>} : memref<128xf32, #tpu.memory_space<vmem>>, vector<16xf32>,
      %swap3A_300 = vector.shape_cast %swap3A_299 : vector<16xf32> to vector<16xf32>
      %swap3A_301 = vector.shape_cast %mul3A_297 : vector<16xf32> to vector<16xf32>
      tpu.vector_store %arg30[%swap3A_298], %swap3A_301 {strides = array<i32>} : memref<128xf32, #tpu.memory_space<vmem>>, vector<16xf32>,
      %mul3A_302 = arith.mulf %get3A_291, %get3A_291 : vector<16xf32>
      %swap3A_303 = arith.constant 32 : index
      %swap3A_304 = tpu.vector_load %arg31[%swap3A_303] {strides = array<i32>} : memref<128xf32, #tpu.memory_space<vmem>>, vector<16xf32>,
      %swap3A_305 = vector.shape_cast %swap3A_304 : vector<16xf32> to vector<16xf32>
      %swap3A_306 = vector.shape_cast %mul3A_302 : vector<16xf32> to vector<16xf32>
      tpu.vector_store %arg31[%swap3A_303], %swap3A_306 {strides = array<i32>} : memref<128xf32, #tpu.memory_space<vmem>>, vector<16xf32>,
      %mul3A_307 = arith.mulf %get3A_285, %get3A_288 : vector<16xf32>
      %swap3A_308 = arith.constant 32 : index
      %swap3A_309 = tpu.vector_load %arg32[%swap3A_308] {strides = array<i32>} : memref<128xf32, #tpu.memory_space<vmem>>, vector<16xf32>,
      %swap3A_310 = vector.shape_cast %swap3A_309 : vector<16xf32> to vector<16xf32>
      %swap3A_311 = vector.shape_cast %mul3A_307 : vector<16xf32> to vector<16xf32>
      tpu.vector_store %arg32[%swap3A_308], %swap3A_311 {strides = array<i32>} : memref<128xf32, #tpu.memory_space<vmem>>, vector<16xf32>,
      %mul3A_312 = arith.mulf %get3A_288, %get3A_291 : vector<16xf32>
      %swap3A_313 = arith.constant 32 : index
      %swap3A_314 = tpu.vector_load %arg33[%swap3A_313] {strides = array<i32>} : memref<128xf32, #tpu.memory_space<vmem>>, vector<16xf32>,
      %swap3A_315 = vector.shape_cast %swap3A_314 : vector<16xf32> to vector<16xf32>
      %swap3A_316 = vector.shape_cast %mul3A_312 : vector<16xf32> to vector<16xf32>
      tpu.vector_store %arg33[%swap3A_313], %swap3A_316 {strides = array<i32>} : memref<128xf32, #tpu.memory_space<vmem>>, vector<16xf32>,
      %mul3A_317 = arith.mulf %get3A_291, %get3A_285 : vector<16xf32>
      %swap3A_318 = arith.constant 32 : index
      %swap3A_319 = tpu.vector_load %arg34[%swap3A_318] {strides = array<i32>} : memref<128xf32, #tpu.memory_space<vmem>>, vector<16xf32>,
      %swap3A_320 = vector.shape_cast %swap3A_319 : vector<16xf32> to vector<16xf32>
      %swap3A_321 = vector.shape_cast %mul3A_317 : vector<16xf32> to vector<16xf32>
      tpu.vector_store %arg34[%swap3A_318], %swap3A_321 {strides = array<i32>} : memref<128xf32, #tpu.memory_space<vmem>>, vector<16xf32>,
      %get3A_322 = arith.constant 48 : index
      %get3A_323 = tpu.vector_load %arg17[%get3A_322] {strides = array<i32>} : memref<128xf32, #tpu.memory_space<vmem>>, vector<16xf32>,
      %get3A_324 = vector.shape_cast %get3A_323 : vector<16xf32> to vector<16xf32>
      %get3A_325 = arith.constant 48 : index
      %get3A_326 = tpu.vector_load %arg21[%get3A_325] {strides = array<i32>} : memref<128xf32, #tpu.memory_space<vmem>>, vector<16xf32>,
      %get3A_327 = vector.shape_cast %get3A_326 : vector<16xf32> to vector<16xf32>
      %get3A_328 = arith.constant 48 : index
      %get3A_329 = tpu.vector_load %arg25[%get3A_328] {strides = array<i32>} : memref<128xf32, #tpu.memory_space<vmem>>, vector<16xf32>,
      %get3A_330 = vector.shape_cast %get3A_329 : vector<16xf32> to vector<16xf32>
      %mul3A_331 = arith.mulf %get3A_324, %get3A_324 : vector<16xf32>
      %swap3A_332 = arith.constant 48 : index
      %swap3A_333 = tpu.vector_load %arg29[%swap3A_332] {strides = array<i32>} : memref<128xf32, #tpu.memory_space<vmem>>, vector<16xf32>,
      %swap3A_334 = vector.shape_cast %swap3A_333 : vector<16xf32> to vector<16xf32>
      %swap3A_335 = vector.shape_cast %mul3A_331 : vector<16xf32> to vector<16xf32>
      tpu.vector_store %arg29[%swap3A_332], %swap3A_335 {strides = array<i32>} : memref<128xf32, #tpu.memory_space<vmem>>, vector<16xf32>,
      %mul3A_336 = arith.mulf %get3A_327, %get3A_327 : vector<16xf32>
      %swap3A_337 = arith.constant 48 : index
      %swap3A_338 = tpu.vector_load %arg30[%swap3A_337] {strides = array<i32>} : memref<128xf32, #tpu.memory_space<vmem>>, vector<16xf32>,
      %swap3A_339 = vector.shape_cast %swap3A_338 : vector<16xf32> to vector<16xf32>
      %swap3A_340 = vector.shape_cast %mul3A_336 : vector<16xf32> to vector<16xf32>
      tpu.vector_store %arg30[%swap3A_337], %swap3A_340 {strides = array<i32>} : memref<128xf32, #tpu.memory_space<vmem>>, vector<16xf32>,
      %mul3A_341 = arith.mulf %get3A_330, %get3A_330 : vector<16xf32>
      %swap3A_342 = arith.constant 48 : index
      %swap3A_343 = tpu.vector_load %arg31[%swap3A_342] {strides = array<i32>} : memref<128xf32, #tpu.memory_space<vmem>>, vector<16xf32>,
      %swap3A_344 = vector.shape_cast %swap3A_343 : vector<16xf32> to vector<16xf32>
      %swap3A_345 = vector.shape_cast %mul3A_341 : vector<16xf32> to vector<16xf32>
      tpu.vector_store %arg31[%swap3A_342], %swap3A_345 {strides = array<i32>} : memref<128xf32, #tpu.memory_space<vmem>>, vector<16xf32>,
      %mul3A_346 = arith.mulf %get3A_324, %get3A_327 : vector<16xf32>
      %swap3A_347 = arith.constant 48 : index
      %swap3A_348 = tpu.vector_load %arg32[%swap3A_347] {strides = array<i32>} : memref<128xf32, #tpu.memory_space<vmem>>, vector<16xf32>,
      %swap3A_349 = vector.shape_cast %swap3A_348 : vector<16xf32> to vector<16xf32>
      %swap3A_350 = vector.shape_cast %mul3A_346 : vector<16xf32> to vector<16xf32>
      tpu.vector_store %arg32[%swap3A_347], %swap3A_350 {strides = array<i32>} : memref<128xf32, #tpu.memory_space<vmem>>, vector<16xf32>,
      %mul3A_351 = arith.mulf %get3A_327, %get3A_330 : vector<16xf32>
      %swap3A_352 = arith.constant 48 : index
      %swap3A_353 = tpu.vector_load %arg33[%swap3A_352] {strides = array<i32>} : memref<128xf32, #tpu.memory_space<vmem>>, vector<16xf32>,
      %swap3A_354 = vector.shape_cast %swap3A_353 : vector<16xf32> to vector<16xf32>
      %swap3A_355 = vector.shape_cast %mul3A_351 : vector<16xf32> to vector<16xf32>
      tpu.vector_store %arg33[%swap3A_352], %swap3A_355 {strides = array<i32>} : memref<128xf32, #tpu.memory_space<vmem>>, vector<16xf32>,
      %mul3A_356 = arith.mulf %get3A_330, %get3A_324 : vector<16xf32>
      %swap3A_357 = arith.constant 48 : index
      %swap3A_358 = tpu.vector_load %arg34[%swap3A_357] {strides = array<i32>} : memref<128xf32, #tpu.memory_space<vmem>>, vector<16xf32>,
      %swap3A_359 = vector.shape_cast %swap3A_358 : vector<16xf32> to vector<16xf32>
      %swap3A_360 = vector.shape_cast %mul3A_356 : vector<16xf32> to vector<16xf32>
      tpu.vector_store %arg34[%swap3A_357], %swap3A_360 {strides = array<i32>} : memref<128xf32, #tpu.memory_space<vmem>>, vector<16xf32>,
      %get3A_361 = arith.constant 64 : index
      %get3A_362 = tpu.vector_load %arg17[%get3A_361] {strides = array<i32>} : memref<128xf32, #tpu.memory_space<vmem>>, vector<16xf32>,
      %get3A_363 = vector.shape_cast %get3A_362 : vector<16xf32> to vector<16xf32>
      %get3A_364 = arith.constant 64 : index
      %get3A_365 = tpu.vector_load %arg21[%get3A_364] {strides = array<i32>} : memref<128xf32, #tpu.memory_space<vmem>>, vector<16xf32>,
      %get3A_366 = vector.shape_cast %get3A_365 : vector<16xf32> to vector<16xf32>
      %get3A_367 = arith.constant 64 : index
      %get3A_368 = tpu.vector_load %arg25[%get3A_367] {strides = array<i32>} : memref<128xf32, #tpu.memory_space<vmem>>, vector<16xf32>,
      %get3A_369 = vector.shape_cast %get3A_368 : vector<16xf32> to vector<16xf32>
      %mul3A_370 = arith.mulf %get3A_363, %get3A_363 : vector<16xf32>
      %swap3A_371 = arith.constant 64 : index
      %swap3A_372 = tpu.vector_load %arg29[%swap3A_371] {strides = array<i32>} : memref<128xf32, #tpu.memory_space<vmem>>, vector<16xf32>,
      %swap3A_373 = vector.shape_cast %swap3A_372 : vector<16xf32> to vector<16xf32>
      %swap3A_374 = vector.shape_cast %mul3A_370 : vector<16xf32> to vector<16xf32>
      tpu.vector_store %arg29[%swap3A_371], %swap3A_374 {strides = array<i32>} : memref<128xf32, #tpu.memory_space<vmem>>, vector<16xf32>,
      %mul3A_375 = arith.mulf %get3A_366, %get3A_366 : vector<16xf32>
      %swap3A_376 = arith.constant 64 : index
      %swap3A_377 = tpu.vector_load %arg30[%swap3A_376] {strides = array<i32>} : memref<128xf32, #tpu.memory_space<vmem>>, vector<16xf32>,
      %swap3A_378 = vector.shape_cast %swap3A_377 : vector<16xf32> to vector<16xf32>
      %swap3A_379 = vector.shape_cast %mul3A_375 : vector<16xf32> to vector<16xf32>
      tpu.vector_store %arg30[%swap3A_376], %swap3A_379 {strides = array<i32>} : memref<128xf32, #tpu.memory_space<vmem>>, vector<16xf32>,
      %mul3A_380 = arith.mulf %get3A_369, %get3A_369 : vector<16xf32>
      %swap3A_381 = arith.constant 64 : index
      %swap3A_382 = tpu.vector_load %arg31[%swap3A_381] {strides = array<i32>} : memref<128xf32, #tpu.memory_space<vmem>>, vector<16xf32>,
      %swap3A_383 = vector.shape_cast %swap3A_382 : vector<16xf32> to vector<16xf32>
      %swap3A_384 = vector.shape_cast %mul3A_380 : vector<16xf32> to vector<16xf32>
      tpu.vector_store %arg31[%swap3A_381], %swap3A_384 {strides = array<i32>} : memref<128xf32, #tpu.memory_space<vmem>>, vector<16xf32>,
      %mul3A_385 = arith.mulf %get3A_363, %get3A_366 : vector<16xf32>
      %swap3A_386 = arith.constant 64 : index
      %swap3A_387 = tpu.vector_load %arg32[%swap3A_386] {strides = array<i32>} : memref<128xf32, #tpu.memory_space<vmem>>, vector<16xf32>,
      %swap3A_388 = vector.shape_cast %swap3A_387 : vector<16xf32> to vector<16xf32>
      %swap3A_389 = vector.shape_cast %mul3A_385 : vector<16xf32> to vector<16xf32>
      tpu.vector_store %arg32[%swap3A_386], %swap3A_389 {strides = array<i32>} : memref<128xf32, #tpu.memory_space<vmem>>, vector<16xf32>,
      %mul3A_390 = arith.mulf %get3A_366, %get3A_369 : vector<16xf32>
      %swap3A_391 = arith.constant 64 : index
      %swap3A_392 = tpu.vector_load %arg33[%swap3A_391] {strides = array<i32>} : memref<128xf32, #tpu.memory_space<vmem>>, vector<16xf32>,
      %swap3A_393 = vector.shape_cast %swap3A_392 : vector<16xf32> to vector<16xf32>
      %swap3A_394 = vector.shape_cast %mul3A_390 : vector<16xf32> to vector<16xf32>
      tpu.vector_store %arg33[%swap3A_391], %swap3A_394 {strides = array<i32>} : memref<128xf32, #tpu.memory_space<vmem>>, vector<16xf32>,
      %mul3A_395 = arith.mulf %get3A_369, %get3A_363 : vector<16xf32>
      %swap3A_396 = arith.constant 64 : index
      %swap3A_397 = tpu.vector_load %arg34[%swap3A_396] {strides = array<i32>} : memref<128xf32, #tpu.memory_space<vmem>>, vector<16xf32>,
      %swap3A_398 = vector.shape_cast %swap3A_397 : vector<16xf32> to vector<16xf32>
      %swap3A_399 = vector.shape_cast %mul3A_395 : vector<16xf32> to vector<16xf32>
      tpu.vector_store %arg34[%swap3A_396], %swap3A_399 {strides = array<i32>} : memref<128xf32, #tpu.memory_space<vmem>>, vector<16xf32>,
      %get3A_400 = arith.constant 80 : index
      %get3A_401 = tpu.vector_load %arg17[%get3A_400] {strides = array<i32>} : memref<128xf32, #tpu.memory_space<vmem>>, vector<16xf32>,
      %get3A_402 = vector.shape_cast %get3A_401 : vector<16xf32> to vector<16xf32>
      %get3A_403 = arith.constant 80 : index
      %get3A_404 = tpu.vector_load %arg21[%get3A_403] {strides = array<i32>} : memref<128xf32, #tpu.memory_space<vmem>>, vector<16xf32>,
      %get3A_405 = vector.shape_cast %get3A_404 : vector<16xf32> to vector<16xf32>
      %get3A_406 = arith.constant 80 : index
      %get3A_407 = tpu.vector_load %arg25[%get3A_406] {strides = array<i32>} : memref<128xf32, #tpu.memory_space<vmem>>, vector<16xf32>,
      %get3A_408 = vector.shape_cast %get3A_407 : vector<16xf32> to vector<16xf32>
      %mul3A_409 = arith.mulf %get3A_402, %get3A_402 : vector<16xf32>
      %swap3A_410 = arith.constant 80 : index
      %swap3A_411 = tpu.vector_load %arg29[%swap3A_410] {strides = array<i32>} : memref<128xf32, #tpu.memory_space<vmem>>, vector<16xf32>,
      %swap3A_412 = vector.shape_cast %swap3A_411 : vector<16xf32> to vector<16xf32>
      %swap3A_413 = vector.shape_cast %mul3A_409 : vector<16xf32> to vector<16xf32>
      tpu.vector_store %arg29[%swap3A_410], %swap3A_413 {strides = array<i32>} : memref<128xf32, #tpu.memory_space<vmem>>, vector<16xf32>,
      %mul3A_414 = arith.mulf %get3A_405, %get3A_405 : vector<16xf32>
      %swap3A_415 = arith.constant 80 : index
      %swap3A_416 = tpu.vector_load %arg30[%swap3A_415] {strides = array<i32>} : memref<128xf32, #tpu.memory_space<vmem>>, vector<16xf32>,
      %swap3A_417 = vector.shape_cast %swap3A_416 : vector<16xf32> to vector<16xf32>
      %swap3A_418 = vector.shape_cast %mul3A_414 : vector<16xf32> to vector<16xf32>
      tpu.vector_store %arg30[%swap3A_415], %swap3A_418 {strides = array<i32>} : memref<128xf32, #tpu.memory_space<vmem>>, vector<16xf32>,
      %mul3A_419 = arith.mulf %get3A_408, %get3A_408 : vector<16xf32>
      %swap3A_420 = arith.constant 80 : index
      %swap3A_421 = tpu.vector_load %arg31[%swap3A_420] {strides = array<i32>} : memref<128xf32, #tpu.memory_space<vmem>>, vector<16xf32>,
      %swap3A_422 = vector.shape_cast %swap3A_421 : vector<16xf32> to vector<16xf32>
      %swap3A_423 = vector.shape_cast %mul3A_419 : vector<16xf32> to vector<16xf32>
      tpu.vector_store %arg31[%swap3A_420], %swap3A_423 {strides = array<i32>} : memref<128xf32, #tpu.memory_space<vmem>>, vector<16xf32>,
      %mul3A_424 = arith.mulf %get3A_402, %get3A_405 : vector<16xf32>
      %swap3A_425 = arith.constant 80 : index
      %swap3A_426 = tpu.vector_load %arg32[%swap3A_425] {strides = array<i32>} : memref<128xf32, #tpu.memory_space<vmem>>, vector<16xf32>,
      %swap3A_427 = vector.shape_cast %swap3A_426 : vector<16xf32> to vector<16xf32>
      %swap3A_428 = vector.shape_cast %mul3A_424 : vector<16xf32> to vector<16xf32>
      tpu.vector_store %arg32[%swap3A_425], %swap3A_428 {strides = array<i32>} : memref<128xf32, #tpu.memory_space<vmem>>, vector<16xf32>,
      %mul3A_429 = arith.mulf %get3A_405, %get3A_408 : vector<16xf32>
      %swap3A_430 = arith.constant 80 : index
      %swap3A_431 = tpu.vector_load %arg33[%swap3A_430] {strides = array<i32>} : memref<128xf32, #tpu.memory_space<vmem>>, vector<16xf32>,
      %swap3A_432 = vector.shape_cast %swap3A_431 : vector<16xf32> to vector<16xf32>
      %swap3A_433 = vector.shape_cast %mul3A_429 : vector<16xf32> to vector<16xf32>
      tpu.vector_store %arg33[%swap3A_430], %swap3A_433 {strides = array<i32>} : memref<128xf32, #tpu.memory_space<vmem>>, vector<16xf32>,
      %mul3A_434 = arith.mulf %get3A_408, %get3A_402 : vector<16xf32>
      %swap3A_435 = arith.constant 80 : index
      %swap3A_436 = tpu.vector_load %arg34[%swap3A_435] {strides = array<i32>} : memref<128xf32, #tpu.memory_space<vmem>>, vector<16xf32>,
      %swap3A_437 = vector.shape_cast %swap3A_436 : vector<16xf32> to vector<16xf32>
      %swap3A_438 = vector.shape_cast %mul3A_434 : vector<16xf32> to vector<16xf32>
      tpu.vector_store %arg34[%swap3A_435], %swap3A_438 {strides = array<i32>} : memref<128xf32, #tpu.memory_space<vmem>>, vector<16xf32>,
      %get3A_439 = arith.constant 96 : index
      %get3A_440 = tpu.vector_load %arg17[%get3A_439] {strides = array<i32>} : memref<128xf32, #tpu.memory_space<vmem>>, vector<16xf32>,
      %get3A_441 = vector.shape_cast %get3A_440 : vector<16xf32> to vector<16xf32>
      %get3A_442 = arith.constant 96 : index
      %get3A_443 = tpu.vector_load %arg21[%get3A_442] {strides = array<i32>} : memref<128xf32, #tpu.memory_space<vmem>>, vector<16xf32>,
      %get3A_444 = vector.shape_cast %get3A_443 : vector<16xf32> to vector<16xf32>
      %get3A_445 = arith.constant 96 : index
      %get3A_446 = tpu.vector_load %arg25[%get3A_445] {strides = array<i32>} : memref<128xf32, #tpu.memory_space<vmem>>, vector<16xf32>,
      %get3A_447 = vector.shape_cast %get3A_446 : vector<16xf32> to vector<16xf32>
      %mul3A_448 = arith.mulf %get3A_441, %get3A_441 : vector<16xf32>
      %swap3A_449 = arith.constant 96 : index
      %swap3A_450 = tpu.vector_load %arg29[%swap3A_449] {strides = array<i32>} : memref<128xf32, #tpu.memory_space<vmem>>, vector<16xf32>,
      %swap3A_451 = vector.shape_cast %swap3A_450 : vector<16xf32> to vector<16xf32>
      %swap3A_452 = vector.shape_cast %mul3A_448 : vector<16xf32> to vector<16xf32>
      tpu.vector_store %arg29[%swap3A_449], %swap3A_452 {strides = array<i32>} : memref<128xf32, #tpu.memory_space<vmem>>, vector<16xf32>,
      %mul3A_453 = arith.mulf %get3A_444, %get3A_444 : vector<16xf32>
      %swap3A_454 = arith.constant 96 : index
      %swap3A_455 = tpu.vector_load %arg30[%swap3A_454] {strides = array<i32>} : memref<128xf32, #tpu.memory_space<vmem>>, vector<16xf32>,
      %swap3A_456 = vector.shape_cast %swap3A_455 : vector<16xf32> to vector<16xf32>
      %swap3A_457 = vector.shape_cast %mul3A_453 : vector<16xf32> to vector<16xf32>
      tpu.vector_store %arg30[%swap3A_454], %swap3A_457 {strides = array<i32>} : memref<128xf32, #tpu.memory_space<vmem>>, vector<16xf32>,
      %mul3A_458 = arith.mulf %get3A_447, %get3A_447 : vector<16xf32>
      %swap3A_459 = arith.constant 96 : index
      %swap3A_460 = tpu.vector_load %arg31[%swap3A_459] {strides = array<i32>} : memref<128xf32, #tpu.memory_space<vmem>>, vector<16xf32>,
      %swap3A_461 = vector.shape_cast %swap3A_460 : vector<16xf32> to vector<16xf32>
      %swap3A_462 = vector.shape_cast %mul3A_458 : vector<16xf32> to vector<16xf32>
      tpu.vector_store %arg31[%swap3A_459], %swap3A_462 {strides = array<i32>} : memref<128xf32, #tpu.memory_space<vmem>>, vector<16xf32>,
      %mul3A_463 = arith.mulf %get3A_441, %get3A_444 : vector<16xf32>
      %swap3A_464 = arith.constant 96 : index
      %swap3A_465 = tpu.vector_load %arg32[%swap3A_464] {strides = array<i32>} : memref<128xf32, #tpu.memory_space<vmem>>, vector<16xf32>,
      %swap3A_466 = vector.shape_cast %swap3A_465 : vector<16xf32> to vector<16xf32>
      %swap3A_467 = vector.shape_cast %mul3A_463 : vector<16xf32> to vector<16xf32>
      tpu.vector_store %arg32[%swap3A_464], %swap3A_467 {strides = array<i32>} : memref<128xf32, #tpu.memory_space<vmem>>, vector<16xf32>,
      %mul3A_468 = arith.mulf %get3A_444, %get3A_447 : vector<16xf32>
      %swap3A_469 = arith.constant 96 : index
      %swap3A_470 = tpu.vector_load %arg33[%swap3A_469] {strides = array<i32>} : memref<128xf32, #tpu.memory_space<vmem>>, vector<16xf32>,
      %swap3A_471 = vector.shape_cast %swap3A_470 : vector<16xf32> to vector<16xf32>
      %swap3A_472 = vector.shape_cast %mul3A_468 : vector<16xf32> to vector<16xf32>
      tpu.vector_store %arg33[%swap3A_469], %swap3A_472 {strides = array<i32>} : memref<128xf32, #tpu.memory_space<vmem>>, vector<16xf32>,
      %mul3A_473 = arith.mulf %get3A_447, %get3A_441 : vector<16xf32>
      %swap3A_474 = arith.constant 96 : index
      %swap3A_475 = tpu.vector_load %arg34[%swap3A_474] {strides = array<i32>} : memref<128xf32, #tpu.memory_space<vmem>>, vector<16xf32>,
      %swap3A_476 = vector.shape_cast %swap3A_475 : vector<16xf32> to vector<16xf32>
      %swap3A_477 = vector.shape_cast %mul3A_473 : vector<16xf32> to vector<16xf32>
      tpu.vector_store %arg34[%swap3A_474], %swap3A_477 {strides = array<i32>} : memref<128xf32, #tpu.memory_space<vmem>>, vector<16xf32>,
      %get3A_478 = arith.constant 112 : index
      %get3A_479 = tpu.vector_load %arg17[%get3A_478] {strides = array<i32>} : memref<128xf32, #tpu.memory_space<vmem>>, vector<16xf32>,
      %get3A_480 = vector.shape_cast %get3A_479 : vector<16xf32> to vector<16xf32>
      %get3A_481 = arith.constant 112 : index
      %get3A_482 = tpu.vector_load %arg21[%get3A_481] {strides = array<i32>} : memref<128xf32, #tpu.memory_space<vmem>>, vector<16xf32>,
      %get3A_483 = vector.shape_cast %get3A_482 : vector<16xf32> to vector<16xf32>
      %get3A_484 = arith.constant 112 : index
      %get3A_485 = tpu.vector_load %arg25[%get3A_484] {strides = array<i32>} : memref<128xf32, #tpu.memory_space<vmem>>, vector<16xf32>,
      %get3A_486 = vector.shape_cast %get3A_485 : vector<16xf32> to vector<16xf32>
      %mul3A_487 = arith.mulf %get3A_480, %get3A_480 : vector<16xf32>
      %swap3A_488 = arith.constant 112 : index
      %swap3A_489 = tpu.vector_load %arg29[%swap3A_488] {strides = array<i32>} : memref<128xf32, #tpu.memory_space<vmem>>, vector<16xf32>,
      %swap3A_490 = vector.shape_cast %swap3A_489 : vector<16xf32> to vector<16xf32>
      %swap3A_491 = vector.shape_cast %mul3A_487 : vector<16xf32> to vector<16xf32>
      tpu.vector_store %arg29[%swap3A_488], %swap3A_491 {strides = array<i32>} : memref<128xf32, #tpu.memory_space<vmem>>, vector<16xf32>,
      %mul3A_492 = arith.mulf %get3A_483, %get3A_483 : vector<16xf32>
      %swap3A_493 = arith.constant 112 : index
      %swap3A_494 = tpu.vector_load %arg30[%swap3A_493] {strides = array<i32>} : memref<128xf32, #tpu.memory_space<vmem>>, vector<16xf32>,
      %swap3A_495 = vector.shape_cast %swap3A_494 : vector<16xf32> to vector<16xf32>
      %swap3A_496 = vector.shape_cast %mul3A_492 : vector<16xf32> to vector<16xf32>
      tpu.vector_store %arg30[%swap3A_493], %swap3A_496 {strides = array<i32>} : memref<128xf32, #tpu.memory_space<vmem>>, vector<16xf32>,
      %mul3A_497 = arith.mulf %get3A_486, %get3A_486 : vector<16xf32>
      %swap3A_498 = arith.constant 112 : index
      %swap3A_499 = tpu.vector_load %arg31[%swap3A_498] {strides = array<i32>} : memref<128xf32, #tpu.memory_space<vmem>>, vector<16xf32>,
      %swap3A_500 = vector.shape_cast %swap3A_499 : vector<16xf32> to vector<16xf32>
      %swap3A_501 = vector.shape_cast %mul3A_497 : vector<16xf32> to vector<16xf32>
      tpu.vector_store %arg31[%swap3A_498], %swap3A_501 {strides = array<i32>} : memref<128xf32, #tpu.memory_space<vmem>>, vector<16xf32>,
      %mul3A_502 = arith.mulf %get3A_480, %get3A_483 : vector<16xf32>
      %swap3A_503 = arith.constant 112 : index
      %swap3A_504 = tpu.vector_load %arg32[%swap3A_503] {strides = array<i32>} : memref<128xf32, #tpu.memory_space<vmem>>, vector<16xf32>,
      %swap3A_505 = vector.shape_cast %swap3A_504 : vector<16xf32> to vector<16xf32>
      %swap3A_506 = vector.shape_cast %mul3A_502 : vector<16xf32> to vector<16xf32>
      tpu.vector_store %arg32[%swap3A_503], %swap3A_506 {strides = array<i32>} : memref<128xf32, #tpu.memory_space<vmem>>, vector<16xf32>,
      %mul3A_507 = arith.mulf %get3A_483, %get3A_486 : vector<16xf32>
      %swap3A_508 = arith.constant 112 : index
      %swap3A_509 = tpu.vector_load %arg33[%swap3A_508] {strides = array<i32>} : memref<128xf32, #tpu.memory_space<vmem>>, vector<16xf32>,
      %swap3A_510 = vector.shape_cast %swap3A_509 : vector<16xf32> to vector<16xf32>
      %swap3A_511 = vector.shape_cast %mul3A_507 : vector<16xf32> to vector<16xf32>
      tpu.vector_store %arg33[%swap3A_508], %swap3A_511 {strides = array<i32>} : memref<128xf32, #tpu.memory_space<vmem>>, vector<16xf32>,
      %mul3A_512 = arith.mulf %get3A_486, %get3A_480 : vector<16xf32>
      %swap3A_513 = arith.constant 112 : index
      %swap3A_514 = tpu.vector_load %arg34[%swap3A_513] {strides = array<i32>} : memref<128xf32, #tpu.memory_space<vmem>>, vector<16xf32>,
      %swap3A_515 = vector.shape_cast %swap3A_514 : vector<16xf32> to vector<16xf32>
      %swap3A_516 = vector.shape_cast %mul3A_512 : vector<16xf32> to vector<16xf32>
      tpu.vector_store %arg34[%swap3A_513], %swap3A_516 {strides = array<i32>} : memref<128xf32, #tpu.memory_space<vmem>>, vector<16xf32>,
      %dma_start3A_517 = arith.constant 0 : i32
      %dma_start3A_518 = tpu.memref_slice %arg54[%dma_start3A_517] : memref<106496xf32, #tpu.memory_space<vmem_shared>> -> memref<106496xf32, #tpu.memory_space<vmem_shared>>
      tpu.enqueue_indirect_dma source(%arg17 : memref<128xf32, #tpu.memory_space<vmem>>) target(%dma_start3A_518 : memref<106496xf32, #tpu.memory_space<vmem_shared>>) offsets(%arg9 : memref<128xi32, #tpu.memory_space<vmem>>) semaphore(%arg70 : memref<!tpu.dma_semaphore, #tpu.memory_space<semaphore_mem>>) {add = true}
      %dma_start3A_519 = arith.constant 0 : i32
      %dma_start3A_520 = tpu.memref_slice %arg55[%dma_start3A_519] : memref<106496xf32, #tpu.memory_space<vmem_shared>> -> memref<106496xf32, #tpu.memory_space<vmem_shared>>
      tpu.enqueue_indirect_dma source(%arg21 : memref<128xf32, #tpu.memory_space<vmem>>) target(%dma_start3A_520 : memref<106496xf32, #tpu.memory_space<vmem_shared>>) offsets(%arg9 : memref<128xi32, #tpu.memory_space<vmem>>) semaphore(%arg70 : memref<!tpu.dma_semaphore, #tpu.memory_space<semaphore_mem>>) {add = true}
      %dma_start3A_521 = arith.constant 0 : i32
      %dma_start3A_522 = tpu.memref_slice %arg56[%dma_start3A_521] : memref<106496xf32, #tpu.memory_space<vmem_shared>> -> memref<106496xf32, #tpu.memory_space<vmem_shared>>
      tpu.enqueue_indirect_dma source(%arg25 : memref<128xf32, #tpu.memory_space<vmem>>) target(%dma_start3A_522 : memref<106496xf32, #tpu.memory_space<vmem_shared>>) offsets(%arg9 : memref<128xi32, #tpu.memory_space<vmem>>) semaphore(%arg70 : memref<!tpu.dma_semaphore, #tpu.memory_space<semaphore_mem>>) {add = true}
      %dma_start3A_523 = arith.constant 0 : i32
      %dma_start3A_524 = tpu.memref_slice %arg57[%dma_start3A_523] : memref<106496xf32, #tpu.memory_space<vmem_shared>> -> memref<106496xf32, #tpu.memory_space<vmem_shared>>
      tpu.enqueue_indirect_dma source(%arg17 : memref<128xf32, #tpu.memory_space<vmem>>) target(%dma_start3A_524 : memref<106496xf32, #tpu.memory_space<vmem_shared>>) offsets(%arg13 : memref<128xi32, #tpu.memory_space<vmem>>) semaphore(%arg70 : memref<!tpu.dma_semaphore, #tpu.memory_space<semaphore_mem>>) {add = true}
      %dma_start3A_525 = arith.constant 0 : i32
      %dma_start3A_526 = tpu.memref_slice %arg58[%dma_start3A_525] : memref<106496xf32, #tpu.memory_space<vmem_shared>> -> memref<106496xf32, #tpu.memory_space<vmem_shared>>
      tpu.enqueue_indirect_dma source(%arg21 : memref<128xf32, #tpu.memory_space<vmem>>) target(%dma_start3A_526 : memref<106496xf32, #tpu.memory_space<vmem_shared>>) offsets(%arg13 : memref<128xi32, #tpu.memory_space<vmem>>) semaphore(%arg70 : memref<!tpu.dma_semaphore, #tpu.memory_space<semaphore_mem>>) {add = true}
      %dma_start3A_527 = arith.constant 0 : i32
      %dma_start3A_528 = tpu.memref_slice %arg59[%dma_start3A_527] : memref<106496xf32, #tpu.memory_space<vmem_shared>> -> memref<106496xf32, #tpu.memory_space<vmem_shared>>
      tpu.enqueue_indirect_dma source(%arg25 : memref<128xf32, #tpu.memory_space<vmem>>) target(%dma_start3A_528 : memref<106496xf32, #tpu.memory_space<vmem_shared>>) offsets(%arg13 : memref<128xi32, #tpu.memory_space<vmem>>) semaphore(%arg70 : memref<!tpu.dma_semaphore, #tpu.memory_space<semaphore_mem>>) {add = true}
      %dma_start3A_529 = arith.constant 0 : i32
      %dma_start3A_530 = tpu.memref_slice %arg60[%dma_start3A_529] : memref<106496xf32, #tpu.memory_space<vmem_shared>> -> memref<106496xf32, #tpu.memory_space<vmem_shared>>
      tpu.enqueue_indirect_dma source(%arg29 : memref<128xf32, #tpu.memory_space<vmem>>) target(%dma_start3A_530 : memref<106496xf32, #tpu.memory_space<vmem_shared>>) offsets(%arg13 : memref<128xi32, #tpu.memory_space<vmem>>) semaphore(%arg70 : memref<!tpu.dma_semaphore, #tpu.memory_space<semaphore_mem>>) {add = true}
      %dma_start3A_531 = arith.constant 0 : i32
      %dma_start3A_532 = tpu.memref_slice %arg61[%dma_start3A_531] : memref<106496xf32, #tpu.memory_space<vmem_shared>> -> memref<106496xf32, #tpu.memory_space<vmem_shared>>
      tpu.enqueue_indirect_dma source(%arg30 : memref<128xf32, #tpu.memory_space<vmem>>) target(%dma_start3A_532 : memref<106496xf32, #tpu.memory_space<vmem_shared>>) offsets(%arg13 : memref<128xi32, #tpu.memory_space<vmem>>) semaphore(%arg70 : memref<!tpu.dma_semaphore, #tpu.memory_space<semaphore_mem>>) {add = true}
      %dma_start3A_533 = arith.constant 0 : i32
      %dma_start3A_534 = tpu.memref_slice %arg62[%dma_start3A_533] : memref<106496xf32, #tpu.memory_space<vmem_shared>> -> memref<106496xf32, #tpu.memory_space<vmem_shared>>
      tpu.enqueue_indirect_dma source(%arg31 : memref<128xf32, #tpu.memory_space<vmem>>) target(%dma_start3A_534 : memref<106496xf32, #tpu.memory_space<vmem_shared>>) offsets(%arg13 : memref<128xi32, #tpu.memory_space<vmem>>) semaphore(%arg70 : memref<!tpu.dma_semaphore, #tpu.memory_space<semaphore_mem>>) {add = true}
      %dma_start3A_535 = arith.constant 0 : i32
      %dma_start3A_536 = tpu.memref_slice %arg63[%dma_start3A_535] : memref<106496xf32, #tpu.memory_space<vmem_shared>> -> memref<106496xf32, #tpu.memory_space<vmem_shared>>
      tpu.enqueue_indirect_dma source(%arg32 : memref<128xf32, #tpu.memory_space<vmem>>) target(%dma_start3A_536 : memref<106496xf32, #tpu.memory_space<vmem_shared>>) offsets(%arg13 : memref<128xi32, #tpu.memory_space<vmem>>) semaphore(%arg70 : memref<!tpu.dma_semaphore, #tpu.memory_space<semaphore_mem>>) {add = true}
      %dma_start3A_537 = arith.constant 0 : i32
      %dma_start3A_538 = tpu.memref_slice %arg64[%dma_start3A_537] : memref<106496xf32, #tpu.memory_space<vmem_shared>> -> memref<106496xf32, #tpu.memory_space<vmem_shared>>
      tpu.enqueue_indirect_dma source(%arg33 : memref<128xf32, #tpu.memory_space<vmem>>) target(%dma_start3A_538 : memref<106496xf32, #tpu.memory_space<vmem_shared>>) offsets(%arg13 : memref<128xi32, #tpu.memory_space<vmem>>) semaphore(%arg70 : memref<!tpu.dma_semaphore, #tpu.memory_space<semaphore_mem>>) {add = true}
      %dma_start3A_539 = arith.constant 0 : i32
      %dma_start3A_540 = tpu.memref_slice %arg65[%dma_start3A_539] : memref<106496xf32, #tpu.memory_space<vmem_shared>> -> memref<106496xf32, #tpu.memory_space<vmem_shared>>
      tpu.enqueue_indirect_dma source(%arg34 : memref<128xf32, #tpu.memory_space<vmem>>) target(%dma_start3A_540 : memref<106496xf32, #tpu.memory_space<vmem_shared>>) offsets(%arg13 : memref<128xi32, #tpu.memory_space<vmem>>) semaphore(%arg70 : memref<!tpu.dma_semaphore, #tpu.memory_space<semaphore_mem>>) {add = true}
      %mul3A_541 = arith.constant 4 : i32
      %mul3A_542 = arith.muli %scan3A_165, %mul3A_541 : i32
      %add3A_543 = arith.constant 1 : i32
      %add3A_544 = arith.addi %mul3A_542, %add3A_543 : i32
      %gt3A_545 = arith.constant 0 : i32
      %gt3A_546 = arith.cmpi sgt, %scan3A_165, %gt3A_545 : i32
      %convert_element_type3A_547 = arith.extui %gt3A_546 : i1 to i32
      %cond3A_548 = arith.constant 0 : i32
      %cond3A_549 = arith.cmpi ne, %convert_element_type3A_547, %cond3A_548 : i32
      scf.if %cond3A_549 {
        %dma_wait3A_1702 = arith.constant 0 : i32
        %dma_wait3A_1703 = tpu.memref_slice %arg54[%dma_wait3A_1702] : memref<106496xf32, #tpu.memory_space<vmem_shared>> -> memref<106496xf32, #tpu.memory_space<vmem_shared>>
        tpu.wait_indirect_dma semaphore(%arg73 : memref<!tpu.dma_semaphore, #tpu.memory_space<semaphore_mem>>) src(%arg20 : memref<128xf32, #tpu.memory_space<vmem>>) dst(%dma_wait3A_1703 : memref<106496xf32, #tpu.memory_space<vmem_shared>>)
        %dma_wait3A_1704 = arith.constant 0 : i32
        %dma_wait3A_1705 = tpu.memref_slice %arg54[%dma_wait3A_1704] : memref<106496xf32, #tpu.memory_space<vmem_shared>> -> memref<106496xf32, #tpu.memory_space<vmem_shared>>
        tpu.wait_indirect_dma semaphore(%arg73 : memref<!tpu.dma_semaphore, #tpu.memory_space<semaphore_mem>>) src(%arg20 : memref<128xf32, #tpu.memory_space<vmem>>) dst(%dma_wait3A_1705 : memref<106496xf32, #tpu.memory_space<vmem_shared>>)
        %dma_wait3A_1706 = arith.constant 0 : i32
        %dma_wait3A_1707 = tpu.memref_slice %arg54[%dma_wait3A_1706] : memref<106496xf32, #tpu.memory_space<vmem_shared>> -> memref<106496xf32, #tpu.memory_space<vmem_shared>>
        tpu.wait_indirect_dma semaphore(%arg73 : memref<!tpu.dma_semaphore, #tpu.memory_space<semaphore_mem>>) src(%arg20 : memref<128xf32, #tpu.memory_space<vmem>>) dst(%dma_wait3A_1707 : memref<106496xf32, #tpu.memory_space<vmem_shared>>)
        %dma_wait3A_1708 = arith.constant 0 : i32
        %dma_wait3A_1709 = tpu.memref_slice %arg54[%dma_wait3A_1708] : memref<106496xf32, #tpu.memory_space<vmem_shared>> -> memref<106496xf32, #tpu.memory_space<vmem_shared>>
        tpu.wait_indirect_dma semaphore(%arg73 : memref<!tpu.dma_semaphore, #tpu.memory_space<semaphore_mem>>) src(%arg20 : memref<128xf32, #tpu.memory_space<vmem>>) dst(%dma_wait3A_1709 : memref<106496xf32, #tpu.memory_space<vmem_shared>>)
        %dma_wait3A_1710 = arith.constant 0 : i32
        %dma_wait3A_1711 = tpu.memref_slice %arg54[%dma_wait3A_1710] : memref<106496xf32, #tpu.memory_space<vmem_shared>> -> memref<106496xf32, #tpu.memory_space<vmem_shared>>
        tpu.wait_indirect_dma semaphore(%arg73 : memref<!tpu.dma_semaphore, #tpu.memory_space<semaphore_mem>>) src(%arg20 : memref<128xf32, #tpu.memory_space<vmem>>) dst(%dma_wait3A_1711 : memref<106496xf32, #tpu.memory_space<vmem_shared>>)
        %dma_wait3A_1712 = arith.constant 0 : i32
        %dma_wait3A_1713 = tpu.memref_slice %arg54[%dma_wait3A_1712] : memref<106496xf32, #tpu.memory_space<vmem_shared>> -> memref<106496xf32, #tpu.memory_space<vmem_shared>>
        tpu.wait_indirect_dma semaphore(%arg73 : memref<!tpu.dma_semaphore, #tpu.memory_space<semaphore_mem>>) src(%arg20 : memref<128xf32, #tpu.memory_space<vmem>>) dst(%dma_wait3A_1713 : memref<106496xf32, #tpu.memory_space<vmem_shared>>)
        %dma_wait3A_1714 = arith.constant 0 : i32
        %dma_wait3A_1715 = tpu.memref_slice %arg54[%dma_wait3A_1714] : memref<106496xf32, #tpu.memory_space<vmem_shared>> -> memref<106496xf32, #tpu.memory_space<vmem_shared>>
        tpu.wait_indirect_dma semaphore(%arg73 : memref<!tpu.dma_semaphore, #tpu.memory_space<semaphore_mem>>) src(%arg20 : memref<128xf32, #tpu.memory_space<vmem>>) dst(%dma_wait3A_1715 : memref<106496xf32, #tpu.memory_space<vmem_shared>>)
        %dma_wait3A_1716 = arith.constant 0 : i32
        %dma_wait3A_1717 = tpu.memref_slice %arg54[%dma_wait3A_1716] : memref<106496xf32, #tpu.memory_space<vmem_shared>> -> memref<106496xf32, #tpu.memory_space<vmem_shared>>
        tpu.wait_indirect_dma semaphore(%arg73 : memref<!tpu.dma_semaphore, #tpu.memory_space<semaphore_mem>>) src(%arg20 : memref<128xf32, #tpu.memory_space<vmem>>) dst(%dma_wait3A_1717 : memref<106496xf32, #tpu.memory_space<vmem_shared>>)
        %dma_wait3A_1718 = arith.constant 0 : i32
        %dma_wait3A_1719 = tpu.memref_slice %arg54[%dma_wait3A_1718] : memref<106496xf32, #tpu.memory_space<vmem_shared>> -> memref<106496xf32, #tpu.memory_space<vmem_shared>>
        tpu.wait_indirect_dma semaphore(%arg73 : memref<!tpu.dma_semaphore, #tpu.memory_space<semaphore_mem>>) src(%arg20 : memref<128xf32, #tpu.memory_space<vmem>>) dst(%dma_wait3A_1719 : memref<106496xf32, #tpu.memory_space<vmem_shared>>)
        %dma_wait3A_1720 = arith.constant 0 : i32
        %dma_wait3A_1721 = tpu.memref_slice %arg54[%dma_wait3A_1720] : memref<106496xf32, #tpu.memory_space<vmem_shared>> -> memref<106496xf32, #tpu.memory_space<vmem_shared>>
        tpu.wait_indirect_dma semaphore(%arg73 : memref<!tpu.dma_semaphore, #tpu.memory_space<semaphore_mem>>) src(%arg20 : memref<128xf32, #tpu.memory_space<vmem>>) dst(%dma_wait3A_1721 : memref<106496xf32, #tpu.memory_space<vmem_shared>>)
        %dma_wait3A_1722 = arith.constant 0 : i32
        %dma_wait3A_1723 = tpu.memref_slice %arg54[%dma_wait3A_1722] : memref<106496xf32, #tpu.memory_space<vmem_shared>> -> memref<106496xf32, #tpu.memory_space<vmem_shared>>
        tpu.wait_indirect_dma semaphore(%arg73 : memref<!tpu.dma_semaphore, #tpu.memory_space<semaphore_mem>>) src(%arg20 : memref<128xf32, #tpu.memory_space<vmem>>) dst(%dma_wait3A_1723 : memref<106496xf32, #tpu.memory_space<vmem_shared>>)
        %dma_wait3A_1724 = arith.constant 0 : i32
        %dma_wait3A_1725 = tpu.memref_slice %arg54[%dma_wait3A_1724] : memref<106496xf32, #tpu.memory_space<vmem_shared>> -> memref<106496xf32, #tpu.memory_space<vmem_shared>>
        tpu.wait_indirect_dma semaphore(%arg73 : memref<!tpu.dma_semaphore, #tpu.memory_space<semaphore_mem>>) src(%arg20 : memref<128xf32, #tpu.memory_space<vmem>>) dst(%dma_wait3A_1725 : memref<106496xf32, #tpu.memory_space<vmem_shared>>)
      } else {
      }
      %add3A_550 = arith.constant 2 : i32
      %add3A_551 = arith.addi %add3A_544, %add3A_550 : i32
      %mul3A_552 = arith.constant 128 : i32
      %mul3A_553 = arith.muli %add3A_551, %mul3A_552 : i32
      %add3A_554 = arith.addi %mul3A_4, %mul3A_553 : i32
      %dma_start3A_555 = tpu.memref_slice %arg2[%add3A_554] : memref<6406144xf32, #tpu.memory_space<hbm>> -> memref<128xf32, #tpu.memory_space<hbm>>
      %dma_start3A_556 = tpu.memref_slice %arg2[%add3A_554] : memref<6406144xf32, #tpu.memory_space<hbm>> -> memref<128xf32, #tpu.memory_space<hbm>>
      tpu.enqueue_dma source(%dma_start3A_556 : memref<128xf32, #tpu.memory_space<hbm>>) target(%arg20 : memref<128xf32, #tpu.memory_space<vmem>>) target_semaphore(%arg69 : memref<!tpu.dma_semaphore, #tpu.memory_space<semaphore_mem>>)
      %dma_start3A_557 = tpu.memref_slice %arg3[%add3A_554] : memref<6406144xf32, #tpu.memory_space<hbm>> -> memref<128xf32, #tpu.memory_space<hbm>>
      %dma_start3A_558 = tpu.memref_slice %arg3[%add3A_554] : memref<6406144xf32, #tpu.memory_space<hbm>> -> memref<128xf32, #tpu.memory_space<hbm>>
      tpu.enqueue_dma source(%dma_start3A_558 : memref<128xf32, #tpu.memory_space<hbm>>) target(%arg24 : memref<128xf32, #tpu.memory_space<vmem>>) target_semaphore(%arg69 : memref<!tpu.dma_semaphore, #tpu.memory_space<semaphore_mem>>)
      %dma_start3A_559 = tpu.memref_slice %arg4[%add3A_554] : memref<6406144xf32, #tpu.memory_space<hbm>> -> memref<128xf32, #tpu.memory_space<hbm>>
      %dma_start3A_560 = tpu.memref_slice %arg4[%add3A_554] : memref<6406144xf32, #tpu.memory_space<hbm>> -> memref<128xf32, #tpu.memory_space<hbm>>
      tpu.enqueue_dma source(%dma_start3A_560 : memref<128xf32, #tpu.memory_space<hbm>>) target(%arg28 : memref<128xf32, #tpu.memory_space<vmem>>) target_semaphore(%arg69 : memref<!tpu.dma_semaphore, #tpu.memory_space<semaphore_mem>>)
      %dma_start3A_561 = tpu.memref_slice %arg5[%add3A_554] : memref<6406144xi32, #tpu.memory_space<hbm>> -> memref<128xi32, #tpu.memory_space<hbm>>
      %dma_start3A_562 = tpu.memref_slice %arg5[%add3A_554] : memref<6406144xi32, #tpu.memory_space<hbm>> -> memref<128xi32, #tpu.memory_space<hbm>>
      tpu.enqueue_dma source(%dma_start3A_562 : memref<128xi32, #tpu.memory_space<hbm>>) target(%arg12 : memref<128xi32, #tpu.memory_space<vmem>>) target_semaphore(%arg69 : memref<!tpu.dma_semaphore, #tpu.memory_space<semaphore_mem>>)
      %dma_start3A_563 = tpu.memref_slice %arg6[%add3A_554] : memref<6406144xi32, #tpu.memory_space<hbm>> -> memref<128xi32, #tpu.memory_space<hbm>>
      %dma_start3A_564 = tpu.memref_slice %arg6[%add3A_554] : memref<6406144xi32, #tpu.memory_space<hbm>> -> memref<128xi32, #tpu.memory_space<hbm>>
      tpu.enqueue_dma source(%dma_start3A_564 : memref<128xi32, #tpu.memory_space<hbm>>) target(%arg16 : memref<128xi32, #tpu.memory_space<vmem>>) target_semaphore(%arg69 : memref<!tpu.dma_semaphore, #tpu.memory_space<semaphore_mem>>)
      %dma_wait3A_565 = arith.constant 0 : i32
      %dma_wait3A_566 = tpu.memref_slice %arg2[%dma_wait3A_565] : memref<6406144xf32, #tpu.memory_space<hbm>> -> memref<128xf32, #tpu.memory_space<hbm>>
      %dma_wait3A_567 = arith.constant 0 : i32
      %dma_wait3A_568 = tpu.memref_slice %arg2[%dma_wait3A_567] : memref<6406144xf32, #tpu.memory_space<hbm>> -> memref<128xf32, #tpu.memory_space<hbm>>
      tpu.wait_dma2 semaphore(%arg67 : memref<!tpu.dma_semaphore, #tpu.memory_space<semaphore_mem>>) src(%dma_wait3A_568 : memref<128xf32, #tpu.memory_space<hbm>>) dst(%arg18 : memref<128xf32, #tpu.memory_space<vmem>>)
      %dma_wait3A_569 = arith.constant 0 : i32
      %dma_wait3A_570 = tpu.memref_slice %arg2[%dma_wait3A_569] : memref<6406144xf32, #tpu.memory_space<hbm>> -> memref<128xf32, #tpu.memory_space<hbm>>
      %dma_wait3A_571 = arith.constant 0 : i32
      %dma_wait3A_572 = tpu.memref_slice %arg2[%dma_wait3A_571] : memref<6406144xf32, #tpu.memory_space<hbm>> -> memref<128xf32, #tpu.memory_space<hbm>>
      tpu.wait_dma2 semaphore(%arg67 : memref<!tpu.dma_semaphore, #tpu.memory_space<semaphore_mem>>) src(%dma_wait3A_572 : memref<128xf32, #tpu.memory_space<hbm>>) dst(%arg22 : memref<128xf32, #tpu.memory_space<vmem>>)
      %dma_wait3A_573 = arith.constant 0 : i32
      %dma_wait3A_574 = tpu.memref_slice %arg2[%dma_wait3A_573] : memref<6406144xf32, #tpu.memory_space<hbm>> -> memref<128xf32, #tpu.memory_space<hbm>>
      %dma_wait3A_575 = arith.constant 0 : i32
      %dma_wait3A_576 = tpu.memref_slice %arg2[%dma_wait3A_575] : memref<6406144xf32, #tpu.memory_space<hbm>> -> memref<128xf32, #tpu.memory_space<hbm>>
      tpu.wait_dma2 semaphore(%arg67 : memref<!tpu.dma_semaphore, #tpu.memory_space<semaphore_mem>>) src(%dma_wait3A_576 : memref<128xf32, #tpu.memory_space<hbm>>) dst(%arg26 : memref<128xf32, #tpu.memory_space<vmem>>)
      %dma_wait3A_577 = arith.constant 0 : i32
      %dma_wait3A_578 = tpu.memref_slice %arg5[%dma_wait3A_577] : memref<6406144xi32, #tpu.memory_space<hbm>> -> memref<128xi32, #tpu.memory_space<hbm>>
      %dma_wait3A_579 = arith.constant 0 : i32
      %dma_wait3A_580 = tpu.memref_slice %arg5[%dma_wait3A_579] : memref<6406144xi32, #tpu.memory_space<hbm>> -> memref<128xi32, #tpu.memory_space<hbm>>
      tpu.wait_dma2 semaphore(%arg67 : memref<!tpu.dma_semaphore, #tpu.memory_space<semaphore_mem>>) src(%dma_wait3A_580 : memref<128xi32, #tpu.memory_space<hbm>>) dst(%arg10 : memref<128xi32, #tpu.memory_space<vmem>>)
      %dma_wait3A_581 = arith.constant 0 : i32
      %dma_wait3A_582 = tpu.memref_slice %arg5[%dma_wait3A_581] : memref<6406144xi32, #tpu.memory_space<hbm>> -> memref<128xi32, #tpu.memory_space<hbm>>
      %dma_wait3A_583 = arith.constant 0 : i32
      %dma_wait3A_584 = tpu.memref_slice %arg5[%dma_wait3A_583] : memref<6406144xi32, #tpu.memory_space<hbm>> -> memref<128xi32, #tpu.memory_space<hbm>>
      tpu.wait_dma2 semaphore(%arg67 : memref<!tpu.dma_semaphore, #tpu.memory_space<semaphore_mem>>) src(%dma_wait3A_584 : memref<128xi32, #tpu.memory_space<hbm>>) dst(%arg14 : memref<128xi32, #tpu.memory_space<vmem>>)
      %get3A_585 = arith.constant 0 : index
      %get3A_586 = tpu.vector_load %arg18[%get3A_585] {strides = array<i32>} : memref<128xf32, #tpu.memory_space<vmem>>, vector<16xf32>,
      %get3A_587 = vector.shape_cast %get3A_586 : vector<16xf32> to vector<16xf32>
      %get3A_588 = arith.constant 0 : index
      %get3A_589 = tpu.vector_load %arg22[%get3A_588] {strides = array<i32>} : memref<128xf32, #tpu.memory_space<vmem>>, vector<16xf32>,
      %get3A_590 = vector.shape_cast %get3A_589 : vector<16xf32> to vector<16xf32>
      %get3A_591 = arith.constant 0 : index
      %get3A_592 = tpu.vector_load %arg26[%get3A_591] {strides = array<i32>} : memref<128xf32, #tpu.memory_space<vmem>>, vector<16xf32>,
      %get3A_593 = vector.shape_cast %get3A_592 : vector<16xf32> to vector<16xf32>
      %mul3A_594 = arith.mulf %get3A_587, %get3A_587 : vector<16xf32>
      %swap3A_595 = arith.constant 0 : index
      %swap3A_596 = tpu.vector_load %arg35[%swap3A_595] {strides = array<i32>} : memref<128xf32, #tpu.memory_space<vmem>>, vector<16xf32>,
      %swap3A_597 = vector.shape_cast %swap3A_596 : vector<16xf32> to vector<16xf32>
      %swap3A_598 = vector.shape_cast %mul3A_594 : vector<16xf32> to vector<16xf32>
      tpu.vector_store %arg35[%swap3A_595], %swap3A_598 {strides = array<i32>} : memref<128xf32, #tpu.memory_space<vmem>>, vector<16xf32>,
      %mul3A_599 = arith.mulf %get3A_590, %get3A_590 : vector<16xf32>
      %swap3A_600 = arith.constant 0 : index
      %swap3A_601 = tpu.vector_load %arg36[%swap3A_600] {strides = array<i32>} : memref<128xf32, #tpu.memory_space<vmem>>, vector<16xf32>,
      %swap3A_602 = vector.shape_cast %swap3A_601 : vector<16xf32> to vector<16xf32>
      %swap3A_603 = vector.shape_cast %mul3A_599 : vector<16xf32> to vector<16xf32>
      tpu.vector_store %arg36[%swap3A_600], %swap3A_603 {strides = array<i32>} : memref<128xf32, #tpu.memory_space<vmem>>, vector<16xf32>,
      %mul3A_604 = arith.mulf %get3A_593, %get3A_593 : vector<16xf32>
      %swap3A_605 = arith.constant 0 : index
      %swap3A_606 = tpu.vector_load %arg37[%swap3A_605] {strides = array<i32>} : memref<128xf32, #tpu.memory_space<vmem>>, vector<16xf32>,
      %swap3A_607 = vector.shape_cast %swap3A_606 : vector<16xf32> to vector<16xf32>
      %swap3A_608 = vector.shape_cast %mul3A_604 : vector<16xf32> to vector<16xf32>
      tpu.vector_store %arg37[%swap3A_605], %swap3A_608 {strides = array<i32>} : memref<128xf32, #tpu.memory_space<vmem>>, vector<16xf32>,
      %mul3A_609 = arith.mulf %get3A_587, %get3A_590 : vector<16xf32>
      %swap3A_610 = arith.constant 0 : index
      %swap3A_611 = tpu.vector_load %arg38[%swap3A_610] {strides = array<i32>} : memref<128xf32, #tpu.memory_space<vmem>>, vector<16xf32>,
      %swap3A_612 = vector.shape_cast %swap3A_611 : vector<16xf32> to vector<16xf32>
      %swap3A_613 = vector.shape_cast %mul3A_609 : vector<16xf32> to vector<16xf32>
      tpu.vector_store %arg38[%swap3A_610], %swap3A_613 {strides = array<i32>} : memref<128xf32, #tpu.memory_space<vmem>>, vector<16xf32>,
      %mul3A_614 = arith.mulf %get3A_590, %get3A_593 : vector<16xf32>
      %swap3A_615 = arith.constant 0 : index
      %swap3A_616 = tpu.vector_load %arg39[%swap3A_615] {strides = array<i32>} : memref<128xf32, #tpu.memory_space<vmem>>, vector<16xf32>,
      %swap3A_617 = vector.shape_cast %swap3A_616 : vector<16xf32> to vector<16xf32>
      %swap3A_618 = vector.shape_cast %mul3A_614 : vector<16xf32> to vector<16xf32>
      tpu.vector_store %arg39[%swap3A_615], %swap3A_618 {strides = array<i32>} : memref<128xf32, #tpu.memory_space<vmem>>, vector<16xf32>,
      %mul3A_619 = arith.mulf %get3A_593, %get3A_587 : vector<16xf32>
      %swap3A_620 = arith.constant 0 : index
      %swap3A_621 = tpu.vector_load %arg40[%swap3A_620] {strides = array<i32>} : memref<128xf32, #tpu.memory_space<vmem>>, vector<16xf32>,
      %swap3A_622 = vector.shape_cast %swap3A_621 : vector<16xf32> to vector<16xf32>
      %swap3A_623 = vector.shape_cast %mul3A_619 : vector<16xf32> to vector<16xf32>
      tpu.vector_store %arg40[%swap3A_620], %swap3A_623 {strides = array<i32>} : memref<128xf32, #tpu.memory_space<vmem>>, vector<16xf32>,
      %get3A_624 = arith.constant 16 : index
      %get3A_625 = tpu.vector_load %arg18[%get3A_624] {strides = array<i32>} : memref<128xf32, #tpu.memory_space<vmem>>, vector<16xf32>,
      %get3A_626 = vector.shape_cast %get3A_625 : vector<16xf32> to vector<16xf32>
      %get3A_627 = arith.constant 16 : index
      %get3A_628 = tpu.vector_load %arg22[%get3A_627] {strides = array<i32>} : memref<128xf32, #tpu.memory_space<vmem>>, vector<16xf32>,
      %get3A_629 = vector.shape_cast %get3A_628 : vector<16xf32> to vector<16xf32>
      %get3A_630 = arith.constant 16 : index
      %get3A_631 = tpu.vector_load %arg26[%get3A_630] {strides = array<i32>} : memref<128xf32, #tpu.memory_space<vmem>>, vector<16xf32>,
      %get3A_632 = vector.shape_cast %get3A_631 : vector<16xf32> to vector<16xf32>
      %mul3A_633 = arith.mulf %get3A_626, %get3A_626 : vector<16xf32>
      %swap3A_634 = arith.constant 16 : index
      %swap3A_635 = tpu.vector_load %arg35[%swap3A_634] {strides = array<i32>} : memref<128xf32, #tpu.memory_space<vmem>>, vector<16xf32>,
      %swap3A_636 = vector.shape_cast %swap3A_635 : vector<16xf32> to vector<16xf32>
      %swap3A_637 = vector.shape_cast %mul3A_633 : vector<16xf32> to vector<16xf32>
      tpu.vector_store %arg35[%swap3A_634], %swap3A_637 {strides = array<i32>} : memref<128xf32, #tpu.memory_space<vmem>>, vector<16xf32>,
      %mul3A_638 = arith.mulf %get3A_629, %get3A_629 : vector<16xf32>
      %swap3A_639 = arith.constant 16 : index
      %swap3A_640 = tpu.vector_load %arg36[%swap3A_639] {strides = array<i32>} : memref<128xf32, #tpu.memory_space<vmem>>, vector<16xf32>,
      %swap3A_641 = vector.shape_cast %swap3A_640 : vector<16xf32> to vector<16xf32>
      %swap3A_642 = vector.shape_cast %mul3A_638 : vector<16xf32> to vector<16xf32>
      tpu.vector_store %arg36[%swap3A_639], %swap3A_642 {strides = array<i32>} : memref<128xf32, #tpu.memory_space<vmem>>, vector<16xf32>,
      %mul3A_643 = arith.mulf %get3A_632, %get3A_632 : vector<16xf32>
      %swap3A_644 = arith.constant 16 : index
      %swap3A_645 = tpu.vector_load %arg37[%swap3A_644] {strides = array<i32>} : memref<128xf32, #tpu.memory_space<vmem>>, vector<16xf32>,
      %swap3A_646 = vector.shape_cast %swap3A_645 : vector<16xf32> to vector<16xf32>
      %swap3A_647 = vector.shape_cast %mul3A_643 : vector<16xf32> to vector<16xf32>
      tpu.vector_store %arg37[%swap3A_644], %swap3A_647 {strides = array<i32>} : memref<128xf32, #tpu.memory_space<vmem>>, vector<16xf32>,
      %mul3A_648 = arith.mulf %get3A_626, %get3A_629 : vector<16xf32>
      %swap3A_649 = arith.constant 16 : index
      %swap3A_650 = tpu.vector_load %arg38[%swap3A_649] {strides = array<i32>} : memref<128xf32, #tpu.memory_space<vmem>>, vector<16xf32>,
      %swap3A_651 = vector.shape_cast %swap3A_650 : vector<16xf32> to vector<16xf32>
      %swap3A_652 = vector.shape_cast %mul3A_648 : vector<16xf32> to vector<16xf32>
      tpu.vector_store %arg38[%swap3A_649], %swap3A_652 {strides = array<i32>} : memref<128xf32, #tpu.memory_space<vmem>>, vector<16xf32>,
      %mul3A_653 = arith.mulf %get3A_629, %get3A_632 : vector<16xf32>
      %swap3A_654 = arith.constant 16 : index
      %swap3A_655 = tpu.vector_load %arg39[%swap3A_654] {strides = array<i32>} : memref<128xf32, #tpu.memory_space<vmem>>, vector<16xf32>,
      %swap3A_656 = vector.shape_cast %swap3A_655 : vector<16xf32> to vector<16xf32>
      %swap3A_657 = vector.shape_cast %mul3A_653 : vector<16xf32> to vector<16xf32>
      tpu.vector_store %arg39[%swap3A_654], %swap3A_657 {strides = array<i32>} : memref<128xf32, #tpu.memory_space<vmem>>, vector<16xf32>,
      %mul3A_658 = arith.mulf %get3A_632, %get3A_626 : vector<16xf32>
      %swap3A_659 = arith.constant 16 : index
      %swap3A_660 = tpu.vector_load %arg40[%swap3A_659] {strides = array<i32>} : memref<128xf32, #tpu.memory_space<vmem>>, vector<16xf32>,
      %swap3A_661 = vector.shape_cast %swap3A_660 : vector<16xf32> to vector<16xf32>
      %swap3A_662 = vector.shape_cast %mul3A_658 : vector<16xf32> to vector<16xf32>
      tpu.vector_store %arg40[%swap3A_659], %swap3A_662 {strides = array<i32>} : memref<128xf32, #tpu.memory_space<vmem>>, vector<16xf32>,
      %get3A_663 = arith.constant 32 : index
      %get3A_664 = tpu.vector_load %arg18[%get3A_663] {strides = array<i32>} : memref<128xf32, #tpu.memory_space<vmem>>, vector<16xf32>,
      %get3A_665 = vector.shape_cast %get3A_664 : vector<16xf32> to vector<16xf32>
      %get3A_666 = arith.constant 32 : index
      %get3A_667 = tpu.vector_load %arg22[%get3A_666] {strides = array<i32>} : memref<128xf32, #tpu.memory_space<vmem>>, vector<16xf32>,
      %get3A_668 = vector.shape_cast %get3A_667 : vector<16xf32> to vector<16xf32>
      %get3A_669 = arith.constant 32 : index
      %get3A_670 = tpu.vector_load %arg26[%get3A_669] {strides = array<i32>} : memref<128xf32, #tpu.memory_space<vmem>>, vector<16xf32>,
      %get3A_671 = vector.shape_cast %get3A_670 : vector<16xf32> to vector<16xf32>
      %mul3A_672 = arith.mulf %get3A_665, %get3A_665 : vector<16xf32>
      %swap3A_673 = arith.constant 32 : index
      %swap3A_674 = tpu.vector_load %arg35[%swap3A_673] {strides = array<i32>} : memref<128xf32, #tpu.memory_space<vmem>>, vector<16xf32>,
      %swap3A_675 = vector.shape_cast %swap3A_674 : vector<16xf32> to vector<16xf32>
      %swap3A_676 = vector.shape_cast %mul3A_672 : vector<16xf32> to vector<16xf32>
      tpu.vector_store %arg35[%swap3A_673], %swap3A_676 {strides = array<i32>} : memref<128xf32, #tpu.memory_space<vmem>>, vector<16xf32>,
      %mul3A_677 = arith.mulf %get3A_668, %get3A_668 : vector<16xf32>
      %swap3A_678 = arith.constant 32 : index
      %swap3A_679 = tpu.vector_load %arg36[%swap3A_678] {strides = array<i32>} : memref<128xf32, #tpu.memory_space<vmem>>, vector<16xf32>,
      %swap3A_680 = vector.shape_cast %swap3A_679 : vector<16xf32> to vector<16xf32>
      %swap3A_681 = vector.shape_cast %mul3A_677 : vector<16xf32> to vector<16xf32>
      tpu.vector_store %arg36[%swap3A_678], %swap3A_681 {strides = array<i32>} : memref<128xf32, #tpu.memory_space<vmem>>, vector<16xf32>,
      %mul3A_682 = arith.mulf %get3A_671, %get3A_671 : vector<16xf32>
      %swap3A_683 = arith.constant 32 : index
      %swap3A_684 = tpu.vector_load %arg37[%swap3A_683] {strides = array<i32>} : memref<128xf32, #tpu.memory_space<vmem>>, vector<16xf32>,
      %swap3A_685 = vector.shape_cast %swap3A_684 : vector<16xf32> to vector<16xf32>
      %swap3A_686 = vector.shape_cast %mul3A_682 : vector<16xf32> to vector<16xf32>
      tpu.vector_store %arg37[%swap3A_683], %swap3A_686 {strides = array<i32>} : memref<128xf32, #tpu.memory_space<vmem>>, vector<16xf32>,
      %mul3A_687 = arith.mulf %get3A_665, %get3A_668 : vector<16xf32>
      %swap3A_688 = arith.constant 32 : index
      %swap3A_689 = tpu.vector_load %arg38[%swap3A_688] {strides = array<i32>} : memref<128xf32, #tpu.memory_space<vmem>>, vector<16xf32>,
      %swap3A_690 = vector.shape_cast %swap3A_689 : vector<16xf32> to vector<16xf32>
      %swap3A_691 = vector.shape_cast %mul3A_687 : vector<16xf32> to vector<16xf32>
      tpu.vector_store %arg38[%swap3A_688], %swap3A_691 {strides = array<i32>} : memref<128xf32, #tpu.memory_space<vmem>>, vector<16xf32>,
      %mul3A_692 = arith.mulf %get3A_668, %get3A_671 : vector<16xf32>
      %swap3A_693 = arith.constant 32 : index
      %swap3A_694 = tpu.vector_load %arg39[%swap3A_693] {strides = array<i32>} : memref<128xf32, #tpu.memory_space<vmem>>, vector<16xf32>,
      %swap3A_695 = vector.shape_cast %swap3A_694 : vector<16xf32> to vector<16xf32>
      %swap3A_696 = vector.shape_cast %mul3A_692 : vector<16xf32> to vector<16xf32>
      tpu.vector_store %arg39[%swap3A_693], %swap3A_696 {strides = array<i32>} : memref<128xf32, #tpu.memory_space<vmem>>, vector<16xf32>,
      %mul3A_697 = arith.mulf %get3A_671, %get3A_665 : vector<16xf32>
      %swap3A_698 = arith.constant 32 : index
      %swap3A_699 = tpu.vector_load %arg40[%swap3A_698] {strides = array<i32>} : memref<128xf32, #tpu.memory_space<vmem>>, vector<16xf32>,
      %swap3A_700 = vector.shape_cast %swap3A_699 : vector<16xf32> to vector<16xf32>
      %swap3A_701 = vector.shape_cast %mul3A_697 : vector<16xf32> to vector<16xf32>
      tpu.vector_store %arg40[%swap3A_698], %swap3A_701 {strides = array<i32>} : memref<128xf32, #tpu.memory_space<vmem>>, vector<16xf32>,
      %get3A_702 = arith.constant 48 : index
      %get3A_703 = tpu.vector_load %arg18[%get3A_702] {strides = array<i32>} : memref<128xf32, #tpu.memory_space<vmem>>, vector<16xf32>,
      %get3A_704 = vector.shape_cast %get3A_703 : vector<16xf32> to vector<16xf32>
      %get3A_705 = arith.constant 48 : index
      %get3A_706 = tpu.vector_load %arg22[%get3A_705] {strides = array<i32>} : memref<128xf32, #tpu.memory_space<vmem>>, vector<16xf32>,
      %get3A_707 = vector.shape_cast %get3A_706 : vector<16xf32> to vector<16xf32>
      %get3A_708 = arith.constant 48 : index
      %get3A_709 = tpu.vector_load %arg26[%get3A_708] {strides = array<i32>} : memref<128xf32, #tpu.memory_space<vmem>>, vector<16xf32>,
      %get3A_710 = vector.shape_cast %get3A_709 : vector<16xf32> to vector<16xf32>
      %mul3A_711 = arith.mulf %get3A_704, %get3A_704 : vector<16xf32>
      %swap3A_712 = arith.constant 48 : index
      %swap3A_713 = tpu.vector_load %arg35[%swap3A_712] {strides = array<i32>} : memref<128xf32, #tpu.memory_space<vmem>>, vector<16xf32>,
      %swap3A_714 = vector.shape_cast %swap3A_713 : vector<16xf32> to vector<16xf32>
      %swap3A_715 = vector.shape_cast %mul3A_711 : vector<16xf32> to vector<16xf32>
      tpu.vector_store %arg35[%swap3A_712], %swap3A_715 {strides = array<i32>} : memref<128xf32, #tpu.memory_space<vmem>>, vector<16xf32>,
      %mul3A_716 = arith.mulf %get3A_707, %get3A_707 : vector<16xf32>
      %swap3A_717 = arith.constant 48 : index
      %swap3A_718 = tpu.vector_load %arg36[%swap3A_717] {strides = array<i32>} : memref<128xf32, #tpu.memory_space<vmem>>, vector<16xf32>,
      %swap3A_719 = vector.shape_cast %swap3A_718 : vector<16xf32> to vector<16xf32>
      %swap3A_720 = vector.shape_cast %mul3A_716 : vector<16xf32> to vector<16xf32>
      tpu.vector_store %arg36[%swap3A_717], %swap3A_720 {strides = array<i32>} : memref<128xf32, #tpu.memory_space<vmem>>, vector<16xf32>,
      %mul3A_721 = arith.mulf %get3A_710, %get3A_710 : vector<16xf32>
      %swap3A_722 = arith.constant 48 : index
      %swap3A_723 = tpu.vector_load %arg37[%swap3A_722] {strides = array<i32>} : memref<128xf32, #tpu.memory_space<vmem>>, vector<16xf32>,
      %swap3A_724 = vector.shape_cast %swap3A_723 : vector<16xf32> to vector<16xf32>
      %swap3A_725 = vector.shape_cast %mul3A_721 : vector<16xf32> to vector<16xf32>
      tpu.vector_store %arg37[%swap3A_722], %swap3A_725 {strides = array<i32>} : memref<128xf32, #tpu.memory_space<vmem>>, vector<16xf32>,
      %mul3A_726 = arith.mulf %get3A_704, %get3A_707 : vector<16xf32>
      %swap3A_727 = arith.constant 48 : index
      %swap3A_728 = tpu.vector_load %arg38[%swap3A_727] {strides = array<i32>} : memref<128xf32, #tpu.memory_space<vmem>>, vector<16xf32>,
      %swap3A_729 = vector.shape_cast %swap3A_728 : vector<16xf32> to vector<16xf32>
      %swap3A_730 = vector.shape_cast %mul3A_726 : vector<16xf32> to vector<16xf32>
      tpu.vector_store %arg38[%swap3A_727], %swap3A_730 {strides = array<i32>} : memref<128xf32, #tpu.memory_space<vmem>>, vector<16xf32>,
      %mul3A_731 = arith.mulf %get3A_707, %get3A_710 : vector<16xf32>
      %swap3A_732 = arith.constant 48 : index
      %swap3A_733 = tpu.vector_load %arg39[%swap3A_732] {strides = array<i32>} : memref<128xf32, #tpu.memory_space<vmem>>, vector<16xf32>,
      %swap3A_734 = vector.shape_cast %swap3A_733 : vector<16xf32> to vector<16xf32>
      %swap3A_735 = vector.shape_cast %mul3A_731 : vector<16xf32> to vector<16xf32>
      tpu.vector_store %arg39[%swap3A_732], %swap3A_735 {strides = array<i32>} : memref<128xf32, #tpu.memory_space<vmem>>, vector<16xf32>,
      %mul3A_736 = arith.mulf %get3A_710, %get3A_704 : vector<16xf32>
      %swap3A_737 = arith.constant 48 : index
      %swap3A_738 = tpu.vector_load %arg40[%swap3A_737] {strides = array<i32>} : memref<128xf32, #tpu.memory_space<vmem>>, vector<16xf32>,
      %swap3A_739 = vector.shape_cast %swap3A_738 : vector<16xf32> to vector<16xf32>
      %swap3A_740 = vector.shape_cast %mul3A_736 : vector<16xf32> to vector<16xf32>
      tpu.vector_store %arg40[%swap3A_737], %swap3A_740 {strides = array<i32>} : memref<128xf32, #tpu.memory_space<vmem>>, vector<16xf32>,
      %get3A_741 = arith.constant 64 : index
      %get3A_742 = tpu.vector_load %arg18[%get3A_741] {strides = array<i32>} : memref<128xf32, #tpu.memory_space<vmem>>, vector<16xf32>,
      %get3A_743 = vector.shape_cast %get3A_742 : vector<16xf32> to vector<16xf32>
      %get3A_744 = arith.constant 64 : index
      %get3A_745 = tpu.vector_load %arg22[%get3A_744] {strides = array<i32>} : memref<128xf32, #tpu.memory_space<vmem>>, vector<16xf32>,
      %get3A_746 = vector.shape_cast %get3A_745 : vector<16xf32> to vector<16xf32>
      %get3A_747 = arith.constant 64 : index
      %get3A_748 = tpu.vector_load %arg26[%get3A_747] {strides = array<i32>} : memref<128xf32, #tpu.memory_space<vmem>>, vector<16xf32>,
      %get3A_749 = vector.shape_cast %get3A_748 : vector<16xf32> to vector<16xf32>
      %mul3A_750 = arith.mulf %get3A_743, %get3A_743 : vector<16xf32>
      %swap3A_751 = arith.constant 64 : index
      %swap3A_752 = tpu.vector_load %arg35[%swap3A_751] {strides = array<i32>} : memref<128xf32, #tpu.memory_space<vmem>>, vector<16xf32>,
      %swap3A_753 = vector.shape_cast %swap3A_752 : vector<16xf32> to vector<16xf32>
      %swap3A_754 = vector.shape_cast %mul3A_750 : vector<16xf32> to vector<16xf32>
      tpu.vector_store %arg35[%swap3A_751], %swap3A_754 {strides = array<i32>} : memref<128xf32, #tpu.memory_space<vmem>>, vector<16xf32>,
      %mul3A_755 = arith.mulf %get3A_746, %get3A_746 : vector<16xf32>
      %swap3A_756 = arith.constant 64 : index
      %swap3A_757 = tpu.vector_load %arg36[%swap3A_756] {strides = array<i32>} : memref<128xf32, #tpu.memory_space<vmem>>, vector<16xf32>,
      %swap3A_758 = vector.shape_cast %swap3A_757 : vector<16xf32> to vector<16xf32>
      %swap3A_759 = vector.shape_cast %mul3A_755 : vector<16xf32> to vector<16xf32>
      tpu.vector_store %arg36[%swap3A_756], %swap3A_759 {strides = array<i32>} : memref<128xf32, #tpu.memory_space<vmem>>, vector<16xf32>,
      %mul3A_760 = arith.mulf %get3A_749, %get3A_749 : vector<16xf32>
      %swap3A_761 = arith.constant 64 : index
      %swap3A_762 = tpu.vector_load %arg37[%swap3A_761] {strides = array<i32>} : memref<128xf32, #tpu.memory_space<vmem>>, vector<16xf32>,
      %swap3A_763 = vector.shape_cast %swap3A_762 : vector<16xf32> to vector<16xf32>
      %swap3A_764 = vector.shape_cast %mul3A_760 : vector<16xf32> to vector<16xf32>
      tpu.vector_store %arg37[%swap3A_761], %swap3A_764 {strides = array<i32>} : memref<128xf32, #tpu.memory_space<vmem>>, vector<16xf32>,
      %mul3A_765 = arith.mulf %get3A_743, %get3A_746 : vector<16xf32>
      %swap3A_766 = arith.constant 64 : index
      %swap3A_767 = tpu.vector_load %arg38[%swap3A_766] {strides = array<i32>} : memref<128xf32, #tpu.memory_space<vmem>>, vector<16xf32>,
      %swap3A_768 = vector.shape_cast %swap3A_767 : vector<16xf32> to vector<16xf32>
      %swap3A_769 = vector.shape_cast %mul3A_765 : vector<16xf32> to vector<16xf32>
      tpu.vector_store %arg38[%swap3A_766], %swap3A_769 {strides = array<i32>} : memref<128xf32, #tpu.memory_space<vmem>>, vector<16xf32>,
      %mul3A_770 = arith.mulf %get3A_746, %get3A_749 : vector<16xf32>
      %swap3A_771 = arith.constant 64 : index
      %swap3A_772 = tpu.vector_load %arg39[%swap3A_771] {strides = array<i32>} : memref<128xf32, #tpu.memory_space<vmem>>, vector<16xf32>,
      %swap3A_773 = vector.shape_cast %swap3A_772 : vector<16xf32> to vector<16xf32>
      %swap3A_774 = vector.shape_cast %mul3A_770 : vector<16xf32> to vector<16xf32>
      tpu.vector_store %arg39[%swap3A_771], %swap3A_774 {strides = array<i32>} : memref<128xf32, #tpu.memory_space<vmem>>, vector<16xf32>,
      %mul3A_775 = arith.mulf %get3A_749, %get3A_743 : vector<16xf32>
      %swap3A_776 = arith.constant 64 : index
      %swap3A_777 = tpu.vector_load %arg40[%swap3A_776] {strides = array<i32>} : memref<128xf32, #tpu.memory_space<vmem>>, vector<16xf32>,
      %swap3A_778 = vector.shape_cast %swap3A_777 : vector<16xf32> to vector<16xf32>
      %swap3A_779 = vector.shape_cast %mul3A_775 : vector<16xf32> to vector<16xf32>
      tpu.vector_store %arg40[%swap3A_776], %swap3A_779 {strides = array<i32>} : memref<128xf32, #tpu.memory_space<vmem>>, vector<16xf32>,
      %get3A_780 = arith.constant 80 : index
      %get3A_781 = tpu.vector_load %arg18[%get3A_780] {strides = array<i32>} : memref<128xf32, #tpu.memory_space<vmem>>, vector<16xf32>,
      %get3A_782 = vector.shape_cast %get3A_781 : vector<16xf32> to vector<16xf32>
      %get3A_783 = arith.constant 80 : index
      %get3A_784 = tpu.vector_load %arg22[%get3A_783] {strides = array<i32>} : memref<128xf32, #tpu.memory_space<vmem>>, vector<16xf32>,
      %get3A_785 = vector.shape_cast %get3A_784 : vector<16xf32> to vector<16xf32>
      %get3A_786 = arith.constant 80 : index
      %get3A_787 = tpu.vector_load %arg26[%get3A_786] {strides = array<i32>} : memref<128xf32, #tpu.memory_space<vmem>>, vector<16xf32>,
      %get3A_788 = vector.shape_cast %get3A_787 : vector<16xf32> to vector<16xf32>
      %mul3A_789 = arith.mulf %get3A_782, %get3A_782 : vector<16xf32>
      %swap3A_790 = arith.constant 80 : index
      %swap3A_791 = tpu.vector_load %arg35[%swap3A_790] {strides = array<i32>} : memref<128xf32, #tpu.memory_space<vmem>>, vector<16xf32>,
      %swap3A_792 = vector.shape_cast %swap3A_791 : vector<16xf32> to vector<16xf32>
      %swap3A_793 = vector.shape_cast %mul3A_789 : vector<16xf32> to vector<16xf32>
      tpu.vector_store %arg35[%swap3A_790], %swap3A_793 {strides = array<i32>} : memref<128xf32, #tpu.memory_space<vmem>>, vector<16xf32>,
      %mul3A_794 = arith.mulf %get3A_785, %get3A_785 : vector<16xf32>
      %swap3A_795 = arith.constant 80 : index
      %swap3A_796 = tpu.vector_load %arg36[%swap3A_795] {strides = array<i32>} : memref<128xf32, #tpu.memory_space<vmem>>, vector<16xf32>,
      %swap3A_797 = vector.shape_cast %swap3A_796 : vector<16xf32> to vector<16xf32>
      %swap3A_798 = vector.shape_cast %mul3A_794 : vector<16xf32> to vector<16xf32>
      tpu.vector_store %arg36[%swap3A_795], %swap3A_798 {strides = array<i32>} : memref<128xf32, #tpu.memory_space<vmem>>, vector<16xf32>,
      %mul3A_799 = arith.mulf %get3A_788, %get3A_788 : vector<16xf32>
      %swap3A_800 = arith.constant 80 : index
      %swap3A_801 = tpu.vector_load %arg37[%swap3A_800] {strides = array<i32>} : memref<128xf32, #tpu.memory_space<vmem>>, vector<16xf32>,
      %swap3A_802 = vector.shape_cast %swap3A_801 : vector<16xf32> to vector<16xf32>
      %swap3A_803 = vector.shape_cast %mul3A_799 : vector<16xf32> to vector<16xf32>
      tpu.vector_store %arg37[%swap3A_800], %swap3A_803 {strides = array<i32>} : memref<128xf32, #tpu.memory_space<vmem>>, vector<16xf32>,
      %mul3A_804 = arith.mulf %get3A_782, %get3A_785 : vector<16xf32>
      %swap3A_805 = arith.constant 80 : index
      %swap3A_806 = tpu.vector_load %arg38[%swap3A_805] {strides = array<i32>} : memref<128xf32, #tpu.memory_space<vmem>>, vector<16xf32>,
      %swap3A_807 = vector.shape_cast %swap3A_806 : vector<16xf32> to vector<16xf32>
      %swap3A_808 = vector.shape_cast %mul3A_804 : vector<16xf32> to vector<16xf32>
      tpu.vector_store %arg38[%swap3A_805], %swap3A_808 {strides = array<i32>} : memref<128xf32, #tpu.memory_space<vmem>>, vector<16xf32>,
      %mul3A_809 = arith.mulf %get3A_785, %get3A_788 : vector<16xf32>
      %swap3A_810 = arith.constant 80 : index
      %swap3A_811 = tpu.vector_load %arg39[%swap3A_810] {strides = array<i32>} : memref<128xf32, #tpu.memory_space<vmem>>, vector<16xf32>,
      %swap3A_812 = vector.shape_cast %swap3A_811 : vector<16xf32> to vector<16xf32>
      %swap3A_813 = vector.shape_cast %mul3A_809 : vector<16xf32> to vector<16xf32>
      tpu.vector_store %arg39[%swap3A_810], %swap3A_813 {strides = array<i32>} : memref<128xf32, #tpu.memory_space<vmem>>, vector<16xf32>,
      %mul3A_814 = arith.mulf %get3A_788, %get3A_782 : vector<16xf32>
      %swap3A_815 = arith.constant 80 : index
      %swap3A_816 = tpu.vector_load %arg40[%swap3A_815] {strides = array<i32>} : memref<128xf32, #tpu.memory_space<vmem>>, vector<16xf32>,
      %swap3A_817 = vector.shape_cast %swap3A_816 : vector<16xf32> to vector<16xf32>
      %swap3A_818 = vector.shape_cast %mul3A_814 : vector<16xf32> to vector<16xf32>
      tpu.vector_store %arg40[%swap3A_815], %swap3A_818 {strides = array<i32>} : memref<128xf32, #tpu.memory_space<vmem>>, vector<16xf32>,
      %get3A_819 = arith.constant 96 : index
      %get3A_820 = tpu.vector_load %arg18[%get3A_819] {strides = array<i32>} : memref<128xf32, #tpu.memory_space<vmem>>, vector<16xf32>,
      %get3A_821 = vector.shape_cast %get3A_820 : vector<16xf32> to vector<16xf32>
      %get3A_822 = arith.constant 96 : index
      %get3A_823 = tpu.vector_load %arg22[%get3A_822] {strides = array<i32>} : memref<128xf32, #tpu.memory_space<vmem>>, vector<16xf32>,
      %get3A_824 = vector.shape_cast %get3A_823 : vector<16xf32> to vector<16xf32>
      %get3A_825 = arith.constant 96 : index
      %get3A_826 = tpu.vector_load %arg26[%get3A_825] {strides = array<i32>} : memref<128xf32, #tpu.memory_space<vmem>>, vector<16xf32>,
      %get3A_827 = vector.shape_cast %get3A_826 : vector<16xf32> to vector<16xf32>
      %mul3A_828 = arith.mulf %get3A_821, %get3A_821 : vector<16xf32>
      %swap3A_829 = arith.constant 96 : index
      %swap3A_830 = tpu.vector_load %arg35[%swap3A_829] {strides = array<i32>} : memref<128xf32, #tpu.memory_space<vmem>>, vector<16xf32>,
      %swap3A_831 = vector.shape_cast %swap3A_830 : vector<16xf32> to vector<16xf32>
      %swap3A_832 = vector.shape_cast %mul3A_828 : vector<16xf32> to vector<16xf32>
      tpu.vector_store %arg35[%swap3A_829], %swap3A_832 {strides = array<i32>} : memref<128xf32, #tpu.memory_space<vmem>>, vector<16xf32>,
      %mul3A_833 = arith.mulf %get3A_824, %get3A_824 : vector<16xf32>
      %swap3A_834 = arith.constant 96 : index
      %swap3A_835 = tpu.vector_load %arg36[%swap3A_834] {strides = array<i32>} : memref<128xf32, #tpu.memory_space<vmem>>, vector<16xf32>,
      %swap3A_836 = vector.shape_cast %swap3A_835 : vector<16xf32> to vector<16xf32>
      %swap3A_837 = vector.shape_cast %mul3A_833 : vector<16xf32> to vector<16xf32>
      tpu.vector_store %arg36[%swap3A_834], %swap3A_837 {strides = array<i32>} : memref<128xf32, #tpu.memory_space<vmem>>, vector<16xf32>,
      %mul3A_838 = arith.mulf %get3A_827, %get3A_827 : vector<16xf32>
      %swap3A_839 = arith.constant 96 : index
      %swap3A_840 = tpu.vector_load %arg37[%swap3A_839] {strides = array<i32>} : memref<128xf32, #tpu.memory_space<vmem>>, vector<16xf32>,
      %swap3A_841 = vector.shape_cast %swap3A_840 : vector<16xf32> to vector<16xf32>
      %swap3A_842 = vector.shape_cast %mul3A_838 : vector<16xf32> to vector<16xf32>
      tpu.vector_store %arg37[%swap3A_839], %swap3A_842 {strides = array<i32>} : memref<128xf32, #tpu.memory_space<vmem>>, vector<16xf32>,
      %mul3A_843 = arith.mulf %get3A_821, %get3A_824 : vector<16xf32>
      %swap3A_844 = arith.constant 96 : index
      %swap3A_845 = tpu.vector_load %arg38[%swap3A_844] {strides = array<i32>} : memref<128xf32, #tpu.memory_space<vmem>>, vector<16xf32>,
      %swap3A_846 = vector.shape_cast %swap3A_845 : vector<16xf32> to vector<16xf32>
      %swap3A_847 = vector.shape_cast %mul3A_843 : vector<16xf32> to vector<16xf32>
      tpu.vector_store %arg38[%swap3A_844], %swap3A_847 {strides = array<i32>} : memref<128xf32, #tpu.memory_space<vmem>>, vector<16xf32>,
      %mul3A_848 = arith.mulf %get3A_824, %get3A_827 : vector<16xf32>
      %swap3A_849 = arith.constant 96 : index
      %swap3A_850 = tpu.vector_load %arg39[%swap3A_849] {strides = array<i32>} : memref<128xf32, #tpu.memory_space<vmem>>, vector<16xf32>,
      %swap3A_851 = vector.shape_cast %swap3A_850 : vector<16xf32> to vector<16xf32>
      %swap3A_852 = vector.shape_cast %mul3A_848 : vector<16xf32> to vector<16xf32>
      tpu.vector_store %arg39[%swap3A_849], %swap3A_852 {strides = array<i32>} : memref<128xf32, #tpu.memory_space<vmem>>, vector<16xf32>,
      %mul3A_853 = arith.mulf %get3A_827, %get3A_821 : vector<16xf32>
      %swap3A_854 = arith.constant 96 : index
      %swap3A_855 = tpu.vector_load %arg40[%swap3A_854] {strides = array<i32>} : memref<128xf32, #tpu.memory_space<vmem>>, vector<16xf32>,
      %swap3A_856 = vector.shape_cast %swap3A_855 : vector<16xf32> to vector<16xf32>
      %swap3A_857 = vector.shape_cast %mul3A_853 : vector<16xf32> to vector<16xf32>
      tpu.vector_store %arg40[%swap3A_854], %swap3A_857 {strides = array<i32>} : memref<128xf32, #tpu.memory_space<vmem>>, vector<16xf32>,
      %get3A_858 = arith.constant 112 : index
      %get3A_859 = tpu.vector_load %arg18[%get3A_858] {strides = array<i32>} : memref<128xf32, #tpu.memory_space<vmem>>, vector<16xf32>,
      %get3A_860 = vector.shape_cast %get3A_859 : vector<16xf32> to vector<16xf32>
      %get3A_861 = arith.constant 112 : index
      %get3A_862 = tpu.vector_load %arg22[%get3A_861] {strides = array<i32>} : memref<128xf32, #tpu.memory_space<vmem>>, vector<16xf32>,
      %get3A_863 = vector.shape_cast %get3A_862 : vector<16xf32> to vector<16xf32>
      %get3A_864 = arith.constant 112 : index
      %get3A_865 = tpu.vector_load %arg26[%get3A_864] {strides = array<i32>} : memref<128xf32, #tpu.memory_space<vmem>>, vector<16xf32>,
      %get3A_866 = vector.shape_cast %get3A_865 : vector<16xf32> to vector<16xf32>
      %mul3A_867 = arith.mulf %get3A_860, %get3A_860 : vector<16xf32>
      %swap3A_868 = arith.constant 112 : index
      %swap3A_869 = tpu.vector_load %arg35[%swap3A_868] {strides = array<i32>} : memref<128xf32, #tpu.memory_space<vmem>>, vector<16xf32>,
      %swap3A_870 = vector.shape_cast %swap3A_869 : vector<16xf32> to vector<16xf32>
      %swap3A_871 = vector.shape_cast %mul3A_867 : vector<16xf32> to vector<16xf32>
      tpu.vector_store %arg35[%swap3A_868], %swap3A_871 {strides = array<i32>} : memref<128xf32, #tpu.memory_space<vmem>>, vector<16xf32>,
      %mul3A_872 = arith.mulf %get3A_863, %get3A_863 : vector<16xf32>
      %swap3A_873 = arith.constant 112 : index
      %swap3A_874 = tpu.vector_load %arg36[%swap3A_873] {strides = array<i32>} : memref<128xf32, #tpu.memory_space<vmem>>, vector<16xf32>,
      %swap3A_875 = vector.shape_cast %swap3A_874 : vector<16xf32> to vector<16xf32>
      %swap3A_876 = vector.shape_cast %mul3A_872 : vector<16xf32> to vector<16xf32>
      tpu.vector_store %arg36[%swap3A_873], %swap3A_876 {strides = array<i32>} : memref<128xf32, #tpu.memory_space<vmem>>, vector<16xf32>,
      %mul3A_877 = arith.mulf %get3A_866, %get3A_866 : vector<16xf32>
      %swap3A_878 = arith.constant 112 : index
      %swap3A_879 = tpu.vector_load %arg37[%swap3A_878] {strides = array<i32>} : memref<128xf32, #tpu.memory_space<vmem>>, vector<16xf32>,
      %swap3A_880 = vector.shape_cast %swap3A_879 : vector<16xf32> to vector<16xf32>
      %swap3A_881 = vector.shape_cast %mul3A_877 : vector<16xf32> to vector<16xf32>
      tpu.vector_store %arg37[%swap3A_878], %swap3A_881 {strides = array<i32>} : memref<128xf32, #tpu.memory_space<vmem>>, vector<16xf32>,
      %mul3A_882 = arith.mulf %get3A_860, %get3A_863 : vector<16xf32>
      %swap3A_883 = arith.constant 112 : index
      %swap3A_884 = tpu.vector_load %arg38[%swap3A_883] {strides = array<i32>} : memref<128xf32, #tpu.memory_space<vmem>>, vector<16xf32>,
      %swap3A_885 = vector.shape_cast %swap3A_884 : vector<16xf32> to vector<16xf32>
      %swap3A_886 = vector.shape_cast %mul3A_882 : vector<16xf32> to vector<16xf32>
      tpu.vector_store %arg38[%swap3A_883], %swap3A_886 {strides = array<i32>} : memref<128xf32, #tpu.memory_space<vmem>>, vector<16xf32>,
      %mul3A_887 = arith.mulf %get3A_863, %get3A_866 : vector<16xf32>
      %swap3A_888 = arith.constant 112 : index
      %swap3A_889 = tpu.vector_load %arg39[%swap3A_888] {strides = array<i32>} : memref<128xf32, #tpu.memory_space<vmem>>, vector<16xf32>,
      %swap3A_890 = vector.shape_cast %swap3A_889 : vector<16xf32> to vector<16xf32>
      %swap3A_891 = vector.shape_cast %mul3A_887 : vector<16xf32> to vector<16xf32>
      tpu.vector_store %arg39[%swap3A_888], %swap3A_891 {strides = array<i32>} : memref<128xf32, #tpu.memory_space<vmem>>, vector<16xf32>,
      %mul3A_892 = arith.mulf %get3A_866, %get3A_860 : vector<16xf32>
      %swap3A_893 = arith.constant 112 : index
      %swap3A_894 = tpu.vector_load %arg40[%swap3A_893] {strides = array<i32>} : memref<128xf32, #tpu.memory_space<vmem>>, vector<16xf32>,
      %swap3A_895 = vector.shape_cast %swap3A_894 : vector<16xf32> to vector<16xf32>
      %swap3A_896 = vector.shape_cast %mul3A_892 : vector<16xf32> to vector<16xf32>
      tpu.vector_store %arg40[%swap3A_893], %swap3A_896 {strides = array<i32>} : memref<128xf32, #tpu.memory_space<vmem>>, vector<16xf32>,
      %dma_start3A_897 = arith.constant 0 : i32
      %dma_start3A_898 = tpu.memref_slice %arg54[%dma_start3A_897] : memref<106496xf32, #tpu.memory_space<vmem_shared>> -> memref<106496xf32, #tpu.memory_space<vmem_shared>>
      tpu.enqueue_indirect_dma source(%arg18 : memref<128xf32, #tpu.memory_space<vmem>>) target(%dma_start3A_898 : memref<106496xf32, #tpu.memory_space<vmem_shared>>) offsets(%arg10 : memref<128xi32, #tpu.memory_space<vmem>>) semaphore(%arg71 : memref<!tpu.dma_semaphore, #tpu.memory_space<semaphore_mem>>) {add = true}
      %dma_start3A_899 = arith.constant 0 : i32
      %dma_start3A_900 = tpu.memref_slice %arg55[%dma_start3A_899] : memref<106496xf32, #tpu.memory_space<vmem_shared>> -> memref<106496xf32, #tpu.memory_space<vmem_shared>>
      tpu.enqueue_indirect_dma source(%arg22 : memref<128xf32, #tpu.memory_space<vmem>>) target(%dma_start3A_900 : memref<106496xf32, #tpu.memory_space<vmem_shared>>) offsets(%arg10 : memref<128xi32, #tpu.memory_space<vmem>>) semaphore(%arg71 : memref<!tpu.dma_semaphore, #tpu.memory_space<semaphore_mem>>) {add = true}
      %dma_start3A_901 = arith.constant 0 : i32
      %dma_start3A_902 = tpu.memref_slice %arg56[%dma_start3A_901] : memref<106496xf32, #tpu.memory_space<vmem_shared>> -> memref<106496xf32, #tpu.memory_space<vmem_shared>>
      tpu.enqueue_indirect_dma source(%arg26 : memref<128xf32, #tpu.memory_space<vmem>>) target(%dma_start3A_902 : memref<106496xf32, #tpu.memory_space<vmem_shared>>) offsets(%arg10 : memref<128xi32, #tpu.memory_space<vmem>>) semaphore(%arg71 : memref<!tpu.dma_semaphore, #tpu.memory_space<semaphore_mem>>) {add = true}
      %dma_start3A_903 = arith.constant 0 : i32
      %dma_start3A_904 = tpu.memref_slice %arg57[%dma_start3A_903] : memref<106496xf32, #tpu.memory_space<vmem_shared>> -> memref<106496xf32, #tpu.memory_space<vmem_shared>>
      tpu.enqueue_indirect_dma source(%arg18 : memref<128xf32, #tpu.memory_space<vmem>>) target(%dma_start3A_904 : memref<106496xf32, #tpu.memory_space<vmem_shared>>) offsets(%arg14 : memref<128xi32, #tpu.memory_space<vmem>>) semaphore(%arg71 : memref<!tpu.dma_semaphore, #tpu.memory_space<semaphore_mem>>) {add = true}
      %dma_start3A_905 = arith.constant 0 : i32
      %dma_start3A_906 = tpu.memref_slice %arg58[%dma_start3A_905] : memref<106496xf32, #tpu.memory_space<vmem_shared>> -> memref<106496xf32, #tpu.memory_space<vmem_shared>>
      tpu.enqueue_indirect_dma source(%arg22 : memref<128xf32, #tpu.memory_space<vmem>>) target(%dma_start3A_906 : memref<106496xf32, #tpu.memory_space<vmem_shared>>) offsets(%arg14 : memref<128xi32, #tpu.memory_space<vmem>>) semaphore(%arg71 : memref<!tpu.dma_semaphore, #tpu.memory_space<semaphore_mem>>) {add = true}
      %dma_start3A_907 = arith.constant 0 : i32
      %dma_start3A_908 = tpu.memref_slice %arg59[%dma_start3A_907] : memref<106496xf32, #tpu.memory_space<vmem_shared>> -> memref<106496xf32, #tpu.memory_space<vmem_shared>>
      tpu.enqueue_indirect_dma source(%arg26 : memref<128xf32, #tpu.memory_space<vmem>>) target(%dma_start3A_908 : memref<106496xf32, #tpu.memory_space<vmem_shared>>) offsets(%arg14 : memref<128xi32, #tpu.memory_space<vmem>>) semaphore(%arg71 : memref<!tpu.dma_semaphore, #tpu.memory_space<semaphore_mem>>) {add = true}
      %dma_start3A_909 = arith.constant 0 : i32
      %dma_start3A_910 = tpu.memref_slice %arg60[%dma_start3A_909] : memref<106496xf32, #tpu.memory_space<vmem_shared>> -> memref<106496xf32, #tpu.memory_space<vmem_shared>>
      tpu.enqueue_indirect_dma source(%arg35 : memref<128xf32, #tpu.memory_space<vmem>>) target(%dma_start3A_910 : memref<106496xf32, #tpu.memory_space<vmem_shared>>) offsets(%arg14 : memref<128xi32, #tpu.memory_space<vmem>>) semaphore(%arg71 : memref<!tpu.dma_semaphore, #tpu.memory_space<semaphore_mem>>) {add = true}
      %dma_start3A_911 = arith.constant 0 : i32
      %dma_start3A_912 = tpu.memref_slice %arg61[%dma_start3A_911] : memref<106496xf32, #tpu.memory_space<vmem_shared>> -> memref<106496xf32, #tpu.memory_space<vmem_shared>>
      tpu.enqueue_indirect_dma source(%arg36 : memref<128xf32, #tpu.memory_space<vmem>>) target(%dma_start3A_912 : memref<106496xf32, #tpu.memory_space<vmem_shared>>) offsets(%arg14 : memref<128xi32, #tpu.memory_space<vmem>>) semaphore(%arg71 : memref<!tpu.dma_semaphore, #tpu.memory_space<semaphore_mem>>) {add = true}
      %dma_start3A_913 = arith.constant 0 : i32
      %dma_start3A_914 = tpu.memref_slice %arg62[%dma_start3A_913] : memref<106496xf32, #tpu.memory_space<vmem_shared>> -> memref<106496xf32, #tpu.memory_space<vmem_shared>>
      tpu.enqueue_indirect_dma source(%arg37 : memref<128xf32, #tpu.memory_space<vmem>>) target(%dma_start3A_914 : memref<106496xf32, #tpu.memory_space<vmem_shared>>) offsets(%arg14 : memref<128xi32, #tpu.memory_space<vmem>>) semaphore(%arg71 : memref<!tpu.dma_semaphore, #tpu.memory_space<semaphore_mem>>) {add = true}
      %dma_start3A_915 = arith.constant 0 : i32
      %dma_start3A_916 = tpu.memref_slice %arg63[%dma_start3A_915] : memref<106496xf32, #tpu.memory_space<vmem_shared>> -> memref<106496xf32, #tpu.memory_space<vmem_shared>>
      tpu.enqueue_indirect_dma source(%arg38 : memref<128xf32, #tpu.memory_space<vmem>>) target(%dma_start3A_916 : memref<106496xf32, #tpu.memory_space<vmem_shared>>) offsets(%arg14 : memref<128xi32, #tpu.memory_space<vmem>>) semaphore(%arg71 : memref<!tpu.dma_semaphore, #tpu.memory_space<semaphore_mem>>) {add = true}
      %dma_start3A_917 = arith.constant 0 : i32
      %dma_start3A_918 = tpu.memref_slice %arg64[%dma_start3A_917] : memref<106496xf32, #tpu.memory_space<vmem_shared>> -> memref<106496xf32, #tpu.memory_space<vmem_shared>>
      tpu.enqueue_indirect_dma source(%arg39 : memref<128xf32, #tpu.memory_space<vmem>>) target(%dma_start3A_918 : memref<106496xf32, #tpu.memory_space<vmem_shared>>) offsets(%arg14 : memref<128xi32, #tpu.memory_space<vmem>>) semaphore(%arg71 : memref<!tpu.dma_semaphore, #tpu.memory_space<semaphore_mem>>) {add = true}
      %dma_start3A_919 = arith.constant 0 : i32
      %dma_start3A_920 = tpu.memref_slice %arg65[%dma_start3A_919] : memref<106496xf32, #tpu.memory_space<vmem_shared>> -> memref<106496xf32, #tpu.memory_space<vmem_shared>>
      tpu.enqueue_indirect_dma source(%arg40 : memref<128xf32, #tpu.memory_space<vmem>>) target(%dma_start3A_920 : memref<106496xf32, #tpu.memory_space<vmem_shared>>) offsets(%arg14 : memref<128xi32, #tpu.memory_space<vmem>>) semaphore(%arg71 : memref<!tpu.dma_semaphore, #tpu.memory_space<semaphore_mem>>) {add = true}
      %mul3A_921 = arith.constant 4 : i32
      %mul3A_922 = arith.muli %scan3A_165, %mul3A_921 : i32
      %add3A_923 = arith.constant 2 : i32
      %add3A_924 = arith.addi %mul3A_922, %add3A_923 : i32
      %dma_wait3A_925 = arith.constant 0 : i32
      %dma_wait3A_926 = tpu.memref_slice %arg54[%dma_wait3A_925] : memref<106496xf32, #tpu.memory_space<vmem_shared>> -> memref<106496xf32, #tpu.memory_space<vmem_shared>>
      tpu.wait_indirect_dma semaphore(%arg70 : memref<!tpu.dma_semaphore, #tpu.memory_space<semaphore_mem>>) src(%arg17 : memref<128xf32, #tpu.memory_space<vmem>>) dst(%dma_wait3A_926 : memref<106496xf32, #tpu.memory_space<vmem_shared>>)
      %dma_wait3A_927 = arith.constant 0 : i32
      %dma_wait3A_928 = tpu.memref_slice %arg54[%dma_wait3A_927] : memref<106496xf32, #tpu.memory_space<vmem_shared>> -> memref<106496xf32, #tpu.memory_space<vmem_shared>>
      tpu.wait_indirect_dma semaphore(%arg70 : memref<!tpu.dma_semaphore, #tpu.memory_space<semaphore_mem>>) src(%arg17 : memref<128xf32, #tpu.memory_space<vmem>>) dst(%dma_wait3A_928 : memref<106496xf32, #tpu.memory_space<vmem_shared>>)
      %dma_wait3A_929 = arith.constant 0 : i32
      %dma_wait3A_930 = tpu.memref_slice %arg54[%dma_wait3A_929] : memref<106496xf32, #tpu.memory_space<vmem_shared>> -> memref<106496xf32, #tpu.memory_space<vmem_shared>>
      tpu.wait_indirect_dma semaphore(%arg70 : memref<!tpu.dma_semaphore, #tpu.memory_space<semaphore_mem>>) src(%arg17 : memref<128xf32, #tpu.memory_space<vmem>>) dst(%dma_wait3A_930 : memref<106496xf32, #tpu.memory_space<vmem_shared>>)
      %dma_wait3A_931 = arith.constant 0 : i32
      %dma_wait3A_932 = tpu.memref_slice %arg54[%dma_wait3A_931] : memref<106496xf32, #tpu.memory_space<vmem_shared>> -> memref<106496xf32, #tpu.memory_space<vmem_shared>>
      tpu.wait_indirect_dma semaphore(%arg70 : memref<!tpu.dma_semaphore, #tpu.memory_space<semaphore_mem>>) src(%arg17 : memref<128xf32, #tpu.memory_space<vmem>>) dst(%dma_wait3A_932 : memref<106496xf32, #tpu.memory_space<vmem_shared>>)
      %dma_wait3A_933 = arith.constant 0 : i32
      %dma_wait3A_934 = tpu.memref_slice %arg54[%dma_wait3A_933] : memref<106496xf32, #tpu.memory_space<vmem_shared>> -> memref<106496xf32, #tpu.memory_space<vmem_shared>>
      tpu.wait_indirect_dma semaphore(%arg70 : memref<!tpu.dma_semaphore, #tpu.memory_space<semaphore_mem>>) src(%arg17 : memref<128xf32, #tpu.memory_space<vmem>>) dst(%dma_wait3A_934 : memref<106496xf32, #tpu.memory_space<vmem_shared>>)
      %dma_wait3A_935 = arith.constant 0 : i32
      %dma_wait3A_936 = tpu.memref_slice %arg54[%dma_wait3A_935] : memref<106496xf32, #tpu.memory_space<vmem_shared>> -> memref<106496xf32, #tpu.memory_space<vmem_shared>>
      tpu.wait_indirect_dma semaphore(%arg70 : memref<!tpu.dma_semaphore, #tpu.memory_space<semaphore_mem>>) src(%arg17 : memref<128xf32, #tpu.memory_space<vmem>>) dst(%dma_wait3A_936 : memref<106496xf32, #tpu.memory_space<vmem_shared>>)
      %dma_wait3A_937 = arith.constant 0 : i32
      %dma_wait3A_938 = tpu.memref_slice %arg54[%dma_wait3A_937] : memref<106496xf32, #tpu.memory_space<vmem_shared>> -> memref<106496xf32, #tpu.memory_space<vmem_shared>>
      tpu.wait_indirect_dma semaphore(%arg70 : memref<!tpu.dma_semaphore, #tpu.memory_space<semaphore_mem>>) src(%arg17 : memref<128xf32, #tpu.memory_space<vmem>>) dst(%dma_wait3A_938 : memref<106496xf32, #tpu.memory_space<vmem_shared>>)
      %dma_wait3A_939 = arith.constant 0 : i32
      %dma_wait3A_940 = tpu.memref_slice %arg54[%dma_wait3A_939] : memref<106496xf32, #tpu.memory_space<vmem_shared>> -> memref<106496xf32, #tpu.memory_space<vmem_shared>>
      tpu.wait_indirect_dma semaphore(%arg70 : memref<!tpu.dma_semaphore, #tpu.memory_space<semaphore_mem>>) src(%arg17 : memref<128xf32, #tpu.memory_space<vmem>>) dst(%dma_wait3A_940 : memref<106496xf32, #tpu.memory_space<vmem_shared>>)
      %dma_wait3A_941 = arith.constant 0 : i32
      %dma_wait3A_942 = tpu.memref_slice %arg54[%dma_wait3A_941] : memref<106496xf32, #tpu.memory_space<vmem_shared>> -> memref<106496xf32, #tpu.memory_space<vmem_shared>>
      tpu.wait_indirect_dma semaphore(%arg70 : memref<!tpu.dma_semaphore, #tpu.memory_space<semaphore_mem>>) src(%arg17 : memref<128xf32, #tpu.memory_space<vmem>>) dst(%dma_wait3A_942 : memref<106496xf32, #tpu.memory_space<vmem_shared>>)
      %dma_wait3A_943 = arith.constant 0 : i32
      %dma_wait3A_944 = tpu.memref_slice %arg54[%dma_wait3A_943] : memref<106496xf32, #tpu.memory_space<vmem_shared>> -> memref<106496xf32, #tpu.memory_space<vmem_shared>>
      tpu.wait_indirect_dma semaphore(%arg70 : memref<!tpu.dma_semaphore, #tpu.memory_space<semaphore_mem>>) src(%arg17 : memref<128xf32, #tpu.memory_space<vmem>>) dst(%dma_wait3A_944 : memref<106496xf32, #tpu.memory_space<vmem_shared>>)
      %dma_wait3A_945 = arith.constant 0 : i32
      %dma_wait3A_946 = tpu.memref_slice %arg54[%dma_wait3A_945] : memref<106496xf32, #tpu.memory_space<vmem_shared>> -> memref<106496xf32, #tpu.memory_space<vmem_shared>>
      tpu.wait_indirect_dma semaphore(%arg70 : memref<!tpu.dma_semaphore, #tpu.memory_space<semaphore_mem>>) src(%arg17 : memref<128xf32, #tpu.memory_space<vmem>>) dst(%dma_wait3A_946 : memref<106496xf32, #tpu.memory_space<vmem_shared>>)
      %dma_wait3A_947 = arith.constant 0 : i32
      %dma_wait3A_948 = tpu.memref_slice %arg54[%dma_wait3A_947] : memref<106496xf32, #tpu.memory_space<vmem_shared>> -> memref<106496xf32, #tpu.memory_space<vmem_shared>>
      tpu.wait_indirect_dma semaphore(%arg70 : memref<!tpu.dma_semaphore, #tpu.memory_space<semaphore_mem>>) src(%arg17 : memref<128xf32, #tpu.memory_space<vmem>>) dst(%dma_wait3A_948 : memref<106496xf32, #tpu.memory_space<vmem_shared>>)
      %add3A_949 = arith.constant 2 : i32
      %add3A_950 = arith.addi %add3A_924, %add3A_949 : i32
      %lt3A = arith.constant 1564 : i32
      %lt3A_951 = arith.cmpi slt, %add3A_950, %lt3A : i32
      %convert_element_type3A_952 = arith.extui %lt3A_951 : i1 to i32
      %cond3A_953 = arith.constant 0 : i32
      %cond3A_954 = arith.cmpi ne, %convert_element_type3A_952, %cond3A_953 : i32
      scf.if %cond3A_954 {
        %add3A_1702 = arith.constant 2 : i32
        %add3A_1703 = arith.addi %add3A_924, %add3A_1702 : i32
        %mul3A_1704 = arith.constant 128 : i32
        %mul3A_1705 = arith.muli %add3A_1703, %mul3A_1704 : i32
        %add3A_1706 = arith.addi %mul3A_4, %mul3A_1705 : i32
        %dma_start3A_1707 = tpu.memref_slice %arg2[%add3A_1706] : memref<6406144xf32, #tpu.memory_space<hbm>> -> memref<128xf32, #tpu.memory_space<hbm>>
        %dma_start3A_1708 = tpu.memref_slice %arg2[%add3A_1706] : memref<6406144xf32, #tpu.memory_space<hbm>> -> memref<128xf32, #tpu.memory_space<hbm>>
        tpu.enqueue_dma source(%dma_start3A_1708 : memref<128xf32, #tpu.memory_space<hbm>>) target(%arg17 : memref<128xf32, #tpu.memory_space<vmem>>) target_semaphore(%arg66 : memref<!tpu.dma_semaphore, #tpu.memory_space<semaphore_mem>>)
        %dma_start3A_1709 = tpu.memref_slice %arg3[%add3A_1706] : memref<6406144xf32, #tpu.memory_space<hbm>> -> memref<128xf32, #tpu.memory_space<hbm>>
        %dma_start3A_1710 = tpu.memref_slice %arg3[%add3A_1706] : memref<6406144xf32, #tpu.memory_space<hbm>> -> memref<128xf32, #tpu.memory_space<hbm>>
        tpu.enqueue_dma source(%dma_start3A_1710 : memref<128xf32, #tpu.memory_space<hbm>>) target(%arg21 : memref<128xf32, #tpu.memory_space<vmem>>) target_semaphore(%arg66 : memref<!tpu.dma_semaphore, #tpu.memory_space<semaphore_mem>>)
        %dma_start3A_1711 = tpu.memref_slice %arg4[%add3A_1706] : memref<6406144xf32, #tpu.memory_space<hbm>> -> memref<128xf32, #tpu.memory_space<hbm>>
        %dma_start3A_1712 = tpu.memref_slice %arg4[%add3A_1706] : memref<6406144xf32, #tpu.memory_space<hbm>> -> memref<128xf32, #tpu.memory_space<hbm>>
        tpu.enqueue_dma source(%dma_start3A_1712 : memref<128xf32, #tpu.memory_space<hbm>>) target(%arg25 : memref<128xf32, #tpu.memory_space<vmem>>) target_semaphore(%arg66 : memref<!tpu.dma_semaphore, #tpu.memory_space<semaphore_mem>>)
        %dma_start3A_1713 = tpu.memref_slice %arg5[%add3A_1706] : memref<6406144xi32, #tpu.memory_space<hbm>> -> memref<128xi32, #tpu.memory_space<hbm>>
        %dma_start3A_1714 = tpu.memref_slice %arg5[%add3A_1706] : memref<6406144xi32, #tpu.memory_space<hbm>> -> memref<128xi32, #tpu.memory_space<hbm>>
        tpu.enqueue_dma source(%dma_start3A_1714 : memref<128xi32, #tpu.memory_space<hbm>>) target(%arg9 : memref<128xi32, #tpu.memory_space<vmem>>) target_semaphore(%arg66 : memref<!tpu.dma_semaphore, #tpu.memory_space<semaphore_mem>>)
        %dma_start3A_1715 = tpu.memref_slice %arg6[%add3A_1706] : memref<6406144xi32, #tpu.memory_space<hbm>> -> memref<128xi32, #tpu.memory_space<hbm>>
        %dma_start3A_1716 = tpu.memref_slice %arg6[%add3A_1706] : memref<6406144xi32, #tpu.memory_space<hbm>> -> memref<128xi32, #tpu.memory_space<hbm>>
        tpu.enqueue_dma source(%dma_start3A_1716 : memref<128xi32, #tpu.memory_space<hbm>>) target(%arg13 : memref<128xi32, #tpu.memory_space<vmem>>) target_semaphore(%arg66 : memref<!tpu.dma_semaphore, #tpu.memory_space<semaphore_mem>>)
      } else {
      }
      %dma_wait3A_955 = arith.constant 0 : i32
      %dma_wait3A_956 = tpu.memref_slice %arg2[%dma_wait3A_955] : memref<6406144xf32, #tpu.memory_space<hbm>> -> memref<128xf32, #tpu.memory_space<hbm>>
      %dma_wait3A_957 = arith.constant 0 : i32
      %dma_wait3A_958 = tpu.memref_slice %arg2[%dma_wait3A_957] : memref<6406144xf32, #tpu.memory_space<hbm>> -> memref<128xf32, #tpu.memory_space<hbm>>
      tpu.wait_dma2 semaphore(%arg68 : memref<!tpu.dma_semaphore, #tpu.memory_space<semaphore_mem>>) src(%dma_wait3A_958 : memref<128xf32, #tpu.memory_space<hbm>>) dst(%arg19 : memref<128xf32, #tpu.memory_space<vmem>>)
      %dma_wait3A_959 = arith.constant 0 : i32
      %dma_wait3A_960 = tpu.memref_slice %arg2[%dma_wait3A_959] : memref<6406144xf32, #tpu.memory_space<hbm>> -> memref<128xf32, #tpu.memory_space<hbm>>
      %dma_wait3A_961 = arith.constant 0 : i32
      %dma_wait3A_962 = tpu.memref_slice %arg2[%dma_wait3A_961] : memref<6406144xf32, #tpu.memory_space<hbm>> -> memref<128xf32, #tpu.memory_space<hbm>>
      tpu.wait_dma2 semaphore(%arg68 : memref<!tpu.dma_semaphore, #tpu.memory_space<semaphore_mem>>) src(%dma_wait3A_962 : memref<128xf32, #tpu.memory_space<hbm>>) dst(%arg23 : memref<128xf32, #tpu.memory_space<vmem>>)
      %dma_wait3A_963 = arith.constant 0 : i32
      %dma_wait3A_964 = tpu.memref_slice %arg2[%dma_wait3A_963] : memref<6406144xf32, #tpu.memory_space<hbm>> -> memref<128xf32, #tpu.memory_space<hbm>>
      %dma_wait3A_965 = arith.constant 0 : i32
      %dma_wait3A_966 = tpu.memref_slice %arg2[%dma_wait3A_965] : memref<6406144xf32, #tpu.memory_space<hbm>> -> memref<128xf32, #tpu.memory_space<hbm>>
      tpu.wait_dma2 semaphore(%arg68 : memref<!tpu.dma_semaphore, #tpu.memory_space<semaphore_mem>>) src(%dma_wait3A_966 : memref<128xf32, #tpu.memory_space<hbm>>) dst(%arg27 : memref<128xf32, #tpu.memory_space<vmem>>)
      %dma_wait3A_967 = arith.constant 0 : i32
      %dma_wait3A_968 = tpu.memref_slice %arg5[%dma_wait3A_967] : memref<6406144xi32, #tpu.memory_space<hbm>> -> memref<128xi32, #tpu.memory_space<hbm>>
      %dma_wait3A_969 = arith.constant 0 : i32
      %dma_wait3A_970 = tpu.memref_slice %arg5[%dma_wait3A_969] : memref<6406144xi32, #tpu.memory_space<hbm>> -> memref<128xi32, #tpu.memory_space<hbm>>
      tpu.wait_dma2 semaphore(%arg68 : memref<!tpu.dma_semaphore, #tpu.memory_space<semaphore_mem>>) src(%dma_wait3A_970 : memref<128xi32, #tpu.memory_space<hbm>>) dst(%arg11 : memref<128xi32, #tpu.memory_space<vmem>>)
      %dma_wait3A_971 = arith.constant 0 : i32
      %dma_wait3A_972 = tpu.memref_slice %arg5[%dma_wait3A_971] : memref<6406144xi32, #tpu.memory_space<hbm>> -> memref<128xi32, #tpu.memory_space<hbm>>
      %dma_wait3A_973 = arith.constant 0 : i32
      %dma_wait3A_974 = tpu.memref_slice %arg5[%dma_wait3A_973] : memref<6406144xi32, #tpu.memory_space<hbm>> -> memref<128xi32, #tpu.memory_space<hbm>>
      tpu.wait_dma2 semaphore(%arg68 : memref<!tpu.dma_semaphore, #tpu.memory_space<semaphore_mem>>) src(%dma_wait3A_974 : memref<128xi32, #tpu.memory_space<hbm>>) dst(%arg15 : memref<128xi32, #tpu.memory_space<vmem>>)
      %get3A_975 = arith.constant 0 : index
      %get3A_976 = tpu.vector_load %arg19[%get3A_975] {strides = array<i32>} : memref<128xf32, #tpu.memory_space<vmem>>, vector<16xf32>,
      %get3A_977 = vector.shape_cast %get3A_976 : vector<16xf32> to vector<16xf32>
      %get3A_978 = arith.constant 0 : index
      %get3A_979 = tpu.vector_load %arg23[%get3A_978] {strides = array<i32>} : memref<128xf32, #tpu.memory_space<vmem>>, vector<16xf32>,
      %get3A_980 = vector.shape_cast %get3A_979 : vector<16xf32> to vector<16xf32>
      %get3A_981 = arith.constant 0 : index
      %get3A_982 = tpu.vector_load %arg27[%get3A_981] {strides = array<i32>} : memref<128xf32, #tpu.memory_space<vmem>>, vector<16xf32>,
      %get3A_983 = vector.shape_cast %get3A_982 : vector<16xf32> to vector<16xf32>
      %mul3A_984 = arith.mulf %get3A_977, %get3A_977 : vector<16xf32>
      %swap3A_985 = arith.constant 0 : index
      %swap3A_986 = tpu.vector_load %arg41[%swap3A_985] {strides = array<i32>} : memref<128xf32, #tpu.memory_space<vmem>>, vector<16xf32>,
      %swap3A_987 = vector.shape_cast %swap3A_986 : vector<16xf32> to vector<16xf32>
      %swap3A_988 = vector.shape_cast %mul3A_984 : vector<16xf32> to vector<16xf32>
      tpu.vector_store %arg41[%swap3A_985], %swap3A_988 {strides = array<i32>} : memref<128xf32, #tpu.memory_space<vmem>>, vector<16xf32>,
      %mul3A_989 = arith.mulf %get3A_980, %get3A_980 : vector<16xf32>
      %swap3A_990 = arith.constant 0 : index
      %swap3A_991 = tpu.vector_load %arg42[%swap3A_990] {strides = array<i32>} : memref<128xf32, #tpu.memory_space<vmem>>, vector<16xf32>,
      %swap3A_992 = vector.shape_cast %swap3A_991 : vector<16xf32> to vector<16xf32>
      %swap3A_993 = vector.shape_cast %mul3A_989 : vector<16xf32> to vector<16xf32>
      tpu.vector_store %arg42[%swap3A_990], %swap3A_993 {strides = array<i32>} : memref<128xf32, #tpu.memory_space<vmem>>, vector<16xf32>,
      %mul3A_994 = arith.mulf %get3A_983, %get3A_983 : vector<16xf32>
      %swap3A_995 = arith.constant 0 : index
      %swap3A_996 = tpu.vector_load %arg43[%swap3A_995] {strides = array<i32>} : memref<128xf32, #tpu.memory_space<vmem>>, vector<16xf32>,
      %swap3A_997 = vector.shape_cast %swap3A_996 : vector<16xf32> to vector<16xf32>
      %swap3A_998 = vector.shape_cast %mul3A_994 : vector<16xf32> to vector<16xf32>
      tpu.vector_store %arg43[%swap3A_995], %swap3A_998 {strides = array<i32>} : memref<128xf32, #tpu.memory_space<vmem>>, vector<16xf32>,
      %mul3A_999 = arith.mulf %get3A_977, %get3A_980 : vector<16xf32>
      %swap3A_1000 = arith.constant 0 : index
      %swap3A_1001 = tpu.vector_load %arg44[%swap3A_1000] {strides = array<i32>} : memref<128xf32, #tpu.memory_space<vmem>>, vector<16xf32>,
      %swap3A_1002 = vector.shape_cast %swap3A_1001 : vector<16xf32> to vector<16xf32>
      %swap3A_1003 = vector.shape_cast %mul3A_999 : vector<16xf32> to vector<16xf32>
      tpu.vector_store %arg44[%swap3A_1000], %swap3A_1003 {strides = array<i32>} : memref<128xf32, #tpu.memory_space<vmem>>, vector<16xf32>,
      %mul3A_1004 = arith.mulf %get3A_980, %get3A_983 : vector<16xf32>
      %swap3A_1005 = arith.constant 0 : index
      %swap3A_1006 = tpu.vector_load %arg45[%swap3A_1005] {strides = array<i32>} : memref<128xf32, #tpu.memory_space<vmem>>, vector<16xf32>,
      %swap3A_1007 = vector.shape_cast %swap3A_1006 : vector<16xf32> to vector<16xf32>
      %swap3A_1008 = vector.shape_cast %mul3A_1004 : vector<16xf32> to vector<16xf32>
      tpu.vector_store %arg45[%swap3A_1005], %swap3A_1008 {strides = array<i32>} : memref<128xf32, #tpu.memory_space<vmem>>, vector<16xf32>,
      %mul3A_1009 = arith.mulf %get3A_983, %get3A_977 : vector<16xf32>
      %swap3A_1010 = arith.constant 0 : index
      %swap3A_1011 = tpu.vector_load %arg46[%swap3A_1010] {strides = array<i32>} : memref<128xf32, #tpu.memory_space<vmem>>, vector<16xf32>,
      %swap3A_1012 = vector.shape_cast %swap3A_1011 : vector<16xf32> to vector<16xf32>
      %swap3A_1013 = vector.shape_cast %mul3A_1009 : vector<16xf32> to vector<16xf32>
      tpu.vector_store %arg46[%swap3A_1010], %swap3A_1013 {strides = array<i32>} : memref<128xf32, #tpu.memory_space<vmem>>, vector<16xf32>,
      %get3A_1014 = arith.constant 16 : index
      %get3A_1015 = tpu.vector_load %arg19[%get3A_1014] {strides = array<i32>} : memref<128xf32, #tpu.memory_space<vmem>>, vector<16xf32>,
      %get3A_1016 = vector.shape_cast %get3A_1015 : vector<16xf32> to vector<16xf32>
      %get3A_1017 = arith.constant 16 : index
      %get3A_1018 = tpu.vector_load %arg23[%get3A_1017] {strides = array<i32>} : memref<128xf32, #tpu.memory_space<vmem>>, vector<16xf32>,
      %get3A_1019 = vector.shape_cast %get3A_1018 : vector<16xf32> to vector<16xf32>
      %get3A_1020 = arith.constant 16 : index
      %get3A_1021 = tpu.vector_load %arg27[%get3A_1020] {strides = array<i32>} : memref<128xf32, #tpu.memory_space<vmem>>, vector<16xf32>,
      %get3A_1022 = vector.shape_cast %get3A_1021 : vector<16xf32> to vector<16xf32>
      %mul3A_1023 = arith.mulf %get3A_1016, %get3A_1016 : vector<16xf32>
      %swap3A_1024 = arith.constant 16 : index
      %swap3A_1025 = tpu.vector_load %arg41[%swap3A_1024] {strides = array<i32>} : memref<128xf32, #tpu.memory_space<vmem>>, vector<16xf32>,
      %swap3A_1026 = vector.shape_cast %swap3A_1025 : vector<16xf32> to vector<16xf32>
      %swap3A_1027 = vector.shape_cast %mul3A_1023 : vector<16xf32> to vector<16xf32>
      tpu.vector_store %arg41[%swap3A_1024], %swap3A_1027 {strides = array<i32>} : memref<128xf32, #tpu.memory_space<vmem>>, vector<16xf32>,
      %mul3A_1028 = arith.mulf %get3A_1019, %get3A_1019 : vector<16xf32>
      %swap3A_1029 = arith.constant 16 : index
      %swap3A_1030 = tpu.vector_load %arg42[%swap3A_1029] {strides = array<i32>} : memref<128xf32, #tpu.memory_space<vmem>>, vector<16xf32>,
      %swap3A_1031 = vector.shape_cast %swap3A_1030 : vector<16xf32> to vector<16xf32>
      %swap3A_1032 = vector.shape_cast %mul3A_1028 : vector<16xf32> to vector<16xf32>
      tpu.vector_store %arg42[%swap3A_1029], %swap3A_1032 {strides = array<i32>} : memref<128xf32, #tpu.memory_space<vmem>>, vector<16xf32>,
      %mul3A_1033 = arith.mulf %get3A_1022, %get3A_1022 : vector<16xf32>
      %swap3A_1034 = arith.constant 16 : index
      %swap3A_1035 = tpu.vector_load %arg43[%swap3A_1034] {strides = array<i32>} : memref<128xf32, #tpu.memory_space<vmem>>, vector<16xf32>,
      %swap3A_1036 = vector.shape_cast %swap3A_1035 : vector<16xf32> to vector<16xf32>
      %swap3A_1037 = vector.shape_cast %mul3A_1033 : vector<16xf32> to vector<16xf32>
      tpu.vector_store %arg43[%swap3A_1034], %swap3A_1037 {strides = array<i32>} : memref<128xf32, #tpu.memory_space<vmem>>, vector<16xf32>,
      %mul3A_1038 = arith.mulf %get3A_1016, %get3A_1019 : vector<16xf32>
      %swap3A_1039 = arith.constant 16 : index
      %swap3A_1040 = tpu.vector_load %arg44[%swap3A_1039] {strides = array<i32>} : memref<128xf32, #tpu.memory_space<vmem>>, vector<16xf32>,
      %swap3A_1041 = vector.shape_cast %swap3A_1040 : vector<16xf32> to vector<16xf32>
      %swap3A_1042 = vector.shape_cast %mul3A_1038 : vector<16xf32> to vector<16xf32>
      tpu.vector_store %arg44[%swap3A_1039], %swap3A_1042 {strides = array<i32>} : memref<128xf32, #tpu.memory_space<vmem>>, vector<16xf32>,
      %mul3A_1043 = arith.mulf %get3A_1019, %get3A_1022 : vector<16xf32>
      %swap3A_1044 = arith.constant 16 : index
      %swap3A_1045 = tpu.vector_load %arg45[%swap3A_1044] {strides = array<i32>} : memref<128xf32, #tpu.memory_space<vmem>>, vector<16xf32>,
      %swap3A_1046 = vector.shape_cast %swap3A_1045 : vector<16xf32> to vector<16xf32>
      %swap3A_1047 = vector.shape_cast %mul3A_1043 : vector<16xf32> to vector<16xf32>
      tpu.vector_store %arg45[%swap3A_1044], %swap3A_1047 {strides = array<i32>} : memref<128xf32, #tpu.memory_space<vmem>>, vector<16xf32>,
      %mul3A_1048 = arith.mulf %get3A_1022, %get3A_1016 : vector<16xf32>
      %swap3A_1049 = arith.constant 16 : index
      %swap3A_1050 = tpu.vector_load %arg46[%swap3A_1049] {strides = array<i32>} : memref<128xf32, #tpu.memory_space<vmem>>, vector<16xf32>,
      %swap3A_1051 = vector.shape_cast %swap3A_1050 : vector<16xf32> to vector<16xf32>
      %swap3A_1052 = vector.shape_cast %mul3A_1048 : vector<16xf32> to vector<16xf32>
      tpu.vector_store %arg46[%swap3A_1049], %swap3A_1052 {strides = array<i32>} : memref<128xf32, #tpu.memory_space<vmem>>, vector<16xf32>,
      %get3A_1053 = arith.constant 32 : index
      %get3A_1054 = tpu.vector_load %arg19[%get3A_1053] {strides = array<i32>} : memref<128xf32, #tpu.memory_space<vmem>>, vector<16xf32>,
      %get3A_1055 = vector.shape_cast %get3A_1054 : vector<16xf32> to vector<16xf32>
      %get3A_1056 = arith.constant 32 : index
      %get3A_1057 = tpu.vector_load %arg23[%get3A_1056] {strides = array<i32>} : memref<128xf32, #tpu.memory_space<vmem>>, vector<16xf32>,
      %get3A_1058 = vector.shape_cast %get3A_1057 : vector<16xf32> to vector<16xf32>
      %get3A_1059 = arith.constant 32 : index
      %get3A_1060 = tpu.vector_load %arg27[%get3A_1059] {strides = array<i32>} : memref<128xf32, #tpu.memory_space<vmem>>, vector<16xf32>,
      %get3A_1061 = vector.shape_cast %get3A_1060 : vector<16xf32> to vector<16xf32>
      %mul3A_1062 = arith.mulf %get3A_1055, %get3A_1055 : vector<16xf32>
      %swap3A_1063 = arith.constant 32 : index
      %swap3A_1064 = tpu.vector_load %arg41[%swap3A_1063] {strides = array<i32>} : memref<128xf32, #tpu.memory_space<vmem>>, vector<16xf32>,
      %swap3A_1065 = vector.shape_cast %swap3A_1064 : vector<16xf32> to vector<16xf32>
      %swap3A_1066 = vector.shape_cast %mul3A_1062 : vector<16xf32> to vector<16xf32>
      tpu.vector_store %arg41[%swap3A_1063], %swap3A_1066 {strides = array<i32>} : memref<128xf32, #tpu.memory_space<vmem>>, vector<16xf32>,
      %mul3A_1067 = arith.mulf %get3A_1058, %get3A_1058 : vector<16xf32>
      %swap3A_1068 = arith.constant 32 : index
      %swap3A_1069 = tpu.vector_load %arg42[%swap3A_1068] {strides = array<i32>} : memref<128xf32, #tpu.memory_space<vmem>>, vector<16xf32>,
      %swap3A_1070 = vector.shape_cast %swap3A_1069 : vector<16xf32> to vector<16xf32>
      %swap3A_1071 = vector.shape_cast %mul3A_1067 : vector<16xf32> to vector<16xf32>
      tpu.vector_store %arg42[%swap3A_1068], %swap3A_1071 {strides = array<i32>} : memref<128xf32, #tpu.memory_space<vmem>>, vector<16xf32>,
      %mul3A_1072 = arith.mulf %get3A_1061, %get3A_1061 : vector<16xf32>
      %swap3A_1073 = arith.constant 32 : index
      %swap3A_1074 = tpu.vector_load %arg43[%swap3A_1073] {strides = array<i32>} : memref<128xf32, #tpu.memory_space<vmem>>, vector<16xf32>,
      %swap3A_1075 = vector.shape_cast %swap3A_1074 : vector<16xf32> to vector<16xf32>
      %swap3A_1076 = vector.shape_cast %mul3A_1072 : vector<16xf32> to vector<16xf32>
      tpu.vector_store %arg43[%swap3A_1073], %swap3A_1076 {strides = array<i32>} : memref<128xf32, #tpu.memory_space<vmem>>, vector<16xf32>,
      %mul3A_1077 = arith.mulf %get3A_1055, %get3A_1058 : vector<16xf32>
      %swap3A_1078 = arith.constant 32 : index
      %swap3A_1079 = tpu.vector_load %arg44[%swap3A_1078] {strides = array<i32>} : memref<128xf32, #tpu.memory_space<vmem>>, vector<16xf32>,
      %swap3A_1080 = vector.shape_cast %swap3A_1079 : vector<16xf32> to vector<16xf32>
      %swap3A_1081 = vector.shape_cast %mul3A_1077 : vector<16xf32> to vector<16xf32>
      tpu.vector_store %arg44[%swap3A_1078], %swap3A_1081 {strides = array<i32>} : memref<128xf32, #tpu.memory_space<vmem>>, vector<16xf32>,
      %mul3A_1082 = arith.mulf %get3A_1058, %get3A_1061 : vector<16xf32>
      %swap3A_1083 = arith.constant 32 : index
      %swap3A_1084 = tpu.vector_load %arg45[%swap3A_1083] {strides = array<i32>} : memref<128xf32, #tpu.memory_space<vmem>>, vector<16xf32>,
      %swap3A_1085 = vector.shape_cast %swap3A_1084 : vector<16xf32> to vector<16xf32>
      %swap3A_1086 = vector.shape_cast %mul3A_1082 : vector<16xf32> to vector<16xf32>
      tpu.vector_store %arg45[%swap3A_1083], %swap3A_1086 {strides = array<i32>} : memref<128xf32, #tpu.memory_space<vmem>>, vector<16xf32>,
      %mul3A_1087 = arith.mulf %get3A_1061, %get3A_1055 : vector<16xf32>
      %swap3A_1088 = arith.constant 32 : index
      %swap3A_1089 = tpu.vector_load %arg46[%swap3A_1088] {strides = array<i32>} : memref<128xf32, #tpu.memory_space<vmem>>, vector<16xf32>,
      %swap3A_1090 = vector.shape_cast %swap3A_1089 : vector<16xf32> to vector<16xf32>
      %swap3A_1091 = vector.shape_cast %mul3A_1087 : vector<16xf32> to vector<16xf32>
      tpu.vector_store %arg46[%swap3A_1088], %swap3A_1091 {strides = array<i32>} : memref<128xf32, #tpu.memory_space<vmem>>, vector<16xf32>,
      %get3A_1092 = arith.constant 48 : index
      %get3A_1093 = tpu.vector_load %arg19[%get3A_1092] {strides = array<i32>} : memref<128xf32, #tpu.memory_space<vmem>>, vector<16xf32>,
      %get3A_1094 = vector.shape_cast %get3A_1093 : vector<16xf32> to vector<16xf32>
      %get3A_1095 = arith.constant 48 : index
      %get3A_1096 = tpu.vector_load %arg23[%get3A_1095] {strides = array<i32>} : memref<128xf32, #tpu.memory_space<vmem>>, vector<16xf32>,
      %get3A_1097 = vector.shape_cast %get3A_1096 : vector<16xf32> to vector<16xf32>
      %get3A_1098 = arith.constant 48 : index
      %get3A_1099 = tpu.vector_load %arg27[%get3A_1098] {strides = array<i32>} : memref<128xf32, #tpu.memory_space<vmem>>, vector<16xf32>,
      %get3A_1100 = vector.shape_cast %get3A_1099 : vector<16xf32> to vector<16xf32>
      %mul3A_1101 = arith.mulf %get3A_1094, %get3A_1094 : vector<16xf32>
      %swap3A_1102 = arith.constant 48 : index
      %swap3A_1103 = tpu.vector_load %arg41[%swap3A_1102] {strides = array<i32>} : memref<128xf32, #tpu.memory_space<vmem>>, vector<16xf32>,
      %swap3A_1104 = vector.shape_cast %swap3A_1103 : vector<16xf32> to vector<16xf32>
      %swap3A_1105 = vector.shape_cast %mul3A_1101 : vector<16xf32> to vector<16xf32>
      tpu.vector_store %arg41[%swap3A_1102], %swap3A_1105 {strides = array<i32>} : memref<128xf32, #tpu.memory_space<vmem>>, vector<16xf32>,
      %mul3A_1106 = arith.mulf %get3A_1097, %get3A_1097 : vector<16xf32>
      %swap3A_1107 = arith.constant 48 : index
      %swap3A_1108 = tpu.vector_load %arg42[%swap3A_1107] {strides = array<i32>} : memref<128xf32, #tpu.memory_space<vmem>>, vector<16xf32>,
      %swap3A_1109 = vector.shape_cast %swap3A_1108 : vector<16xf32> to vector<16xf32>
      %swap3A_1110 = vector.shape_cast %mul3A_1106 : vector<16xf32> to vector<16xf32>
      tpu.vector_store %arg42[%swap3A_1107], %swap3A_1110 {strides = array<i32>} : memref<128xf32, #tpu.memory_space<vmem>>, vector<16xf32>,
      %mul3A_1111 = arith.mulf %get3A_1100, %get3A_1100 : vector<16xf32>
      %swap3A_1112 = arith.constant 48 : index
      %swap3A_1113 = tpu.vector_load %arg43[%swap3A_1112] {strides = array<i32>} : memref<128xf32, #tpu.memory_space<vmem>>, vector<16xf32>,
      %swap3A_1114 = vector.shape_cast %swap3A_1113 : vector<16xf32> to vector<16xf32>
      %swap3A_1115 = vector.shape_cast %mul3A_1111 : vector<16xf32> to vector<16xf32>
      tpu.vector_store %arg43[%swap3A_1112], %swap3A_1115 {strides = array<i32>} : memref<128xf32, #tpu.memory_space<vmem>>, vector<16xf32>,
      %mul3A_1116 = arith.mulf %get3A_1094, %get3A_1097 : vector<16xf32>
      %swap3A_1117 = arith.constant 48 : index
      %swap3A_1118 = tpu.vector_load %arg44[%swap3A_1117] {strides = array<i32>} : memref<128xf32, #tpu.memory_space<vmem>>, vector<16xf32>,
      %swap3A_1119 = vector.shape_cast %swap3A_1118 : vector<16xf32> to vector<16xf32>
      %swap3A_1120 = vector.shape_cast %mul3A_1116 : vector<16xf32> to vector<16xf32>
      tpu.vector_store %arg44[%swap3A_1117], %swap3A_1120 {strides = array<i32>} : memref<128xf32, #tpu.memory_space<vmem>>, vector<16xf32>,
      %mul3A_1121 = arith.mulf %get3A_1097, %get3A_1100 : vector<16xf32>
      %swap3A_1122 = arith.constant 48 : index
      %swap3A_1123 = tpu.vector_load %arg45[%swap3A_1122] {strides = array<i32>} : memref<128xf32, #tpu.memory_space<vmem>>, vector<16xf32>,
      %swap3A_1124 = vector.shape_cast %swap3A_1123 : vector<16xf32> to vector<16xf32>
      %swap3A_1125 = vector.shape_cast %mul3A_1121 : vector<16xf32> to vector<16xf32>
      tpu.vector_store %arg45[%swap3A_1122], %swap3A_1125 {strides = array<i32>} : memref<128xf32, #tpu.memory_space<vmem>>, vector<16xf32>,
      %mul3A_1126 = arith.mulf %get3A_1100, %get3A_1094 : vector<16xf32>
      %swap3A_1127 = arith.constant 48 : index
      %swap3A_1128 = tpu.vector_load %arg46[%swap3A_1127] {strides = array<i32>} : memref<128xf32, #tpu.memory_space<vmem>>, vector<16xf32>,
      %swap3A_1129 = vector.shape_cast %swap3A_1128 : vector<16xf32> to vector<16xf32>
      %swap3A_1130 = vector.shape_cast %mul3A_1126 : vector<16xf32> to vector<16xf32>
      tpu.vector_store %arg46[%swap3A_1127], %swap3A_1130 {strides = array<i32>} : memref<128xf32, #tpu.memory_space<vmem>>, vector<16xf32>,
      %get3A_1131 = arith.constant 64 : index
      %get3A_1132 = tpu.vector_load %arg19[%get3A_1131] {strides = array<i32>} : memref<128xf32, #tpu.memory_space<vmem>>, vector<16xf32>,
      %get3A_1133 = vector.shape_cast %get3A_1132 : vector<16xf32> to vector<16xf32>
      %get3A_1134 = arith.constant 64 : index
      %get3A_1135 = tpu.vector_load %arg23[%get3A_1134] {strides = array<i32>} : memref<128xf32, #tpu.memory_space<vmem>>, vector<16xf32>,
      %get3A_1136 = vector.shape_cast %get3A_1135 : vector<16xf32> to vector<16xf32>
      %get3A_1137 = arith.constant 64 : index
      %get3A_1138 = tpu.vector_load %arg27[%get3A_1137] {strides = array<i32>} : memref<128xf32, #tpu.memory_space<vmem>>, vector<16xf32>,
      %get3A_1139 = vector.shape_cast %get3A_1138 : vector<16xf32> to vector<16xf32>
      %mul3A_1140 = arith.mulf %get3A_1133, %get3A_1133 : vector<16xf32>
      %swap3A_1141 = arith.constant 64 : index
      %swap3A_1142 = tpu.vector_load %arg41[%swap3A_1141] {strides = array<i32>} : memref<128xf32, #tpu.memory_space<vmem>>, vector<16xf32>,
      %swap3A_1143 = vector.shape_cast %swap3A_1142 : vector<16xf32> to vector<16xf32>
      %swap3A_1144 = vector.shape_cast %mul3A_1140 : vector<16xf32> to vector<16xf32>
      tpu.vector_store %arg41[%swap3A_1141], %swap3A_1144 {strides = array<i32>} : memref<128xf32, #tpu.memory_space<vmem>>, vector<16xf32>,
      %mul3A_1145 = arith.mulf %get3A_1136, %get3A_1136 : vector<16xf32>
      %swap3A_1146 = arith.constant 64 : index
      %swap3A_1147 = tpu.vector_load %arg42[%swap3A_1146] {strides = array<i32>} : memref<128xf32, #tpu.memory_space<vmem>>, vector<16xf32>,
      %swap3A_1148 = vector.shape_cast %swap3A_1147 : vector<16xf32> to vector<16xf32>
      %swap3A_1149 = vector.shape_cast %mul3A_1145 : vector<16xf32> to vector<16xf32>
      tpu.vector_store %arg42[%swap3A_1146], %swap3A_1149 {strides = array<i32>} : memref<128xf32, #tpu.memory_space<vmem>>, vector<16xf32>,
      %mul3A_1150 = arith.mulf %get3A_1139, %get3A_1139 : vector<16xf32>
      %swap3A_1151 = arith.constant 64 : index
      %swap3A_1152 = tpu.vector_load %arg43[%swap3A_1151] {strides = array<i32>} : memref<128xf32, #tpu.memory_space<vmem>>, vector<16xf32>,
      %swap3A_1153 = vector.shape_cast %swap3A_1152 : vector<16xf32> to vector<16xf32>
      %swap3A_1154 = vector.shape_cast %mul3A_1150 : vector<16xf32> to vector<16xf32>
      tpu.vector_store %arg43[%swap3A_1151], %swap3A_1154 {strides = array<i32>} : memref<128xf32, #tpu.memory_space<vmem>>, vector<16xf32>,
      %mul3A_1155 = arith.mulf %get3A_1133, %get3A_1136 : vector<16xf32>
      %swap3A_1156 = arith.constant 64 : index
      %swap3A_1157 = tpu.vector_load %arg44[%swap3A_1156] {strides = array<i32>} : memref<128xf32, #tpu.memory_space<vmem>>, vector<16xf32>,
      %swap3A_1158 = vector.shape_cast %swap3A_1157 : vector<16xf32> to vector<16xf32>
      %swap3A_1159 = vector.shape_cast %mul3A_1155 : vector<16xf32> to vector<16xf32>
      tpu.vector_store %arg44[%swap3A_1156], %swap3A_1159 {strides = array<i32>} : memref<128xf32, #tpu.memory_space<vmem>>, vector<16xf32>,
      %mul3A_1160 = arith.mulf %get3A_1136, %get3A_1139 : vector<16xf32>
      %swap3A_1161 = arith.constant 64 : index
      %swap3A_1162 = tpu.vector_load %arg45[%swap3A_1161] {strides = array<i32>} : memref<128xf32, #tpu.memory_space<vmem>>, vector<16xf32>,
      %swap3A_1163 = vector.shape_cast %swap3A_1162 : vector<16xf32> to vector<16xf32>
      %swap3A_1164 = vector.shape_cast %mul3A_1160 : vector<16xf32> to vector<16xf32>
      tpu.vector_store %arg45[%swap3A_1161], %swap3A_1164 {strides = array<i32>} : memref<128xf32, #tpu.memory_space<vmem>>, vector<16xf32>,
      %mul3A_1165 = arith.mulf %get3A_1139, %get3A_1133 : vector<16xf32>
      %swap3A_1166 = arith.constant 64 : index
      %swap3A_1167 = tpu.vector_load %arg46[%swap3A_1166] {strides = array<i32>} : memref<128xf32, #tpu.memory_space<vmem>>, vector<16xf32>,
      %swap3A_1168 = vector.shape_cast %swap3A_1167 : vector<16xf32> to vector<16xf32>
      %swap3A_1169 = vector.shape_cast %mul3A_1165 : vector<16xf32> to vector<16xf32>
      tpu.vector_store %arg46[%swap3A_1166], %swap3A_1169 {strides = array<i32>} : memref<128xf32, #tpu.memory_space<vmem>>, vector<16xf32>,
      %get3A_1170 = arith.constant 80 : index
      %get3A_1171 = tpu.vector_load %arg19[%get3A_1170] {strides = array<i32>} : memref<128xf32, #tpu.memory_space<vmem>>, vector<16xf32>,
      %get3A_1172 = vector.shape_cast %get3A_1171 : vector<16xf32> to vector<16xf32>
      %get3A_1173 = arith.constant 80 : index
      %get3A_1174 = tpu.vector_load %arg23[%get3A_1173] {strides = array<i32>} : memref<128xf32, #tpu.memory_space<vmem>>, vector<16xf32>,
      %get3A_1175 = vector.shape_cast %get3A_1174 : vector<16xf32> to vector<16xf32>
      %get3A_1176 = arith.constant 80 : index
      %get3A_1177 = tpu.vector_load %arg27[%get3A_1176] {strides = array<i32>} : memref<128xf32, #tpu.memory_space<vmem>>, vector<16xf32>,
      %get3A_1178 = vector.shape_cast %get3A_1177 : vector<16xf32> to vector<16xf32>
      %mul3A_1179 = arith.mulf %get3A_1172, %get3A_1172 : vector<16xf32>
      %swap3A_1180 = arith.constant 80 : index
      %swap3A_1181 = tpu.vector_load %arg41[%swap3A_1180] {strides = array<i32>} : memref<128xf32, #tpu.memory_space<vmem>>, vector<16xf32>,
      %swap3A_1182 = vector.shape_cast %swap3A_1181 : vector<16xf32> to vector<16xf32>
      %swap3A_1183 = vector.shape_cast %mul3A_1179 : vector<16xf32> to vector<16xf32>
      tpu.vector_store %arg41[%swap3A_1180], %swap3A_1183 {strides = array<i32>} : memref<128xf32, #tpu.memory_space<vmem>>, vector<16xf32>,
      %mul3A_1184 = arith.mulf %get3A_1175, %get3A_1175 : vector<16xf32>
      %swap3A_1185 = arith.constant 80 : index
      %swap3A_1186 = tpu.vector_load %arg42[%swap3A_1185] {strides = array<i32>} : memref<128xf32, #tpu.memory_space<vmem>>, vector<16xf32>,
      %swap3A_1187 = vector.shape_cast %swap3A_1186 : vector<16xf32> to vector<16xf32>
      %swap3A_1188 = vector.shape_cast %mul3A_1184 : vector<16xf32> to vector<16xf32>
      tpu.vector_store %arg42[%swap3A_1185], %swap3A_1188 {strides = array<i32>} : memref<128xf32, #tpu.memory_space<vmem>>, vector<16xf32>,
      %mul3A_1189 = arith.mulf %get3A_1178, %get3A_1178 : vector<16xf32>
      %swap3A_1190 = arith.constant 80 : index
      %swap3A_1191 = tpu.vector_load %arg43[%swap3A_1190] {strides = array<i32>} : memref<128xf32, #tpu.memory_space<vmem>>, vector<16xf32>,
      %swap3A_1192 = vector.shape_cast %swap3A_1191 : vector<16xf32> to vector<16xf32>
      %swap3A_1193 = vector.shape_cast %mul3A_1189 : vector<16xf32> to vector<16xf32>
      tpu.vector_store %arg43[%swap3A_1190], %swap3A_1193 {strides = array<i32>} : memref<128xf32, #tpu.memory_space<vmem>>, vector<16xf32>,
      %mul3A_1194 = arith.mulf %get3A_1172, %get3A_1175 : vector<16xf32>
      %swap3A_1195 = arith.constant 80 : index
      %swap3A_1196 = tpu.vector_load %arg44[%swap3A_1195] {strides = array<i32>} : memref<128xf32, #tpu.memory_space<vmem>>, vector<16xf32>,
      %swap3A_1197 = vector.shape_cast %swap3A_1196 : vector<16xf32> to vector<16xf32>
      %swap3A_1198 = vector.shape_cast %mul3A_1194 : vector<16xf32> to vector<16xf32>
      tpu.vector_store %arg44[%swap3A_1195], %swap3A_1198 {strides = array<i32>} : memref<128xf32, #tpu.memory_space<vmem>>, vector<16xf32>,
      %mul3A_1199 = arith.mulf %get3A_1175, %get3A_1178 : vector<16xf32>
      %swap3A_1200 = arith.constant 80 : index
      %swap3A_1201 = tpu.vector_load %arg45[%swap3A_1200] {strides = array<i32>} : memref<128xf32, #tpu.memory_space<vmem>>, vector<16xf32>,
      %swap3A_1202 = vector.shape_cast %swap3A_1201 : vector<16xf32> to vector<16xf32>
      %swap3A_1203 = vector.shape_cast %mul3A_1199 : vector<16xf32> to vector<16xf32>
      tpu.vector_store %arg45[%swap3A_1200], %swap3A_1203 {strides = array<i32>} : memref<128xf32, #tpu.memory_space<vmem>>, vector<16xf32>,
      %mul3A_1204 = arith.mulf %get3A_1178, %get3A_1172 : vector<16xf32>
      %swap3A_1205 = arith.constant 80 : index
      %swap3A_1206 = tpu.vector_load %arg46[%swap3A_1205] {strides = array<i32>} : memref<128xf32, #tpu.memory_space<vmem>>, vector<16xf32>,
      %swap3A_1207 = vector.shape_cast %swap3A_1206 : vector<16xf32> to vector<16xf32>
      %swap3A_1208 = vector.shape_cast %mul3A_1204 : vector<16xf32> to vector<16xf32>
      tpu.vector_store %arg46[%swap3A_1205], %swap3A_1208 {strides = array<i32>} : memref<128xf32, #tpu.memory_space<vmem>>, vector<16xf32>,
      %get3A_1209 = arith.constant 96 : index
      %get3A_1210 = tpu.vector_load %arg19[%get3A_1209] {strides = array<i32>} : memref<128xf32, #tpu.memory_space<vmem>>, vector<16xf32>,
      %get3A_1211 = vector.shape_cast %get3A_1210 : vector<16xf32> to vector<16xf32>
      %get3A_1212 = arith.constant 96 : index
      %get3A_1213 = tpu.vector_load %arg23[%get3A_1212] {strides = array<i32>} : memref<128xf32, #tpu.memory_space<vmem>>, vector<16xf32>,
      %get3A_1214 = vector.shape_cast %get3A_1213 : vector<16xf32> to vector<16xf32>
      %get3A_1215 = arith.constant 96 : index
      %get3A_1216 = tpu.vector_load %arg27[%get3A_1215] {strides = array<i32>} : memref<128xf32, #tpu.memory_space<vmem>>, vector<16xf32>,
      %get3A_1217 = vector.shape_cast %get3A_1216 : vector<16xf32> to vector<16xf32>
      %mul3A_1218 = arith.mulf %get3A_1211, %get3A_1211 : vector<16xf32>
      %swap3A_1219 = arith.constant 96 : index
      %swap3A_1220 = tpu.vector_load %arg41[%swap3A_1219] {strides = array<i32>} : memref<128xf32, #tpu.memory_space<vmem>>, vector<16xf32>,
      %swap3A_1221 = vector.shape_cast %swap3A_1220 : vector<16xf32> to vector<16xf32>
      %swap3A_1222 = vector.shape_cast %mul3A_1218 : vector<16xf32> to vector<16xf32>
      tpu.vector_store %arg41[%swap3A_1219], %swap3A_1222 {strides = array<i32>} : memref<128xf32, #tpu.memory_space<vmem>>, vector<16xf32>,
      %mul3A_1223 = arith.mulf %get3A_1214, %get3A_1214 : vector<16xf32>
      %swap3A_1224 = arith.constant 96 : index
      %swap3A_1225 = tpu.vector_load %arg42[%swap3A_1224] {strides = array<i32>} : memref<128xf32, #tpu.memory_space<vmem>>, vector<16xf32>,
      %swap3A_1226 = vector.shape_cast %swap3A_1225 : vector<16xf32> to vector<16xf32>
      %swap3A_1227 = vector.shape_cast %mul3A_1223 : vector<16xf32> to vector<16xf32>
      tpu.vector_store %arg42[%swap3A_1224], %swap3A_1227 {strides = array<i32>} : memref<128xf32, #tpu.memory_space<vmem>>, vector<16xf32>,
      %mul3A_1228 = arith.mulf %get3A_1217, %get3A_1217 : vector<16xf32>
      %swap3A_1229 = arith.constant 96 : index
      %swap3A_1230 = tpu.vector_load %arg43[%swap3A_1229] {strides = array<i32>} : memref<128xf32, #tpu.memory_space<vmem>>, vector<16xf32>,
      %swap3A_1231 = vector.shape_cast %swap3A_1230 : vector<16xf32> to vector<16xf32>
      %swap3A_1232 = vector.shape_cast %mul3A_1228 : vector<16xf32> to vector<16xf32>
      tpu.vector_store %arg43[%swap3A_1229], %swap3A_1232 {strides = array<i32>} : memref<128xf32, #tpu.memory_space<vmem>>, vector<16xf32>,
      %mul3A_1233 = arith.mulf %get3A_1211, %get3A_1214 : vector<16xf32>
      %swap3A_1234 = arith.constant 96 : index
      %swap3A_1235 = tpu.vector_load %arg44[%swap3A_1234] {strides = array<i32>} : memref<128xf32, #tpu.memory_space<vmem>>, vector<16xf32>,
      %swap3A_1236 = vector.shape_cast %swap3A_1235 : vector<16xf32> to vector<16xf32>
      %swap3A_1237 = vector.shape_cast %mul3A_1233 : vector<16xf32> to vector<16xf32>
      tpu.vector_store %arg44[%swap3A_1234], %swap3A_1237 {strides = array<i32>} : memref<128xf32, #tpu.memory_space<vmem>>, vector<16xf32>,
      %mul3A_1238 = arith.mulf %get3A_1214, %get3A_1217 : vector<16xf32>
      %swap3A_1239 = arith.constant 96 : index
      %swap3A_1240 = tpu.vector_load %arg45[%swap3A_1239] {strides = array<i32>} : memref<128xf32, #tpu.memory_space<vmem>>, vector<16xf32>,
      %swap3A_1241 = vector.shape_cast %swap3A_1240 : vector<16xf32> to vector<16xf32>
      %swap3A_1242 = vector.shape_cast %mul3A_1238 : vector<16xf32> to vector<16xf32>
      tpu.vector_store %arg45[%swap3A_1239], %swap3A_1242 {strides = array<i32>} : memref<128xf32, #tpu.memory_space<vmem>>, vector<16xf32>,
      %mul3A_1243 = arith.mulf %get3A_1217, %get3A_1211 : vector<16xf32>
      %swap3A_1244 = arith.constant 96 : index
      %swap3A_1245 = tpu.vector_load %arg46[%swap3A_1244] {strides = array<i32>} : memref<128xf32, #tpu.memory_space<vmem>>, vector<16xf32>,
      %swap3A_1246 = vector.shape_cast %swap3A_1245 : vector<16xf32> to vector<16xf32>
      %swap3A_1247 = vector.shape_cast %mul3A_1243 : vector<16xf32> to vector<16xf32>
      tpu.vector_store %arg46[%swap3A_1244], %swap3A_1247 {strides = array<i32>} : memref<128xf32, #tpu.memory_space<vmem>>, vector<16xf32>,
      %get3A_1248 = arith.constant 112 : index
      %get3A_1249 = tpu.vector_load %arg19[%get3A_1248] {strides = array<i32>} : memref<128xf32, #tpu.memory_space<vmem>>, vector<16xf32>,
      %get3A_1250 = vector.shape_cast %get3A_1249 : vector<16xf32> to vector<16xf32>
      %get3A_1251 = arith.constant 112 : index
      %get3A_1252 = tpu.vector_load %arg23[%get3A_1251] {strides = array<i32>} : memref<128xf32, #tpu.memory_space<vmem>>, vector<16xf32>,
      %get3A_1253 = vector.shape_cast %get3A_1252 : vector<16xf32> to vector<16xf32>
      %get3A_1254 = arith.constant 112 : index
      %get3A_1255 = tpu.vector_load %arg27[%get3A_1254] {strides = array<i32>} : memref<128xf32, #tpu.memory_space<vmem>>, vector<16xf32>,
      %get3A_1256 = vector.shape_cast %get3A_1255 : vector<16xf32> to vector<16xf32>
      %mul3A_1257 = arith.mulf %get3A_1250, %get3A_1250 : vector<16xf32>
      %swap3A_1258 = arith.constant 112 : index
      %swap3A_1259 = tpu.vector_load %arg41[%swap3A_1258] {strides = array<i32>} : memref<128xf32, #tpu.memory_space<vmem>>, vector<16xf32>,
      %swap3A_1260 = vector.shape_cast %swap3A_1259 : vector<16xf32> to vector<16xf32>
      %swap3A_1261 = vector.shape_cast %mul3A_1257 : vector<16xf32> to vector<16xf32>
      tpu.vector_store %arg41[%swap3A_1258], %swap3A_1261 {strides = array<i32>} : memref<128xf32, #tpu.memory_space<vmem>>, vector<16xf32>,
      %mul3A_1262 = arith.mulf %get3A_1253, %get3A_1253 : vector<16xf32>
      %swap3A_1263 = arith.constant 112 : index
      %swap3A_1264 = tpu.vector_load %arg42[%swap3A_1263] {strides = array<i32>} : memref<128xf32, #tpu.memory_space<vmem>>, vector<16xf32>,
      %swap3A_1265 = vector.shape_cast %swap3A_1264 : vector<16xf32> to vector<16xf32>
      %swap3A_1266 = vector.shape_cast %mul3A_1262 : vector<16xf32> to vector<16xf32>
      tpu.vector_store %arg42[%swap3A_1263], %swap3A_1266 {strides = array<i32>} : memref<128xf32, #tpu.memory_space<vmem>>, vector<16xf32>,
      %mul3A_1267 = arith.mulf %get3A_1256, %get3A_1256 : vector<16xf32>
      %swap3A_1268 = arith.constant 112 : index
      %swap3A_1269 = tpu.vector_load %arg43[%swap3A_1268] {strides = array<i32>} : memref<128xf32, #tpu.memory_space<vmem>>, vector<16xf32>,
      %swap3A_1270 = vector.shape_cast %swap3A_1269 : vector<16xf32> to vector<16xf32>
      %swap3A_1271 = vector.shape_cast %mul3A_1267 : vector<16xf32> to vector<16xf32>
      tpu.vector_store %arg43[%swap3A_1268], %swap3A_1271 {strides = array<i32>} : memref<128xf32, #tpu.memory_space<vmem>>, vector<16xf32>,
      %mul3A_1272 = arith.mulf %get3A_1250, %get3A_1253 : vector<16xf32>
      %swap3A_1273 = arith.constant 112 : index
      %swap3A_1274 = tpu.vector_load %arg44[%swap3A_1273] {strides = array<i32>} : memref<128xf32, #tpu.memory_space<vmem>>, vector<16xf32>,
      %swap3A_1275 = vector.shape_cast %swap3A_1274 : vector<16xf32> to vector<16xf32>
      %swap3A_1276 = vector.shape_cast %mul3A_1272 : vector<16xf32> to vector<16xf32>
      tpu.vector_store %arg44[%swap3A_1273], %swap3A_1276 {strides = array<i32>} : memref<128xf32, #tpu.memory_space<vmem>>, vector<16xf32>,
      %mul3A_1277 = arith.mulf %get3A_1253, %get3A_1256 : vector<16xf32>
      %swap3A_1278 = arith.constant 112 : index
      %swap3A_1279 = tpu.vector_load %arg45[%swap3A_1278] {strides = array<i32>} : memref<128xf32, #tpu.memory_space<vmem>>, vector<16xf32>,
      %swap3A_1280 = vector.shape_cast %swap3A_1279 : vector<16xf32> to vector<16xf32>
      %swap3A_1281 = vector.shape_cast %mul3A_1277 : vector<16xf32> to vector<16xf32>
      tpu.vector_store %arg45[%swap3A_1278], %swap3A_1281 {strides = array<i32>} : memref<128xf32, #tpu.memory_space<vmem>>, vector<16xf32>,
      %mul3A_1282 = arith.mulf %get3A_1256, %get3A_1250 : vector<16xf32>
      %swap3A_1283 = arith.constant 112 : index
      %swap3A_1284 = tpu.vector_load %arg46[%swap3A_1283] {strides = array<i32>} : memref<128xf32, #tpu.memory_space<vmem>>, vector<16xf32>,
      %swap3A_1285 = vector.shape_cast %swap3A_1284 : vector<16xf32> to vector<16xf32>
      %swap3A_1286 = vector.shape_cast %mul3A_1282 : vector<16xf32> to vector<16xf32>
      tpu.vector_store %arg46[%swap3A_1283], %swap3A_1286 {strides = array<i32>} : memref<128xf32, #tpu.memory_space<vmem>>, vector<16xf32>,
      %dma_start3A_1287 = arith.constant 0 : i32
      %dma_start3A_1288 = tpu.memref_slice %arg54[%dma_start3A_1287] : memref<106496xf32, #tpu.memory_space<vmem_shared>> -> memref<106496xf32, #tpu.memory_space<vmem_shared>>
      tpu.enqueue_indirect_dma source(%arg19 : memref<128xf32, #tpu.memory_space<vmem>>) target(%dma_start3A_1288 : memref<106496xf32, #tpu.memory_space<vmem_shared>>) offsets(%arg11 : memref<128xi32, #tpu.memory_space<vmem>>) semaphore(%arg72 : memref<!tpu.dma_semaphore, #tpu.memory_space<semaphore_mem>>) {add = true}
      %dma_start3A_1289 = arith.constant 0 : i32
      %dma_start3A_1290 = tpu.memref_slice %arg55[%dma_start3A_1289] : memref<106496xf32, #tpu.memory_space<vmem_shared>> -> memref<106496xf32, #tpu.memory_space<vmem_shared>>
      tpu.enqueue_indirect_dma source(%arg23 : memref<128xf32, #tpu.memory_space<vmem>>) target(%dma_start3A_1290 : memref<106496xf32, #tpu.memory_space<vmem_shared>>) offsets(%arg11 : memref<128xi32, #tpu.memory_space<vmem>>) semaphore(%arg72 : memref<!tpu.dma_semaphore, #tpu.memory_space<semaphore_mem>>) {add = true}
      %dma_start3A_1291 = arith.constant 0 : i32
      %dma_start3A_1292 = tpu.memref_slice %arg56[%dma_start3A_1291] : memref<106496xf32, #tpu.memory_space<vmem_shared>> -> memref<106496xf32, #tpu.memory_space<vmem_shared>>
      tpu.enqueue_indirect_dma source(%arg27 : memref<128xf32, #tpu.memory_space<vmem>>) target(%dma_start3A_1292 : memref<106496xf32, #tpu.memory_space<vmem_shared>>) offsets(%arg11 : memref<128xi32, #tpu.memory_space<vmem>>) semaphore(%arg72 : memref<!tpu.dma_semaphore, #tpu.memory_space<semaphore_mem>>) {add = true}
      %dma_start3A_1293 = arith.constant 0 : i32
      %dma_start3A_1294 = tpu.memref_slice %arg57[%dma_start3A_1293] : memref<106496xf32, #tpu.memory_space<vmem_shared>> -> memref<106496xf32, #tpu.memory_space<vmem_shared>>
      tpu.enqueue_indirect_dma source(%arg19 : memref<128xf32, #tpu.memory_space<vmem>>) target(%dma_start3A_1294 : memref<106496xf32, #tpu.memory_space<vmem_shared>>) offsets(%arg15 : memref<128xi32, #tpu.memory_space<vmem>>) semaphore(%arg72 : memref<!tpu.dma_semaphore, #tpu.memory_space<semaphore_mem>>) {add = true}
      %dma_start3A_1295 = arith.constant 0 : i32
      %dma_start3A_1296 = tpu.memref_slice %arg58[%dma_start3A_1295] : memref<106496xf32, #tpu.memory_space<vmem_shared>> -> memref<106496xf32, #tpu.memory_space<vmem_shared>>
      tpu.enqueue_indirect_dma source(%arg23 : memref<128xf32, #tpu.memory_space<vmem>>) target(%dma_start3A_1296 : memref<106496xf32, #tpu.memory_space<vmem_shared>>) offsets(%arg15 : memref<128xi32, #tpu.memory_space<vmem>>) semaphore(%arg72 : memref<!tpu.dma_semaphore, #tpu.memory_space<semaphore_mem>>) {add = true}
      %dma_start3A_1297 = arith.constant 0 : i32
      %dma_start3A_1298 = tpu.memref_slice %arg59[%dma_start3A_1297] : memref<106496xf32, #tpu.memory_space<vmem_shared>> -> memref<106496xf32, #tpu.memory_space<vmem_shared>>
      tpu.enqueue_indirect_dma source(%arg27 : memref<128xf32, #tpu.memory_space<vmem>>) target(%dma_start3A_1298 : memref<106496xf32, #tpu.memory_space<vmem_shared>>) offsets(%arg15 : memref<128xi32, #tpu.memory_space<vmem>>) semaphore(%arg72 : memref<!tpu.dma_semaphore, #tpu.memory_space<semaphore_mem>>) {add = true}
      %dma_start3A_1299 = arith.constant 0 : i32
      %dma_start3A_1300 = tpu.memref_slice %arg60[%dma_start3A_1299] : memref<106496xf32, #tpu.memory_space<vmem_shared>> -> memref<106496xf32, #tpu.memory_space<vmem_shared>>
      tpu.enqueue_indirect_dma source(%arg41 : memref<128xf32, #tpu.memory_space<vmem>>) target(%dma_start3A_1300 : memref<106496xf32, #tpu.memory_space<vmem_shared>>) offsets(%arg15 : memref<128xi32, #tpu.memory_space<vmem>>) semaphore(%arg72 : memref<!tpu.dma_semaphore, #tpu.memory_space<semaphore_mem>>) {add = true}
      %dma_start3A_1301 = arith.constant 0 : i32
      %dma_start3A_1302 = tpu.memref_slice %arg61[%dma_start3A_1301] : memref<106496xf32, #tpu.memory_space<vmem_shared>> -> memref<106496xf32, #tpu.memory_space<vmem_shared>>
      tpu.enqueue_indirect_dma source(%arg42 : memref<128xf32, #tpu.memory_space<vmem>>) target(%dma_start3A_1302 : memref<106496xf32, #tpu.memory_space<vmem_shared>>) offsets(%arg15 : memref<128xi32, #tpu.memory_space<vmem>>) semaphore(%arg72 : memref<!tpu.dma_semaphore, #tpu.memory_space<semaphore_mem>>) {add = true}
      %dma_start3A_1303 = arith.constant 0 : i32
      %dma_start3A_1304 = tpu.memref_slice %arg62[%dma_start3A_1303] : memref<106496xf32, #tpu.memory_space<vmem_shared>> -> memref<106496xf32, #tpu.memory_space<vmem_shared>>
      tpu.enqueue_indirect_dma source(%arg43 : memref<128xf32, #tpu.memory_space<vmem>>) target(%dma_start3A_1304 : memref<106496xf32, #tpu.memory_space<vmem_shared>>) offsets(%arg15 : memref<128xi32, #tpu.memory_space<vmem>>) semaphore(%arg72 : memref<!tpu.dma_semaphore, #tpu.memory_space<semaphore_mem>>) {add = true}
      %dma_start3A_1305 = arith.constant 0 : i32
      %dma_start3A_1306 = tpu.memref_slice %arg63[%dma_start3A_1305] : memref<106496xf32, #tpu.memory_space<vmem_shared>> -> memref<106496xf32, #tpu.memory_space<vmem_shared>>
      tpu.enqueue_indirect_dma source(%arg44 : memref<128xf32, #tpu.memory_space<vmem>>) target(%dma_start3A_1306 : memref<106496xf32, #tpu.memory_space<vmem_shared>>) offsets(%arg15 : memref<128xi32, #tpu.memory_space<vmem>>) semaphore(%arg72 : memref<!tpu.dma_semaphore, #tpu.memory_space<semaphore_mem>>) {add = true}
      %dma_start3A_1307 = arith.constant 0 : i32
      %dma_start3A_1308 = tpu.memref_slice %arg64[%dma_start3A_1307] : memref<106496xf32, #tpu.memory_space<vmem_shared>> -> memref<106496xf32, #tpu.memory_space<vmem_shared>>
      tpu.enqueue_indirect_dma source(%arg45 : memref<128xf32, #tpu.memory_space<vmem>>) target(%dma_start3A_1308 : memref<106496xf32, #tpu.memory_space<vmem_shared>>) offsets(%arg15 : memref<128xi32, #tpu.memory_space<vmem>>) semaphore(%arg72 : memref<!tpu.dma_semaphore, #tpu.memory_space<semaphore_mem>>) {add = true}
      %dma_start3A_1309 = arith.constant 0 : i32
      %dma_start3A_1310 = tpu.memref_slice %arg65[%dma_start3A_1309] : memref<106496xf32, #tpu.memory_space<vmem_shared>> -> memref<106496xf32, #tpu.memory_space<vmem_shared>>
      tpu.enqueue_indirect_dma source(%arg46 : memref<128xf32, #tpu.memory_space<vmem>>) target(%dma_start3A_1310 : memref<106496xf32, #tpu.memory_space<vmem_shared>>) offsets(%arg15 : memref<128xi32, #tpu.memory_space<vmem>>) semaphore(%arg72 : memref<!tpu.dma_semaphore, #tpu.memory_space<semaphore_mem>>) {add = true}
      %mul3A_1311 = arith.constant 4 : i32
      %mul3A_1312 = arith.muli %scan3A_165, %mul3A_1311 : i32
      %add3A_1313 = arith.constant 3 : i32
      %add3A_1314 = arith.addi %mul3A_1312, %add3A_1313 : i32
      %dma_wait3A_1315 = arith.constant 0 : i32
      %dma_wait3A_1316 = tpu.memref_slice %arg54[%dma_wait3A_1315] : memref<106496xf32, #tpu.memory_space<vmem_shared>> -> memref<106496xf32, #tpu.memory_space<vmem_shared>>
      tpu.wait_indirect_dma semaphore(%arg71 : memref<!tpu.dma_semaphore, #tpu.memory_space<semaphore_mem>>) src(%arg18 : memref<128xf32, #tpu.memory_space<vmem>>) dst(%dma_wait3A_1316 : memref<106496xf32, #tpu.memory_space<vmem_shared>>)
      %dma_wait3A_1317 = arith.constant 0 : i32
      %dma_wait3A_1318 = tpu.memref_slice %arg54[%dma_wait3A_1317] : memref<106496xf32, #tpu.memory_space<vmem_shared>> -> memref<106496xf32, #tpu.memory_space<vmem_shared>>
      tpu.wait_indirect_dma semaphore(%arg71 : memref<!tpu.dma_semaphore, #tpu.memory_space<semaphore_mem>>) src(%arg18 : memref<128xf32, #tpu.memory_space<vmem>>) dst(%dma_wait3A_1318 : memref<106496xf32, #tpu.memory_space<vmem_shared>>)
      %dma_wait3A_1319 = arith.constant 0 : i32
      %dma_wait3A_1320 = tpu.memref_slice %arg54[%dma_wait3A_1319] : memref<106496xf32, #tpu.memory_space<vmem_shared>> -> memref<106496xf32, #tpu.memory_space<vmem_shared>>
      tpu.wait_indirect_dma semaphore(%arg71 : memref<!tpu.dma_semaphore, #tpu.memory_space<semaphore_mem>>) src(%arg18 : memref<128xf32, #tpu.memory_space<vmem>>) dst(%dma_wait3A_1320 : memref<106496xf32, #tpu.memory_space<vmem_shared>>)
      %dma_wait3A_1321 = arith.constant 0 : i32
      %dma_wait3A_1322 = tpu.memref_slice %arg54[%dma_wait3A_1321] : memref<106496xf32, #tpu.memory_space<vmem_shared>> -> memref<106496xf32, #tpu.memory_space<vmem_shared>>
      tpu.wait_indirect_dma semaphore(%arg71 : memref<!tpu.dma_semaphore, #tpu.memory_space<semaphore_mem>>) src(%arg18 : memref<128xf32, #tpu.memory_space<vmem>>) dst(%dma_wait3A_1322 : memref<106496xf32, #tpu.memory_space<vmem_shared>>)
      %dma_wait3A_1323 = arith.constant 0 : i32
      %dma_wait3A_1324 = tpu.memref_slice %arg54[%dma_wait3A_1323] : memref<106496xf32, #tpu.memory_space<vmem_shared>> -> memref<106496xf32, #tpu.memory_space<vmem_shared>>
      tpu.wait_indirect_dma semaphore(%arg71 : memref<!tpu.dma_semaphore, #tpu.memory_space<semaphore_mem>>) src(%arg18 : memref<128xf32, #tpu.memory_space<vmem>>) dst(%dma_wait3A_1324 : memref<106496xf32, #tpu.memory_space<vmem_shared>>)
      %dma_wait3A_1325 = arith.constant 0 : i32
      %dma_wait3A_1326 = tpu.memref_slice %arg54[%dma_wait3A_1325] : memref<106496xf32, #tpu.memory_space<vmem_shared>> -> memref<106496xf32, #tpu.memory_space<vmem_shared>>
      tpu.wait_indirect_dma semaphore(%arg71 : memref<!tpu.dma_semaphore, #tpu.memory_space<semaphore_mem>>) src(%arg18 : memref<128xf32, #tpu.memory_space<vmem>>) dst(%dma_wait3A_1326 : memref<106496xf32, #tpu.memory_space<vmem_shared>>)
      %dma_wait3A_1327 = arith.constant 0 : i32
      %dma_wait3A_1328 = tpu.memref_slice %arg54[%dma_wait3A_1327] : memref<106496xf32, #tpu.memory_space<vmem_shared>> -> memref<106496xf32, #tpu.memory_space<vmem_shared>>
      tpu.wait_indirect_dma semaphore(%arg71 : memref<!tpu.dma_semaphore, #tpu.memory_space<semaphore_mem>>) src(%arg18 : memref<128xf32, #tpu.memory_space<vmem>>) dst(%dma_wait3A_1328 : memref<106496xf32, #tpu.memory_space<vmem_shared>>)
      %dma_wait3A_1329 = arith.constant 0 : i32
      %dma_wait3A_1330 = tpu.memref_slice %arg54[%dma_wait3A_1329] : memref<106496xf32, #tpu.memory_space<vmem_shared>> -> memref<106496xf32, #tpu.memory_space<vmem_shared>>
      tpu.wait_indirect_dma semaphore(%arg71 : memref<!tpu.dma_semaphore, #tpu.memory_space<semaphore_mem>>) src(%arg18 : memref<128xf32, #tpu.memory_space<vmem>>) dst(%dma_wait3A_1330 : memref<106496xf32, #tpu.memory_space<vmem_shared>>)
      %dma_wait3A_1331 = arith.constant 0 : i32
      %dma_wait3A_1332 = tpu.memref_slice %arg54[%dma_wait3A_1331] : memref<106496xf32, #tpu.memory_space<vmem_shared>> -> memref<106496xf32, #tpu.memory_space<vmem_shared>>
      tpu.wait_indirect_dma semaphore(%arg71 : memref<!tpu.dma_semaphore, #tpu.memory_space<semaphore_mem>>) src(%arg18 : memref<128xf32, #tpu.memory_space<vmem>>) dst(%dma_wait3A_1332 : memref<106496xf32, #tpu.memory_space<vmem_shared>>)
      %dma_wait3A_1333 = arith.constant 0 : i32
      %dma_wait3A_1334 = tpu.memref_slice %arg54[%dma_wait3A_1333] : memref<106496xf32, #tpu.memory_space<vmem_shared>> -> memref<106496xf32, #tpu.memory_space<vmem_shared>>
      tpu.wait_indirect_dma semaphore(%arg71 : memref<!tpu.dma_semaphore, #tpu.memory_space<semaphore_mem>>) src(%arg18 : memref<128xf32, #tpu.memory_space<vmem>>) dst(%dma_wait3A_1334 : memref<106496xf32, #tpu.memory_space<vmem_shared>>)
      %dma_wait3A_1335 = arith.constant 0 : i32
      %dma_wait3A_1336 = tpu.memref_slice %arg54[%dma_wait3A_1335] : memref<106496xf32, #tpu.memory_space<vmem_shared>> -> memref<106496xf32, #tpu.memory_space<vmem_shared>>
      tpu.wait_indirect_dma semaphore(%arg71 : memref<!tpu.dma_semaphore, #tpu.memory_space<semaphore_mem>>) src(%arg18 : memref<128xf32, #tpu.memory_space<vmem>>) dst(%dma_wait3A_1336 : memref<106496xf32, #tpu.memory_space<vmem_shared>>)
      %dma_wait3A_1337 = arith.constant 0 : i32
      %dma_wait3A_1338 = tpu.memref_slice %arg54[%dma_wait3A_1337] : memref<106496xf32, #tpu.memory_space<vmem_shared>> -> memref<106496xf32, #tpu.memory_space<vmem_shared>>
      tpu.wait_indirect_dma semaphore(%arg71 : memref<!tpu.dma_semaphore, #tpu.memory_space<semaphore_mem>>) src(%arg18 : memref<128xf32, #tpu.memory_space<vmem>>) dst(%dma_wait3A_1338 : memref<106496xf32, #tpu.memory_space<vmem_shared>>)
      %add3A_1339 = arith.constant 2 : i32
      %add3A_1340 = arith.addi %add3A_1314, %add3A_1339 : i32
      %lt3A_1341 = arith.constant 1564 : i32
      %lt3A_1342 = arith.cmpi slt, %add3A_1340, %lt3A_1341 : i32
      %convert_element_type3A_1343 = arith.extui %lt3A_1342 : i1 to i32
      %cond3A_1344 = arith.constant 0 : i32
      %cond3A_1345 = arith.cmpi ne, %convert_element_type3A_1343, %cond3A_1344 : i32
      scf.if %cond3A_1345 {
        %add3A_1702 = arith.constant 2 : i32
        %add3A_1703 = arith.addi %add3A_1314, %add3A_1702 : i32
        %mul3A_1704 = arith.constant 128 : i32
        %mul3A_1705 = arith.muli %add3A_1703, %mul3A_1704 : i32
        %add3A_1706 = arith.addi %mul3A_4, %mul3A_1705 : i32
        %dma_start3A_1707 = tpu.memref_slice %arg2[%add3A_1706] : memref<6406144xf32, #tpu.memory_space<hbm>> -> memref<128xf32, #tpu.memory_space<hbm>>
        %dma_start3A_1708 = tpu.memref_slice %arg2[%add3A_1706] : memref<6406144xf32, #tpu.memory_space<hbm>> -> memref<128xf32, #tpu.memory_space<hbm>>
        tpu.enqueue_dma source(%dma_start3A_1708 : memref<128xf32, #tpu.memory_space<hbm>>) target(%arg18 : memref<128xf32, #tpu.memory_space<vmem>>) target_semaphore(%arg67 : memref<!tpu.dma_semaphore, #tpu.memory_space<semaphore_mem>>)
        %dma_start3A_1709 = tpu.memref_slice %arg3[%add3A_1706] : memref<6406144xf32, #tpu.memory_space<hbm>> -> memref<128xf32, #tpu.memory_space<hbm>>
        %dma_start3A_1710 = tpu.memref_slice %arg3[%add3A_1706] : memref<6406144xf32, #tpu.memory_space<hbm>> -> memref<128xf32, #tpu.memory_space<hbm>>
        tpu.enqueue_dma source(%dma_start3A_1710 : memref<128xf32, #tpu.memory_space<hbm>>) target(%arg22 : memref<128xf32, #tpu.memory_space<vmem>>) target_semaphore(%arg67 : memref<!tpu.dma_semaphore, #tpu.memory_space<semaphore_mem>>)
        %dma_start3A_1711 = tpu.memref_slice %arg4[%add3A_1706] : memref<6406144xf32, #tpu.memory_space<hbm>> -> memref<128xf32, #tpu.memory_space<hbm>>
        %dma_start3A_1712 = tpu.memref_slice %arg4[%add3A_1706] : memref<6406144xf32, #tpu.memory_space<hbm>> -> memref<128xf32, #tpu.memory_space<hbm>>
        tpu.enqueue_dma source(%dma_start3A_1712 : memref<128xf32, #tpu.memory_space<hbm>>) target(%arg26 : memref<128xf32, #tpu.memory_space<vmem>>) target_semaphore(%arg67 : memref<!tpu.dma_semaphore, #tpu.memory_space<semaphore_mem>>)
        %dma_start3A_1713 = tpu.memref_slice %arg5[%add3A_1706] : memref<6406144xi32, #tpu.memory_space<hbm>> -> memref<128xi32, #tpu.memory_space<hbm>>
        %dma_start3A_1714 = tpu.memref_slice %arg5[%add3A_1706] : memref<6406144xi32, #tpu.memory_space<hbm>> -> memref<128xi32, #tpu.memory_space<hbm>>
        tpu.enqueue_dma source(%dma_start3A_1714 : memref<128xi32, #tpu.memory_space<hbm>>) target(%arg10 : memref<128xi32, #tpu.memory_space<vmem>>) target_semaphore(%arg67 : memref<!tpu.dma_semaphore, #tpu.memory_space<semaphore_mem>>)
        %dma_start3A_1715 = tpu.memref_slice %arg6[%add3A_1706] : memref<6406144xi32, #tpu.memory_space<hbm>> -> memref<128xi32, #tpu.memory_space<hbm>>
        %dma_start3A_1716 = tpu.memref_slice %arg6[%add3A_1706] : memref<6406144xi32, #tpu.memory_space<hbm>> -> memref<128xi32, #tpu.memory_space<hbm>>
        tpu.enqueue_dma source(%dma_start3A_1716 : memref<128xi32, #tpu.memory_space<hbm>>) target(%arg14 : memref<128xi32, #tpu.memory_space<vmem>>) target_semaphore(%arg67 : memref<!tpu.dma_semaphore, #tpu.memory_space<semaphore_mem>>)
      } else {
      }
      %dma_wait3A_1346 = arith.constant 0 : i32
      %dma_wait3A_1347 = tpu.memref_slice %arg2[%dma_wait3A_1346] : memref<6406144xf32, #tpu.memory_space<hbm>> -> memref<128xf32, #tpu.memory_space<hbm>>
      %dma_wait3A_1348 = arith.constant 0 : i32
      %dma_wait3A_1349 = tpu.memref_slice %arg2[%dma_wait3A_1348] : memref<6406144xf32, #tpu.memory_space<hbm>> -> memref<128xf32, #tpu.memory_space<hbm>>
      tpu.wait_dma2 semaphore(%arg69 : memref<!tpu.dma_semaphore, #tpu.memory_space<semaphore_mem>>) src(%dma_wait3A_1349 : memref<128xf32, #tpu.memory_space<hbm>>) dst(%arg20 : memref<128xf32, #tpu.memory_space<vmem>>)
      %dma_wait3A_1350 = arith.constant 0 : i32
      %dma_wait3A_1351 = tpu.memref_slice %arg2[%dma_wait3A_1350] : memref<6406144xf32, #tpu.memory_space<hbm>> -> memref<128xf32, #tpu.memory_space<hbm>>
      %dma_wait3A_1352 = arith.constant 0 : i32
      %dma_wait3A_1353 = tpu.memref_slice %arg2[%dma_wait3A_1352] : memref<6406144xf32, #tpu.memory_space<hbm>> -> memref<128xf32, #tpu.memory_space<hbm>>
      tpu.wait_dma2 semaphore(%arg69 : memref<!tpu.dma_semaphore, #tpu.memory_space<semaphore_mem>>) src(%dma_wait3A_1353 : memref<128xf32, #tpu.memory_space<hbm>>) dst(%arg24 : memref<128xf32, #tpu.memory_space<vmem>>)
      %dma_wait3A_1354 = arith.constant 0 : i32
      %dma_wait3A_1355 = tpu.memref_slice %arg2[%dma_wait3A_1354] : memref<6406144xf32, #tpu.memory_space<hbm>> -> memref<128xf32, #tpu.memory_space<hbm>>
      %dma_wait3A_1356 = arith.constant 0 : i32
      %dma_wait3A_1357 = tpu.memref_slice %arg2[%dma_wait3A_1356] : memref<6406144xf32, #tpu.memory_space<hbm>> -> memref<128xf32, #tpu.memory_space<hbm>>
      tpu.wait_dma2 semaphore(%arg69 : memref<!tpu.dma_semaphore, #tpu.memory_space<semaphore_mem>>) src(%dma_wait3A_1357 : memref<128xf32, #tpu.memory_space<hbm>>) dst(%arg28 : memref<128xf32, #tpu.memory_space<vmem>>)
      %dma_wait3A_1358 = arith.constant 0 : i32
      %dma_wait3A_1359 = tpu.memref_slice %arg5[%dma_wait3A_1358] : memref<6406144xi32, #tpu.memory_space<hbm>> -> memref<128xi32, #tpu.memory_space<hbm>>
      %dma_wait3A_1360 = arith.constant 0 : i32
      %dma_wait3A_1361 = tpu.memref_slice %arg5[%dma_wait3A_1360] : memref<6406144xi32, #tpu.memory_space<hbm>> -> memref<128xi32, #tpu.memory_space<hbm>>
      tpu.wait_dma2 semaphore(%arg69 : memref<!tpu.dma_semaphore, #tpu.memory_space<semaphore_mem>>) src(%dma_wait3A_1361 : memref<128xi32, #tpu.memory_space<hbm>>) dst(%arg12 : memref<128xi32, #tpu.memory_space<vmem>>)
      %dma_wait3A_1362 = arith.constant 0 : i32
      %dma_wait3A_1363 = tpu.memref_slice %arg5[%dma_wait3A_1362] : memref<6406144xi32, #tpu.memory_space<hbm>> -> memref<128xi32, #tpu.memory_space<hbm>>
      %dma_wait3A_1364 = arith.constant 0 : i32
      %dma_wait3A_1365 = tpu.memref_slice %arg5[%dma_wait3A_1364] : memref<6406144xi32, #tpu.memory_space<hbm>> -> memref<128xi32, #tpu.memory_space<hbm>>
      tpu.wait_dma2 semaphore(%arg69 : memref<!tpu.dma_semaphore, #tpu.memory_space<semaphore_mem>>) src(%dma_wait3A_1365 : memref<128xi32, #tpu.memory_space<hbm>>) dst(%arg16 : memref<128xi32, #tpu.memory_space<vmem>>)
      %get3A_1366 = arith.constant 0 : index
      %get3A_1367 = tpu.vector_load %arg20[%get3A_1366] {strides = array<i32>} : memref<128xf32, #tpu.memory_space<vmem>>, vector<16xf32>,
      %get3A_1368 = vector.shape_cast %get3A_1367 : vector<16xf32> to vector<16xf32>
      %get3A_1369 = arith.constant 0 : index
      %get3A_1370 = tpu.vector_load %arg24[%get3A_1369] {strides = array<i32>} : memref<128xf32, #tpu.memory_space<vmem>>, vector<16xf32>,
      %get3A_1371 = vector.shape_cast %get3A_1370 : vector<16xf32> to vector<16xf32>
      %get3A_1372 = arith.constant 0 : index
      %get3A_1373 = tpu.vector_load %arg28[%get3A_1372] {strides = array<i32>} : memref<128xf32, #tpu.memory_space<vmem>>, vector<16xf32>,
      %get3A_1374 = vector.shape_cast %get3A_1373 : vector<16xf32> to vector<16xf32>
      %mul3A_1375 = arith.mulf %get3A_1368, %get3A_1368 : vector<16xf32>
      %swap3A_1376 = arith.constant 0 : index
      %swap3A_1377 = tpu.vector_load %arg47[%swap3A_1376] {strides = array<i32>} : memref<128xf32, #tpu.memory_space<vmem>>, vector<16xf32>,
      %swap3A_1378 = vector.shape_cast %swap3A_1377 : vector<16xf32> to vector<16xf32>
      %swap3A_1379 = vector.shape_cast %mul3A_1375 : vector<16xf32> to vector<16xf32>
      tpu.vector_store %arg47[%swap3A_1376], %swap3A_1379 {strides = array<i32>} : memref<128xf32, #tpu.memory_space<vmem>>, vector<16xf32>,
      %mul3A_1380 = arith.mulf %get3A_1371, %get3A_1371 : vector<16xf32>
      %swap3A_1381 = arith.constant 0 : index
      %swap3A_1382 = tpu.vector_load %arg48[%swap3A_1381] {strides = array<i32>} : memref<128xf32, #tpu.memory_space<vmem>>, vector<16xf32>,
      %swap3A_1383 = vector.shape_cast %swap3A_1382 : vector<16xf32> to vector<16xf32>
      %swap3A_1384 = vector.shape_cast %mul3A_1380 : vector<16xf32> to vector<16xf32>
      tpu.vector_store %arg48[%swap3A_1381], %swap3A_1384 {strides = array<i32>} : memref<128xf32, #tpu.memory_space<vmem>>, vector<16xf32>,
      %mul3A_1385 = arith.mulf %get3A_1374, %get3A_1374 : vector<16xf32>
      %swap3A_1386 = arith.constant 0 : index
      %swap3A_1387 = tpu.vector_load %arg49[%swap3A_1386] {strides = array<i32>} : memref<128xf32, #tpu.memory_space<vmem>>, vector<16xf32>,
      %swap3A_1388 = vector.shape_cast %swap3A_1387 : vector<16xf32> to vector<16xf32>
      %swap3A_1389 = vector.shape_cast %mul3A_1385 : vector<16xf32> to vector<16xf32>
      tpu.vector_store %arg49[%swap3A_1386], %swap3A_1389 {strides = array<i32>} : memref<128xf32, #tpu.memory_space<vmem>>, vector<16xf32>,
      %mul3A_1390 = arith.mulf %get3A_1368, %get3A_1371 : vector<16xf32>
      %swap3A_1391 = arith.constant 0 : index
      %swap3A_1392 = tpu.vector_load %arg50[%swap3A_1391] {strides = array<i32>} : memref<128xf32, #tpu.memory_space<vmem>>, vector<16xf32>,
      %swap3A_1393 = vector.shape_cast %swap3A_1392 : vector<16xf32> to vector<16xf32>
      %swap3A_1394 = vector.shape_cast %mul3A_1390 : vector<16xf32> to vector<16xf32>
      tpu.vector_store %arg50[%swap3A_1391], %swap3A_1394 {strides = array<i32>} : memref<128xf32, #tpu.memory_space<vmem>>, vector<16xf32>,
      %mul3A_1395 = arith.mulf %get3A_1371, %get3A_1374 : vector<16xf32>
      %swap3A_1396 = arith.constant 0 : index
      %swap3A_1397 = tpu.vector_load %arg51[%swap3A_1396] {strides = array<i32>} : memref<128xf32, #tpu.memory_space<vmem>>, vector<16xf32>,
      %swap3A_1398 = vector.shape_cast %swap3A_1397 : vector<16xf32> to vector<16xf32>
      %swap3A_1399 = vector.shape_cast %mul3A_1395 : vector<16xf32> to vector<16xf32>
      tpu.vector_store %arg51[%swap3A_1396], %swap3A_1399 {strides = array<i32>} : memref<128xf32, #tpu.memory_space<vmem>>, vector<16xf32>,
      %mul3A_1400 = arith.mulf %get3A_1374, %get3A_1368 : vector<16xf32>
      %swap3A_1401 = arith.constant 0 : index
      %swap3A_1402 = tpu.vector_load %arg52[%swap3A_1401] {strides = array<i32>} : memref<128xf32, #tpu.memory_space<vmem>>, vector<16xf32>,
      %swap3A_1403 = vector.shape_cast %swap3A_1402 : vector<16xf32> to vector<16xf32>
      %swap3A_1404 = vector.shape_cast %mul3A_1400 : vector<16xf32> to vector<16xf32>
      tpu.vector_store %arg52[%swap3A_1401], %swap3A_1404 {strides = array<i32>} : memref<128xf32, #tpu.memory_space<vmem>>, vector<16xf32>,
      %get3A_1405 = arith.constant 16 : index
      %get3A_1406 = tpu.vector_load %arg20[%get3A_1405] {strides = array<i32>} : memref<128xf32, #tpu.memory_space<vmem>>, vector<16xf32>,
      %get3A_1407 = vector.shape_cast %get3A_1406 : vector<16xf32> to vector<16xf32>
      %get3A_1408 = arith.constant 16 : index
      %get3A_1409 = tpu.vector_load %arg24[%get3A_1408] {strides = array<i32>} : memref<128xf32, #tpu.memory_space<vmem>>, vector<16xf32>,
      %get3A_1410 = vector.shape_cast %get3A_1409 : vector<16xf32> to vector<16xf32>
      %get3A_1411 = arith.constant 16 : index
      %get3A_1412 = tpu.vector_load %arg28[%get3A_1411] {strides = array<i32>} : memref<128xf32, #tpu.memory_space<vmem>>, vector<16xf32>,
      %get3A_1413 = vector.shape_cast %get3A_1412 : vector<16xf32> to vector<16xf32>
      %mul3A_1414 = arith.mulf %get3A_1407, %get3A_1407 : vector<16xf32>
      %swap3A_1415 = arith.constant 16 : index
      %swap3A_1416 = tpu.vector_load %arg47[%swap3A_1415] {strides = array<i32>} : memref<128xf32, #tpu.memory_space<vmem>>, vector<16xf32>,
      %swap3A_1417 = vector.shape_cast %swap3A_1416 : vector<16xf32> to vector<16xf32>
      %swap3A_1418 = vector.shape_cast %mul3A_1414 : vector<16xf32> to vector<16xf32>
      tpu.vector_store %arg47[%swap3A_1415], %swap3A_1418 {strides = array<i32>} : memref<128xf32, #tpu.memory_space<vmem>>, vector<16xf32>,
      %mul3A_1419 = arith.mulf %get3A_1410, %get3A_1410 : vector<16xf32>
      %swap3A_1420 = arith.constant 16 : index
      %swap3A_1421 = tpu.vector_load %arg48[%swap3A_1420] {strides = array<i32>} : memref<128xf32, #tpu.memory_space<vmem>>, vector<16xf32>,
      %swap3A_1422 = vector.shape_cast %swap3A_1421 : vector<16xf32> to vector<16xf32>
      %swap3A_1423 = vector.shape_cast %mul3A_1419 : vector<16xf32> to vector<16xf32>
      tpu.vector_store %arg48[%swap3A_1420], %swap3A_1423 {strides = array<i32>} : memref<128xf32, #tpu.memory_space<vmem>>, vector<16xf32>,
      %mul3A_1424 = arith.mulf %get3A_1413, %get3A_1413 : vector<16xf32>
      %swap3A_1425 = arith.constant 16 : index
      %swap3A_1426 = tpu.vector_load %arg49[%swap3A_1425] {strides = array<i32>} : memref<128xf32, #tpu.memory_space<vmem>>, vector<16xf32>,
      %swap3A_1427 = vector.shape_cast %swap3A_1426 : vector<16xf32> to vector<16xf32>
      %swap3A_1428 = vector.shape_cast %mul3A_1424 : vector<16xf32> to vector<16xf32>
      tpu.vector_store %arg49[%swap3A_1425], %swap3A_1428 {strides = array<i32>} : memref<128xf32, #tpu.memory_space<vmem>>, vector<16xf32>,
      %mul3A_1429 = arith.mulf %get3A_1407, %get3A_1410 : vector<16xf32>
      %swap3A_1430 = arith.constant 16 : index
      %swap3A_1431 = tpu.vector_load %arg50[%swap3A_1430] {strides = array<i32>} : memref<128xf32, #tpu.memory_space<vmem>>, vector<16xf32>,
      %swap3A_1432 = vector.shape_cast %swap3A_1431 : vector<16xf32> to vector<16xf32>
      %swap3A_1433 = vector.shape_cast %mul3A_1429 : vector<16xf32> to vector<16xf32>
      tpu.vector_store %arg50[%swap3A_1430], %swap3A_1433 {strides = array<i32>} : memref<128xf32, #tpu.memory_space<vmem>>, vector<16xf32>,
      %mul3A_1434 = arith.mulf %get3A_1410, %get3A_1413 : vector<16xf32>
      %swap3A_1435 = arith.constant 16 : index
      %swap3A_1436 = tpu.vector_load %arg51[%swap3A_1435] {strides = array<i32>} : memref<128xf32, #tpu.memory_space<vmem>>, vector<16xf32>,
      %swap3A_1437 = vector.shape_cast %swap3A_1436 : vector<16xf32> to vector<16xf32>
      %swap3A_1438 = vector.shape_cast %mul3A_1434 : vector<16xf32> to vector<16xf32>
      tpu.vector_store %arg51[%swap3A_1435], %swap3A_1438 {strides = array<i32>} : memref<128xf32, #tpu.memory_space<vmem>>, vector<16xf32>,
      %mul3A_1439 = arith.mulf %get3A_1413, %get3A_1407 : vector<16xf32>
      %swap3A_1440 = arith.constant 16 : index
      %swap3A_1441 = tpu.vector_load %arg52[%swap3A_1440] {strides = array<i32>} : memref<128xf32, #tpu.memory_space<vmem>>, vector<16xf32>,
      %swap3A_1442 = vector.shape_cast %swap3A_1441 : vector<16xf32> to vector<16xf32>
      %swap3A_1443 = vector.shape_cast %mul3A_1439 : vector<16xf32> to vector<16xf32>
      tpu.vector_store %arg52[%swap3A_1440], %swap3A_1443 {strides = array<i32>} : memref<128xf32, #tpu.memory_space<vmem>>, vector<16xf32>,
      %get3A_1444 = arith.constant 32 : index
      %get3A_1445 = tpu.vector_load %arg20[%get3A_1444] {strides = array<i32>} : memref<128xf32, #tpu.memory_space<vmem>>, vector<16xf32>,
      %get3A_1446 = vector.shape_cast %get3A_1445 : vector<16xf32> to vector<16xf32>
      %get3A_1447 = arith.constant 32 : index
      %get3A_1448 = tpu.vector_load %arg24[%get3A_1447] {strides = array<i32>} : memref<128xf32, #tpu.memory_space<vmem>>, vector<16xf32>,
      %get3A_1449 = vector.shape_cast %get3A_1448 : vector<16xf32> to vector<16xf32>
      %get3A_1450 = arith.constant 32 : index
      %get3A_1451 = tpu.vector_load %arg28[%get3A_1450] {strides = array<i32>} : memref<128xf32, #tpu.memory_space<vmem>>, vector<16xf32>,
      %get3A_1452 = vector.shape_cast %get3A_1451 : vector<16xf32> to vector<16xf32>
      %mul3A_1453 = arith.mulf %get3A_1446, %get3A_1446 : vector<16xf32>
      %swap3A_1454 = arith.constant 32 : index
      %swap3A_1455 = tpu.vector_load %arg47[%swap3A_1454] {strides = array<i32>} : memref<128xf32, #tpu.memory_space<vmem>>, vector<16xf32>,
      %swap3A_1456 = vector.shape_cast %swap3A_1455 : vector<16xf32> to vector<16xf32>
      %swap3A_1457 = vector.shape_cast %mul3A_1453 : vector<16xf32> to vector<16xf32>
      tpu.vector_store %arg47[%swap3A_1454], %swap3A_1457 {strides = array<i32>} : memref<128xf32, #tpu.memory_space<vmem>>, vector<16xf32>,
      %mul3A_1458 = arith.mulf %get3A_1449, %get3A_1449 : vector<16xf32>
      %swap3A_1459 = arith.constant 32 : index
      %swap3A_1460 = tpu.vector_load %arg48[%swap3A_1459] {strides = array<i32>} : memref<128xf32, #tpu.memory_space<vmem>>, vector<16xf32>,
      %swap3A_1461 = vector.shape_cast %swap3A_1460 : vector<16xf32> to vector<16xf32>
      %swap3A_1462 = vector.shape_cast %mul3A_1458 : vector<16xf32> to vector<16xf32>
      tpu.vector_store %arg48[%swap3A_1459], %swap3A_1462 {strides = array<i32>} : memref<128xf32, #tpu.memory_space<vmem>>, vector<16xf32>,
      %mul3A_1463 = arith.mulf %get3A_1452, %get3A_1452 : vector<16xf32>
      %swap3A_1464 = arith.constant 32 : index
      %swap3A_1465 = tpu.vector_load %arg49[%swap3A_1464] {strides = array<i32>} : memref<128xf32, #tpu.memory_space<vmem>>, vector<16xf32>,
      %swap3A_1466 = vector.shape_cast %swap3A_1465 : vector<16xf32> to vector<16xf32>
      %swap3A_1467 = vector.shape_cast %mul3A_1463 : vector<16xf32> to vector<16xf32>
      tpu.vector_store %arg49[%swap3A_1464], %swap3A_1467 {strides = array<i32>} : memref<128xf32, #tpu.memory_space<vmem>>, vector<16xf32>,
      %mul3A_1468 = arith.mulf %get3A_1446, %get3A_1449 : vector<16xf32>
      %swap3A_1469 = arith.constant 32 : index
      %swap3A_1470 = tpu.vector_load %arg50[%swap3A_1469] {strides = array<i32>} : memref<128xf32, #tpu.memory_space<vmem>>, vector<16xf32>,
      %swap3A_1471 = vector.shape_cast %swap3A_1470 : vector<16xf32> to vector<16xf32>
      %swap3A_1472 = vector.shape_cast %mul3A_1468 : vector<16xf32> to vector<16xf32>
      tpu.vector_store %arg50[%swap3A_1469], %swap3A_1472 {strides = array<i32>} : memref<128xf32, #tpu.memory_space<vmem>>, vector<16xf32>,
      %mul3A_1473 = arith.mulf %get3A_1449, %get3A_1452 : vector<16xf32>
      %swap3A_1474 = arith.constant 32 : index
      %swap3A_1475 = tpu.vector_load %arg51[%swap3A_1474] {strides = array<i32>} : memref<128xf32, #tpu.memory_space<vmem>>, vector<16xf32>,
      %swap3A_1476 = vector.shape_cast %swap3A_1475 : vector<16xf32> to vector<16xf32>
      %swap3A_1477 = vector.shape_cast %mul3A_1473 : vector<16xf32> to vector<16xf32>
      tpu.vector_store %arg51[%swap3A_1474], %swap3A_1477 {strides = array<i32>} : memref<128xf32, #tpu.memory_space<vmem>>, vector<16xf32>,
      %mul3A_1478 = arith.mulf %get3A_1452, %get3A_1446 : vector<16xf32>
      %swap3A_1479 = arith.constant 32 : index
      %swap3A_1480 = tpu.vector_load %arg52[%swap3A_1479] {strides = array<i32>} : memref<128xf32, #tpu.memory_space<vmem>>, vector<16xf32>,
      %swap3A_1481 = vector.shape_cast %swap3A_1480 : vector<16xf32> to vector<16xf32>
      %swap3A_1482 = vector.shape_cast %mul3A_1478 : vector<16xf32> to vector<16xf32>
      tpu.vector_store %arg52[%swap3A_1479], %swap3A_1482 {strides = array<i32>} : memref<128xf32, #tpu.memory_space<vmem>>, vector<16xf32>,
      %get3A_1483 = arith.constant 48 : index
      %get3A_1484 = tpu.vector_load %arg20[%get3A_1483] {strides = array<i32>} : memref<128xf32, #tpu.memory_space<vmem>>, vector<16xf32>,
      %get3A_1485 = vector.shape_cast %get3A_1484 : vector<16xf32> to vector<16xf32>
      %get3A_1486 = arith.constant 48 : index
      %get3A_1487 = tpu.vector_load %arg24[%get3A_1486] {strides = array<i32>} : memref<128xf32, #tpu.memory_space<vmem>>, vector<16xf32>,
      %get3A_1488 = vector.shape_cast %get3A_1487 : vector<16xf32> to vector<16xf32>
      %get3A_1489 = arith.constant 48 : index
      %get3A_1490 = tpu.vector_load %arg28[%get3A_1489] {strides = array<i32>} : memref<128xf32, #tpu.memory_space<vmem>>, vector<16xf32>,
      %get3A_1491 = vector.shape_cast %get3A_1490 : vector<16xf32> to vector<16xf32>
      %mul3A_1492 = arith.mulf %get3A_1485, %get3A_1485 : vector<16xf32>
      %swap3A_1493 = arith.constant 48 : index
      %swap3A_1494 = tpu.vector_load %arg47[%swap3A_1493] {strides = array<i32>} : memref<128xf32, #tpu.memory_space<vmem>>, vector<16xf32>,
      %swap3A_1495 = vector.shape_cast %swap3A_1494 : vector<16xf32> to vector<16xf32>
      %swap3A_1496 = vector.shape_cast %mul3A_1492 : vector<16xf32> to vector<16xf32>
      tpu.vector_store %arg47[%swap3A_1493], %swap3A_1496 {strides = array<i32>} : memref<128xf32, #tpu.memory_space<vmem>>, vector<16xf32>,
      %mul3A_1497 = arith.mulf %get3A_1488, %get3A_1488 : vector<16xf32>
      %swap3A_1498 = arith.constant 48 : index
      %swap3A_1499 = tpu.vector_load %arg48[%swap3A_1498] {strides = array<i32>} : memref<128xf32, #tpu.memory_space<vmem>>, vector<16xf32>,
      %swap3A_1500 = vector.shape_cast %swap3A_1499 : vector<16xf32> to vector<16xf32>
      %swap3A_1501 = vector.shape_cast %mul3A_1497 : vector<16xf32> to vector<16xf32>
      tpu.vector_store %arg48[%swap3A_1498], %swap3A_1501 {strides = array<i32>} : memref<128xf32, #tpu.memory_space<vmem>>, vector<16xf32>,
      %mul3A_1502 = arith.mulf %get3A_1491, %get3A_1491 : vector<16xf32>
      %swap3A_1503 = arith.constant 48 : index
      %swap3A_1504 = tpu.vector_load %arg49[%swap3A_1503] {strides = array<i32>} : memref<128xf32, #tpu.memory_space<vmem>>, vector<16xf32>,
      %swap3A_1505 = vector.shape_cast %swap3A_1504 : vector<16xf32> to vector<16xf32>
      %swap3A_1506 = vector.shape_cast %mul3A_1502 : vector<16xf32> to vector<16xf32>
      tpu.vector_store %arg49[%swap3A_1503], %swap3A_1506 {strides = array<i32>} : memref<128xf32, #tpu.memory_space<vmem>>, vector<16xf32>,
      %mul3A_1507 = arith.mulf %get3A_1485, %get3A_1488 : vector<16xf32>
      %swap3A_1508 = arith.constant 48 : index
      %swap3A_1509 = tpu.vector_load %arg50[%swap3A_1508] {strides = array<i32>} : memref<128xf32, #tpu.memory_space<vmem>>, vector<16xf32>,
      %swap3A_1510 = vector.shape_cast %swap3A_1509 : vector<16xf32> to vector<16xf32>
      %swap3A_1511 = vector.shape_cast %mul3A_1507 : vector<16xf32> to vector<16xf32>
      tpu.vector_store %arg50[%swap3A_1508], %swap3A_1511 {strides = array<i32>} : memref<128xf32, #tpu.memory_space<vmem>>, vector<16xf32>,
      %mul3A_1512 = arith.mulf %get3A_1488, %get3A_1491 : vector<16xf32>
      %swap3A_1513 = arith.constant 48 : index
      %swap3A_1514 = tpu.vector_load %arg51[%swap3A_1513] {strides = array<i32>} : memref<128xf32, #tpu.memory_space<vmem>>, vector<16xf32>,
      %swap3A_1515 = vector.shape_cast %swap3A_1514 : vector<16xf32> to vector<16xf32>
      %swap3A_1516 = vector.shape_cast %mul3A_1512 : vector<16xf32> to vector<16xf32>
      tpu.vector_store %arg51[%swap3A_1513], %swap3A_1516 {strides = array<i32>} : memref<128xf32, #tpu.memory_space<vmem>>, vector<16xf32>,
      %mul3A_1517 = arith.mulf %get3A_1491, %get3A_1485 : vector<16xf32>
      %swap3A_1518 = arith.constant 48 : index
      %swap3A_1519 = tpu.vector_load %arg52[%swap3A_1518] {strides = array<i32>} : memref<128xf32, #tpu.memory_space<vmem>>, vector<16xf32>,
      %swap3A_1520 = vector.shape_cast %swap3A_1519 : vector<16xf32> to vector<16xf32>
      %swap3A_1521 = vector.shape_cast %mul3A_1517 : vector<16xf32> to vector<16xf32>
      tpu.vector_store %arg52[%swap3A_1518], %swap3A_1521 {strides = array<i32>} : memref<128xf32, #tpu.memory_space<vmem>>, vector<16xf32>,
      %get3A_1522 = arith.constant 64 : index
      %get3A_1523 = tpu.vector_load %arg20[%get3A_1522] {strides = array<i32>} : memref<128xf32, #tpu.memory_space<vmem>>, vector<16xf32>,
      %get3A_1524 = vector.shape_cast %get3A_1523 : vector<16xf32> to vector<16xf32>
      %get3A_1525 = arith.constant 64 : index
      %get3A_1526 = tpu.vector_load %arg24[%get3A_1525] {strides = array<i32>} : memref<128xf32, #tpu.memory_space<vmem>>, vector<16xf32>,
      %get3A_1527 = vector.shape_cast %get3A_1526 : vector<16xf32> to vector<16xf32>
      %get3A_1528 = arith.constant 64 : index
      %get3A_1529 = tpu.vector_load %arg28[%get3A_1528] {strides = array<i32>} : memref<128xf32, #tpu.memory_space<vmem>>, vector<16xf32>,
      %get3A_1530 = vector.shape_cast %get3A_1529 : vector<16xf32> to vector<16xf32>
      %mul3A_1531 = arith.mulf %get3A_1524, %get3A_1524 : vector<16xf32>
      %swap3A_1532 = arith.constant 64 : index
      %swap3A_1533 = tpu.vector_load %arg47[%swap3A_1532] {strides = array<i32>} : memref<128xf32, #tpu.memory_space<vmem>>, vector<16xf32>,
      %swap3A_1534 = vector.shape_cast %swap3A_1533 : vector<16xf32> to vector<16xf32>
      %swap3A_1535 = vector.shape_cast %mul3A_1531 : vector<16xf32> to vector<16xf32>
      tpu.vector_store %arg47[%swap3A_1532], %swap3A_1535 {strides = array<i32>} : memref<128xf32, #tpu.memory_space<vmem>>, vector<16xf32>,
      %mul3A_1536 = arith.mulf %get3A_1527, %get3A_1527 : vector<16xf32>
      %swap3A_1537 = arith.constant 64 : index
      %swap3A_1538 = tpu.vector_load %arg48[%swap3A_1537] {strides = array<i32>} : memref<128xf32, #tpu.memory_space<vmem>>, vector<16xf32>,
      %swap3A_1539 = vector.shape_cast %swap3A_1538 : vector<16xf32> to vector<16xf32>
      %swap3A_1540 = vector.shape_cast %mul3A_1536 : vector<16xf32> to vector<16xf32>
      tpu.vector_store %arg48[%swap3A_1537], %swap3A_1540 {strides = array<i32>} : memref<128xf32, #tpu.memory_space<vmem>>, vector<16xf32>,
      %mul3A_1541 = arith.mulf %get3A_1530, %get3A_1530 : vector<16xf32>
      %swap3A_1542 = arith.constant 64 : index
      %swap3A_1543 = tpu.vector_load %arg49[%swap3A_1542] {strides = array<i32>} : memref<128xf32, #tpu.memory_space<vmem>>, vector<16xf32>,
      %swap3A_1544 = vector.shape_cast %swap3A_1543 : vector<16xf32> to vector<16xf32>
      %swap3A_1545 = vector.shape_cast %mul3A_1541 : vector<16xf32> to vector<16xf32>
      tpu.vector_store %arg49[%swap3A_1542], %swap3A_1545 {strides = array<i32>} : memref<128xf32, #tpu.memory_space<vmem>>, vector<16xf32>,
      %mul3A_1546 = arith.mulf %get3A_1524, %get3A_1527 : vector<16xf32>
      %swap3A_1547 = arith.constant 64 : index
      %swap3A_1548 = tpu.vector_load %arg50[%swap3A_1547] {strides = array<i32>} : memref<128xf32, #tpu.memory_space<vmem>>, vector<16xf32>,
      %swap3A_1549 = vector.shape_cast %swap3A_1548 : vector<16xf32> to vector<16xf32>
      %swap3A_1550 = vector.shape_cast %mul3A_1546 : vector<16xf32> to vector<16xf32>
      tpu.vector_store %arg50[%swap3A_1547], %swap3A_1550 {strides = array<i32>} : memref<128xf32, #tpu.memory_space<vmem>>, vector<16xf32>,
      %mul3A_1551 = arith.mulf %get3A_1527, %get3A_1530 : vector<16xf32>
      %swap3A_1552 = arith.constant 64 : index
      %swap3A_1553 = tpu.vector_load %arg51[%swap3A_1552] {strides = array<i32>} : memref<128xf32, #tpu.memory_space<vmem>>, vector<16xf32>,
      %swap3A_1554 = vector.shape_cast %swap3A_1553 : vector<16xf32> to vector<16xf32>
      %swap3A_1555 = vector.shape_cast %mul3A_1551 : vector<16xf32> to vector<16xf32>
      tpu.vector_store %arg51[%swap3A_1552], %swap3A_1555 {strides = array<i32>} : memref<128xf32, #tpu.memory_space<vmem>>, vector<16xf32>,
      %mul3A_1556 = arith.mulf %get3A_1530, %get3A_1524 : vector<16xf32>
      %swap3A_1557 = arith.constant 64 : index
      %swap3A_1558 = tpu.vector_load %arg52[%swap3A_1557] {strides = array<i32>} : memref<128xf32, #tpu.memory_space<vmem>>, vector<16xf32>,
      %swap3A_1559 = vector.shape_cast %swap3A_1558 : vector<16xf32> to vector<16xf32>
      %swap3A_1560 = vector.shape_cast %mul3A_1556 : vector<16xf32> to vector<16xf32>
      tpu.vector_store %arg52[%swap3A_1557], %swap3A_1560 {strides = array<i32>} : memref<128xf32, #tpu.memory_space<vmem>>, vector<16xf32>,
      %get3A_1561 = arith.constant 80 : index
      %get3A_1562 = tpu.vector_load %arg20[%get3A_1561] {strides = array<i32>} : memref<128xf32, #tpu.memory_space<vmem>>, vector<16xf32>,
      %get3A_1563 = vector.shape_cast %get3A_1562 : vector<16xf32> to vector<16xf32>
      %get3A_1564 = arith.constant 80 : index
      %get3A_1565 = tpu.vector_load %arg24[%get3A_1564] {strides = array<i32>} : memref<128xf32, #tpu.memory_space<vmem>>, vector<16xf32>,
      %get3A_1566 = vector.shape_cast %get3A_1565 : vector<16xf32> to vector<16xf32>
      %get3A_1567 = arith.constant 80 : index
      %get3A_1568 = tpu.vector_load %arg28[%get3A_1567] {strides = array<i32>} : memref<128xf32, #tpu.memory_space<vmem>>, vector<16xf32>,
      %get3A_1569 = vector.shape_cast %get3A_1568 : vector<16xf32> to vector<16xf32>
      %mul3A_1570 = arith.mulf %get3A_1563, %get3A_1563 : vector<16xf32>
      %swap3A_1571 = arith.constant 80 : index
      %swap3A_1572 = tpu.vector_load %arg47[%swap3A_1571] {strides = array<i32>} : memref<128xf32, #tpu.memory_space<vmem>>, vector<16xf32>,
      %swap3A_1573 = vector.shape_cast %swap3A_1572 : vector<16xf32> to vector<16xf32>
      %swap3A_1574 = vector.shape_cast %mul3A_1570 : vector<16xf32> to vector<16xf32>
      tpu.vector_store %arg47[%swap3A_1571], %swap3A_1574 {strides = array<i32>} : memref<128xf32, #tpu.memory_space<vmem>>, vector<16xf32>,
      %mul3A_1575 = arith.mulf %get3A_1566, %get3A_1566 : vector<16xf32>
      %swap3A_1576 = arith.constant 80 : index
      %swap3A_1577 = tpu.vector_load %arg48[%swap3A_1576] {strides = array<i32>} : memref<128xf32, #tpu.memory_space<vmem>>, vector<16xf32>,
      %swap3A_1578 = vector.shape_cast %swap3A_1577 : vector<16xf32> to vector<16xf32>
      %swap3A_1579 = vector.shape_cast %mul3A_1575 : vector<16xf32> to vector<16xf32>
      tpu.vector_store %arg48[%swap3A_1576], %swap3A_1579 {strides = array<i32>} : memref<128xf32, #tpu.memory_space<vmem>>, vector<16xf32>,
      %mul3A_1580 = arith.mulf %get3A_1569, %get3A_1569 : vector<16xf32>
      %swap3A_1581 = arith.constant 80 : index
      %swap3A_1582 = tpu.vector_load %arg49[%swap3A_1581] {strides = array<i32>} : memref<128xf32, #tpu.memory_space<vmem>>, vector<16xf32>,
      %swap3A_1583 = vector.shape_cast %swap3A_1582 : vector<16xf32> to vector<16xf32>
      %swap3A_1584 = vector.shape_cast %mul3A_1580 : vector<16xf32> to vector<16xf32>
      tpu.vector_store %arg49[%swap3A_1581], %swap3A_1584 {strides = array<i32>} : memref<128xf32, #tpu.memory_space<vmem>>, vector<16xf32>,
      %mul3A_1585 = arith.mulf %get3A_1563, %get3A_1566 : vector<16xf32>
      %swap3A_1586 = arith.constant 80 : index
      %swap3A_1587 = tpu.vector_load %arg50[%swap3A_1586] {strides = array<i32>} : memref<128xf32, #tpu.memory_space<vmem>>, vector<16xf32>,
      %swap3A_1588 = vector.shape_cast %swap3A_1587 : vector<16xf32> to vector<16xf32>
      %swap3A_1589 = vector.shape_cast %mul3A_1585 : vector<16xf32> to vector<16xf32>
      tpu.vector_store %arg50[%swap3A_1586], %swap3A_1589 {strides = array<i32>} : memref<128xf32, #tpu.memory_space<vmem>>, vector<16xf32>,
      %mul3A_1590 = arith.mulf %get3A_1566, %get3A_1569 : vector<16xf32>
      %swap3A_1591 = arith.constant 80 : index
      %swap3A_1592 = tpu.vector_load %arg51[%swap3A_1591] {strides = array<i32>} : memref<128xf32, #tpu.memory_space<vmem>>, vector<16xf32>,
      %swap3A_1593 = vector.shape_cast %swap3A_1592 : vector<16xf32> to vector<16xf32>
      %swap3A_1594 = vector.shape_cast %mul3A_1590 : vector<16xf32> to vector<16xf32>
      tpu.vector_store %arg51[%swap3A_1591], %swap3A_1594 {strides = array<i32>} : memref<128xf32, #tpu.memory_space<vmem>>, vector<16xf32>,
      %mul3A_1595 = arith.mulf %get3A_1569, %get3A_1563 : vector<16xf32>
      %swap3A_1596 = arith.constant 80 : index
      %swap3A_1597 = tpu.vector_load %arg52[%swap3A_1596] {strides = array<i32>} : memref<128xf32, #tpu.memory_space<vmem>>, vector<16xf32>,
      %swap3A_1598 = vector.shape_cast %swap3A_1597 : vector<16xf32> to vector<16xf32>
      %swap3A_1599 = vector.shape_cast %mul3A_1595 : vector<16xf32> to vector<16xf32>
      tpu.vector_store %arg52[%swap3A_1596], %swap3A_1599 {strides = array<i32>} : memref<128xf32, #tpu.memory_space<vmem>>, vector<16xf32>,
      %get3A_1600 = arith.constant 96 : index
      %get3A_1601 = tpu.vector_load %arg20[%get3A_1600] {strides = array<i32>} : memref<128xf32, #tpu.memory_space<vmem>>, vector<16xf32>,
      %get3A_1602 = vector.shape_cast %get3A_1601 : vector<16xf32> to vector<16xf32>
      %get3A_1603 = arith.constant 96 : index
      %get3A_1604 = tpu.vector_load %arg24[%get3A_1603] {strides = array<i32>} : memref<128xf32, #tpu.memory_space<vmem>>, vector<16xf32>,
      %get3A_1605 = vector.shape_cast %get3A_1604 : vector<16xf32> to vector<16xf32>
      %get3A_1606 = arith.constant 96 : index
      %get3A_1607 = tpu.vector_load %arg28[%get3A_1606] {strides = array<i32>} : memref<128xf32, #tpu.memory_space<vmem>>, vector<16xf32>,
      %get3A_1608 = vector.shape_cast %get3A_1607 : vector<16xf32> to vector<16xf32>
      %mul3A_1609 = arith.mulf %get3A_1602, %get3A_1602 : vector<16xf32>
      %swap3A_1610 = arith.constant 96 : index
      %swap3A_1611 = tpu.vector_load %arg47[%swap3A_1610] {strides = array<i32>} : memref<128xf32, #tpu.memory_space<vmem>>, vector<16xf32>,
      %swap3A_1612 = vector.shape_cast %swap3A_1611 : vector<16xf32> to vector<16xf32>
      %swap3A_1613 = vector.shape_cast %mul3A_1609 : vector<16xf32> to vector<16xf32>
      tpu.vector_store %arg47[%swap3A_1610], %swap3A_1613 {strides = array<i32>} : memref<128xf32, #tpu.memory_space<vmem>>, vector<16xf32>,
      %mul3A_1614 = arith.mulf %get3A_1605, %get3A_1605 : vector<16xf32>
      %swap3A_1615 = arith.constant 96 : index
      %swap3A_1616 = tpu.vector_load %arg48[%swap3A_1615] {strides = array<i32>} : memref<128xf32, #tpu.memory_space<vmem>>, vector<16xf32>,
      %swap3A_1617 = vector.shape_cast %swap3A_1616 : vector<16xf32> to vector<16xf32>
      %swap3A_1618 = vector.shape_cast %mul3A_1614 : vector<16xf32> to vector<16xf32>
      tpu.vector_store %arg48[%swap3A_1615], %swap3A_1618 {strides = array<i32>} : memref<128xf32, #tpu.memory_space<vmem>>, vector<16xf32>,
      %mul3A_1619 = arith.mulf %get3A_1608, %get3A_1608 : vector<16xf32>
      %swap3A_1620 = arith.constant 96 : index
      %swap3A_1621 = tpu.vector_load %arg49[%swap3A_1620] {strides = array<i32>} : memref<128xf32, #tpu.memory_space<vmem>>, vector<16xf32>,
      %swap3A_1622 = vector.shape_cast %swap3A_1621 : vector<16xf32> to vector<16xf32>
      %swap3A_1623 = vector.shape_cast %mul3A_1619 : vector<16xf32> to vector<16xf32>
      tpu.vector_store %arg49[%swap3A_1620], %swap3A_1623 {strides = array<i32>} : memref<128xf32, #tpu.memory_space<vmem>>, vector<16xf32>,
      %mul3A_1624 = arith.mulf %get3A_1602, %get3A_1605 : vector<16xf32>
      %swap3A_1625 = arith.constant 96 : index
      %swap3A_1626 = tpu.vector_load %arg50[%swap3A_1625] {strides = array<i32>} : memref<128xf32, #tpu.memory_space<vmem>>, vector<16xf32>,
      %swap3A_1627 = vector.shape_cast %swap3A_1626 : vector<16xf32> to vector<16xf32>
      %swap3A_1628 = vector.shape_cast %mul3A_1624 : vector<16xf32> to vector<16xf32>
      tpu.vector_store %arg50[%swap3A_1625], %swap3A_1628 {strides = array<i32>} : memref<128xf32, #tpu.memory_space<vmem>>, vector<16xf32>,
      %mul3A_1629 = arith.mulf %get3A_1605, %get3A_1608 : vector<16xf32>
      %swap3A_1630 = arith.constant 96 : index
      %swap3A_1631 = tpu.vector_load %arg51[%swap3A_1630] {strides = array<i32>} : memref<128xf32, #tpu.memory_space<vmem>>, vector<16xf32>,
      %swap3A_1632 = vector.shape_cast %swap3A_1631 : vector<16xf32> to vector<16xf32>
      %swap3A_1633 = vector.shape_cast %mul3A_1629 : vector<16xf32> to vector<16xf32>
      tpu.vector_store %arg51[%swap3A_1630], %swap3A_1633 {strides = array<i32>} : memref<128xf32, #tpu.memory_space<vmem>>, vector<16xf32>,
      %mul3A_1634 = arith.mulf %get3A_1608, %get3A_1602 : vector<16xf32>
      %swap3A_1635 = arith.constant 96 : index
      %swap3A_1636 = tpu.vector_load %arg52[%swap3A_1635] {strides = array<i32>} : memref<128xf32, #tpu.memory_space<vmem>>, vector<16xf32>,
      %swap3A_1637 = vector.shape_cast %swap3A_1636 : vector<16xf32> to vector<16xf32>
      %swap3A_1638 = vector.shape_cast %mul3A_1634 : vector<16xf32> to vector<16xf32>
      tpu.vector_store %arg52[%swap3A_1635], %swap3A_1638 {strides = array<i32>} : memref<128xf32, #tpu.memory_space<vmem>>, vector<16xf32>,
      %get3A_1639 = arith.constant 112 : index
      %get3A_1640 = tpu.vector_load %arg20[%get3A_1639] {strides = array<i32>} : memref<128xf32, #tpu.memory_space<vmem>>, vector<16xf32>,
      %get3A_1641 = vector.shape_cast %get3A_1640 : vector<16xf32> to vector<16xf32>
      %get3A_1642 = arith.constant 112 : index
      %get3A_1643 = tpu.vector_load %arg24[%get3A_1642] {strides = array<i32>} : memref<128xf32, #tpu.memory_space<vmem>>, vector<16xf32>,
      %get3A_1644 = vector.shape_cast %get3A_1643 : vector<16xf32> to vector<16xf32>
      %get3A_1645 = arith.constant 112 : index
      %get3A_1646 = tpu.vector_load %arg28[%get3A_1645] {strides = array<i32>} : memref<128xf32, #tpu.memory_space<vmem>>, vector<16xf32>,
      %get3A_1647 = vector.shape_cast %get3A_1646 : vector<16xf32> to vector<16xf32>
      %mul3A_1648 = arith.mulf %get3A_1641, %get3A_1641 : vector<16xf32>
      %swap3A_1649 = arith.constant 112 : index
      %swap3A_1650 = tpu.vector_load %arg47[%swap3A_1649] {strides = array<i32>} : memref<128xf32, #tpu.memory_space<vmem>>, vector<16xf32>,
      %swap3A_1651 = vector.shape_cast %swap3A_1650 : vector<16xf32> to vector<16xf32>
      %swap3A_1652 = vector.shape_cast %mul3A_1648 : vector<16xf32> to vector<16xf32>
      tpu.vector_store %arg47[%swap3A_1649], %swap3A_1652 {strides = array<i32>} : memref<128xf32, #tpu.memory_space<vmem>>, vector<16xf32>,
      %mul3A_1653 = arith.mulf %get3A_1644, %get3A_1644 : vector<16xf32>
      %swap3A_1654 = arith.constant 112 : index
      %swap3A_1655 = tpu.vector_load %arg48[%swap3A_1654] {strides = array<i32>} : memref<128xf32, #tpu.memory_space<vmem>>, vector<16xf32>,
      %swap3A_1656 = vector.shape_cast %swap3A_1655 : vector<16xf32> to vector<16xf32>
      %swap3A_1657 = vector.shape_cast %mul3A_1653 : vector<16xf32> to vector<16xf32>
      tpu.vector_store %arg48[%swap3A_1654], %swap3A_1657 {strides = array<i32>} : memref<128xf32, #tpu.memory_space<vmem>>, vector<16xf32>,
      %mul3A_1658 = arith.mulf %get3A_1647, %get3A_1647 : vector<16xf32>
      %swap3A_1659 = arith.constant 112 : index
      %swap3A_1660 = tpu.vector_load %arg49[%swap3A_1659] {strides = array<i32>} : memref<128xf32, #tpu.memory_space<vmem>>, vector<16xf32>,
      %swap3A_1661 = vector.shape_cast %swap3A_1660 : vector<16xf32> to vector<16xf32>
      %swap3A_1662 = vector.shape_cast %mul3A_1658 : vector<16xf32> to vector<16xf32>
      tpu.vector_store %arg49[%swap3A_1659], %swap3A_1662 {strides = array<i32>} : memref<128xf32, #tpu.memory_space<vmem>>, vector<16xf32>,
      %mul3A_1663 = arith.mulf %get3A_1641, %get3A_1644 : vector<16xf32>
      %swap3A_1664 = arith.constant 112 : index
      %swap3A_1665 = tpu.vector_load %arg50[%swap3A_1664] {strides = array<i32>} : memref<128xf32, #tpu.memory_space<vmem>>, vector<16xf32>,
      %swap3A_1666 = vector.shape_cast %swap3A_1665 : vector<16xf32> to vector<16xf32>
      %swap3A_1667 = vector.shape_cast %mul3A_1663 : vector<16xf32> to vector<16xf32>
      tpu.vector_store %arg50[%swap3A_1664], %swap3A_1667 {strides = array<i32>} : memref<128xf32, #tpu.memory_space<vmem>>, vector<16xf32>,
      %mul3A_1668 = arith.mulf %get3A_1644, %get3A_1647 : vector<16xf32>
      %swap3A_1669 = arith.constant 112 : index
      %swap3A_1670 = tpu.vector_load %arg51[%swap3A_1669] {strides = array<i32>} : memref<128xf32, #tpu.memory_space<vmem>>, vector<16xf32>,
      %swap3A_1671 = vector.shape_cast %swap3A_1670 : vector<16xf32> to vector<16xf32>
      %swap3A_1672 = vector.shape_cast %mul3A_1668 : vector<16xf32> to vector<16xf32>
      tpu.vector_store %arg51[%swap3A_1669], %swap3A_1672 {strides = array<i32>} : memref<128xf32, #tpu.memory_space<vmem>>, vector<16xf32>,
      %mul3A_1673 = arith.mulf %get3A_1647, %get3A_1641 : vector<16xf32>
      %swap3A_1674 = arith.constant 112 : index
      %swap3A_1675 = tpu.vector_load %arg52[%swap3A_1674] {strides = array<i32>} : memref<128xf32, #tpu.memory_space<vmem>>, vector<16xf32>,
      %swap3A_1676 = vector.shape_cast %swap3A_1675 : vector<16xf32> to vector<16xf32>
      %swap3A_1677 = vector.shape_cast %mul3A_1673 : vector<16xf32> to vector<16xf32>
      tpu.vector_store %arg52[%swap3A_1674], %swap3A_1677 {strides = array<i32>} : memref<128xf32, #tpu.memory_space<vmem>>, vector<16xf32>,
      %dma_start3A_1678 = arith.constant 0 : i32
      %dma_start3A_1679 = tpu.memref_slice %arg54[%dma_start3A_1678] : memref<106496xf32, #tpu.memory_space<vmem_shared>> -> memref<106496xf32, #tpu.memory_space<vmem_shared>>
      tpu.enqueue_indirect_dma source(%arg20 : memref<128xf32, #tpu.memory_space<vmem>>) target(%dma_start3A_1679 : memref<106496xf32, #tpu.memory_space<vmem_shared>>) offsets(%arg12 : memref<128xi32, #tpu.memory_space<vmem>>) semaphore(%arg73 : memref<!tpu.dma_semaphore, #tpu.memory_space<semaphore_mem>>) {add = true}
      %dma_start3A_1680 = arith.constant 0 : i32
      %dma_start3A_1681 = tpu.memref_slice %arg55[%dma_start3A_1680] : memref<106496xf32, #tpu.memory_space<vmem_shared>> -> memref<106496xf32, #tpu.memory_space<vmem_shared>>
      tpu.enqueue_indirect_dma source(%arg24 : memref<128xf32, #tpu.memory_space<vmem>>) target(%dma_start3A_1681 : memref<106496xf32, #tpu.memory_space<vmem_shared>>) offsets(%arg12 : memref<128xi32, #tpu.memory_space<vmem>>) semaphore(%arg73 : memref<!tpu.dma_semaphore, #tpu.memory_space<semaphore_mem>>) {add = true}
      %dma_start3A_1682 = arith.constant 0 : i32
      %dma_start3A_1683 = tpu.memref_slice %arg56[%dma_start3A_1682] : memref<106496xf32, #tpu.memory_space<vmem_shared>> -> memref<106496xf32, #tpu.memory_space<vmem_shared>>
      tpu.enqueue_indirect_dma source(%arg28 : memref<128xf32, #tpu.memory_space<vmem>>) target(%dma_start3A_1683 : memref<106496xf32, #tpu.memory_space<vmem_shared>>) offsets(%arg12 : memref<128xi32, #tpu.memory_space<vmem>>) semaphore(%arg73 : memref<!tpu.dma_semaphore, #tpu.memory_space<semaphore_mem>>) {add = true}
      %dma_start3A_1684 = arith.constant 0 : i32
      %dma_start3A_1685 = tpu.memref_slice %arg57[%dma_start3A_1684] : memref<106496xf32, #tpu.memory_space<vmem_shared>> -> memref<106496xf32, #tpu.memory_space<vmem_shared>>
      tpu.enqueue_indirect_dma source(%arg20 : memref<128xf32, #tpu.memory_space<vmem>>) target(%dma_start3A_1685 : memref<106496xf32, #tpu.memory_space<vmem_shared>>) offsets(%arg16 : memref<128xi32, #tpu.memory_space<vmem>>) semaphore(%arg73 : memref<!tpu.dma_semaphore, #tpu.memory_space<semaphore_mem>>) {add = true}
      %dma_start3A_1686 = arith.constant 0 : i32
      %dma_start3A_1687 = tpu.memref_slice %arg58[%dma_start3A_1686] : memref<106496xf32, #tpu.memory_space<vmem_shared>> -> memref<106496xf32, #tpu.memory_space<vmem_shared>>
      tpu.enqueue_indirect_dma source(%arg24 : memref<128xf32, #tpu.memory_space<vmem>>) target(%dma_start3A_1687 : memref<106496xf32, #tpu.memory_space<vmem_shared>>) offsets(%arg16 : memref<128xi32, #tpu.memory_space<vmem>>) semaphore(%arg73 : memref<!tpu.dma_semaphore, #tpu.memory_space<semaphore_mem>>) {add = true}
      %dma_start3A_1688 = arith.constant 0 : i32
      %dma_start3A_1689 = tpu.memref_slice %arg59[%dma_start3A_1688] : memref<106496xf32, #tpu.memory_space<vmem_shared>> -> memref<106496xf32, #tpu.memory_space<vmem_shared>>
      tpu.enqueue_indirect_dma source(%arg28 : memref<128xf32, #tpu.memory_space<vmem>>) target(%dma_start3A_1689 : memref<106496xf32, #tpu.memory_space<vmem_shared>>) offsets(%arg16 : memref<128xi32, #tpu.memory_space<vmem>>) semaphore(%arg73 : memref<!tpu.dma_semaphore, #tpu.memory_space<semaphore_mem>>) {add = true}
      %dma_start3A_1690 = arith.constant 0 : i32
      %dma_start3A_1691 = tpu.memref_slice %arg60[%dma_start3A_1690] : memref<106496xf32, #tpu.memory_space<vmem_shared>> -> memref<106496xf32, #tpu.memory_space<vmem_shared>>
      tpu.enqueue_indirect_dma source(%arg47 : memref<128xf32, #tpu.memory_space<vmem>>) target(%dma_start3A_1691 : memref<106496xf32, #tpu.memory_space<vmem_shared>>) offsets(%arg16 : memref<128xi32, #tpu.memory_space<vmem>>) semaphore(%arg73 : memref<!tpu.dma_semaphore, #tpu.memory_space<semaphore_mem>>) {add = true}
      %dma_start3A_1692 = arith.constant 0 : i32
      %dma_start3A_1693 = tpu.memref_slice %arg61[%dma_start3A_1692] : memref<106496xf32, #tpu.memory_space<vmem_shared>> -> memref<106496xf32, #tpu.memory_space<vmem_shared>>
      tpu.enqueue_indirect_dma source(%arg48 : memref<128xf32, #tpu.memory_space<vmem>>) target(%dma_start3A_1693 : memref<106496xf32, #tpu.memory_space<vmem_shared>>) offsets(%arg16 : memref<128xi32, #tpu.memory_space<vmem>>) semaphore(%arg73 : memref<!tpu.dma_semaphore, #tpu.memory_space<semaphore_mem>>) {add = true}
      %dma_start3A_1694 = arith.constant 0 : i32
      %dma_start3A_1695 = tpu.memref_slice %arg62[%dma_start3A_1694] : memref<106496xf32, #tpu.memory_space<vmem_shared>> -> memref<106496xf32, #tpu.memory_space<vmem_shared>>
      tpu.enqueue_indirect_dma source(%arg49 : memref<128xf32, #tpu.memory_space<vmem>>) target(%dma_start3A_1695 : memref<106496xf32, #tpu.memory_space<vmem_shared>>) offsets(%arg16 : memref<128xi32, #tpu.memory_space<vmem>>) semaphore(%arg73 : memref<!tpu.dma_semaphore, #tpu.memory_space<semaphore_mem>>) {add = true}
      %dma_start3A_1696 = arith.constant 0 : i32
      %dma_start3A_1697 = tpu.memref_slice %arg63[%dma_start3A_1696] : memref<106496xf32, #tpu.memory_space<vmem_shared>> -> memref<106496xf32, #tpu.memory_space<vmem_shared>>
      tpu.enqueue_indirect_dma source(%arg50 : memref<128xf32, #tpu.memory_space<vmem>>) target(%dma_start3A_1697 : memref<106496xf32, #tpu.memory_space<vmem_shared>>) offsets(%arg16 : memref<128xi32, #tpu.memory_space<vmem>>) semaphore(%arg73 : memref<!tpu.dma_semaphore, #tpu.memory_space<semaphore_mem>>) {add = true}
      %dma_start3A_1698 = arith.constant 0 : i32
      %dma_start3A_1699 = tpu.memref_slice %arg64[%dma_start3A_1698] : memref<106496xf32, #tpu.memory_space<vmem_shared>> -> memref<106496xf32, #tpu.memory_space<vmem_shared>>
      tpu.enqueue_indirect_dma source(%arg51 : memref<128xf32, #tpu.memory_space<vmem>>) target(%dma_start3A_1699 : memref<106496xf32, #tpu.memory_space<vmem_shared>>) offsets(%arg16 : memref<128xi32, #tpu.memory_space<vmem>>) semaphore(%arg73 : memref<!tpu.dma_semaphore, #tpu.memory_space<semaphore_mem>>) {add = true}
      %dma_start3A_1700 = arith.constant 0 : i32
      %dma_start3A_1701 = tpu.memref_slice %arg65[%dma_start3A_1700] : memref<106496xf32, #tpu.memory_space<vmem_shared>> -> memref<106496xf32, #tpu.memory_space<vmem_shared>>
      tpu.enqueue_indirect_dma source(%arg52 : memref<128xf32, #tpu.memory_space<vmem>>) target(%dma_start3A_1701 : memref<106496xf32, #tpu.memory_space<vmem_shared>>) offsets(%arg16 : memref<128xi32, #tpu.memory_space<vmem>>) semaphore(%arg73 : memref<!tpu.dma_semaphore, #tpu.memory_space<semaphore_mem>>) {add = true}
    }
    %scan3A_32 = arith.constant 391 : i32
    %dma_wait3A = arith.constant 0 : i32
    %dma_wait3A_33 = tpu.memref_slice %arg54[%dma_wait3A] : memref<106496xf32, #tpu.memory_space<vmem_shared>> -> memref<106496xf32, #tpu.memory_space<vmem_shared>>
    tpu.wait_indirect_dma semaphore(%arg72 : memref<!tpu.dma_semaphore, #tpu.memory_space<semaphore_mem>>) src(%arg19 : memref<128xf32, #tpu.memory_space<vmem>>) dst(%dma_wait3A_33 : memref<106496xf32, #tpu.memory_space<vmem_shared>>)
    %dma_wait3A_34 = arith.constant 0 : i32
    %dma_wait3A_35 = tpu.memref_slice %arg54[%dma_wait3A_34] : memref<106496xf32, #tpu.memory_space<vmem_shared>> -> memref<106496xf32, #tpu.memory_space<vmem_shared>>
    tpu.wait_indirect_dma semaphore(%arg72 : memref<!tpu.dma_semaphore, #tpu.memory_space<semaphore_mem>>) src(%arg19 : memref<128xf32, #tpu.memory_space<vmem>>) dst(%dma_wait3A_35 : memref<106496xf32, #tpu.memory_space<vmem_shared>>)
    %dma_wait3A_36 = arith.constant 0 : i32
    %dma_wait3A_37 = tpu.memref_slice %arg54[%dma_wait3A_36] : memref<106496xf32, #tpu.memory_space<vmem_shared>> -> memref<106496xf32, #tpu.memory_space<vmem_shared>>
    tpu.wait_indirect_dma semaphore(%arg72 : memref<!tpu.dma_semaphore, #tpu.memory_space<semaphore_mem>>) src(%arg19 : memref<128xf32, #tpu.memory_space<vmem>>) dst(%dma_wait3A_37 : memref<106496xf32, #tpu.memory_space<vmem_shared>>)
    %dma_wait3A_38 = arith.constant 0 : i32
    %dma_wait3A_39 = tpu.memref_slice %arg54[%dma_wait3A_38] : memref<106496xf32, #tpu.memory_space<vmem_shared>> -> memref<106496xf32, #tpu.memory_space<vmem_shared>>
    tpu.wait_indirect_dma semaphore(%arg72 : memref<!tpu.dma_semaphore, #tpu.memory_space<semaphore_mem>>) src(%arg19 : memref<128xf32, #tpu.memory_space<vmem>>) dst(%dma_wait3A_39 : memref<106496xf32, #tpu.memory_space<vmem_shared>>)
    %dma_wait3A_40 = arith.constant 0 : i32
    %dma_wait3A_41 = tpu.memref_slice %arg54[%dma_wait3A_40] : memref<106496xf32, #tpu.memory_space<vmem_shared>> -> memref<106496xf32, #tpu.memory_space<vmem_shared>>
    tpu.wait_indirect_dma semaphore(%arg72 : memref<!tpu.dma_semaphore, #tpu.memory_space<semaphore_mem>>) src(%arg19 : memref<128xf32, #tpu.memory_space<vmem>>) dst(%dma_wait3A_41 : memref<106496xf32, #tpu.memory_space<vmem_shared>>)
    %dma_wait3A_42 = arith.constant 0 : i32
    %dma_wait3A_43 = tpu.memref_slice %arg54[%dma_wait3A_42] : memref<106496xf32, #tpu.memory_space<vmem_shared>> -> memref<106496xf32, #tpu.memory_space<vmem_shared>>
    tpu.wait_indirect_dma semaphore(%arg72 : memref<!tpu.dma_semaphore, #tpu.memory_space<semaphore_mem>>) src(%arg19 : memref<128xf32, #tpu.memory_space<vmem>>) dst(%dma_wait3A_43 : memref<106496xf32, #tpu.memory_space<vmem_shared>>)
    %dma_wait3A_44 = arith.constant 0 : i32
    %dma_wait3A_45 = tpu.memref_slice %arg54[%dma_wait3A_44] : memref<106496xf32, #tpu.memory_space<vmem_shared>> -> memref<106496xf32, #tpu.memory_space<vmem_shared>>
    tpu.wait_indirect_dma semaphore(%arg72 : memref<!tpu.dma_semaphore, #tpu.memory_space<semaphore_mem>>) src(%arg19 : memref<128xf32, #tpu.memory_space<vmem>>) dst(%dma_wait3A_45 : memref<106496xf32, #tpu.memory_space<vmem_shared>>)
    %dma_wait3A_46 = arith.constant 0 : i32
    %dma_wait3A_47 = tpu.memref_slice %arg54[%dma_wait3A_46] : memref<106496xf32, #tpu.memory_space<vmem_shared>> -> memref<106496xf32, #tpu.memory_space<vmem_shared>>
    tpu.wait_indirect_dma semaphore(%arg72 : memref<!tpu.dma_semaphore, #tpu.memory_space<semaphore_mem>>) src(%arg19 : memref<128xf32, #tpu.memory_space<vmem>>) dst(%dma_wait3A_47 : memref<106496xf32, #tpu.memory_space<vmem_shared>>)
    %dma_wait3A_48 = arith.constant 0 : i32
    %dma_wait3A_49 = tpu.memref_slice %arg54[%dma_wait3A_48] : memref<106496xf32, #tpu.memory_space<vmem_shared>> -> memref<106496xf32, #tpu.memory_space<vmem_shared>>
    tpu.wait_indirect_dma semaphore(%arg72 : memref<!tpu.dma_semaphore, #tpu.memory_space<semaphore_mem>>) src(%arg19 : memref<128xf32, #tpu.memory_space<vmem>>) dst(%dma_wait3A_49 : memref<106496xf32, #tpu.memory_space<vmem_shared>>)
    %dma_wait3A_50 = arith.constant 0 : i32
    %dma_wait3A_51 = tpu.memref_slice %arg54[%dma_wait3A_50] : memref<106496xf32, #tpu.memory_space<vmem_shared>> -> memref<106496xf32, #tpu.memory_space<vmem_shared>>
    tpu.wait_indirect_dma semaphore(%arg72 : memref<!tpu.dma_semaphore, #tpu.memory_space<semaphore_mem>>) src(%arg19 : memref<128xf32, #tpu.memory_space<vmem>>) dst(%dma_wait3A_51 : memref<106496xf32, #tpu.memory_space<vmem_shared>>)
    %dma_wait3A_52 = arith.constant 0 : i32
    %dma_wait3A_53 = tpu.memref_slice %arg54[%dma_wait3A_52] : memref<106496xf32, #tpu.memory_space<vmem_shared>> -> memref<106496xf32, #tpu.memory_space<vmem_shared>>
    tpu.wait_indirect_dma semaphore(%arg72 : memref<!tpu.dma_semaphore, #tpu.memory_space<semaphore_mem>>) src(%arg19 : memref<128xf32, #tpu.memory_space<vmem>>) dst(%dma_wait3A_53 : memref<106496xf32, #tpu.memory_space<vmem_shared>>)
    %dma_wait3A_54 = arith.constant 0 : i32
    %dma_wait3A_55 = tpu.memref_slice %arg54[%dma_wait3A_54] : memref<106496xf32, #tpu.memory_space<vmem_shared>> -> memref<106496xf32, #tpu.memory_space<vmem_shared>>
    tpu.wait_indirect_dma semaphore(%arg72 : memref<!tpu.dma_semaphore, #tpu.memory_space<semaphore_mem>>) src(%arg19 : memref<128xf32, #tpu.memory_space<vmem>>) dst(%dma_wait3A_55 : memref<106496xf32, #tpu.memory_space<vmem_shared>>)
    %dma_wait3A_56 = arith.constant 0 : i32
    %dma_wait3A_57 = tpu.memref_slice %arg54[%dma_wait3A_56] : memref<106496xf32, #tpu.memory_space<vmem_shared>> -> memref<106496xf32, #tpu.memory_space<vmem_shared>>
    tpu.wait_indirect_dma semaphore(%arg73 : memref<!tpu.dma_semaphore, #tpu.memory_space<semaphore_mem>>) src(%arg20 : memref<128xf32, #tpu.memory_space<vmem>>) dst(%dma_wait3A_57 : memref<106496xf32, #tpu.memory_space<vmem_shared>>)
    %dma_wait3A_58 = arith.constant 0 : i32
    %dma_wait3A_59 = tpu.memref_slice %arg54[%dma_wait3A_58] : memref<106496xf32, #tpu.memory_space<vmem_shared>> -> memref<106496xf32, #tpu.memory_space<vmem_shared>>
    tpu.wait_indirect_dma semaphore(%arg73 : memref<!tpu.dma_semaphore, #tpu.memory_space<semaphore_mem>>) src(%arg20 : memref<128xf32, #tpu.memory_space<vmem>>) dst(%dma_wait3A_59 : memref<106496xf32, #tpu.memory_space<vmem_shared>>)
    %dma_wait3A_60 = arith.constant 0 : i32
    %dma_wait3A_61 = tpu.memref_slice %arg54[%dma_wait3A_60] : memref<106496xf32, #tpu.memory_space<vmem_shared>> -> memref<106496xf32, #tpu.memory_space<vmem_shared>>
    tpu.wait_indirect_dma semaphore(%arg73 : memref<!tpu.dma_semaphore, #tpu.memory_space<semaphore_mem>>) src(%arg20 : memref<128xf32, #tpu.memory_space<vmem>>) dst(%dma_wait3A_61 : memref<106496xf32, #tpu.memory_space<vmem_shared>>)
    %dma_wait3A_62 = arith.constant 0 : i32
    %dma_wait3A_63 = tpu.memref_slice %arg54[%dma_wait3A_62] : memref<106496xf32, #tpu.memory_space<vmem_shared>> -> memref<106496xf32, #tpu.memory_space<vmem_shared>>
    tpu.wait_indirect_dma semaphore(%arg73 : memref<!tpu.dma_semaphore, #tpu.memory_space<semaphore_mem>>) src(%arg20 : memref<128xf32, #tpu.memory_space<vmem>>) dst(%dma_wait3A_63 : memref<106496xf32, #tpu.memory_space<vmem_shared>>)
    %dma_wait3A_64 = arith.constant 0 : i32
    %dma_wait3A_65 = tpu.memref_slice %arg54[%dma_wait3A_64] : memref<106496xf32, #tpu.memory_space<vmem_shared>> -> memref<106496xf32, #tpu.memory_space<vmem_shared>>
    tpu.wait_indirect_dma semaphore(%arg73 : memref<!tpu.dma_semaphore, #tpu.memory_space<semaphore_mem>>) src(%arg20 : memref<128xf32, #tpu.memory_space<vmem>>) dst(%dma_wait3A_65 : memref<106496xf32, #tpu.memory_space<vmem_shared>>)
    %dma_wait3A_66 = arith.constant 0 : i32
    %dma_wait3A_67 = tpu.memref_slice %arg54[%dma_wait3A_66] : memref<106496xf32, #tpu.memory_space<vmem_shared>> -> memref<106496xf32, #tpu.memory_space<vmem_shared>>
    tpu.wait_indirect_dma semaphore(%arg73 : memref<!tpu.dma_semaphore, #tpu.memory_space<semaphore_mem>>) src(%arg20 : memref<128xf32, #tpu.memory_space<vmem>>) dst(%dma_wait3A_67 : memref<106496xf32, #tpu.memory_space<vmem_shared>>)
    %dma_wait3A_68 = arith.constant 0 : i32
    %dma_wait3A_69 = tpu.memref_slice %arg54[%dma_wait3A_68] : memref<106496xf32, #tpu.memory_space<vmem_shared>> -> memref<106496xf32, #tpu.memory_space<vmem_shared>>
    tpu.wait_indirect_dma semaphore(%arg73 : memref<!tpu.dma_semaphore, #tpu.memory_space<semaphore_mem>>) src(%arg20 : memref<128xf32, #tpu.memory_space<vmem>>) dst(%dma_wait3A_69 : memref<106496xf32, #tpu.memory_space<vmem_shared>>)
    %dma_wait3A_70 = arith.constant 0 : i32
    %dma_wait3A_71 = tpu.memref_slice %arg54[%dma_wait3A_70] : memref<106496xf32, #tpu.memory_space<vmem_shared>> -> memref<106496xf32, #tpu.memory_space<vmem_shared>>
    tpu.wait_indirect_dma semaphore(%arg73 : memref<!tpu.dma_semaphore, #tpu.memory_space<semaphore_mem>>) src(%arg20 : memref<128xf32, #tpu.memory_space<vmem>>) dst(%dma_wait3A_71 : memref<106496xf32, #tpu.memory_space<vmem_shared>>)
    %dma_wait3A_72 = arith.constant 0 : i32
    %dma_wait3A_73 = tpu.memref_slice %arg54[%dma_wait3A_72] : memref<106496xf32, #tpu.memory_space<vmem_shared>> -> memref<106496xf32, #tpu.memory_space<vmem_shared>>
    tpu.wait_indirect_dma semaphore(%arg73 : memref<!tpu.dma_semaphore, #tpu.memory_space<semaphore_mem>>) src(%arg20 : memref<128xf32, #tpu.memory_space<vmem>>) dst(%dma_wait3A_73 : memref<106496xf32, #tpu.memory_space<vmem_shared>>)
    %dma_wait3A_74 = arith.constant 0 : i32
    %dma_wait3A_75 = tpu.memref_slice %arg54[%dma_wait3A_74] : memref<106496xf32, #tpu.memory_space<vmem_shared>> -> memref<106496xf32, #tpu.memory_space<vmem_shared>>
    tpu.wait_indirect_dma semaphore(%arg73 : memref<!tpu.dma_semaphore, #tpu.memory_space<semaphore_mem>>) src(%arg20 : memref<128xf32, #tpu.memory_space<vmem>>) dst(%dma_wait3A_75 : memref<106496xf32, #tpu.memory_space<vmem_shared>>)
    %dma_wait3A_76 = arith.constant 0 : i32
    %dma_wait3A_77 = tpu.memref_slice %arg54[%dma_wait3A_76] : memref<106496xf32, #tpu.memory_space<vmem_shared>> -> memref<106496xf32, #tpu.memory_space<vmem_shared>>
    tpu.wait_indirect_dma semaphore(%arg73 : memref<!tpu.dma_semaphore, #tpu.memory_space<semaphore_mem>>) src(%arg20 : memref<128xf32, #tpu.memory_space<vmem>>) dst(%dma_wait3A_77 : memref<106496xf32, #tpu.memory_space<vmem_shared>>)
    %dma_wait3A_78 = arith.constant 0 : i32
    %dma_wait3A_79 = tpu.memref_slice %arg54[%dma_wait3A_78] : memref<106496xf32, #tpu.memory_space<vmem_shared>> -> memref<106496xf32, #tpu.memory_space<vmem_shared>>
    tpu.wait_indirect_dma semaphore(%arg73 : memref<!tpu.dma_semaphore, #tpu.memory_space<semaphore_mem>>) src(%arg20 : memref<128xf32, #tpu.memory_space<vmem>>) dst(%dma_wait3A_79 : memref<106496xf32, #tpu.memory_space<vmem_shared>>)
    %barrier3A_80 = arith.constant 0 : index
    tpu.barrier barrier_id(%barrier3A_80)
    "tpu.region"() ({
      %run_scoped3A = tpu.sem_alloc : memref<!tpu.dma_semaphore, #tpu.memory_space<semaphore_mem>>
      %dma_start3A_165 = tpu.memref_slice %arg54[%mul3A_2] : memref<106496xf32, #tpu.memory_space<vmem_shared>> -> memref<6656xf32, #tpu.memory_space<vmem_shared>>
      %dma_start3A_166 = tpu.memref_slice %arg54[%mul3A_2] : memref<106496xf32, #tpu.memory_space<vmem_shared>> -> memref<6656xf32, #tpu.memory_space<vmem_shared>>
      tpu.enqueue_dma source(%dma_start3A_166 : memref<6656xf32, #tpu.memory_space<vmem_shared>>) target(%arg53 : memref<6656xf32, #tpu.memory_space<vmem>>) target_semaphore(%run_scoped3A : memref<!tpu.dma_semaphore, #tpu.memory_space<semaphore_mem>>)
      %dma_wait3A_167 = tpu.memref_slice %arg54[%mul3A_2] : memref<106496xf32, #tpu.memory_space<vmem_shared>> -> memref<6656xf32, #tpu.memory_space<vmem_shared>>
      %dma_wait3A_168 = tpu.memref_slice %arg54[%mul3A_2] : memref<106496xf32, #tpu.memory_space<vmem_shared>> -> memref<6656xf32, #tpu.memory_space<vmem_shared>>
      tpu.wait_dma2 semaphore(%run_scoped3A : memref<!tpu.dma_semaphore, #tpu.memory_space<semaphore_mem>>) src(%dma_wait3A_168 : memref<6656xf32, #tpu.memory_space<vmem_shared>>) dst(%arg53 : memref<6656xf32, #tpu.memory_space<vmem>>)
      tpu.yield
    }) : () -> ()
    %mul3A_81 = arith.constant 12 : i32
    %mul3A_82 = arith.muli %arg0, %mul3A_81 : i32
    %add3A_83 = arith.constant 0 : i32
    %add3A_84 = arith.addi %mul3A_82, %add3A_83 : i32
    %mul3A_85 = arith.constant 106496 : i32
    %mul3A_86 = arith.muli %add3A_84, %mul3A_85 : i32
    %add3A_87 = arith.addi %mul3A_86, %mul3A_2 : i32
    "tpu.region"() ({
      %run_scoped3A = tpu.sem_alloc : memref<!tpu.dma_semaphore, #tpu.memory_space<semaphore_mem>>
      %dma_start3A_165 = tpu.memref_slice %arg8[%add3A_87] : memref<2555904xf32, #tpu.memory_space<hbm>> -> memref<6656xf32, #tpu.memory_space<hbm>>
      %dma_start3A_166 = tpu.memref_slice %arg8[%add3A_87] : memref<2555904xf32, #tpu.memory_space<hbm>> -> memref<6656xf32, #tpu.memory_space<hbm>>
      tpu.enqueue_dma source(%arg53 : memref<6656xf32, #tpu.memory_space<vmem>>) target(%dma_start3A_166 : memref<6656xf32, #tpu.memory_space<hbm>>) target_semaphore(%run_scoped3A : memref<!tpu.dma_semaphore, #tpu.memory_space<semaphore_mem>>)
      %dma_wait3A_167 = tpu.memref_slice %arg8[%add3A_87] : memref<2555904xf32, #tpu.memory_space<hbm>> -> memref<6656xf32, #tpu.memory_space<hbm>>
      %dma_wait3A_168 = tpu.memref_slice %arg8[%add3A_87] : memref<2555904xf32, #tpu.memory_space<hbm>> -> memref<6656xf32, #tpu.memory_space<hbm>>
      tpu.wait_dma2 semaphore(%run_scoped3A : memref<!tpu.dma_semaphore, #tpu.memory_space<semaphore_mem>>) src(%arg53 : memref<6656xf32, #tpu.memory_space<vmem>>) dst(%dma_wait3A_168 : memref<6656xf32, #tpu.memory_space<hbm>>)
      tpu.yield
    }) : () -> ()
    "tpu.region"() ({
      %run_scoped3A = tpu.sem_alloc : memref<!tpu.dma_semaphore, #tpu.memory_space<semaphore_mem>>
      %dma_start3A_165 = tpu.memref_slice %arg55[%mul3A_2] : memref<106496xf32, #tpu.memory_space<vmem_shared>> -> memref<6656xf32, #tpu.memory_space<vmem_shared>>
      %dma_start3A_166 = tpu.memref_slice %arg55[%mul3A_2] : memref<106496xf32, #tpu.memory_space<vmem_shared>> -> memref<6656xf32, #tpu.memory_space<vmem_shared>>
      tpu.enqueue_dma source(%dma_start3A_166 : memref<6656xf32, #tpu.memory_space<vmem_shared>>) target(%arg53 : memref<6656xf32, #tpu.memory_space<vmem>>) target_semaphore(%run_scoped3A : memref<!tpu.dma_semaphore, #tpu.memory_space<semaphore_mem>>)
      %dma_wait3A_167 = tpu.memref_slice %arg55[%mul3A_2] : memref<106496xf32, #tpu.memory_space<vmem_shared>> -> memref<6656xf32, #tpu.memory_space<vmem_shared>>
      %dma_wait3A_168 = tpu.memref_slice %arg55[%mul3A_2] : memref<106496xf32, #tpu.memory_space<vmem_shared>> -> memref<6656xf32, #tpu.memory_space<vmem_shared>>
      tpu.wait_dma2 semaphore(%run_scoped3A : memref<!tpu.dma_semaphore, #tpu.memory_space<semaphore_mem>>) src(%dma_wait3A_168 : memref<6656xf32, #tpu.memory_space<vmem_shared>>) dst(%arg53 : memref<6656xf32, #tpu.memory_space<vmem>>)
      tpu.yield
    }) : () -> ()
    %mul3A_88 = arith.constant 12 : i32
    %mul3A_89 = arith.muli %arg0, %mul3A_88 : i32
    %add3A_90 = arith.constant 1 : i32
    %add3A_91 = arith.addi %mul3A_89, %add3A_90 : i32
    %mul3A_92 = arith.constant 106496 : i32
    %mul3A_93 = arith.muli %add3A_91, %mul3A_92 : i32
    %add3A_94 = arith.addi %mul3A_93, %mul3A_2 : i32
    "tpu.region"() ({
      %run_scoped3A = tpu.sem_alloc : memref<!tpu.dma_semaphore, #tpu.memory_space<semaphore_mem>>
      %dma_start3A_165 = tpu.memref_slice %arg8[%add3A_94] : memref<2555904xf32, #tpu.memory_space<hbm>> -> memref<6656xf32, #tpu.memory_space<hbm>>
      %dma_start3A_166 = tpu.memref_slice %arg8[%add3A_94] : memref<2555904xf32, #tpu.memory_space<hbm>> -> memref<6656xf32, #tpu.memory_space<hbm>>
      tpu.enqueue_dma source(%arg53 : memref<6656xf32, #tpu.memory_space<vmem>>) target(%dma_start3A_166 : memref<6656xf32, #tpu.memory_space<hbm>>) target_semaphore(%run_scoped3A : memref<!tpu.dma_semaphore, #tpu.memory_space<semaphore_mem>>)
      %dma_wait3A_167 = tpu.memref_slice %arg8[%add3A_94] : memref<2555904xf32, #tpu.memory_space<hbm>> -> memref<6656xf32, #tpu.memory_space<hbm>>
      %dma_wait3A_168 = tpu.memref_slice %arg8[%add3A_94] : memref<2555904xf32, #tpu.memory_space<hbm>> -> memref<6656xf32, #tpu.memory_space<hbm>>
      tpu.wait_dma2 semaphore(%run_scoped3A : memref<!tpu.dma_semaphore, #tpu.memory_space<semaphore_mem>>) src(%arg53 : memref<6656xf32, #tpu.memory_space<vmem>>) dst(%dma_wait3A_168 : memref<6656xf32, #tpu.memory_space<hbm>>)
      tpu.yield
    }) : () -> ()
    "tpu.region"() ({
      %run_scoped3A = tpu.sem_alloc : memref<!tpu.dma_semaphore, #tpu.memory_space<semaphore_mem>>
      %dma_start3A_165 = tpu.memref_slice %arg56[%mul3A_2] : memref<106496xf32, #tpu.memory_space<vmem_shared>> -> memref<6656xf32, #tpu.memory_space<vmem_shared>>
      %dma_start3A_166 = tpu.memref_slice %arg56[%mul3A_2] : memref<106496xf32, #tpu.memory_space<vmem_shared>> -> memref<6656xf32, #tpu.memory_space<vmem_shared>>
      tpu.enqueue_dma source(%dma_start3A_166 : memref<6656xf32, #tpu.memory_space<vmem_shared>>) target(%arg53 : memref<6656xf32, #tpu.memory_space<vmem>>) target_semaphore(%run_scoped3A : memref<!tpu.dma_semaphore, #tpu.memory_space<semaphore_mem>>)
      %dma_wait3A_167 = tpu.memref_slice %arg56[%mul3A_2] : memref<106496xf32, #tpu.memory_space<vmem_shared>> -> memref<6656xf32, #tpu.memory_space<vmem_shared>>
      %dma_wait3A_168 = tpu.memref_slice %arg56[%mul3A_2] : memref<106496xf32, #tpu.memory_space<vmem_shared>> -> memref<6656xf32, #tpu.memory_space<vmem_shared>>
      tpu.wait_dma2 semaphore(%run_scoped3A : memref<!tpu.dma_semaphore, #tpu.memory_space<semaphore_mem>>) src(%dma_wait3A_168 : memref<6656xf32, #tpu.memory_space<vmem_shared>>) dst(%arg53 : memref<6656xf32, #tpu.memory_space<vmem>>)
      tpu.yield
    }) : () -> ()
    %mul3A_95 = arith.constant 12 : i32
    %mul3A_96 = arith.muli %arg0, %mul3A_95 : i32
    %add3A_97 = arith.constant 2 : i32
    %add3A_98 = arith.addi %mul3A_96, %add3A_97 : i32
    %mul3A_99 = arith.constant 106496 : i32
    %mul3A_100 = arith.muli %add3A_98, %mul3A_99 : i32
    %add3A_101 = arith.addi %mul3A_100, %mul3A_2 : i32
    "tpu.region"() ({
      %run_scoped3A = tpu.sem_alloc : memref<!tpu.dma_semaphore, #tpu.memory_space<semaphore_mem>>
      %dma_start3A_165 = tpu.memref_slice %arg8[%add3A_101] : memref<2555904xf32, #tpu.memory_space<hbm>> -> memref<6656xf32, #tpu.memory_space<hbm>>
      %dma_start3A_166 = tpu.memref_slice %arg8[%add3A_101] : memref<2555904xf32, #tpu.memory_space<hbm>> -> memref<6656xf32, #tpu.memory_space<hbm>>
      tpu.enqueue_dma source(%arg53 : memref<6656xf32, #tpu.memory_space<vmem>>) target(%dma_start3A_166 : memref<6656xf32, #tpu.memory_space<hbm>>) target_semaphore(%run_scoped3A : memref<!tpu.dma_semaphore, #tpu.memory_space<semaphore_mem>>)
      %dma_wait3A_167 = tpu.memref_slice %arg8[%add3A_101] : memref<2555904xf32, #tpu.memory_space<hbm>> -> memref<6656xf32, #tpu.memory_space<hbm>>
      %dma_wait3A_168 = tpu.memref_slice %arg8[%add3A_101] : memref<2555904xf32, #tpu.memory_space<hbm>> -> memref<6656xf32, #tpu.memory_space<hbm>>
      tpu.wait_dma2 semaphore(%run_scoped3A : memref<!tpu.dma_semaphore, #tpu.memory_space<semaphore_mem>>) src(%arg53 : memref<6656xf32, #tpu.memory_space<vmem>>) dst(%dma_wait3A_168 : memref<6656xf32, #tpu.memory_space<hbm>>)
      tpu.yield
    }) : () -> ()
    "tpu.region"() ({
      %run_scoped3A = tpu.sem_alloc : memref<!tpu.dma_semaphore, #tpu.memory_space<semaphore_mem>>
      %dma_start3A_165 = tpu.memref_slice %arg57[%mul3A_2] : memref<106496xf32, #tpu.memory_space<vmem_shared>> -> memref<6656xf32, #tpu.memory_space<vmem_shared>>
      %dma_start3A_166 = tpu.memref_slice %arg57[%mul3A_2] : memref<106496xf32, #tpu.memory_space<vmem_shared>> -> memref<6656xf32, #tpu.memory_space<vmem_shared>>
      tpu.enqueue_dma source(%dma_start3A_166 : memref<6656xf32, #tpu.memory_space<vmem_shared>>) target(%arg53 : memref<6656xf32, #tpu.memory_space<vmem>>) target_semaphore(%run_scoped3A : memref<!tpu.dma_semaphore, #tpu.memory_space<semaphore_mem>>)
      %dma_wait3A_167 = tpu.memref_slice %arg57[%mul3A_2] : memref<106496xf32, #tpu.memory_space<vmem_shared>> -> memref<6656xf32, #tpu.memory_space<vmem_shared>>
      %dma_wait3A_168 = tpu.memref_slice %arg57[%mul3A_2] : memref<106496xf32, #tpu.memory_space<vmem_shared>> -> memref<6656xf32, #tpu.memory_space<vmem_shared>>
      tpu.wait_dma2 semaphore(%run_scoped3A : memref<!tpu.dma_semaphore, #tpu.memory_space<semaphore_mem>>) src(%dma_wait3A_168 : memref<6656xf32, #tpu.memory_space<vmem_shared>>) dst(%arg53 : memref<6656xf32, #tpu.memory_space<vmem>>)
      tpu.yield
    }) : () -> ()
    %mul3A_102 = arith.constant 12 : i32
    %mul3A_103 = arith.muli %arg0, %mul3A_102 : i32
    %add3A_104 = arith.constant 3 : i32
    %add3A_105 = arith.addi %mul3A_103, %add3A_104 : i32
    %mul3A_106 = arith.constant 106496 : i32
    %mul3A_107 = arith.muli %add3A_105, %mul3A_106 : i32
    %add3A_108 = arith.addi %mul3A_107, %mul3A_2 : i32
    "tpu.region"() ({
      %run_scoped3A = tpu.sem_alloc : memref<!tpu.dma_semaphore, #tpu.memory_space<semaphore_mem>>
      %dma_start3A_165 = tpu.memref_slice %arg8[%add3A_108] : memref<2555904xf32, #tpu.memory_space<hbm>> -> memref<6656xf32, #tpu.memory_space<hbm>>
      %dma_start3A_166 = tpu.memref_slice %arg8[%add3A_108] : memref<2555904xf32, #tpu.memory_space<hbm>> -> memref<6656xf32, #tpu.memory_space<hbm>>
      tpu.enqueue_dma source(%arg53 : memref<6656xf32, #tpu.memory_space<vmem>>) target(%dma_start3A_166 : memref<6656xf32, #tpu.memory_space<hbm>>) target_semaphore(%run_scoped3A : memref<!tpu.dma_semaphore, #tpu.memory_space<semaphore_mem>>)
      %dma_wait3A_167 = tpu.memref_slice %arg8[%add3A_108] : memref<2555904xf32, #tpu.memory_space<hbm>> -> memref<6656xf32, #tpu.memory_space<hbm>>
      %dma_wait3A_168 = tpu.memref_slice %arg8[%add3A_108] : memref<2555904xf32, #tpu.memory_space<hbm>> -> memref<6656xf32, #tpu.memory_space<hbm>>
      tpu.wait_dma2 semaphore(%run_scoped3A : memref<!tpu.dma_semaphore, #tpu.memory_space<semaphore_mem>>) src(%arg53 : memref<6656xf32, #tpu.memory_space<vmem>>) dst(%dma_wait3A_168 : memref<6656xf32, #tpu.memory_space<hbm>>)
      tpu.yield
    }) : () -> ()
    "tpu.region"() ({
      %run_scoped3A = tpu.sem_alloc : memref<!tpu.dma_semaphore, #tpu.memory_space<semaphore_mem>>
      %dma_start3A_165 = tpu.memref_slice %arg58[%mul3A_2] : memref<106496xf32, #tpu.memory_space<vmem_shared>> -> memref<6656xf32, #tpu.memory_space<vmem_shared>>
      %dma_start3A_166 = tpu.memref_slice %arg58[%mul3A_2] : memref<106496xf32, #tpu.memory_space<vmem_shared>> -> memref<6656xf32, #tpu.memory_space<vmem_shared>>
      tpu.enqueue_dma source(%dma_start3A_166 : memref<6656xf32, #tpu.memory_space<vmem_shared>>) target(%arg53 : memref<6656xf32, #tpu.memory_space<vmem>>) target_semaphore(%run_scoped3A : memref<!tpu.dma_semaphore, #tpu.memory_space<semaphore_mem>>)
      %dma_wait3A_167 = tpu.memref_slice %arg58[%mul3A_2] : memref<106496xf32, #tpu.memory_space<vmem_shared>> -> memref<6656xf32, #tpu.memory_space<vmem_shared>>
      %dma_wait3A_168 = tpu.memref_slice %arg58[%mul3A_2] : memref<106496xf32, #tpu.memory_space<vmem_shared>> -> memref<6656xf32, #tpu.memory_space<vmem_shared>>
      tpu.wait_dma2 semaphore(%run_scoped3A : memref<!tpu.dma_semaphore, #tpu.memory_space<semaphore_mem>>) src(%dma_wait3A_168 : memref<6656xf32, #tpu.memory_space<vmem_shared>>) dst(%arg53 : memref<6656xf32, #tpu.memory_space<vmem>>)
      tpu.yield
    }) : () -> ()
    %mul3A_109 = arith.constant 12 : i32
    %mul3A_110 = arith.muli %arg0, %mul3A_109 : i32
    %add3A_111 = arith.constant 4 : i32
    %add3A_112 = arith.addi %mul3A_110, %add3A_111 : i32
    %mul3A_113 = arith.constant 106496 : i32
    %mul3A_114 = arith.muli %add3A_112, %mul3A_113 : i32
    %add3A_115 = arith.addi %mul3A_114, %mul3A_2 : i32
    "tpu.region"() ({
      %run_scoped3A = tpu.sem_alloc : memref<!tpu.dma_semaphore, #tpu.memory_space<semaphore_mem>>
      %dma_start3A_165 = tpu.memref_slice %arg8[%add3A_115] : memref<2555904xf32, #tpu.memory_space<hbm>> -> memref<6656xf32, #tpu.memory_space<hbm>>
      %dma_start3A_166 = tpu.memref_slice %arg8[%add3A_115] : memref<2555904xf32, #tpu.memory_space<hbm>> -> memref<6656xf32, #tpu.memory_space<hbm>>
      tpu.enqueue_dma source(%arg53 : memref<6656xf32, #tpu.memory_space<vmem>>) target(%dma_start3A_166 : memref<6656xf32, #tpu.memory_space<hbm>>) target_semaphore(%run_scoped3A : memref<!tpu.dma_semaphore, #tpu.memory_space<semaphore_mem>>)
      %dma_wait3A_167 = tpu.memref_slice %arg8[%add3A_115] : memref<2555904xf32, #tpu.memory_space<hbm>> -> memref<6656xf32, #tpu.memory_space<hbm>>
      %dma_wait3A_168 = tpu.memref_slice %arg8[%add3A_115] : memref<2555904xf32, #tpu.memory_space<hbm>> -> memref<6656xf32, #tpu.memory_space<hbm>>
      tpu.wait_dma2 semaphore(%run_scoped3A : memref<!tpu.dma_semaphore, #tpu.memory_space<semaphore_mem>>) src(%arg53 : memref<6656xf32, #tpu.memory_space<vmem>>) dst(%dma_wait3A_168 : memref<6656xf32, #tpu.memory_space<hbm>>)
      tpu.yield
    }) : () -> ()
    "tpu.region"() ({
      %run_scoped3A = tpu.sem_alloc : memref<!tpu.dma_semaphore, #tpu.memory_space<semaphore_mem>>
      %dma_start3A_165 = tpu.memref_slice %arg59[%mul3A_2] : memref<106496xf32, #tpu.memory_space<vmem_shared>> -> memref<6656xf32, #tpu.memory_space<vmem_shared>>
      %dma_start3A_166 = tpu.memref_slice %arg59[%mul3A_2] : memref<106496xf32, #tpu.memory_space<vmem_shared>> -> memref<6656xf32, #tpu.memory_space<vmem_shared>>
      tpu.enqueue_dma source(%dma_start3A_166 : memref<6656xf32, #tpu.memory_space<vmem_shared>>) target(%arg53 : memref<6656xf32, #tpu.memory_space<vmem>>) target_semaphore(%run_scoped3A : memref<!tpu.dma_semaphore, #tpu.memory_space<semaphore_mem>>)
      %dma_wait3A_167 = tpu.memref_slice %arg59[%mul3A_2] : memref<106496xf32, #tpu.memory_space<vmem_shared>> -> memref<6656xf32, #tpu.memory_space<vmem_shared>>
      %dma_wait3A_168 = tpu.memref_slice %arg59[%mul3A_2] : memref<106496xf32, #tpu.memory_space<vmem_shared>> -> memref<6656xf32, #tpu.memory_space<vmem_shared>>
      tpu.wait_dma2 semaphore(%run_scoped3A : memref<!tpu.dma_semaphore, #tpu.memory_space<semaphore_mem>>) src(%dma_wait3A_168 : memref<6656xf32, #tpu.memory_space<vmem_shared>>) dst(%arg53 : memref<6656xf32, #tpu.memory_space<vmem>>)
      tpu.yield
    }) : () -> ()
    %mul3A_116 = arith.constant 12 : i32
    %mul3A_117 = arith.muli %arg0, %mul3A_116 : i32
    %add3A_118 = arith.constant 5 : i32
    %add3A_119 = arith.addi %mul3A_117, %add3A_118 : i32
    %mul3A_120 = arith.constant 106496 : i32
    %mul3A_121 = arith.muli %add3A_119, %mul3A_120 : i32
    %add3A_122 = arith.addi %mul3A_121, %mul3A_2 : i32
    "tpu.region"() ({
      %run_scoped3A = tpu.sem_alloc : memref<!tpu.dma_semaphore, #tpu.memory_space<semaphore_mem>>
      %dma_start3A_165 = tpu.memref_slice %arg8[%add3A_122] : memref<2555904xf32, #tpu.memory_space<hbm>> -> memref<6656xf32, #tpu.memory_space<hbm>>
      %dma_start3A_166 = tpu.memref_slice %arg8[%add3A_122] : memref<2555904xf32, #tpu.memory_space<hbm>> -> memref<6656xf32, #tpu.memory_space<hbm>>
      tpu.enqueue_dma source(%arg53 : memref<6656xf32, #tpu.memory_space<vmem>>) target(%dma_start3A_166 : memref<6656xf32, #tpu.memory_space<hbm>>) target_semaphore(%run_scoped3A : memref<!tpu.dma_semaphore, #tpu.memory_space<semaphore_mem>>)
      %dma_wait3A_167 = tpu.memref_slice %arg8[%add3A_122] : memref<2555904xf32, #tpu.memory_space<hbm>> -> memref<6656xf32, #tpu.memory_space<hbm>>
      %dma_wait3A_168 = tpu.memref_slice %arg8[%add3A_122] : memref<2555904xf32, #tpu.memory_space<hbm>> -> memref<6656xf32, #tpu.memory_space<hbm>>
      tpu.wait_dma2 semaphore(%run_scoped3A : memref<!tpu.dma_semaphore, #tpu.memory_space<semaphore_mem>>) src(%arg53 : memref<6656xf32, #tpu.memory_space<vmem>>) dst(%dma_wait3A_168 : memref<6656xf32, #tpu.memory_space<hbm>>)
      tpu.yield
    }) : () -> ()
    "tpu.region"() ({
      %run_scoped3A = tpu.sem_alloc : memref<!tpu.dma_semaphore, #tpu.memory_space<semaphore_mem>>
      %dma_start3A_165 = tpu.memref_slice %arg60[%mul3A_2] : memref<106496xf32, #tpu.memory_space<vmem_shared>> -> memref<6656xf32, #tpu.memory_space<vmem_shared>>
      %dma_start3A_166 = tpu.memref_slice %arg60[%mul3A_2] : memref<106496xf32, #tpu.memory_space<vmem_shared>> -> memref<6656xf32, #tpu.memory_space<vmem_shared>>
      tpu.enqueue_dma source(%dma_start3A_166 : memref<6656xf32, #tpu.memory_space<vmem_shared>>) target(%arg53 : memref<6656xf32, #tpu.memory_space<vmem>>) target_semaphore(%run_scoped3A : memref<!tpu.dma_semaphore, #tpu.memory_space<semaphore_mem>>)
      %dma_wait3A_167 = tpu.memref_slice %arg60[%mul3A_2] : memref<106496xf32, #tpu.memory_space<vmem_shared>> -> memref<6656xf32, #tpu.memory_space<vmem_shared>>
      %dma_wait3A_168 = tpu.memref_slice %arg60[%mul3A_2] : memref<106496xf32, #tpu.memory_space<vmem_shared>> -> memref<6656xf32, #tpu.memory_space<vmem_shared>>
      tpu.wait_dma2 semaphore(%run_scoped3A : memref<!tpu.dma_semaphore, #tpu.memory_space<semaphore_mem>>) src(%dma_wait3A_168 : memref<6656xf32, #tpu.memory_space<vmem_shared>>) dst(%arg53 : memref<6656xf32, #tpu.memory_space<vmem>>)
      tpu.yield
    }) : () -> ()
    %mul3A_123 = arith.constant 12 : i32
    %mul3A_124 = arith.muli %arg0, %mul3A_123 : i32
    %add3A_125 = arith.constant 6 : i32
    %add3A_126 = arith.addi %mul3A_124, %add3A_125 : i32
    %mul3A_127 = arith.constant 106496 : i32
    %mul3A_128 = arith.muli %add3A_126, %mul3A_127 : i32
    %add3A_129 = arith.addi %mul3A_128, %mul3A_2 : i32
    "tpu.region"() ({
      %run_scoped3A = tpu.sem_alloc : memref<!tpu.dma_semaphore, #tpu.memory_space<semaphore_mem>>
      %dma_start3A_165 = tpu.memref_slice %arg8[%add3A_129] : memref<2555904xf32, #tpu.memory_space<hbm>> -> memref<6656xf32, #tpu.memory_space<hbm>>
      %dma_start3A_166 = tpu.memref_slice %arg8[%add3A_129] : memref<2555904xf32, #tpu.memory_space<hbm>> -> memref<6656xf32, #tpu.memory_space<hbm>>
      tpu.enqueue_dma source(%arg53 : memref<6656xf32, #tpu.memory_space<vmem>>) target(%dma_start3A_166 : memref<6656xf32, #tpu.memory_space<hbm>>) target_semaphore(%run_scoped3A : memref<!tpu.dma_semaphore, #tpu.memory_space<semaphore_mem>>)
      %dma_wait3A_167 = tpu.memref_slice %arg8[%add3A_129] : memref<2555904xf32, #tpu.memory_space<hbm>> -> memref<6656xf32, #tpu.memory_space<hbm>>
      %dma_wait3A_168 = tpu.memref_slice %arg8[%add3A_129] : memref<2555904xf32, #tpu.memory_space<hbm>> -> memref<6656xf32, #tpu.memory_space<hbm>>
      tpu.wait_dma2 semaphore(%run_scoped3A : memref<!tpu.dma_semaphore, #tpu.memory_space<semaphore_mem>>) src(%arg53 : memref<6656xf32, #tpu.memory_space<vmem>>) dst(%dma_wait3A_168 : memref<6656xf32, #tpu.memory_space<hbm>>)
      tpu.yield
    }) : () -> ()
    "tpu.region"() ({
      %run_scoped3A = tpu.sem_alloc : memref<!tpu.dma_semaphore, #tpu.memory_space<semaphore_mem>>
      %dma_start3A_165 = tpu.memref_slice %arg61[%mul3A_2] : memref<106496xf32, #tpu.memory_space<vmem_shared>> -> memref<6656xf32, #tpu.memory_space<vmem_shared>>
      %dma_start3A_166 = tpu.memref_slice %arg61[%mul3A_2] : memref<106496xf32, #tpu.memory_space<vmem_shared>> -> memref<6656xf32, #tpu.memory_space<vmem_shared>>
      tpu.enqueue_dma source(%dma_start3A_166 : memref<6656xf32, #tpu.memory_space<vmem_shared>>) target(%arg53 : memref<6656xf32, #tpu.memory_space<vmem>>) target_semaphore(%run_scoped3A : memref<!tpu.dma_semaphore, #tpu.memory_space<semaphore_mem>>)
      %dma_wait3A_167 = tpu.memref_slice %arg61[%mul3A_2] : memref<106496xf32, #tpu.memory_space<vmem_shared>> -> memref<6656xf32, #tpu.memory_space<vmem_shared>>
      %dma_wait3A_168 = tpu.memref_slice %arg61[%mul3A_2] : memref<106496xf32, #tpu.memory_space<vmem_shared>> -> memref<6656xf32, #tpu.memory_space<vmem_shared>>
      tpu.wait_dma2 semaphore(%run_scoped3A : memref<!tpu.dma_semaphore, #tpu.memory_space<semaphore_mem>>) src(%dma_wait3A_168 : memref<6656xf32, #tpu.memory_space<vmem_shared>>) dst(%arg53 : memref<6656xf32, #tpu.memory_space<vmem>>)
      tpu.yield
    }) : () -> ()
    %mul3A_130 = arith.constant 12 : i32
    %mul3A_131 = arith.muli %arg0, %mul3A_130 : i32
    %add3A_132 = arith.constant 7 : i32
    %add3A_133 = arith.addi %mul3A_131, %add3A_132 : i32
    %mul3A_134 = arith.constant 106496 : i32
    %mul3A_135 = arith.muli %add3A_133, %mul3A_134 : i32
    %add3A_136 = arith.addi %mul3A_135, %mul3A_2 : i32
    "tpu.region"() ({
      %run_scoped3A = tpu.sem_alloc : memref<!tpu.dma_semaphore, #tpu.memory_space<semaphore_mem>>
      %dma_start3A_165 = tpu.memref_slice %arg8[%add3A_136] : memref<2555904xf32, #tpu.memory_space<hbm>> -> memref<6656xf32, #tpu.memory_space<hbm>>
      %dma_start3A_166 = tpu.memref_slice %arg8[%add3A_136] : memref<2555904xf32, #tpu.memory_space<hbm>> -> memref<6656xf32, #tpu.memory_space<hbm>>
      tpu.enqueue_dma source(%arg53 : memref<6656xf32, #tpu.memory_space<vmem>>) target(%dma_start3A_166 : memref<6656xf32, #tpu.memory_space<hbm>>) target_semaphore(%run_scoped3A : memref<!tpu.dma_semaphore, #tpu.memory_space<semaphore_mem>>)
      %dma_wait3A_167 = tpu.memref_slice %arg8[%add3A_136] : memref<2555904xf32, #tpu.memory_space<hbm>> -> memref<6656xf32, #tpu.memory_space<hbm>>
      %dma_wait3A_168 = tpu.memref_slice %arg8[%add3A_136] : memref<2555904xf32, #tpu.memory_space<hbm>> -> memref<6656xf32, #tpu.memory_space<hbm>>
      tpu.wait_dma2 semaphore(%run_scoped3A : memref<!tpu.dma_semaphore, #tpu.memory_space<semaphore_mem>>) src(%arg53 : memref<6656xf32, #tpu.memory_space<vmem>>) dst(%dma_wait3A_168 : memref<6656xf32, #tpu.memory_space<hbm>>)
      tpu.yield
    }) : () -> ()
    "tpu.region"() ({
      %run_scoped3A = tpu.sem_alloc : memref<!tpu.dma_semaphore, #tpu.memory_space<semaphore_mem>>
      %dma_start3A_165 = tpu.memref_slice %arg62[%mul3A_2] : memref<106496xf32, #tpu.memory_space<vmem_shared>> -> memref<6656xf32, #tpu.memory_space<vmem_shared>>
      %dma_start3A_166 = tpu.memref_slice %arg62[%mul3A_2] : memref<106496xf32, #tpu.memory_space<vmem_shared>> -> memref<6656xf32, #tpu.memory_space<vmem_shared>>
      tpu.enqueue_dma source(%dma_start3A_166 : memref<6656xf32, #tpu.memory_space<vmem_shared>>) target(%arg53 : memref<6656xf32, #tpu.memory_space<vmem>>) target_semaphore(%run_scoped3A : memref<!tpu.dma_semaphore, #tpu.memory_space<semaphore_mem>>)
      %dma_wait3A_167 = tpu.memref_slice %arg62[%mul3A_2] : memref<106496xf32, #tpu.memory_space<vmem_shared>> -> memref<6656xf32, #tpu.memory_space<vmem_shared>>
      %dma_wait3A_168 = tpu.memref_slice %arg62[%mul3A_2] : memref<106496xf32, #tpu.memory_space<vmem_shared>> -> memref<6656xf32, #tpu.memory_space<vmem_shared>>
      tpu.wait_dma2 semaphore(%run_scoped3A : memref<!tpu.dma_semaphore, #tpu.memory_space<semaphore_mem>>) src(%dma_wait3A_168 : memref<6656xf32, #tpu.memory_space<vmem_shared>>) dst(%arg53 : memref<6656xf32, #tpu.memory_space<vmem>>)
      tpu.yield
    }) : () -> ()
    %mul3A_137 = arith.constant 12 : i32
    %mul3A_138 = arith.muli %arg0, %mul3A_137 : i32
    %add3A_139 = arith.constant 8 : i32
    %add3A_140 = arith.addi %mul3A_138, %add3A_139 : i32
    %mul3A_141 = arith.constant 106496 : i32
    %mul3A_142 = arith.muli %add3A_140, %mul3A_141 : i32
    %add3A_143 = arith.addi %mul3A_142, %mul3A_2 : i32
    "tpu.region"() ({
      %run_scoped3A = tpu.sem_alloc : memref<!tpu.dma_semaphore, #tpu.memory_space<semaphore_mem>>
      %dma_start3A_165 = tpu.memref_slice %arg8[%add3A_143] : memref<2555904xf32, #tpu.memory_space<hbm>> -> memref<6656xf32, #tpu.memory_space<hbm>>
      %dma_start3A_166 = tpu.memref_slice %arg8[%add3A_143] : memref<2555904xf32, #tpu.memory_space<hbm>> -> memref<6656xf32, #tpu.memory_space<hbm>>
      tpu.enqueue_dma source(%arg53 : memref<6656xf32, #tpu.memory_space<vmem>>) target(%dma_start3A_166 : memref<6656xf32, #tpu.memory_space<hbm>>) target_semaphore(%run_scoped3A : memref<!tpu.dma_semaphore, #tpu.memory_space<semaphore_mem>>)
      %dma_wait3A_167 = tpu.memref_slice %arg8[%add3A_143] : memref<2555904xf32, #tpu.memory_space<hbm>> -> memref<6656xf32, #tpu.memory_space<hbm>>
      %dma_wait3A_168 = tpu.memref_slice %arg8[%add3A_143] : memref<2555904xf32, #tpu.memory_space<hbm>> -> memref<6656xf32, #tpu.memory_space<hbm>>
      tpu.wait_dma2 semaphore(%run_scoped3A : memref<!tpu.dma_semaphore, #tpu.memory_space<semaphore_mem>>) src(%arg53 : memref<6656xf32, #tpu.memory_space<vmem>>) dst(%dma_wait3A_168 : memref<6656xf32, #tpu.memory_space<hbm>>)
      tpu.yield
    }) : () -> ()
    "tpu.region"() ({
      %run_scoped3A = tpu.sem_alloc : memref<!tpu.dma_semaphore, #tpu.memory_space<semaphore_mem>>
      %dma_start3A_165 = tpu.memref_slice %arg63[%mul3A_2] : memref<106496xf32, #tpu.memory_space<vmem_shared>> -> memref<6656xf32, #tpu.memory_space<vmem_shared>>
      %dma_start3A_166 = tpu.memref_slice %arg63[%mul3A_2] : memref<106496xf32, #tpu.memory_space<vmem_shared>> -> memref<6656xf32, #tpu.memory_space<vmem_shared>>
      tpu.enqueue_dma source(%dma_start3A_166 : memref<6656xf32, #tpu.memory_space<vmem_shared>>) target(%arg53 : memref<6656xf32, #tpu.memory_space<vmem>>) target_semaphore(%run_scoped3A : memref<!tpu.dma_semaphore, #tpu.memory_space<semaphore_mem>>)
      %dma_wait3A_167 = tpu.memref_slice %arg63[%mul3A_2] : memref<106496xf32, #tpu.memory_space<vmem_shared>> -> memref<6656xf32, #tpu.memory_space<vmem_shared>>
      %dma_wait3A_168 = tpu.memref_slice %arg63[%mul3A_2] : memref<106496xf32, #tpu.memory_space<vmem_shared>> -> memref<6656xf32, #tpu.memory_space<vmem_shared>>
      tpu.wait_dma2 semaphore(%run_scoped3A : memref<!tpu.dma_semaphore, #tpu.memory_space<semaphore_mem>>) src(%dma_wait3A_168 : memref<6656xf32, #tpu.memory_space<vmem_shared>>) dst(%arg53 : memref<6656xf32, #tpu.memory_space<vmem>>)
      tpu.yield
    }) : () -> ()
    %mul3A_144 = arith.constant 12 : i32
    %mul3A_145 = arith.muli %arg0, %mul3A_144 : i32
    %add3A_146 = arith.constant 9 : i32
    %add3A_147 = arith.addi %mul3A_145, %add3A_146 : i32
    %mul3A_148 = arith.constant 106496 : i32
    %mul3A_149 = arith.muli %add3A_147, %mul3A_148 : i32
    %add3A_150 = arith.addi %mul3A_149, %mul3A_2 : i32
    "tpu.region"() ({
      %run_scoped3A = tpu.sem_alloc : memref<!tpu.dma_semaphore, #tpu.memory_space<semaphore_mem>>
      %dma_start3A_165 = tpu.memref_slice %arg8[%add3A_150] : memref<2555904xf32, #tpu.memory_space<hbm>> -> memref<6656xf32, #tpu.memory_space<hbm>>
      %dma_start3A_166 = tpu.memref_slice %arg8[%add3A_150] : memref<2555904xf32, #tpu.memory_space<hbm>> -> memref<6656xf32, #tpu.memory_space<hbm>>
      tpu.enqueue_dma source(%arg53 : memref<6656xf32, #tpu.memory_space<vmem>>) target(%dma_start3A_166 : memref<6656xf32, #tpu.memory_space<hbm>>) target_semaphore(%run_scoped3A : memref<!tpu.dma_semaphore, #tpu.memory_space<semaphore_mem>>)
      %dma_wait3A_167 = tpu.memref_slice %arg8[%add3A_150] : memref<2555904xf32, #tpu.memory_space<hbm>> -> memref<6656xf32, #tpu.memory_space<hbm>>
      %dma_wait3A_168 = tpu.memref_slice %arg8[%add3A_150] : memref<2555904xf32, #tpu.memory_space<hbm>> -> memref<6656xf32, #tpu.memory_space<hbm>>
      tpu.wait_dma2 semaphore(%run_scoped3A : memref<!tpu.dma_semaphore, #tpu.memory_space<semaphore_mem>>) src(%arg53 : memref<6656xf32, #tpu.memory_space<vmem>>) dst(%dma_wait3A_168 : memref<6656xf32, #tpu.memory_space<hbm>>)
      tpu.yield
    }) : () -> ()
    "tpu.region"() ({
      %run_scoped3A = tpu.sem_alloc : memref<!tpu.dma_semaphore, #tpu.memory_space<semaphore_mem>>
      %dma_start3A_165 = tpu.memref_slice %arg64[%mul3A_2] : memref<106496xf32, #tpu.memory_space<vmem_shared>> -> memref<6656xf32, #tpu.memory_space<vmem_shared>>
      %dma_start3A_166 = tpu.memref_slice %arg64[%mul3A_2] : memref<106496xf32, #tpu.memory_space<vmem_shared>> -> memref<6656xf32, #tpu.memory_space<vmem_shared>>
      tpu.enqueue_dma source(%dma_start3A_166 : memref<6656xf32, #tpu.memory_space<vmem_shared>>) target(%arg53 : memref<6656xf32, #tpu.memory_space<vmem>>) target_semaphore(%run_scoped3A : memref<!tpu.dma_semaphore, #tpu.memory_space<semaphore_mem>>)
      %dma_wait3A_167 = tpu.memref_slice %arg64[%mul3A_2] : memref<106496xf32, #tpu.memory_space<vmem_shared>> -> memref<6656xf32, #tpu.memory_space<vmem_shared>>
      %dma_wait3A_168 = tpu.memref_slice %arg64[%mul3A_2] : memref<106496xf32, #tpu.memory_space<vmem_shared>> -> memref<6656xf32, #tpu.memory_space<vmem_shared>>
      tpu.wait_dma2 semaphore(%run_scoped3A : memref<!tpu.dma_semaphore, #tpu.memory_space<semaphore_mem>>) src(%dma_wait3A_168 : memref<6656xf32, #tpu.memory_space<vmem_shared>>) dst(%arg53 : memref<6656xf32, #tpu.memory_space<vmem>>)
      tpu.yield
    }) : () -> ()
    %mul3A_151 = arith.constant 12 : i32
    %mul3A_152 = arith.muli %arg0, %mul3A_151 : i32
    %add3A_153 = arith.constant 10 : i32
    %add3A_154 = arith.addi %mul3A_152, %add3A_153 : i32
    %mul3A_155 = arith.constant 106496 : i32
    %mul3A_156 = arith.muli %add3A_154, %mul3A_155 : i32
    %add3A_157 = arith.addi %mul3A_156, %mul3A_2 : i32
    "tpu.region"() ({
      %run_scoped3A = tpu.sem_alloc : memref<!tpu.dma_semaphore, #tpu.memory_space<semaphore_mem>>
      %dma_start3A_165 = tpu.memref_slice %arg8[%add3A_157] : memref<2555904xf32, #tpu.memory_space<hbm>> -> memref<6656xf32, #tpu.memory_space<hbm>>
      %dma_start3A_166 = tpu.memref_slice %arg8[%add3A_157] : memref<2555904xf32, #tpu.memory_space<hbm>> -> memref<6656xf32, #tpu.memory_space<hbm>>
      tpu.enqueue_dma source(%arg53 : memref<6656xf32, #tpu.memory_space<vmem>>) target(%dma_start3A_166 : memref<6656xf32, #tpu.memory_space<hbm>>) target_semaphore(%run_scoped3A : memref<!tpu.dma_semaphore, #tpu.memory_space<semaphore_mem>>)
      %dma_wait3A_167 = tpu.memref_slice %arg8[%add3A_157] : memref<2555904xf32, #tpu.memory_space<hbm>> -> memref<6656xf32, #tpu.memory_space<hbm>>
      %dma_wait3A_168 = tpu.memref_slice %arg8[%add3A_157] : memref<2555904xf32, #tpu.memory_space<hbm>> -> memref<6656xf32, #tpu.memory_space<hbm>>
      tpu.wait_dma2 semaphore(%run_scoped3A : memref<!tpu.dma_semaphore, #tpu.memory_space<semaphore_mem>>) src(%arg53 : memref<6656xf32, #tpu.memory_space<vmem>>) dst(%dma_wait3A_168 : memref<6656xf32, #tpu.memory_space<hbm>>)
      tpu.yield
    }) : () -> ()
    "tpu.region"() ({
      %run_scoped3A = tpu.sem_alloc : memref<!tpu.dma_semaphore, #tpu.memory_space<semaphore_mem>>
      %dma_start3A_165 = tpu.memref_slice %arg65[%mul3A_2] : memref<106496xf32, #tpu.memory_space<vmem_shared>> -> memref<6656xf32, #tpu.memory_space<vmem_shared>>
      %dma_start3A_166 = tpu.memref_slice %arg65[%mul3A_2] : memref<106496xf32, #tpu.memory_space<vmem_shared>> -> memref<6656xf32, #tpu.memory_space<vmem_shared>>
      tpu.enqueue_dma source(%dma_start3A_166 : memref<6656xf32, #tpu.memory_space<vmem_shared>>) target(%arg53 : memref<6656xf32, #tpu.memory_space<vmem>>) target_semaphore(%run_scoped3A : memref<!tpu.dma_semaphore, #tpu.memory_space<semaphore_mem>>)
      %dma_wait3A_167 = tpu.memref_slice %arg65[%mul3A_2] : memref<106496xf32, #tpu.memory_space<vmem_shared>> -> memref<6656xf32, #tpu.memory_space<vmem_shared>>
      %dma_wait3A_168 = tpu.memref_slice %arg65[%mul3A_2] : memref<106496xf32, #tpu.memory_space<vmem_shared>> -> memref<6656xf32, #tpu.memory_space<vmem_shared>>
      tpu.wait_dma2 semaphore(%run_scoped3A : memref<!tpu.dma_semaphore, #tpu.memory_space<semaphore_mem>>) src(%dma_wait3A_168 : memref<6656xf32, #tpu.memory_space<vmem_shared>>) dst(%arg53 : memref<6656xf32, #tpu.memory_space<vmem>>)
      tpu.yield
    }) : () -> ()
    %mul3A_158 = arith.constant 12 : i32
    %mul3A_159 = arith.muli %arg0, %mul3A_158 : i32
    %add3A_160 = arith.constant 11 : i32
    %add3A_161 = arith.addi %mul3A_159, %add3A_160 : i32
    %mul3A_162 = arith.constant 106496 : i32
    %mul3A_163 = arith.muli %add3A_161, %mul3A_162 : i32
    %add3A_164 = arith.addi %mul3A_163, %mul3A_2 : i32
    "tpu.region"() ({
      %run_scoped3A = tpu.sem_alloc : memref<!tpu.dma_semaphore, #tpu.memory_space<semaphore_mem>>
      %dma_start3A_165 = tpu.memref_slice %arg8[%add3A_164] : memref<2555904xf32, #tpu.memory_space<hbm>> -> memref<6656xf32, #tpu.memory_space<hbm>>
      %dma_start3A_166 = tpu.memref_slice %arg8[%add3A_164] : memref<2555904xf32, #tpu.memory_space<hbm>> -> memref<6656xf32, #tpu.memory_space<hbm>>
      tpu.enqueue_dma source(%arg53 : memref<6656xf32, #tpu.memory_space<vmem>>) target(%dma_start3A_166 : memref<6656xf32, #tpu.memory_space<hbm>>) target_semaphore(%run_scoped3A : memref<!tpu.dma_semaphore, #tpu.memory_space<semaphore_mem>>)
      %dma_wait3A_167 = tpu.memref_slice %arg8[%add3A_164] : memref<2555904xf32, #tpu.memory_space<hbm>> -> memref<6656xf32, #tpu.memory_space<hbm>>
      %dma_wait3A_168 = tpu.memref_slice %arg8[%add3A_164] : memref<2555904xf32, #tpu.memory_space<hbm>> -> memref<6656xf32, #tpu.memory_space<hbm>>
      tpu.wait_dma2 semaphore(%run_scoped3A : memref<!tpu.dma_semaphore, #tpu.memory_space<semaphore_mem>>) src(%arg53 : memref<6656xf32, #tpu.memory_space<vmem>>) dst(%dma_wait3A_168 : memref<6656xf32, #tpu.memory_space<hbm>>)
      tpu.yield
    }) : () -> ()
    return
  }
}

module attributes {stable_mosaic.version = 14 : i64} {
  func.func @_combine_body(%arg0: i32, %arg1: memref<2x12x13312xf32, #tpu.memory_space<vmem>>, %arg2: memref<3x13312xf32, #tpu.memory_space<vmem>>, %arg3: memref<13312xi32, #tpu.memory_space<vmem>>, %arg4: memref<16x9xf32, #tpu.memory_space<vmem>>, %arg5: memref<16xf32, #tpu.memory_space<vmem>>, %arg6: memref<3x13312xf32, #tpu.memory_space<vmem>>, %arg7: memref<16x6xf32, #tpu.memory_space<vmem>>, %arg8: memref<16x6xf32, #tpu.memory_space<vmem>>) attributes {dimension_semantics = [#tpu.dimension_semantics<arbitrary>], iteration_bounds = array<i64: 8>, scalar_prefetch = 0 : i64, scratch_operands = 1 : i64, tpu.core_type = #tpu.core_type<tc>, window_params = [{transform_indices = @transform_0, window_bounds = array<i64: 2, 12, 13312>}, {transform_indices = @transform_1, window_bounds = array<i64: 3, 13312>}, {transform_indices = @transform_2, window_bounds = array<i64: 13312>}, {pipeline_mode = #tpu.pipeline_mode<synchronous>, transform_indices = @transform_3, window_bounds = array<i64: 16, 9>}, {pipeline_mode = #tpu.pipeline_mode<synchronous>, transform_indices = @transform_4, window_bounds = array<i64: 16>}, {transform_indices = @transform_5, window_bounds = array<i64: 3, 13312>}, {pipeline_mode = #tpu.pipeline_mode<synchronous>, transform_indices = @transform_6, window_bounds = array<i64: 16, 6>}]} {
    %eq3A = arith.constant 0 : i32
    %eq3A_0 = arith.cmpi eq, %arg0, %eq3A : i32
    %convert_element_type3A = arith.extui %eq3A_0 : i1 to i32
    %cond3A = arith.constant 0 : i32
    %cond3A_1 = arith.cmpi ne, %convert_element_type3A, %cond3A : i32
    scf.if %cond3A_1 {
      %broadcast_in_dim3A_63 = arith.constant 0.000000e+00 : f32
      %broadcast_in_dim3A_64 = vector.broadcast %broadcast_in_dim3A_63 : f32 to vector<16x6xf32>
      %swap3A_65 = arith.constant 0 : index
      %swap3A_66 = arith.constant 0 : index
      %swap3A_67 = vector.load %arg8[%swap3A_65, %swap3A_66] : memref<16x6xf32, #tpu.memory_space<vmem>>, vector<16x6xf32>
      tpu.vector_store %arg8[%swap3A_65, %swap3A_66], %broadcast_in_dim3A_64 {strides = array<i32>} : memref<16x6xf32, #tpu.memory_space<vmem>>, vector<16x6xf32>,
    } else {
    }
    %get3A = arith.constant 0 : index
    %get3A_2 = arith.constant 0 : index
    %get3A_3 = arith.constant 0 : index
    %get3A_4 = vector.load %arg1[%get3A, %get3A_2, %get3A_3] : memref<2x12x13312xf32, #tpu.memory_space<vmem>>, vector<1x3x13312xf32>
    %get3A_5 = vector.shape_cast %get3A_4 : vector<1x3x13312xf32> to vector<3x13312xf32>
    %get3A_6 = arith.constant 1 : index
    %get3A_7 = arith.constant 0 : index
    %get3A_8 = arith.constant 0 : index
    %get3A_9 = vector.load %arg1[%get3A_6, %get3A_7, %get3A_8] : memref<2x12x13312xf32, #tpu.memory_space<vmem>>, vector<1x3x13312xf32>
    %get3A_10 = vector.shape_cast %get3A_9 : vector<1x3x13312xf32> to vector<3x13312xf32>
    %add3A = arith.addf %get3A_5, %get3A_10 : vector<3x13312xf32>
    %get3A_11 = arith.constant 0 : index
    %get3A_12 = arith.constant 3 : index
    %get3A_13 = arith.constant 0 : index
    %get3A_14 = vector.load %arg1[%get3A_11, %get3A_12, %get3A_13] : memref<2x12x13312xf32, #tpu.memory_space<vmem>>, vector<1x3x13312xf32>
    %get3A_15 = vector.shape_cast %get3A_14 : vector<1x3x13312xf32> to vector<3x13312xf32>
    %sub3A = arith.subf %add3A, %get3A_15 : vector<3x13312xf32>
    %get3A_16 = arith.constant 1 : index
    %get3A_17 = arith.constant 3 : index
    %get3A_18 = arith.constant 0 : index
    %get3A_19 = vector.load %arg1[%get3A_16, %get3A_17, %get3A_18] : memref<2x12x13312xf32, #tpu.memory_space<vmem>>, vector<1x3x13312xf32>
    %get3A_20 = vector.shape_cast %get3A_19 : vector<1x3x13312xf32> to vector<3x13312xf32>
    %sub3A_21 = arith.subf %sub3A, %get3A_20 : vector<3x13312xf32>
    %get3A_22 = arith.constant 0 : index
    %get3A_23 = arith.constant 0 : index
    %get3A_24 = vector.load %arg2[%get3A_22, %get3A_23] : memref<3x13312xf32, #tpu.memory_space<vmem>>, vector<3x13312xf32>
    %mul3A = arith.constant 2.000000e-01 : f32
    %mul3A_25 = vector.broadcast %mul3A : f32 to vector<3x13312xf32>
    %mul3A_26 = arith.mulf %mul3A_25, %get3A_24 : vector<3x13312xf32>
    %sub3A_27 = arith.subf %sub3A_21, %mul3A_26 : vector<3x13312xf32>
    %swap3A = arith.constant 0 : index
    %swap3A_28 = arith.constant 0 : index
    %swap3A_29 = vector.load %arg6[%swap3A, %swap3A_28] : memref<3x13312xf32, #tpu.memory_space<vmem>>, vector<3x13312xf32>
    tpu.vector_store %arg6[%swap3A, %swap3A_28], %sub3A_27 {strides = array<i32>} : memref<3x13312xf32, #tpu.memory_space<vmem>>, vector<3x13312xf32>,
    %get3A_30 = arith.constant 0 : index
    %get3A_31 = arith.constant 6 : index
    %get3A_32 = arith.constant 0 : index
    %get3A_33 = vector.load %arg1[%get3A_30, %get3A_31, %get3A_32] : memref<2x12x13312xf32, #tpu.memory_space<vmem>>, vector<1x6x13312xf32>
    %get3A_34 = vector.shape_cast %get3A_33 : vector<1x6x13312xf32> to vector<6x13312xf32>
    %get3A_35 = arith.constant 1 : index
    %get3A_36 = arith.constant 6 : index
    %get3A_37 = arith.constant 0 : index
    %get3A_38 = vector.load %arg1[%get3A_35, %get3A_36, %get3A_37] : memref<2x12x13312xf32, #tpu.memory_space<vmem>>, vector<1x6x13312xf32>
    %get3A_39 = vector.shape_cast %get3A_38 : vector<1x6x13312xf32> to vector<6x13312xf32>
    %add3A_40 = arith.addf %get3A_34, %get3A_39 : vector<6x13312xf32>
    %get3A_41 = arith.constant 0 : index
    %get3A_42 = vector.load %arg3[%get3A_41] : memref<13312xi32, #tpu.memory_space<vmem>>, vector<13312xi32>
    %broadcast_in_dim3A = vector.shape_cast %get3A_42 : vector<13312xi32> to vector<1x13312xi32>
    %iota3A = tpu.iota {dimensions = array<i32: 1>} : vector<1x16xi32>
    %iota3A_43 = vector.shape_cast %iota3A : vector<1x16xi32> to vector<16xi32>
    %broadcast_in_dim3A_44 = vector.shape_cast %iota3A_43 : vector<16xi32> to vector<16x1xi32>
    %eq3A_45 = vector.broadcast %broadcast_in_dim3A : vector<1x13312xi32> to vector<16x13312xi32>
    %eq3A_46 = vector.broadcast %broadcast_in_dim3A_44 : vector<16x1xi32> to vector<16x13312xi32>
    %eq3A_47 = arith.cmpi eq, %eq3A_45, %eq3A_46 : vector<16x13312xi32>
    %convert_element_type3A_48 = arith.extui %eq3A_47 : vector<16x13312xi1> to vector<16x13312xi32>
    %convert_element_type3A_49 = arith.sitofp %convert_element_type3A_48 : vector<16x13312xi32> to vector<16x13312xf32>
    %dot_general3A = arith.constant dense<0.000000e+00> : vector<16x6xf32>
    %dot_general3A_50 = tpu.matmul %convert_element_type3A_49, %add3A_40, %dot_general3A {dimension_numbers = #tpu.dot_dimension_numbers<[1], [1], [0], [0], [0, 0, 1, 0], [], []>, transpose_lhs_hint = false} : vector<16x13312xf32>, vector<6x13312xf32>, vector<16x6xf32> -> vector<16x6xf32>
    %get3A_51 = arith.constant 0 : index
    %get3A_52 = arith.constant 0 : index
    %get3A_53 = vector.load %arg8[%get3A_51, %get3A_52] : memref<16x6xf32, #tpu.memory_space<vmem>>, vector<16x6xf32>
    %add3A_54 = arith.addf %get3A_53, %dot_general3A_50 : vector<16x6xf32>
    %swap3A_55 = arith.constant 0 : index
    %swap3A_56 = arith.constant 0 : index
    %swap3A_57 = vector.load %arg8[%swap3A_55, %swap3A_56] : memref<16x6xf32, #tpu.memory_space<vmem>>, vector<16x6xf32>
    tpu.vector_store %arg8[%swap3A_55, %swap3A_56], %add3A_54 {strides = array<i32>} : memref<16x6xf32, #tpu.memory_space<vmem>>, vector<16x6xf32>,
    %eq3A_58 = arith.constant 7 : i32
    %eq3A_59 = arith.cmpi eq, %arg0, %eq3A_58 : i32
    %convert_element_type3A_60 = arith.extui %eq3A_59 : i1 to i32
    %cond3A_61 = arith.constant 0 : i32
    %cond3A_62 = arith.cmpi ne, %convert_element_type3A_60, %cond3A_61 : i32
    scf.if %cond3A_62 {
      %get3A_63 = arith.constant 0 : index
      %get3A_64 = arith.constant 0 : index
      %get3A_65 = vector.load %arg4[%get3A_63, %get3A_64] : memref<16x9xf32, #tpu.memory_space<vmem>>, vector<16x9xf32>
      %get3A_66 = arith.constant 0 : index
      %get3A_67 = vector.load %arg5[%get3A_66] : memref<16xf32, #tpu.memory_space<vmem>>, vector<16xf32>
      %div3A = arith.constant -2.000000e-02 : f32
      %div3A_68 = vector.broadcast %div3A : f32 to vector<16xf32>
      %div3A_69 = arith.divf %div3A_68, %get3A_67 : vector<16xf32>
      %slice3A = vector.extract_strided_slice %get3A_65 {offsets = [0, 0], sizes = [16, 1], strides = [1, 1]} : vector<16x9xf32> to vector<16x1xf32>
      %squeeze3A = vector.shape_cast %slice3A : vector<16x1xf32> to vector<16xf32>
      %slice3A_70 = vector.extract_strided_slice %get3A_65 {offsets = [0, 0], sizes = [16, 1], strides = [1, 1]} : vector<16x9xf32> to vector<16x1xf32>
      %squeeze3A_71 = vector.shape_cast %slice3A_70 : vector<16x1xf32> to vector<16xf32>
      %mul3A_72 = arith.mulf %squeeze3A, %squeeze3A_71 : vector<16xf32>
      %slice3A_73 = vector.extract_strided_slice %get3A_65 {offsets = [0, 3], sizes = [16, 1], strides = [1, 1]} : vector<16x9xf32> to vector<16x1xf32>
      %squeeze3A_74 = vector.shape_cast %slice3A_73 : vector<16x1xf32> to vector<16xf32>
      %slice3A_75 = vector.extract_strided_slice %get3A_65 {offsets = [0, 3], sizes = [16, 1], strides = [1, 1]} : vector<16x9xf32> to vector<16x1xf32>
      %squeeze3A_76 = vector.shape_cast %slice3A_75 : vector<16x1xf32> to vector<16xf32>
      %mul3A_77 = arith.mulf %squeeze3A_74, %squeeze3A_76 : vector<16xf32>
      %add3A_78 = arith.addf %mul3A_72, %mul3A_77 : vector<16xf32>
      %slice3A_79 = vector.extract_strided_slice %get3A_65 {offsets = [0, 6], sizes = [16, 1], strides = [1, 1]} : vector<16x9xf32> to vector<16x1xf32>
      %squeeze3A_80 = vector.shape_cast %slice3A_79 : vector<16x1xf32> to vector<16xf32>
      %slice3A_81 = vector.extract_strided_slice %get3A_65 {offsets = [0, 6], sizes = [16, 1], strides = [1, 1]} : vector<16x9xf32> to vector<16x1xf32>
      %squeeze3A_82 = vector.shape_cast %slice3A_81 : vector<16x1xf32> to vector<16xf32>
      %mul3A_83 = arith.mulf %squeeze3A_80, %squeeze3A_82 : vector<16xf32>
      %add3A_84 = arith.addf %add3A_78, %mul3A_83 : vector<16xf32>
      %mul3A_85 = arith.mulf %add3A_84, %div3A_69 : vector<16xf32>
      %broadcast_in_dim3A_86 = vector.shape_cast %mul3A_85 : vector<16xf32> to vector<16x1xf32>
      %slice3A_87 = vector.extract_strided_slice %get3A_65 {offsets = [0, 1], sizes = [16, 1], strides = [1, 1]} : vector<16x9xf32> to vector<16x1xf32>
      %squeeze3A_88 = vector.shape_cast %slice3A_87 : vector<16x1xf32> to vector<16xf32>
      %slice3A_89 = vector.extract_strided_slice %get3A_65 {offsets = [0, 1], sizes = [16, 1], strides = [1, 1]} : vector<16x9xf32> to vector<16x1xf32>
      %squeeze3A_90 = vector.shape_cast %slice3A_89 : vector<16x1xf32> to vector<16xf32>
      %mul3A_91 = arith.mulf %squeeze3A_88, %squeeze3A_90 : vector<16xf32>
      %slice3A_92 = vector.extract_strided_slice %get3A_65 {offsets = [0, 4], sizes = [16, 1], strides = [1, 1]} : vector<16x9xf32> to vector<16x1xf32>
      %squeeze3A_93 = vector.shape_cast %slice3A_92 : vector<16x1xf32> to vector<16xf32>
      %slice3A_94 = vector.extract_strided_slice %get3A_65 {offsets = [0, 4], sizes = [16, 1], strides = [1, 1]} : vector<16x9xf32> to vector<16x1xf32>
      %squeeze3A_95 = vector.shape_cast %slice3A_94 : vector<16x1xf32> to vector<16xf32>
      %mul3A_96 = arith.mulf %squeeze3A_93, %squeeze3A_95 : vector<16xf32>
      %add3A_97 = arith.addf %mul3A_91, %mul3A_96 : vector<16xf32>
      %slice3A_98 = vector.extract_strided_slice %get3A_65 {offsets = [0, 7], sizes = [16, 1], strides = [1, 1]} : vector<16x9xf32> to vector<16x1xf32>
      %squeeze3A_99 = vector.shape_cast %slice3A_98 : vector<16x1xf32> to vector<16xf32>
      %slice3A_100 = vector.extract_strided_slice %get3A_65 {offsets = [0, 7], sizes = [16, 1], strides = [1, 1]} : vector<16x9xf32> to vector<16x1xf32>
      %squeeze3A_101 = vector.shape_cast %slice3A_100 : vector<16x1xf32> to vector<16xf32>
      %mul3A_102 = arith.mulf %squeeze3A_99, %squeeze3A_101 : vector<16xf32>
      %add3A_103 = arith.addf %add3A_97, %mul3A_102 : vector<16xf32>
      %mul3A_104 = arith.mulf %add3A_103, %div3A_69 : vector<16xf32>
      %broadcast_in_dim3A_105 = vector.shape_cast %mul3A_104 : vector<16xf32> to vector<16x1xf32>
      %slice3A_106 = vector.extract_strided_slice %get3A_65 {offsets = [0, 2], sizes = [16, 1], strides = [1, 1]} : vector<16x9xf32> to vector<16x1xf32>
      %squeeze3A_107 = vector.shape_cast %slice3A_106 : vector<16x1xf32> to vector<16xf32>
      %slice3A_108 = vector.extract_strided_slice %get3A_65 {offsets = [0, 2], sizes = [16, 1], strides = [1, 1]} : vector<16x9xf32> to vector<16x1xf32>
      %squeeze3A_109 = vector.shape_cast %slice3A_108 : vector<16x1xf32> to vector<16xf32>
      %mul3A_110 = arith.mulf %squeeze3A_107, %squeeze3A_109 : vector<16xf32>
      %slice3A_111 = vector.extract_strided_slice %get3A_65 {offsets = [0, 5], sizes = [16, 1], strides = [1, 1]} : vector<16x9xf32> to vector<16x1xf32>
      %squeeze3A_112 = vector.shape_cast %slice3A_111 : vector<16x1xf32> to vector<16xf32>
      %slice3A_113 = vector.extract_strided_slice %get3A_65 {offsets = [0, 5], sizes = [16, 1], strides = [1, 1]} : vector<16x9xf32> to vector<16x1xf32>
      %squeeze3A_114 = vector.shape_cast %slice3A_113 : vector<16x1xf32> to vector<16xf32>
      %mul3A_115 = arith.mulf %squeeze3A_112, %squeeze3A_114 : vector<16xf32>
      %add3A_116 = arith.addf %mul3A_110, %mul3A_115 : vector<16xf32>
      %slice3A_117 = vector.extract_strided_slice %get3A_65 {offsets = [0, 8], sizes = [16, 1], strides = [1, 1]} : vector<16x9xf32> to vector<16x1xf32>
      %squeeze3A_118 = vector.shape_cast %slice3A_117 : vector<16x1xf32> to vector<16xf32>
      %slice3A_119 = vector.extract_strided_slice %get3A_65 {offsets = [0, 8], sizes = [16, 1], strides = [1, 1]} : vector<16x9xf32> to vector<16x1xf32>
      %squeeze3A_120 = vector.shape_cast %slice3A_119 : vector<16x1xf32> to vector<16xf32>
      %mul3A_121 = arith.mulf %squeeze3A_118, %squeeze3A_120 : vector<16xf32>
      %add3A_122 = arith.addf %add3A_116, %mul3A_121 : vector<16xf32>
      %mul3A_123 = arith.mulf %add3A_122, %div3A_69 : vector<16xf32>
      %broadcast_in_dim3A_124 = vector.shape_cast %mul3A_123 : vector<16xf32> to vector<16x1xf32>
      %slice3A_125 = vector.extract_strided_slice %get3A_65 {offsets = [0, 0], sizes = [16, 1], strides = [1, 1]} : vector<16x9xf32> to vector<16x1xf32>
      %squeeze3A_126 = vector.shape_cast %slice3A_125 : vector<16x1xf32> to vector<16xf32>
      %slice3A_127 = vector.extract_strided_slice %get3A_65 {offsets = [0, 1], sizes = [16, 1], strides = [1, 1]} : vector<16x9xf32> to vector<16x1xf32>
      %squeeze3A_128 = vector.shape_cast %slice3A_127 : vector<16x1xf32> to vector<16xf32>
      %mul3A_129 = arith.mulf %squeeze3A_126, %squeeze3A_128 : vector<16xf32>
      %slice3A_130 = vector.extract_strided_slice %get3A_65 {offsets = [0, 3], sizes = [16, 1], strides = [1, 1]} : vector<16x9xf32> to vector<16x1xf32>
      %squeeze3A_131 = vector.shape_cast %slice3A_130 : vector<16x1xf32> to vector<16xf32>
      %slice3A_132 = vector.extract_strided_slice %get3A_65 {offsets = [0, 4], sizes = [16, 1], strides = [1, 1]} : vector<16x9xf32> to vector<16x1xf32>
      %squeeze3A_133 = vector.shape_cast %slice3A_132 : vector<16x1xf32> to vector<16xf32>
      %mul3A_134 = arith.mulf %squeeze3A_131, %squeeze3A_133 : vector<16xf32>
      %add3A_135 = arith.addf %mul3A_129, %mul3A_134 : vector<16xf32>
      %slice3A_136 = vector.extract_strided_slice %get3A_65 {offsets = [0, 6], sizes = [16, 1], strides = [1, 1]} : vector<16x9xf32> to vector<16x1xf32>
      %squeeze3A_137 = vector.shape_cast %slice3A_136 : vector<16x1xf32> to vector<16xf32>
      %slice3A_138 = vector.extract_strided_slice %get3A_65 {offsets = [0, 7], sizes = [16, 1], strides = [1, 1]} : vector<16x9xf32> to vector<16x1xf32>
      %squeeze3A_139 = vector.shape_cast %slice3A_138 : vector<16x1xf32> to vector<16xf32>
      %mul3A_140 = arith.mulf %squeeze3A_137, %squeeze3A_139 : vector<16xf32>
      %add3A_141 = arith.addf %add3A_135, %mul3A_140 : vector<16xf32>
      %mul3A_142 = arith.mulf %add3A_141, %div3A_69 : vector<16xf32>
      %broadcast_in_dim3A_143 = vector.shape_cast %mul3A_142 : vector<16xf32> to vector<16x1xf32>
      %slice3A_144 = vector.extract_strided_slice %get3A_65 {offsets = [0, 1], sizes = [16, 1], strides = [1, 1]} : vector<16x9xf32> to vector<16x1xf32>
      %squeeze3A_145 = vector.shape_cast %slice3A_144 : vector<16x1xf32> to vector<16xf32>
      %slice3A_146 = vector.extract_strided_slice %get3A_65 {offsets = [0, 2], sizes = [16, 1], strides = [1, 1]} : vector<16x9xf32> to vector<16x1xf32>
      %squeeze3A_147 = vector.shape_cast %slice3A_146 : vector<16x1xf32> to vector<16xf32>
      %mul3A_148 = arith.mulf %squeeze3A_145, %squeeze3A_147 : vector<16xf32>
      %slice3A_149 = vector.extract_strided_slice %get3A_65 {offsets = [0, 4], sizes = [16, 1], strides = [1, 1]} : vector<16x9xf32> to vector<16x1xf32>
      %squeeze3A_150 = vector.shape_cast %slice3A_149 : vector<16x1xf32> to vector<16xf32>
      %slice3A_151 = vector.extract_strided_slice %get3A_65 {offsets = [0, 5], sizes = [16, 1], strides = [1, 1]} : vector<16x9xf32> to vector<16x1xf32>
      %squeeze3A_152 = vector.shape_cast %slice3A_151 : vector<16x1xf32> to vector<16xf32>
      %mul3A_153 = arith.mulf %squeeze3A_150, %squeeze3A_152 : vector<16xf32>
      %add3A_154 = arith.addf %mul3A_148, %mul3A_153 : vector<16xf32>
      %slice3A_155 = vector.extract_strided_slice %get3A_65 {offsets = [0, 7], sizes = [16, 1], strides = [1, 1]} : vector<16x9xf32> to vector<16x1xf32>
      %squeeze3A_156 = vector.shape_cast %slice3A_155 : vector<16x1xf32> to vector<16xf32>
      %slice3A_157 = vector.extract_strided_slice %get3A_65 {offsets = [0, 8], sizes = [16, 1], strides = [1, 1]} : vector<16x9xf32> to vector<16x1xf32>
      %squeeze3A_158 = vector.shape_cast %slice3A_157 : vector<16x1xf32> to vector<16xf32>
      %mul3A_159 = arith.mulf %squeeze3A_156, %squeeze3A_158 : vector<16xf32>
      %add3A_160 = arith.addf %add3A_154, %mul3A_159 : vector<16xf32>
      %mul3A_161 = arith.mulf %add3A_160, %div3A_69 : vector<16xf32>
      %broadcast_in_dim3A_162 = vector.shape_cast %mul3A_161 : vector<16xf32> to vector<16x1xf32>
      %slice3A_163 = vector.extract_strided_slice %get3A_65 {offsets = [0, 0], sizes = [16, 1], strides = [1, 1]} : vector<16x9xf32> to vector<16x1xf32>
      %squeeze3A_164 = vector.shape_cast %slice3A_163 : vector<16x1xf32> to vector<16xf32>
      %slice3A_165 = vector.extract_strided_slice %get3A_65 {offsets = [0, 2], sizes = [16, 1], strides = [1, 1]} : vector<16x9xf32> to vector<16x1xf32>
      %squeeze3A_166 = vector.shape_cast %slice3A_165 : vector<16x1xf32> to vector<16xf32>
      %mul3A_167 = arith.mulf %squeeze3A_164, %squeeze3A_166 : vector<16xf32>
      %slice3A_168 = vector.extract_strided_slice %get3A_65 {offsets = [0, 3], sizes = [16, 1], strides = [1, 1]} : vector<16x9xf32> to vector<16x1xf32>
      %squeeze3A_169 = vector.shape_cast %slice3A_168 : vector<16x1xf32> to vector<16xf32>
      %slice3A_170 = vector.extract_strided_slice %get3A_65 {offsets = [0, 5], sizes = [16, 1], strides = [1, 1]} : vector<16x9xf32> to vector<16x1xf32>
      %squeeze3A_171 = vector.shape_cast %slice3A_170 : vector<16x1xf32> to vector<16xf32>
      %mul3A_172 = arith.mulf %squeeze3A_169, %squeeze3A_171 : vector<16xf32>
      %add3A_173 = arith.addf %mul3A_167, %mul3A_172 : vector<16xf32>
      %slice3A_174 = vector.extract_strided_slice %get3A_65 {offsets = [0, 6], sizes = [16, 1], strides = [1, 1]} : vector<16x9xf32> to vector<16x1xf32>
      %squeeze3A_175 = vector.shape_cast %slice3A_174 : vector<16x1xf32> to vector<16xf32>
      %slice3A_176 = vector.extract_strided_slice %get3A_65 {offsets = [0, 8], sizes = [16, 1], strides = [1, 1]} : vector<16x9xf32> to vector<16x1xf32>
      %squeeze3A_177 = vector.shape_cast %slice3A_176 : vector<16x1xf32> to vector<16xf32>
      %mul3A_178 = arith.mulf %squeeze3A_175, %squeeze3A_177 : vector<16xf32>
      %add3A_179 = arith.addf %add3A_173, %mul3A_178 : vector<16xf32>
      %mul3A_180 = arith.mulf %add3A_179, %div3A_69 : vector<16xf32>
      %broadcast_in_dim3A_181 = vector.shape_cast %mul3A_180 : vector<16xf32> to vector<16x1xf32>
      %concatenate3A = tpu.concatenate %broadcast_in_dim3A_86, %broadcast_in_dim3A_105, %broadcast_in_dim3A_124, %broadcast_in_dim3A_143, %broadcast_in_dim3A_162, %broadcast_in_dim3A_181 in 1 : vector<16x1xf32>, vector<16x1xf32>, vector<16x1xf32>, vector<16x1xf32>, vector<16x1xf32>, vector<16x1xf32> -> vector<16x6xf32>
      %get3A_182 = arith.constant 0 : index
      %get3A_183 = arith.constant 0 : index
      %get3A_184 = vector.load %arg8[%get3A_182, %get3A_183] : memref<16x6xf32, #tpu.memory_space<vmem>>, vector<16x6xf32>
      %neg3A = arith.constant 0.000000e+00 : f32
      %neg3A_185 = vector.broadcast %neg3A : f32 to vector<16x6xf32>
      %neg3A_186 = arith.subf %neg3A_185, %get3A_184 : vector<16x6xf32>
      %broadcast_in_dim3A_187 = vector.shape_cast %get3A_67 : vector<16xf32> to vector<16x1xf32>
      %div3A_188 = vector.broadcast %broadcast_in_dim3A_187 : vector<16x1xf32> to vector<16x6xf32>
      %div3A_189 = arith.divf %neg3A_186, %div3A_188 : vector<16x6xf32>
      %add3A_190 = arith.addf %div3A_189, %concatenate3A : vector<16x6xf32>
      %swap3A_191 = arith.constant 0 : index
      %swap3A_192 = arith.constant 0 : index
      %swap3A_193 = vector.load %arg7[%swap3A_191, %swap3A_192] : memref<16x6xf32, #tpu.memory_space<vmem>>, vector<16x6xf32>
      tpu.vector_store %arg7[%swap3A_191, %swap3A_192], %add3A_190 {strides = array<i32>} : memref<16x6xf32, #tpu.memory_space<vmem>>, vector<16x6xf32>,
    } else {
    }
    return
  }
  func.func @transform_0(%arg0: i32) -> (i32, i32, i32) {
    %c0_i32 = arith.constant 0 : i32
    %c0_i32_0 = arith.constant 0 : i32
    %c0_i32_1 = arith.constant 0 : i32
    return %c0_i32, %c0_i32_0, %arg0 : i32, i32, i32
  }
  func.func @transform_1(%arg0: i32) -> (i32, i32) {
    %c0_i32 = arith.constant 0 : i32
    %c0_i32_0 = arith.constant 0 : i32
    return %c0_i32, %arg0 : i32, i32
  }
  func.func @transform_2(%arg0: i32) -> i32 {
    %c0_i32 = arith.constant 0 : i32
    return %arg0 : i32
  }
  func.func @transform_3(%arg0: i32) -> (i32, i32) {
    %c0_i32 = arith.constant 0 : i32
    %c0_i32_0 = arith.constant 0 : i32
    %c0_i32_1 = arith.constant 0 : i32
    return %c0_i32, %c0_i32_0 : i32, i32
  }
  func.func @transform_4(%arg0: i32) -> i32 {
    %c0_i32 = arith.constant 0 : i32
    %c0_i32_0 = arith.constant 0 : i32
    return %c0_i32 : i32
  }
  func.func @transform_5(%arg0: i32) -> (i32, i32) {
    %c0_i32 = arith.constant 0 : i32
    %c0_i32_0 = arith.constant 0 : i32
    return %c0_i32, %arg0 : i32, i32
  }
  func.func @transform_6(%arg0: i32) -> (i32, i32) {
    %c0_i32 = arith.constant 0 : i32
    %c0_i32_0 = arith.constant 0 : i32
    %c0_i32_1 = arith.constant 0 : i32
    return %c0_i32, %c0_i32_0 : i32, i32
  }
}

</mosaic_0001>

<sc_bundles>
// kernel: kernel.4.cloned.1.call-start
scs
__scs_entry_jumppad:
0x0: {  	(pc) =	sbr.rel $0x88, $3  }
0x1: {  	(tag) =	ssettag $0x0;
	lr =	simm.s32 $0x1  }
0x2: {  	[smem:$0x3F9B] =	sst lr;
	_ =	strace $0xD0000000  }
0x3: {  	_ = 	snop  }
0x4: {  	_ = 	snop  }
0x5: {  	_ = 	snop  }
0x6: {  	_ = 	snop  }
0x7: {  	_ = 	snop  }
__scs_overlays_trampoline_lowered:
0x8: {  	[smem:$0x3FAA] =	sst s0  }
0x9: {  	[smem:$0x3FAB] =	sst s1  }
0xa: {  	[smem:$0x3FAC] =	sst s2  }
0xb: {  	[smem:$0x3FAD] =	sst s3  }
0xc: {  	[smem:$0x3FAE] =	sst s4  }
0xd: {  	[smem:$0x3FAF] =	sst s5  }
0xe: {  	[smem:$0x3FB0] =	sst s6  }
0xf: {  	[smem:$0x3FB1] =	sst s7  }
0x10: {  	[smem:$0x3FB2] =	sst s8  }
0x11: {  	[smem:$0x3FB3] =	sst s9;
	s0 =	simm.s32 @!p0 $0x0  }
0x12: {  	s1 =	sld [smem:$0x3F99];
	s0 =	simm.s32 @p0 $0x1  }
0x13: {  	[smem:$0x3FB4] =	sst s0;
	s0 =	simm.s32 @!p1 $0x0  }
0x14: {  	s2 =	sld [smem:$0x3F98];
	s0 =	simm.s32 @p1 $0x1  }
0x15: {  	[smem:$0x3FB5] =	sst s0;
	s0 =	simm.s32 @!p2 $0x0  }
0x16: {  	s3 =	sld [smem:$0x3FDB];
	s0 =	simm.s32 @p2 $0x1  }
0x17: {  	s4 =	simm.s32 $0x1BF5;
	[smem:$0x3FB7] =	sst s0  }
0x18: {  	s0 =	sld [smem:$0x3F9A];
	_ =	swait.ge [sflag:s4], $0x0  }
0x19: {  	s7 =	sld [smem:$0x3F9B]  }
0x1a: {  	s8 =	sadd.s32 $0xFFFFE003, lr  }
0x1b: {  	s9 =	sadd.s32 $0xFFFFFEF7, lr;
	s5 =	simm.s32 $0xFFFFFFFF;
	p2 =	slt.u32 s8, $0xFFFFF086  }
0x1c: {  	p1 =	slt.u32 s9, $0xF7A;
	s5 =	simm.s32 @!p2 $0x0  }
0x1d: {  	s5 =	simm.s32 @p1 $0x1;
	p0 =	seq.s32 s7, s2  }
0x1e: {  	s7 =	smul.u32 @!p0 $0xF7A, s2;
	p2 =	seq.s32 @!p0 s5, $0x0  }
0x1f: {  	s9 =	smul.u32 $0xF7A, s1;
	s8 =	simm.s32 @!p0 $0x1BF5;
	p2 =	por !p2, p0  }
0x20: {  	[sflag:s8] =	ssyncset.s32 @!p0 $0xFFFFF086;
	s6 =	sadd.s32 @!p0 s3, s7;
	s7 =	simm.s32 @!p0 $0x108  }
0x21: {  	s3 =	sadd.s32 s3, s9;
	s6 =	sadd.s32 @!p0 $0x88, s6;
	s7 =	simm.s32 @p2 $0x1082  }
0x22: {  	[simem:s7], [sflag:s8] =	dma.local @!p0 [hbm:s6], $0xF7A  }
0x23: {  	s9 =	sor.u32 $0xD0000000, s2;
	s6 =	simm.s32 $0x108;
	_ =	swait.ge @!p0 [sflag:s8], $0x0  }
0x24: {  	s3 =	sadd.s32 $0x88, s3;
	s6 =	simm.s32 @!p1 $0x1082;
	[sflag:s4] =	ssyncset.s32 $0xFFFFF086  }
0x25: {  	[simem:s6], [sflag:s4] =	dma.local [hbm:s3], $0xF7A  }
0x26: {  	[smem:$0x3F9B] =	sst s1;
	(tag) =	ssettag s2;
	_ =	strace s9  }
0x27: {  	s1 =	sld [smem:$0x3FAB]  }
0x28: {  	s2 =	sld [smem:$0x3FAC]  }
0x29: {  	s4 =	sld [smem:$0x3FAE]  }
0x2a: {  	p0 =	seq.s32 s5, $0x0;
	s5 =	sld [smem:$0x3FAF]  }
0x2b: {  	s6 =	sld [smem:$0x3FB0]  }
0x2c: {  	s7 =	sld [smem:$0x3FB1]  }
0x2d: {  	s3 =	simm.s32 $0x108;
	s8 =	sld [smem:$0x3FB2]  }
0x2e: {  	s3 =	simm.s32 @!p0 $0x1082;
	s9 =	sld [smem:$0x3FB3]  }
0x2f: {  	lr =	sadd.s32 s0, s3;
	s0 =	sld [smem:$0x3FAA]  }
0x30: {  	s3 =	sld [smem:$0x3FAD]  }
0x31: {  	[smem:$0x3FB6] =	sst s10  }
0x32: {  	s10 =	sld [smem:$0x3FB4];
	_ =	sdelay $0x3  }
0x33: {  	p0 =	seq.s32 s10, $0x1;
	s10 =	sld [smem:$0x3FB6];
	_ =	sdelay $0x3  }
0x34: {  	[smem:$0x3FB6] =	sst s10  }
0x35: {  	s10 =	sld [smem:$0x3FB5];
	_ =	sdelay $0x3  }
0x36: {  	p1 =	seq.s32 s10, $0x1;
	s10 =	sld [smem:$0x3FB6];
	_ =	sdelay $0x3  }
0x37: {  	[smem:$0x3FB6] =	sst s10  }
0x38: {  	s10 =	sld [smem:$0x3FB7]  }
0x39: {  	_ = 	snop;
	(pc) =	sbr.ind lr, $3  }
0x3a: {  	_ = 	snop  }
0x3b: {  	_ = 	snop  }
0x3c: {  	p2 =	seq.s32 s10, $0x1;
	s10 =	sld [smem:$0x3FB6]  }
0x3d: {  	_ =	shalt  }
0x3e: {  	_ =	shalt  }
0x3f: {  	_ =	shalt  }
0x40: {  	_ =	shalt  }
0x41: {  	_ =	shalt  }
0x42: {  	_ =	shalt  }
0x43: {  	_ =	shalt  }
0x44: {  	_ =	shalt  }
0x45: {  	_ =	shalt  }
0x46: {  	_ =	shalt  }
0x47: {  	_ =	shalt  }
0x48: {  	_ =	shalt  }
0x49: {  	_ =	shalt  }
0x4a: {  	_ =	shalt  }
0x4b: {  	_ =	shalt  }
0x4c: {  	_ =	shalt  }
0x4d: {  	_ =	shalt  }
0x4e: {  	_ =	shalt  }
0x4f: {  	_ =	shalt  }
0x50: {  	_ =	shalt  }
0x51: {  	_ =	shalt  }
0x52: {  	_ =	shalt  }
0x53: {  	_ =	shalt  }
0x54: {  	_ =	shalt  }
0x55: {  	_ =	shalt  }
0x56: {  	_ =	shalt  }
0x57: {  	_ =	shalt  }
0x58: {  	_ =	shalt  }
0x59: {  	_ =	shalt  }
0x5a: {  	_ =	shalt  }
0x5b: {  	_ =	shalt  }
0x5c: {  	_ =	shalt  }
0x5d: {  	_ =	shalt  }
0x5e: {  	_ =	shalt  }
0x5f: {  	_ =	shalt  }
0x60: {  	_ =	shalt  }
0x61: {  	_ =	shalt  }
0x62: {  	_ =	shalt  }
0x63: {  	_ =	shalt  }
0x64: {  	_ =	shalt  }
0x65: {  	_ =	shalt  }
0x66: {  	_ =	shalt  }
0x67: {  	_ =	shalt  }
0x68: {  	_ =	shalt  }
0x69: {  	_ =	shalt  }
0x6a: {  	_ =	shalt  }
0x6b: {  	_ =	shalt  }
0x6c: {  	_ =	shalt  }
0x6d: {  	_ =	shalt  }
0x6e: {  	_ =	shalt  }
0x6f: {  	_ =	shalt  }
0x70: {  	_ =	shalt  }
0x71: {  	_ =	shalt  }
0x72: {  	_ =	shalt  }
0x73: {  	_ =	shalt  }
0x74: {  	_ =	shalt  }
0x75: {  	_ =	shalt  }
0x76: {  	_ =	shalt  }
0x77: {  	_ =	shalt  }
0x78: {  	_ =	shalt  }
0x79: {  	_ =	shalt  }
0x7a: {  	_ =	shalt  }
0x7b: {  	_ =	shalt  }
0x7c: {  	_ =	shalt  }
0x7d: {  	_ =	shalt  }
0x7e: {  	_ =	shalt  }
0x7f: {  	_ =	shalt  }
0x80: {  	_ =	shalt  }
0x81: {  	_ =	shalt  }
0x82: {  	_ =	shalt  }
0x83: {  	_ =	shalt  }
0x84: {  	_ =	shalt  }
0x85: {  	_ =	shalt  }
0x86: {  	_ =	shalt  }
0x87: {  	_ =	shalt  }
.Lfunc_end0:
.L_simem_size_0:
called_computation_lowered:
.L_overlay_start_0:
0x88: {  	s2 =	sld [smem:$0x3FD9]  }
0x89: {  	s3 =	sld [smem:$0x3FFE];
	_ =	sdelay $0x1  }
0x8a: {  	s1 =	srdreg.scid  }
0x8b: {  	s0 =	sand.u32 $0x1, s1  }
0x8c: {  	s9 =	sshll.u32 s0, $0xA;
	s2 =	sadd.s32 s3, s2  }
0x8d: {  	s2 =	sadd.s32 s2, s9  }
0x8e: {  	[smem:$0x3FC2] =	sst s2  }
0x8f: {  	_ = 	snop  }
0x90: {  	s2 =	sld [smem:$0x3FD0];
	_ =	sdelay $0x2  }
0x91: {  	s10 =	simm.s32 $0xA;
	s4 =	simm.s32 $0x10  }
0x92: {  	[smem:s4], [sflag:s10] =	dma.local [hbm:s2], $0x1  }
0x93: {  	_ =	swait.eq [sflag:s10], $0x1  }
0x94: {  	[sflag:s10] =	ssyncset.done $0x0  }
0x95: {  	[sflag:s10] =	ssyncadd.s32 $0xFFFFFFFF  }
0x96: {  	s11 =	sld [smem:$0x10];
	(tm) =	ssettm $0x1  }
0x97: {  	s12 =	sld [smem:$0x3FFB];
	_ =	sdelay $0x3  }
0x98: {  	_ =	strace s12  }
0x99: {  	s2 =	sld [smem:$0x3FFC];
	_ =	sdelay $0x3  }
0x9a: {  	_ =	strace s2  }
0x9b: {  	s2 =	sld [smem:$0x3FFD];
	_ =	sdelay $0x3  }
0x9c: {  	_ =	strace s2  }
0x9d: {  	_ =	strace $0x8FFFFFFF  }
0x9e: {  	s13 =	sld [smem:$0x3FDB];
	_ =	sdelay $0x1  }
0x9f: {  	s14 =	simm.s32 $_scs_section_size  }
0xa0: {  	s5 =	simm.s32 $_size__tile_task_arg_handler_lowered;
	s6 =	simm.s32 $_tile_task_arg_handler_lowered  }
0xa1: {  	s17 =	simm.s32 $0x1BFF;
	s16 =	sshll.u32 s6, $0x1;
	s4 =	sadd.s32 s14, s13  }
0xa2: {  	s7 =	simm.s32 $0x60;
	s15 =	sshll.u32 s5, $0x1;
	s5 =	sadd.s32 s16, s4  }
0xa3: {  	[timem:s7], [sflag:s17] =	dma.local [hbm:s5], s15  }
0xa4: {  	_ =	swait.ge [sflag:s17], s15  }
0xa5: {  	s18 =	simm.s32 $_tile_overlayer_lowered;
	s2 =	ssub.s32 $0x0, s15;
	[sflag:s17] =	ssyncset.done $0x0  }
0xa6: {  	s19 =	simm.s32 $_size__tile_overlayer_lowered;
	s5 =	sshll.u32 s18, $0x1;
	[sflag:s17] =	ssyncadd.s32 s2  }
0xa7: {  	s21 =	simm.s32 $0x0;
	s20 =	sshll.u32 s19, $0x1;
	s5 =	sadd.s32 s5, s4  }
0xa8: {  	[timem:s21], [sflag:s17] =	dma.local [hbm:s5], s20  }
0xa9: {  	_ =	swait.ge [sflag:s17], s20  }
0xaa: {  	s22 =	ssub.s32 $0x0, s20;
	[sflag:s17] =	ssyncset.done $0x0  }
0xab: {  	[sflag:s17] =	ssyncadd.s32 s22;
	_ =	sdelay $0x1  }
0xac: {  	s23 =	simm.s32 $0x1B8B  }
0xad: {  	_ =	swait.ge [sflag:s23], $0x1  }
0xae: {  	[sflag:s23] =	ssyncset.done $0x0  }
0xaf: {  	s25 =	simm.s32 $0x1B8E;
	s24 =	sld [smem:$0x3FFE];
	[sflag:s23] =	ssyncadd.s32 $0xFFFFFFFF  }
0xb0: {  	s26 =	simm.s32 $execute0_lowered;
	[smem:$0x3FD2] =	sst s25  }
0xb1: {  	s6 =	sshll.u32 s26, $0x1;
	_ =	strace $0x80000046;
	[dreg:$0x1] =	wrdreg $0xFFFFFFFF  }
0xb2: {  	s28 =	simm.s32 $_size_execute0_lowered;
	s4 =	sadd.s32 s4, s6;
	[dreg:$0x0] =	wrdreg $0x0  }
0xb3: {  	s6 =	sshll.u32 s28, $0x1;
	[dreg:$0x2] =	wrdreg s4  }
0xb4: {  	[dreg:$0x3] =	wrdreg s6  }
0xb5: {  	[dreg:$0x4] =	wrdreg $0xC0  }
0xb6: {  	_ =	task [dreg:s21], $0x5FFFF  }
0xb7: {  	[dreg:$0x1] =	wrdreg $0xFFFFFFFF  }
0xb8: {  	[dreg:$0x0] =	wrdreg $0x30  }
0xb9: {  	[dreg:$0x2] =	wrdreg $0x0  }
0xba: {  	[dreg:$0x3] =	wrdreg $0x9  }
0xbb: {  	_ =	task [dreg:s21], $0x4FFFF  }
0xbc: {  	[dreg:$0x1] =	wrdreg $0xFFFFFFFF  }
0xbd: {  	[dreg:$0x0] =	wrdreg $0x60  }
0xbe: {  	[dreg:$0x2] =	wrdreg s24  }
0xbf: {  	[dreg:$0x3] =	wrdreg s11  }
0xc0: {  	[dreg:$0x4] =	wrdreg $0x30000  }
0xc1: {  	[dreg:$0x5] =	wrdreg $0x4A000  }
0xc2: {  	[dreg:$0x6] =	wrdreg $0x64000  }
0xc3: {  	[dreg:$0x7] =	wrdreg $0x7E000  }
0xc4: {  	[dreg:$0x8] =	wrdreg $0x98000  }
0xc5: {  	[dreg:$0x9] =	wrdreg $0xB2000  }
0xc6: {  	[dreg:$0xa] =	wrdreg $0xCC000  }
0xc7: {  	[dreg:$0xb] =	wrdreg $0xE6000  }
0xc8: {  	[dreg:$0xc] =	wrdreg $0x100000  }
0xc9: {  	[dreg:$0xd] =	wrdreg $0x11A000  }
0xca: {  	[dreg:$0xe] =	wrdreg $0x134000  }
0xcb: {  	[dreg:$0xf] =	wrdreg $0x14E000  }
0xcc: {  	_ =	task.clear_ibuf [dreg:s21], $0x10FFFF;
	_ =	strace $0x90000046  }
0xcd: {  	s29 =	simm.s32 $0x9;
	_ =	strace $0x80000048  }
0xce: {  	_ =	swait.ge [sflag:s29], $0x1  }
0xcf: {  	[sflag:s29] =	ssyncadd.s32 $0xFFFFFFFF  }
0xd0: {  	_ =	strace $0x90000048  }
0xd1: {  	_ =	sfence  }
0xd2: {  	s30 =	sld [smem:$0x0];
	_ =	sdelay $0x2  }
0xd3: {  	s31 =	sshll.u32 s1, $0xD;
	s1 =	sshrl.u32 s1, $0x2  }
0xd4: {  	s4 =	sand.u32 $0x4000, s31;
	s1 =	sadd.s32 s1, s30  }
0xd5: {  	s0 =	sor.u32 s4, s0;
	s1 =	sshll.u32 s1, $0x11  }
0xd6: {  	s0 =	sor.u32 s1, s0  }
0xd7: {  	s0 =	sadd.s32 $0x8F2B, s0  }
0xd8: {  	[sflag:s0] =	ssyncadd.remote.s32 $0x1  }
0xd9: {  	_ =	sfence.sel $0xFFFF  }
0xda: {  	[dreg:$0x0] =	wrdreg $0xFFFFFFFF;
	(pc) =	sbr.abs _section_cstart, $3  }
0xdb: {  	[dreg:$0x1] =	wrdreg $0xFFFFFFFF  }
0xdc: {  	_ =	task.clear_ibuf [dreg:s21], $0x2FFFF;
	_ =	strace $0x9FFFFFFF  }
0xdd: {  	(tm) =	ssettm $0x7FFFFFFF  }
tec
_tile_task_arg_handler_lowered:
.L_overlay_start_1:
0x0: {  	(tag) =	ssettag $0x1  }
0x1: {  	s0 =	rddreg [dreg:$0x0]  }
0x2: {  	s1 =	rddreg [dreg:$0x1]  }
0x3: {  	s2 =	rddreg [dreg:$0x2]  }
0x4: {  	s3 =	rddreg [dreg:$0x3]  }
0x5: {  	s4 =	rddreg [dreg:$0x4]  }
0x6: {  	s5 =	rddreg [dreg:$0x5]  }
0x7: {  	s6 =	rddreg [dreg:$0x6]  }
0x8: {  	s7 =	rddreg [dreg:$0x7]  }
0x9: {  	s8 =	rddreg [dreg:$0x8]  }
0xa: {  	s9 =	rddreg [dreg:$0x9]  }
0xb: {  	s10 =	rddreg [dreg:$0xa]  }
0xc: {  	s11 =	rddreg [dreg:$0xb]  }
0xd: {  	s12 =	rddreg [dreg:$0xc]  }
0xe: {  	s13 =	rddreg [dreg:$0xd]  }
0xf: {  	[smem:s0] =	sst s1  }
0x10: {  	[smem:s0+$0x1] =	sst s2  }
0x11: {  	[smem:s0+$0x2] =	sst s3  }
0x12: {  	[smem:s0+$0x3] =	sst s4  }
0x13: {  	[smem:s0+$0x4] =	sst s5  }
0x14: {  	[smem:s0+$0x5] =	sst s6  }
0x15: {  	[smem:s0+$0x6] =	sst s7  }
0x16: {  	[smem:s0+$0x7] =	sst s8  }
0x17: {  	[smem:s0+$0x8] =	sst s9  }
0x18: {  	[smem:s0+$0x9] =	sst s10  }
0x19: {  	[smem:s0+$0xA] =	sst s11  }
0x1a: {  	[smem:s0+$0xB] =	sst s12  }
0x1b: {  	[smem:s0+$0xC] =	sst s13;
	_ =	shalt  }
.Lfunc_end2:
execute0_lowered:
.L_overlay_start_2:
0x1c: {  	(tag) =	ssettag $0x2  }
0x1d: {  	s15 =	rddreg [dreg:$0x0]  }
0x1e: {  	s11 =	rddreg [dreg:$0x1]  }
0x1f: {  	s0 =	rddreg [dreg:$0x2]  }
0x20: {  	s1 =	rddreg [dreg:$0x3]  }
0x21: {  	s2 =	rddreg [dreg:$0x4]  }
0x22: {  	s3 =	rddreg [dreg:$0x5]  }
0x23: {  	s4 =	rddreg [dreg:$0x6]  }
0x24: {  	s5 =	rddreg [dreg:$0x7]  }
0x25: {  	s8 =	rddreg [dreg:$0x8]  }
0x26: {  	s9 =	rddreg [dreg:$0x9]  }
0x27: {  	s10 =	rddreg [dreg:$0xa]  }
0x28: {  	s6 =	srdreg.scid;
	s12 =	rddreg [dreg:$0xb];
	s14 =	simm.s32 $0x0  }
0x29: {  	s7 =	stileid.u32;
	[smem:$0x7FF] =	sst s14  }
0x2a: {  	s16 =	sand.u32 $0x1, s6;
	s26 =	smul.u32 $0x61C00, s7;
	s18 =	sld [smem:$0x0]  }
0x2b: {  	s13 =	rddreg [dreg:$0xc];
	s17 =	smul.u32 $0x30E00, s16  }
0x2c: {  	s21 =	rddreg [dreg:$0xd];
	s23 =	sadd.s32 $0x187E00, s15  }
0x2d: {  	s6 =	sadd.s32 s17, s26;
	s26 =	sadd.s32 $0x24B600, s15;
	[smem:$0x7BE] =	sst s18  }
0x2e: {  	_ =	strace $0x80000047;
	[smem:$0x7E3] =	sst s23  }
0x2f: {  	s25 =	sadd.s32 $0x1200, s15;
	[smem:$0x7E5] =	sst s26  }
0x30: {  	s24 =	sadd.s32 $0x3D2400, s15;
	s19 =	sadd.s32 $0x280, s6;
	[smem:$0x7E7] =	sst s25  }
0x31: {  	s22 =	sadd.s32 $0x495C00, s15;
	s17 =	sshrl.u32 s19, $0x3;
	[smem:$0x7E9] =	sst s24  }
0x32: {  	[smem:$0x7EB] =	sst s22;
	s18 =	sadd.s32 s17, s22  }
0x33: {  	s20 =	sadd.s32 s17, s24;
	[dreg:$0xe] =	wrdreg s18  }
0x34: {  	s19 =	sadd.s32 s17, s25;
	[dreg:$0xf] =	wrdreg s20  }
0x35: {  	[dreg:$0x10] =	wrdreg s19;
	s20 =	sadd.s32 s17, s26;
	s19 =	sor.u32 $0x180, s6  }
0x36: {  	s17 =	sadd.s32 s17, s23;
	[dreg:$0x11] =	wrdreg s20;
	s18 =	sshrl.u32 s19, $0x3  }
0x37: {  	[dreg:$0x12] =	wrdreg s17;
	s19 =	sadd.s32 s18, s22  }
0x38: {  	s20 =	sadd.s32 s18, s24;
	[dreg:$0x13] =	wrdreg s19  }
0x39: {  	[dreg:$0x14] =	wrdreg s20;
	s19 =	sadd.s32 s18, s25  }
0x3a: {  	s20 =	sadd.s32 s18, s26;
	[dreg:$0x15] =	wrdreg s19  }
0x3b: {  	s19 =	sor.u32 $0x100, s6;
	[dreg:$0x16] =	wrdreg s20;
	s20 =	sadd.s32 s18, s23  }
0x3c: {  	s6 =	sadd.s32 $0x200, s6;
	s18 =	sshrl.u32 s19, $0x3;
	[dreg:$0x17] =	wrdreg s20  }
0x3d: {  	[smem:$0x7FA] =	sst s6;
	s19 =	sadd.s32 s18, s22  }
0x3e: {  	s20 =	sadd.s32 s18, s24;
	[dreg:$0x18] =	wrdreg s19  }
0x3f: {  	[dreg:$0x19] =	wrdreg s20;
	s19 =	sadd.s32 s18, s25  }
0x40: {  	s20 =	sadd.s32 s18, s26;
	[dreg:$0x1a] =	wrdreg s19  }
0x41: {  	s18 =	sadd.s32 s18, s23;
	[dreg:$0x1b] =	wrdreg s20  }
0x42: {  	[dreg:$0x1c] =	wrdreg s18;
	s19 =	simm.s32 $0xA00  }
0x43: {  	s20 =	simm.s32 $0xA80;
	[dreg:$0x1d] =	wrdreg s19  }
0x44: {  	s18 =	simm.s32 $0xB00;
	[dreg:$0x1e] =	wrdreg s20  }
0x45: {  	[dreg:$0x1f] =	wrdreg s18;
	s19 =	simm.s32 $0xB80  }
0x46: {  	s20 =	simm.s32 $0xC00;
	[smem:$0x7BF] =	sst s19  }
0x47: {  	s18 =	simm.s32 $0xC80;
	[smem:$0x7C0] =	sst s20  }
0x48: {  	[smem:$0x7C1] =	sst s18;
	s19 =	simm.s32 $0xD00  }
0x49: {  	s20 =	simm.s32 $0xD80;
	[smem:$0x7C2] =	sst s19  }
0x4a: {  	s18 =	simm.s32 $0xE00;
	[smem:$0x7C3] =	sst s20  }
0x4b: {  	[smem:$0x7C4] =	sst s18;
	s19 =	simm.s32 $0xE80  }
0x4c: {  	s20 =	simm.s32 $0xF00;
	[smem:$0x7C5] =	sst s19  }
0x4d: {  	s18 =	simm.s32 $0xF80;
	[smem:$0x7C6] =	sst s20  }
0x4e: {  	[smem:$0x7C7] =	sst s18;
	s19 =	simm.s32 $0x1000  }
0x4f: {  	s29 =	smul.u32 $0x1A00, s7;
	s20 =	simm.s32 $0x1080;
	[smem:$0x7C8] =	sst s19  }
0x50: {  	s17 =	smul.u32 $0x138000, s16;
	s18 =	simm.s32 $0x1100;
	[smem:$0x7C9] =	sst s20  }
0x51: {  	[smem:$0x7CA] =	sst s18;
	s19 =	simm.s32 $0x1180  }
0x52: {  	s17 =	sadd.s32 s29, s17;
	s20 =	simm.s32 $0x1200;
	[smem:$0x7CB] =	sst s19  }
0x53: {  	s17 =	sshrl.u32 s17, $0x3;
	s18 =	simm.s32 $0x1280;
	[smem:$0x7CC] =	sst s20  }
0x54: {  	s15 =	sadd.s32 s17, s15;
	[smem:$0x7CD] =	sst s18;
	s20 =	simm.s32 $0x1300  }
0x55: {  	s17 =	ssub.s32 $0x2, s16;
	s18 =	simm.s32 $0x1380;
	[smem:$0x7CE] =	sst s20  }
0x56: {  	s19 =	sshrl.u32 s17, $0x1;
	[smem:$0x7CF] =	sst s18;
	s20 =	simm.s32 $0x1400  }
0x57: {  	s18 =	simm.s32 $0x1480;
	s17 =	ssub.s32 s17, s19;
	[smem:$0x7D0] =	sst s20  }
0x58: {  	s19 =	sadd.s32 s29, s2;
	s20 =	sshll.u32 s7, $0x1;
	[smem:$0x7D1] =	sst s18  }
0x59: {  	s7 =	smov.u32 s21;
	s18 =	simm.s32 $0x1500;
	[smem:$0x7D7] =	sst s19  }
0x5a: {  	s21 =	sshrl.u32 s29, $0x3;
	s19 =	sadd.s32 s29, s8;
	[smem:$0x7D3] =	sst s18  }
0x5b: {  	s11 =	sadd.s32 s11, s21;
	[smem:$0x7DB] =	sst s19  }
0x5c: {  	s16 =	sor.u32 s16, s20;
	s20 =	simm.s32 $0x1580;
	[smem:$0x7D2] =	sst s11  }
0x5d: {  	s21 =	sadd.s32 s29, s0;
	[smem:$0x7D4] =	sst s20  }
0x5e: {  	s18 =	sadd.s32 s29, s1;
	[smem:$0x7D5] =	sst s21  }
0x5f: {  	s19 =	sadd.s32 s29, s12;
	[smem:$0x7D6] =	sst s18  }
0x60: {  	s20 =	sadd.s32 s29, s3;
	[smem:$0x7FB] =	sst s19  }
0x61: {  	s21 =	sadd.s32 s29, s4;
	[smem:$0x7D8] =	sst s20  }
0x62: {  	s18 =	sadd.s32 s29, s5;
	[smem:$0x7D9] =	sst s21  }
0x63: {  	[smem:$0x7DA] =	sst s18;
	s20 =	sadd.s32 s29, s9  }
0x64: {  	s16 =	smul.u32 $0x30E00, s16;
	s21 =	sadd.s32 s29, s10;
	[smem:$0x7DC] =	sst s20  }
0x65: {  	[smem:$0x7DD] =	sst s21;
	s20 =	sadd.s32 s29, s13  }
0x66: {  	s11 =	sshrl.u32 s16, $0x3;
	s21 =	sadd.s32 s29, s7;
	[smem:$0x7FC] =	sst s20  }
0x67: {  	s18 =	sadd.s32 s23, s11;
	[smem:$0x7FD] =	sst s21  }
0x68: {  	s29 =	sadd.s32 s24, s11;
	[smem:$0x7DE] =	sst s18  }
0x69: {  	s18 =	sadd.s32 s26, s11;
	[smem:$0x7E1] =	sst s29  }
0x6a: {  	[smem:$0x7DF] =	sst s18;
	s18 =	sadd.s32 s25, s11  }
0x6b: {  	s16 =	sor.u32 $0x10, s11;
	s11 =	sadd.s32 s22, s11;
	[smem:$0x7E0] =	sst s18  }
0x6c: {  	s25 =	sadd.s32 s25, s16;
	[smem:$0x7E2] =	sst s11  }
0x6d: {  	s18 =	sadd.s32 s23, s16;
	[smem:$0x7E8] =	sst s25  }
0x6e: {  	s23 =	sadd.s32 s26, s16;
	[smem:$0x7E4] =	sst s18  }
0x6f: {  	s26 =	sadd.s32 s24, s16;
	[smem:$0x7E6] =	sst s23  }
0x70: {  	s16 =	sadd.s32 s22, s16;
	[smem:$0x7EA] =	sst s26  }
0x71: {  	s22 =	sadd.s32 $0xC7E00, s15;
	[smem:$0x7EC] =	sst s16  }
0x72: {  	s24 =	sadd.s32 $0xCE600, s15;
	[smem:$0x7EE] =	sst s22  }
0x73: {  	s30 =	simm.s32 $0x80;
	s25 =	sadd.s32 $0xD1A00, s15;
	[smem:$0x7F0] =	sst s24  }
0x74: {  	s31 =	simm.s32 $0x280;
	s18 =	sadd.s32 $0xC4A00, s15;
	[smem:$0x7F1] =	sst s25  }
0x75: {  	s28 =	simm.s32 $0x5;
	s23 =	sadd.s32 $0xCB200, s15;
	[smem:$0x7ED] =	sst s18  }
0x76: {  	s6 =	simm.s32 $0x4;
	s26 =	sadd.s32 $0xD4E00, s15;
	[smem:$0x7EF] =	sst s23  }
0x77: {  	s29 =	simm.s32 $0x3;
	s16 =	sadd.s32 $0xD8200, s15;
	[smem:$0x7F2] =	sst s26  }
0x78: {  	s11 =	simm.s32 $0x6;
	s22 =	sadd.s32 $0xDEA00, s15;
	[smem:$0x7F3] =	sst s16  }
0x79: {  	s24 =	sadd.s32 $0xE5200, s15;
	s25 =	sadd.s32 $0xE8600, s15;
	[smem:$0x7F5] =	sst s22  }
0x7a: {  	s18 =	sadd.s32 $0xDB600, s15;
	s23 =	sadd.s32 $0xE1E00, s15;
	[smem:$0x7F7] =	sst s24  }
0x7b: {  	[smem:$0x7F8] =	sst s25;
	s26 =	smax.u32 s17, $0x1;
	s22 =	simm.s32 $0x1600  }
0x7c: {  	s25 =	simm.s32 $0x200;
	s16 =	simm.s32 $0x300;
	[smem:$0x7F4] =	sst s18  }
0x7d: {  	s17 =	simm.s32 $0x1;
	s24 =	simm.s32 $0x380;
	[smem:$0x7F6] =	sst s23  }
0x7e: {  	[smem:$0x7F9] =	sst s26;
	s26 =	simm.s32 $0x2;
	s23 =	simm.s32 $0x0  }
.LBB3_1:
0x7f: {  	s15 =	sld [smem:$0x7D2];
	_ =	sdelay $0x1  }
0x80: {  	[smem:$0x7BD] =	sst s23;
	s18 =	simm.s32 $0x9  }
0x81: {  	[tilespmem:s22], [sflag:$0x9] =	stream.linear.gather [hbm4b:s15+s14], $0x1A00, $0x38;
	[tilespmem:$0x16800] =	vst v63  }
0x82: {  	_ =	swait.ge [sflag:s18], $0x1A00  }
0x83: {  	s23 =	sld [smem:$0x7D5]  }
0x84: {  	[sflag:s18] =	ssyncset.done $0x0  }
0x85: {  	[sflag:s18] =	ssyncadd.s32 $0xFFFFE600  }
0x86: {  	[spmem:s23] =	stream.linear.scatter [tilespmem:s22], [sflag:$0x9], $0x1A00, $0x38;
	[tilespmem:$0x16800] =	vst v63  }
0x87: {  	_ =	swait.ge [sflag:s18], $0x1A00  }
0x88: {  	s23 =	sld [smem:$0x7D6]  }
0x89: {  	[sflag:s18] =	ssyncset.done $0x0  }
0x8a: {  	[sflag:s18] =	ssyncadd.s32 $0xFFFFE600  }
0x8b: {  	[spmem:s23] =	stream.linear.scatter [tilespmem:s22], [sflag:$0x9], $0x1A00, $0x38;
	[tilespmem:$0x16800] =	vst v63  }
0x8c: {  	_ =	swait.ge [sflag:s18], $0x1A00  }
0x8d: {  	s23 =	sld [smem:$0x7D7]  }
0x8e: {  	[sflag:s18] =	ssyncset.done $0x0  }
0x8f: {  	[sflag:s18] =	ssyncadd.s32 $0xFFFFE600  }
0x90: {  	[spmem:s23] =	stream.linear.scatter [tilespmem:s22], [sflag:$0x9], $0x1A00, $0x38;
	[tilespmem:$0x16800] =	vst v63  }
0x91: {  	_ =	swait.ge [sflag:s18], $0x1A00  }
0x92: {  	s23 =	sld [smem:$0x7D8]  }
0x93: {  	[sflag:s18] =	ssyncset.done $0x0  }
0x94: {  	[sflag:s18] =	ssyncadd.s32 $0xFFFFE600  }
0x95: {  	[spmem:s23] =	stream.linear.scatter [tilespmem:s22], [sflag:$0x9], $0x1A00, $0x38;
	[tilespmem:$0x16800] =	vst v63  }
0x96: {  	_ =	swait.ge [sflag:s18], $0x1A00  }
0x97: {  	s23 =	sld [smem:$0x7D9]  }
0x98: {  	[sflag:s18] =	ssyncset.done $0x0  }
0x99: {  	[sflag:s18] =	ssyncadd.s32 $0xFFFFE600  }
0x9a: {  	[spmem:s23] =	stream.linear.scatter [tilespmem:s22], [sflag:$0x9], $0x1A00, $0x38;
	[tilespmem:$0x16800] =	vst v63  }
0x9b: {  	_ =	swait.ge [sflag:s18], $0x1A00  }
0x9c: {  	s23 =	sld [smem:$0x7DA]  }
0x9d: {  	[sflag:s18] =	ssyncset.done $0x0  }
0x9e: {  	[sflag:s18] =	ssyncadd.s32 $0xFFFFE600  }
0x9f: {  	[spmem:s23] =	stream.linear.scatter [tilespmem:s22], [sflag:$0x9], $0x1A00, $0x38;
	[tilespmem:$0x16800] =	vst v63  }
0xa0: {  	_ =	swait.ge [sflag:s18], $0x1A00  }
0xa1: {  	s23 =	sld [smem:$0x7DB]  }
0xa2: {  	[sflag:s18] =	ssyncset.done $0x0  }
0xa3: {  	[sflag:s18] =	ssyncadd.s32 $0xFFFFE600  }
0xa4: {  	[spmem:s23] =	stream.linear.scatter [tilespmem:s22], [sflag:$0x9], $0x1A00, $0x38;
	[tilespmem:$0x16800] =	vst v63  }
0xa5: {  	_ =	swait.ge [sflag:s18], $0x1A00  }
0xa6: {  	s23 =	sld [smem:$0x7DC]  }
0xa7: {  	[sflag:s18] =	ssyncset.done $0x0  }
0xa8: {  	[sflag:s18] =	ssyncadd.s32 $0xFFFFE600  }
0xa9: {  	[spmem:s23] =	stream.linear.scatter [tilespmem:s22], [sflag:$0x9], $0x1A00, $0x38;
	[tilespmem:$0x16800] =	vst v63  }
0xaa: {  	_ =	swait.ge [sflag:s18], $0x1A00  }
0xab: {  	s23 =	sld [smem:$0x7DD]  }
0xac: {  	[sflag:s18] =	ssyncset.done $0x0  }
0xad: {  	[sflag:s18] =	ssyncadd.s32 $0xFFFFE600  }
0xae: {  	[spmem:s23] =	stream.linear.scatter [tilespmem:s22], [sflag:$0x9], $0x1A00, $0x38;
	[tilespmem:$0x16800] =	vst v63  }
0xaf: {  	_ =	swait.ge [sflag:s18], $0x1A00  }
0xb0: {  	[sflag:s18] =	ssyncset.done $0x0  }
0xb1: {  	[sflag:s18] =	ssyncadd.s32 $0xFFFFE600  }
0xb2: {  	[spmem:s19] =	stream.linear.scatter [tilespmem:s22], [sflag:$0x9], $0x1A00, $0x38;
	[tilespmem:$0x16800] =	vst v63  }
0xb3: {  	_ =	swait.ge [sflag:s18], $0x1A00  }
0xb4: {  	[sflag:s18] =	ssyncset.done $0x0  }
0xb5: {  	[sflag:s18] =	ssyncadd.s32 $0xFFFFE600  }
0xb6: {  	[spmem:s20] =	stream.linear.scatter [tilespmem:s22], [sflag:$0x9], $0x1A00, $0x38;
	[tilespmem:$0x16800] =	vst v63  }
0xb7: {  	_ =	swait.ge [sflag:s18], $0x1A00  }
0xb8: {  	[sflag:s18] =	ssyncset.done $0x0  }
0xb9: {  	[sflag:s18] =	ssyncadd.s32 $0xFFFFE600  }
0xba: {  	[spmem:s21] =	stream.linear.scatter [tilespmem:s22], [sflag:$0x9], $0x1A00, $0x38;
	[tilespmem:$0x16800] =	vst v63  }
0xbb: {  	_ =	swait.ge [sflag:s18], $0x1A00  }
0xbc: {  	[sflag:s18] =	ssyncset.done $0x0  }
0xbd: {  	[sflag:s18] =	ssyncadd.s32 $0xFFFFE600  }
0xbe: {  	[bflag:$0x0] =	sbarrier.arrive $0xFFFF  }
0xbf: {  	s20 =	sld [smem:$0x7DE];
	_ =	sdelay $0x1  }
0xc0: {  	s21 =	simm.s32 $0x400;
	s22 =	sld [smem:$0x7DF]  }
0xc1: {  	[tilespmem:s21], [sflag:$0x1] =	stream.linear.gather [hbm4b:s20+s14], $0x80, $0x38;
	[tilespmem:$0x16800] =	vst v63  }
0xc2: {  	s23 =	simm.s32 $0x600;
	s18 =	sld [smem:$0x7E0]  }
0xc3: {  	[tilespmem:s23], [sflag:$0x1] =	stream.linear.gather [hbm4b:s22+s14], $0x80, $0x38;
	[tilespmem:$0x16800] =	vst v63  }
0xc4: {  	s19 =	simm.s32 $0x800;
	s20 =	sld [smem:$0x7E1]  }
0xc5: {  	[tilespmem:s19], [sflag:$0x1] =	stream.linear.gather [hbm4b:s18+s14], $0x80, $0x38;
	[tilespmem:$0x16800] =	vst v63  }
0xc6: {  	s21 =	sld [smem:$0x7E2]  }
0xc7: {  	[tilespmem:s14], [sflag:$0x1] =	stream.linear.gather [hbm4b:s20+s14], $0x80, $0x38;
	[tilespmem:$0x16800] =	vst v63  }
0xc8: {  	s22 =	sld [smem:$0x7E4]  }
0xc9: {  	[tilespmem:s25], [sflag:$0x1] =	stream.linear.gather [hbm4b:s21+s14], $0x80, $0x38;
	[tilespmem:$0x16800] =	vst v63  }
0xca: {  	s23 =	simm.s32 $0x480;
	s18 =	sld [smem:$0x7E6]  }
0xcb: {  	[tilespmem:s23], [sflag:$0x2] =	stream.linear.gather [hbm4b:s22+s14], $0x80, $0x38;
	[tilespmem:$0x16800] =	vst v63  }
0xcc: {  	s19 =	simm.s32 $0x680;
	s20 =	sld [smem:$0x7E8]  }
0xcd: {  	[tilespmem:s19], [sflag:$0x2] =	stream.linear.gather [hbm4b:s18+s14], $0x80, $0x38;
	[tilespmem:$0x16800] =	vst v63  }
0xce: {  	s21 =	simm.s32 $0x880;
	s22 =	sld [smem:$0x7EA]  }
0xcf: {  	[tilespmem:s21], [sflag:$0x2] =	stream.linear.gather [hbm4b:s20+s14], $0x80, $0x38;
	[tilespmem:$0x16800] =	vst v63  }
0xd0: {  	s23 =	sld [smem:$0x7EC]  }
0xd1: {  	[tilespmem:s30], [sflag:$0x2] =	stream.linear.gather [hbm4b:s22+s14], $0x80, $0x38;
	[tilespmem:$0x16800] =	vst v63  }
0xd2: {  	s18 =	simm.s32 $0x0;
	s20 =	sld [smem:$0x7FA]  }
0xd3: {  	[tilespmem:s31], [sflag:$0x2] =	stream.linear.gather [hbm4b:s23+s14], $0x80, $0x38;
	[tilespmem:$0x16800] =	vst v63  }
.LBB3_2:
0xd4: {  	p0 =	seq.s32 s18, $0x0  }
0xd5: {  	s19 =	simm.s32 @!p0 $0x7  }
0xd6: {  	_ =	swait.ge @!p0 [sflag:s19], $0x80  }
0xd7: {  	[sflag:s19] =	ssyncset.done @!p0 $0x0  }
0xd8: {  	[sflag:s19] =	ssyncadd.s32 @!p0 $0xFFFFFF80  }
0xd9: {  	_ =	swait.ge @!p0 [sflag:s19], $0x80  }
0xda: {  	[sflag:s19] =	ssyncset.done @!p0 $0x0  }
0xdb: {  	[sflag:s19] =	ssyncadd.s32 @!p0 $0xFFFFFF80  }
0xdc: {  	_ =	swait.ge @!p0 [sflag:s19], $0x80  }
0xdd: {  	[sflag:s19] =	ssyncset.done @!p0 $0x0  }
0xde: {  	[sflag:s19] =	ssyncadd.s32 @!p0 $0xFFFFFF80  }
0xdf: {  	_ =	swait.ge @!p0 [sflag:s19], $0x80  }
0xe0: {  	[sflag:s19] =	ssyncset.done @!p0 $0x0  }
0xe1: {  	[sflag:s19] =	ssyncadd.s32 @!p0 $0xFFFFFF80  }
0xe2: {  	_ =	swait.ge @!p0 [sflag:s19], $0x80  }
0xe3: {  	[sflag:s19] =	ssyncset.done @!p0 $0x0  }
0xe4: {  	[sflag:s19] =	ssyncadd.s32 @!p0 $0xFFFFFF80  }
0xe5: {  	_ =	swait.ge @!p0 [sflag:s19], $0x80  }
0xe6: {  	[sflag:s19] =	ssyncset.done @!p0 $0x0  }
0xe7: {  	[sflag:s19] =	ssyncadd.s32 @!p0 $0xFFFFFF80  }
0xe8: {  	_ =	swait.ge @!p0 [sflag:s19], $0x80  }
0xe9: {  	[sflag:s19] =	ssyncset.done @!p0 $0x0  }
0xea: {  	[sflag:s19] =	ssyncadd.s32 @!p0 $0xFFFFFF80  }
0xeb: {  	_ =	swait.ge @!p0 [sflag:s19], $0x80  }
0xec: {  	[sflag:s19] =	ssyncset.done @!p0 $0x0  }
0xed: {  	[sflag:s19] =	ssyncadd.s32 @!p0 $0xFFFFFF80  }
0xee: {  	_ =	swait.ge @!p0 [sflag:s19], $0x80  }
0xef: {  	[sflag:s19] =	ssyncset.done @!p0 $0x0  }
0xf0: {  	[sflag:s19] =	ssyncadd.s32 @!p0 $0xFFFFFF80  }
0xf1: {  	_ =	swait.ge @!p0 [sflag:s19], $0x80  }
0xf2: {  	[sflag:s19] =	ssyncset.done @!p0 $0x0  }
0xf3: {  	[sflag:s19] =	ssyncadd.s32 @!p0 $0xFFFFFF80  }
0xf4: {  	_ =	swait.ge @!p0 [sflag:s19], $0x80  }
0xf5: {  	[sflag:s19] =	ssyncset.done @!p0 $0x0  }
0xf6: {  	[sflag:s19] =	ssyncadd.s32 @!p0 $0xFFFFFF80  }
0xf7: {  	_ =	swait.ge @!p0 [sflag:s19], $0x80  }
0xf8: {  	s15 =	simm.s32 $0x500;
	s22 =	rddreg [dreg:$0x1c];
	[sflag:s19] =	ssyncset.done @!p0 $0x0  }
0xf9: {  	s21 =	rddreg [dreg:$0x1b];
	[sflag:s19] =	ssyncadd.s32 @!p0 $0xFFFFFF80;
	s23 =	sadd.s32 s18, s22  }
0xfa: {  	[tilespmem:s15], [sflag:$0x3] =	stream.linear.gather [hbm4b:s23+s14], $0x80, $0x38;
	[tilespmem:$0x16800] =	vst v63  }
0xfb: {  	s22 =	sadd.s32 s18, s21;
	s21 =	rddreg [dreg:$0x1a];
	s23 =	simm.s32 $0x700  }
0xfc: {  	[tilespmem:s23], [sflag:$0x3] =	stream.linear.gather [hbm4b:s22+s14], $0x80, $0x38;
	[tilespmem:$0x16800] =	vst v63  }
0xfd: {  	s21 =	sadd.s32 s18, s21;
	s22 =	rddreg [dreg:$0x19];
	s23 =	simm.s32 $0x900  }
0xfe: {  	[tilespmem:s23], [sflag:$0x3] =	stream.linear.gather [hbm4b:s21+s14], $0x80, $0x38;
	[tilespmem:$0x16800] =	vst v63  }
0xff: {  	s15 =	rddreg [dreg:$0x18];
	s19 =	sadd.s32 s18, s22;
	s23 =	simm.s32 $0x100  }
0x100: {  	[tilespmem:s23], [sflag:$0x3] =	stream.linear.gather [hbm4b:s19+s14], $0x80, $0x38;
	[tilespmem:$0x16800] =	vst v63  }
0x101: {  	s19 =	sadd.s32 s18, s15  }
0x102: {  	[tilespmem:s16], [sflag:$0x3] =	stream.linear.gather [hbm4b:s19+s14], $0x80, $0x38;
	[tilespmem:$0x16800] =	vst v63  }
0x103: {  	_ =	swait.ge [sflag:s17], $0x80  }
0x104: {  	[sflag:s17] =	ssyncset.done $0x0  }
0x105: {  	[sflag:s17] =	ssyncadd.s32 $0xFFFFFF80  }
0x106: {  	_ =	swait.ge [sflag:s17], $0x80  }
0x107: {  	[sflag:s17] =	ssyncset.done $0x0  }
0x108: {  	[sflag:s17] =	ssyncadd.s32 $0xFFFFFF80  }
0x109: {  	_ =	swait.ge [sflag:s17], $0x80  }
0x10a: {  	[sflag:s17] =	ssyncset.done $0x0  }
0x10b: {  	[sflag:s17] =	ssyncadd.s32 $0xFFFFFF80  }
0x10c: {  	_ =	swait.ge [sflag:s17], $0x80  }
0x10d: {  	[sflag:s17] =	ssyncset.done $0x0  }
0x10e: {  	[sflag:s17] =	ssyncadd.s32 $0xFFFFFF80  }
0x10f: {  	_ =	swait.ge [sflag:s17], $0x80  }
0x110: {  	[sflag:s17] =	ssyncset.done $0x0  }
0x111: {  	[sflag:s17] =	ssyncadd.s32 $0xFFFFFF80  }
0x112: {  	v0 =	vld [tilespmem:$0x400]  }
0x113: {  	v1 =	vld [tilespmem:$0x600]  }
0x114: {  	v2 =	vld [tilespmem:$0x800];
	_ =	sdelay $0x2  }
0x115: {  	v3 =	vmul.f32 v0, v0  }
0x116: {  	v5 =	vld [tilespmem:$0x410];
	v4 =	vmul.f32 v1, v1  }
0x117: {  	v6 =	vld [tilespmem:$0x610];
	v14 =	vmul.f32 v2, v2;
	[tilespmem:$0xA00] =	vst v3  }
0x118: {  	v7 =	vld [tilespmem:$0x810];
	v15 =	vmul.f32 v1, v0;
	[tilespmem:$0xA80] =	vst v4  }
0x119: {  	v1 =	vmul.f32 v2, v1;
	[tilespmem:$0xB00] =	vst v14  }
0x11a: {  	v0 =	vmul.f32 v2, v0;
	[tilespmem:$0xB80] =	vst v15  }
0x11b: {  	v16 =	vmul.f32 v5, v5;
	[tilespmem:$0xC00] =	vst v1  }
0x11c: {  	v18 =	vld [tilespmem:$0x420];
	v17 =	vmul.f32 v6, v6;
	[tilespmem:$0xC80] =	vst v0  }
0x11d: {  	v20 =	vld [tilespmem:$0x620];
	v19 =	vmul.f32 v7, v7;
	[tilespmem:$0xA10] =	vst v16  }
0x11e: {  	v22 =	vld [tilespmem:$0x820];
	v21 =	vmul.f32 v6, v5;
	[tilespmem:$0xA90] =	vst v17  }
0x11f: {  	v23 =	vmul.f32 v7, v6;
	[tilespmem:$0xB10] =	vst v19  }
0x120: {  	v24 =	vmul.f32 v7, v5;
	[tilespmem:$0xB90] =	vst v21  }
0x121: {  	v25 =	vmul.f32 v18, v18;
	[tilespmem:$0xC10] =	vst v23  }
0x122: {  	v27 =	vld [tilespmem:$0x430];
	v26 =	vmul.f32 v20, v20;
	[tilespmem:$0xC90] =	vst v24  }
0x123: {  	v29 =	vld [tilespmem:$0x630];
	v28 =	vmul.f32 v22, v22;
	[tilespmem:$0xA20] =	vst v25  }
0x124: {  	v31 =	vld [tilespmem:$0x830];
	v30 =	vmul.f32 v20, v18;
	[tilespmem:$0xAA0] =	vst v26  }
0x125: {  	v32 =	vmul.f32 v22, v20;
	[tilespmem:$0xB20] =	vst v28  }
0x126: {  	v33 =	vmul.f32 v22, v18;
	[tilespmem:$0xBA0] =	vst v30  }
0x127: {  	v34 =	vmul.f32 v27, v27;
	[tilespmem:$0xC20] =	vst v32  }
0x128: {  	v36 =	vld [tilespmem:$0x440];
	v35 =	vmul.f32 v29, v29;
	[tilespmem:$0xCA0] =	vst v33  }
0x129: {  	v38 =	vld [tilespmem:$0x640];
	v37 =	vmul.f32 v31, v31;
	[tilespmem:$0xA30] =	vst v34  }
0x12a: {  	v40 =	vld [tilespmem:$0x840];
	v39 =	vmul.f32 v29, v27;
	[tilespmem:$0xAB0] =	vst v35  }
0x12b: {  	v41 =	vmul.f32 v31, v29;
	[tilespmem:$0xB30] =	vst v37  }
0x12c: {  	v42 =	vmul.f32 v31, v27;
	[tilespmem:$0xBB0] =	vst v39  }
0x12d: {  	v43 =	vmul.f32 v36, v36;
	[tilespmem:$0xC30] =	vst v41  }
0x12e: {  	v45 =	vld [tilespmem:$0x450];
	v44 =	vmul.f32 v38, v38;
	[tilespmem:$0xCB0] =	vst v42  }
0x12f: {  	v47 =	vld [tilespmem:$0x650];
	v46 =	vmul.f32 v40, v40;
	[tilespmem:$0xA40] =	vst v43  }
0x130: {  	v49 =	vld [tilespmem:$0x850];
	v48 =	vmul.f32 v38, v36;
	[tilespmem:$0xAC0] =	vst v44  }
0x131: {  	v50 =	vmul.f32 v40, v38;
	[tilespmem:$0xB40] =	vst v46  }
0x132: {  	v51 =	vmul.f32 v40, v36;
	[tilespmem:$0xBC0] =	vst v48  }
0x133: {  	v52 =	vmul.f32 v45, v45;
	[tilespmem:$0xC40] =	vst v50  }
0x134: {  	v54 =	vld [tilespmem:$0x460];
	v53 =	vmul.f32 v47, v47;
	[tilespmem:$0xCC0] =	vst v51  }
0x135: {  	v56 =	vld [tilespmem:$0x660];
	v55 =	vmul.f32 v49, v49;
	[tilespmem:$0xA50] =	vst v52  }
0x136: {  	v58 =	vld [tilespmem:$0x860];
	v57 =	vmul.f32 v47, v45;
	[tilespmem:$0xAD0] =	vst v53  }
0x137: {  	v59 =	vmul.f32 v49, v47;
	[tilespmem:$0xB50] =	vst v55  }
0x138: {  	v63 =	vld [tilespmem:$0x470];
	v60 =	vmul.f32 v49, v45;
	[tilespmem:$0xBD0] =	vst v57  }
0x139: {  	v10 =	vld [tilespmem:$0x670];
	v61 =	vmul.f32 v54, v54;
	[tilespmem:$0xC50] =	vst v59  }
0x13a: {  	v12 =	vld [tilespmem:$0x870];
	v62 =	vmul.f32 v56, v56;
	[tilespmem:$0xCD0] =	vst v60  }
0x13b: {  	v9 =	vmul.f32 v58, v58;
	[tilespmem:$0xA60] =	vst v61  }
0x13c: {  	v11 =	vmul.f32 v56, v54;
	[tilespmem:$0xAE0] =	vst v62  }
0x13d: {  	v13 =	vmul.f32 v58, v56;
	[tilespmem:$0xB60] =	vst v9  }
0x13e: {  	v18 =	vmul.f32 v10, v63;
	[tilespmem:$0xBE0] =	vst v11  }
0x13f: {  	v20 =	vmul.f32 v12, v63;
	[tilespmem:$0xC60] =	vst v13  }
0x140: {  	v14 =	vmul.f32 v58, v54;
	[tilespmem:$0xBF0] =	vst v18  }
0x141: {  	v15 =	vmul.f32 v63, v63;
	[tilespmem:$0xCF0] =	vst v20  }
0x142: {  	v16 =	vmul.f32 v10, v10;
	[tilespmem:$0xCE0] =	vst v14  }
0x143: {  	v17 =	vmul.f32 v12, v12;
	[tilespmem:$0xA70] =	vst v15  }
0x144: {  	v19 =	vmul.f32 v12, v10;
	[tilespmem:$0xAF0] =	vst v16  }
0x145: {  	[tilespmem:$0xB70] =	vst v17  }
0x146: {  	s19 =	simm.s32 $0x400;
	[tilespmem:$0xC70] =	vst v19  }
0x147: {  	[spmem:s0] =	stream.indirect.scatter.add.f32 [tilespmem:s19], [sflag:$0x5], $0x1, s14, s30, $0xb8;
	[tilespmem:$0x16800] =	vst v63  }
0x148: {  	s21 =	simm.s32 $0x600  }
0x149: {  	[spmem:s1] =	stream.indirect.scatter.add.f32 [tilespmem:s21], [sflag:$0x5], $0x1, s14, s30, $0xb8;
	[tilespmem:$0x16800] =	vst v63  }
0x14a: {  	s22 =	simm.s32 $0x800  }
0x14b: {  	[spmem:s2] =	stream.indirect.scatter.add.f32 [tilespmem:s22], [sflag:$0x5], $0x1, s14, s30, $0xb8;
	[tilespmem:$0x16800] =	vst v63  }
0x14c: {  	_ = 	snop  }
0x14d: {  	[spmem:s3] =	stream.indirect.scatter.add.f32 [tilespmem:s19], [sflag:$0x5], $0x1, s25, s30, $0xb8;
	[tilespmem:$0x16800] =	vst v63  }
0x14e: {  	_ = 	snop  }
0x14f: {  	[spmem:s4] =	stream.indirect.scatter.add.f32 [tilespmem:s21], [sflag:$0x5], $0x1, s25, s30, $0xb8;
	[tilespmem:$0x16800] =	vst v63  }
0x150: {  	s15 =	rddreg [dreg:$0x1d]  }
0x151: {  	[spmem:s5] =	stream.indirect.scatter.add.f32 [tilespmem:s22], [sflag:$0x5], $0x1, s25, s30, $0xb8;
	[tilespmem:$0x16800] =	vst v63  }
0x152: {  	s22 =	rddreg [dreg:$0x1e]  }
0x153: {  	[spmem:s8] =	stream.indirect.scatter.add.f32 [tilespmem:s15], [sflag:$0x5], $0x1, s25, s30, $0xb8;
	[tilespmem:$0x16800] =	vst v63  }
0x154: {  	s15 =	rddreg [dreg:$0x1f]  }
0x155: {  	[spmem:s9] =	stream.indirect.scatter.add.f32 [tilespmem:s22], [sflag:$0x5], $0x1, s25, s30, $0xb8;
	[tilespmem:$0x16800] =	vst v63  }
0x156: {  	s22 =	sld [smem:$0x7BF]  }
0x157: {  	[spmem:s10] =	stream.indirect.scatter.add.f32 [tilespmem:s15], [sflag:$0x5], $0x1, s25, s30, $0xb8;
	[tilespmem:$0x16800] =	vst v63  }
0x158: {  	s15 =	sld [smem:$0x7C0]  }
0x159: {  	[spmem:s12] =	stream.indirect.scatter.add.f32 [tilespmem:s22], [sflag:$0x5], $0x1, s25, s30, $0xb8;
	[tilespmem:$0x16800] =	vst v63  }
0x15a: {  	s22 =	sld [smem:$0x7C1]  }
0x15b: {  	[spmem:s13] =	stream.indirect.scatter.add.f32 [tilespmem:s15], [sflag:$0x5], $0x1, s25, s30, $0xb8;
	[tilespmem:$0x16800] =	vst v63  }
0x15c: {  	s19 =	simm.s32 @!p0 $0x8  }
0x15d: {  	[spmem:s7] =	stream.indirect.scatter.add.f32 [tilespmem:s22], [sflag:$0x5], $0x1, s25, s30, $0xb8;
	[tilespmem:$0x16800] =	vst v63  }
0x15e: {  	_ =	swait.ge @!p0 [sflag:s19], $0x80  }
0x15f: {  	[sflag:s19] =	ssyncset.done @!p0 $0x0  }
0x160: {  	[sflag:s19] =	ssyncadd.s32 @!p0 $0xFFFFFF80  }
0x161: {  	_ =	swait.ge @!p0 [sflag:s19], $0x80  }
0x162: {  	[sflag:s19] =	ssyncset.done @!p0 $0x0  }
0x163: {  	[sflag:s19] =	ssyncadd.s32 @!p0 $0xFFFFFF80  }
0x164: {  	_ =	swait.ge @!p0 [sflag:s19], $0x80  }
0x165: {  	[sflag:s19] =	ssyncset.done @!p0 $0x0  }
0x166: {  	[sflag:s19] =	ssyncadd.s32 @!p0 $0xFFFFFF80  }
0x167: {  	_ =	swait.ge @!p0 [sflag:s19], $0x80  }
0x168: {  	[sflag:s19] =	ssyncset.done @!p0 $0x0  }
0x169: {  	[sflag:s19] =	ssyncadd.s32 @!p0 $0xFFFFFF80  }
0x16a: {  	_ =	swait.ge @!p0 [sflag:s19], $0x80  }
0x16b: {  	[sflag:s19] =	ssyncset.done @!p0 $0x0  }
0x16c: {  	[sflag:s19] =	ssyncadd.s32 @!p0 $0xFFFFFF80  }
0x16d: {  	_ =	swait.ge @!p0 [sflag:s19], $0x80  }
0x16e: {  	[sflag:s19] =	ssyncset.done @!p0 $0x0  }
0x16f: {  	[sflag:s19] =	ssyncadd.s32 @!p0 $0xFFFFFF80  }
0x170: {  	_ =	swait.ge @!p0 [sflag:s19], $0x80  }
0x171: {  	[sflag:s19] =	ssyncset.done @!p0 $0x0  }
0x172: {  	[sflag:s19] =	ssyncadd.s32 @!p0 $0xFFFFFF80  }
0x173: {  	_ =	swait.ge @!p0 [sflag:s19], $0x80  }
0x174: {  	[sflag:s19] =	ssyncset.done @!p0 $0x0  }
0x175: {  	[sflag:s19] =	ssyncadd.s32 @!p0 $0xFFFFFF80  }
0x176: {  	_ =	swait.ge @!p0 [sflag:s19], $0x80  }
0x177: {  	[sflag:s19] =	ssyncset.done @!p0 $0x0  }
0x178: {  	[sflag:s19] =	ssyncadd.s32 @!p0 $0xFFFFFF80  }
0x179: {  	_ =	swait.ge @!p0 [sflag:s19], $0x80  }
0x17a: {  	[sflag:s19] =	ssyncset.done @!p0 $0x0  }
0x17b: {  	[sflag:s19] =	ssyncadd.s32 @!p0 $0xFFFFFF80  }
0x17c: {  	_ =	swait.ge @!p0 [sflag:s19], $0x80  }
0x17d: {  	[sflag:s19] =	ssyncset.done @!p0 $0x0  }
0x17e: {  	[sflag:s19] =	ssyncadd.s32 @!p0 $0xFFFFFF80  }
0x17f: {  	_ =	swait.ge @!p0 [sflag:s19], $0x80  }
0x180: {  	s25 =	simm.s32 $0x580;
	s15 =	rddreg [dreg:$0x17];
	[sflag:s19] =	ssyncset.done @!p0 $0x0  }
0x181: {  	s21 =	rddreg [dreg:$0x16];
	[sflag:s19] =	ssyncadd.s32 @!p0 $0xFFFFFF80;
	s22 =	sadd.s32 s18, s15  }
0x182: {  	[tilespmem:s25], [sflag:$0x4] =	stream.linear.gather [hbm4b:s22+s14], $0x80, $0x38;
	[tilespmem:$0x16800] =	vst v63  }
0x183: {  	s21 =	sadd.s32 s18, s21;
	s22 =	rddreg [dreg:$0x15];
	s25 =	simm.s32 $0x780  }
0x184: {  	[tilespmem:s25], [sflag:$0x4] =	stream.linear.gather [hbm4b:s21+s14], $0x80, $0x38;
	[tilespmem:$0x16800] =	vst v63  }
0x185: {  	s19 =	sadd.s32 s18, s22;
	s22 =	rddreg [dreg:$0x14];
	s25 =	simm.s32 $0x980  }
0x186: {  	[tilespmem:s25], [sflag:$0x4] =	stream.linear.gather [hbm4b:s19+s14], $0x80, $0x38;
	[tilespmem:$0x16800] =	vst v63  }
0x187: {  	s15 =	rddreg [dreg:$0x13];
	s21 =	sadd.s32 s18, s22;
	s25 =	simm.s32 $0x180  }
0x188: {  	[tilespmem:s25], [sflag:$0x4] =	stream.linear.gather [hbm4b:s21+s14], $0x80, $0x38;
	[tilespmem:$0x16800] =	vst v63  }
0x189: {  	s19 =	sadd.s32 s18, s15  }
0x18a: {  	[tilespmem:s24], [sflag:$0x4] =	stream.linear.gather [hbm4b:s19+s14], $0x80, $0x38;
	[tilespmem:$0x16800] =	vst v63  }
0x18b: {  	_ =	swait.ge [sflag:s26], $0x80  }
0x18c: {  	[sflag:s26] =	ssyncset.done $0x0  }
0x18d: {  	[sflag:s26] =	ssyncadd.s32 $0xFFFFFF80  }
0x18e: {  	_ =	swait.ge [sflag:s26], $0x80  }
0x18f: {  	[sflag:s26] =	ssyncset.done $0x0  }
0x190: {  	[sflag:s26] =	ssyncadd.s32 $0xFFFFFF80  }
0x191: {  	_ =	swait.ge [sflag:s26], $0x80  }
0x192: {  	[sflag:s26] =	ssyncset.done $0x0  }
0x193: {  	[sflag:s26] =	ssyncadd.s32 $0xFFFFFF80  }
0x194: {  	_ =	swait.ge [sflag:s26], $0x80  }
0x195: {  	[sflag:s26] =	ssyncset.done $0x0  }
0x196: {  	[sflag:s26] =	ssyncadd.s32 $0xFFFFFF80  }
0x197: {  	_ =	swait.ge [sflag:s26], $0x80  }
0x198: {  	[sflag:s26] =	ssyncset.done $0x0  }
0x199: {  	[sflag:s26] =	ssyncadd.s32 $0xFFFFFF80  }
0x19a: {  	v21 =	vld [tilespmem:$0x480]  }
0x19b: {  	v22 =	vld [tilespmem:$0x680]  }
0x19c: {  	v23 =	vld [tilespmem:$0x880];
	_ =	sdelay $0x2  }
0x19d: {  	v24 =	vmul.f32 v21, v21  }
0x19e: {  	v26 =	vld [tilespmem:$0x490];
	v25 =	vmul.f32 v22, v22  }
0x19f: {  	v28 =	vld [tilespmem:$0x690];
	v27 =	vmul.f32 v23, v23;
	[tilespmem:$0xD00] =	vst v24  }
0x1a0: {  	v30 =	vld [tilespmem:$0x890];
	v29 =	vmul.f32 v22, v21;
	[tilespmem:$0xD80] =	vst v25  }
0x1a1: {  	v1 =	vmul.f32 v23, v22;
	[tilespmem:$0xE00] =	vst v27  }
0x1a2: {  	v0 =	vmul.f32 v23, v21;
	[tilespmem:$0xE80] =	vst v29  }
0x1a3: {  	v31 =	vmul.f32 v26, v26;
	[tilespmem:$0xF00] =	vst v1  }
0x1a4: {  	v33 =	vld [tilespmem:$0x4A0];
	v32 =	vmul.f32 v28, v28;
	[tilespmem:$0xF80] =	vst v0  }
0x1a5: {  	v35 =	vld [tilespmem:$0x6A0];
	v34 =	vmul.f32 v30, v30;
	[tilespmem:$0xD10] =	vst v31  }
0x1a6: {  	v37 =	vld [tilespmem:$0x8A0];
	v36 =	vmul.f32 v28, v26;
	[tilespmem:$0xD90] =	vst v32  }
0x1a7: {  	v38 =	vmul.f32 v30, v28;
	[tilespmem:$0xE10] =	vst v34  }
0x1a8: {  	v39 =	vmul.f32 v30, v26;
	[tilespmem:$0xE90] =	vst v36  }
0x1a9: {  	v40 =	vmul.f32 v33, v33;
	[tilespmem:$0xF10] =	vst v38  }
0x1aa: {  	v42 =	vld [tilespmem:$0x4B0];
	v41 =	vmul.f32 v35, v35;
	[tilespmem:$0xF90] =	vst v39  }
0x1ab: {  	v44 =	vld [tilespmem:$0x6B0];
	v43 =	vmul.f32 v37, v37;
	[tilespmem:$0xD20] =	vst v40  }
0x1ac: {  	v46 =	vld [tilespmem:$0x8B0];
	v45 =	vmul.f32 v35, v33;
	[tilespmem:$0xDA0] =	vst v41  }
0x1ad: {  	v47 =	vmul.f32 v37, v35;
	[tilespmem:$0xE20] =	vst v43  }
0x1ae: {  	v48 =	vmul.f32 v37, v33;
	[tilespmem:$0xEA0] =	vst v45  }
0x1af: {  	v49 =	vmul.f32 v42, v42;
	[tilespmem:$0xF20] =	vst v47  }
0x1b0: {  	v51 =	vld [tilespmem:$0x4C0];
	v50 =	vmul.f32 v44, v44;
	[tilespmem:$0xFA0] =	vst v48  }
0x1b1: {  	v53 =	vld [tilespmem:$0x6C0];
	v52 =	vmul.f32 v46, v46;
	[tilespmem:$0xD30] =	vst v49  }
0x1b2: {  	v55 =	vld [tilespmem:$0x8C0];
	v54 =	vmul.f32 v44, v42;
	[tilespmem:$0xDB0] =	vst v50  }
0x1b3: {  	v56 =	vmul.f32 v46, v44;
	[tilespmem:$0xE30] =	vst v52  }
0x1b4: {  	v57 =	vmul.f32 v46, v42;
	[tilespmem:$0xEB0] =	vst v54  }
0x1b5: {  	v58 =	vmul.f32 v51, v51;
	[tilespmem:$0xF30] =	vst v56  }
0x1b6: {  	v60 =	vld [tilespmem:$0x4D0];
	v59 =	vmul.f32 v53, v53;
	[tilespmem:$0xFB0] =	vst v57  }
0x1b7: {  	v62 =	vld [tilespmem:$0x6D0];
	v61 =	vmul.f32 v55, v55;
	[tilespmem:$0xD40] =	vst v58  }
0x1b8: {  	v9 =	vld [tilespmem:$0x8D0];
	v63 =	vmul.f32 v53, v51;
	[tilespmem:$0xDC0] =	vst v59  }
0x1b9: {  	v10 =	vmul.f32 v55, v53;
	[tilespmem:$0xE40] =	vst v61  }
0x1ba: {  	v11 =	vmul.f32 v55, v51;
	[tilespmem:$0xEC0] =	vst v63  }
0x1bb: {  	v12 =	vmul.f32 v60, v60;
	[tilespmem:$0xF40] =	vst v10  }
0x1bc: {  	v14 =	vld [tilespmem:$0x4E0];
	v13 =	vmul.f32 v62, v62;
	[tilespmem:$0xFC0] =	vst v11  }
0x1bd: {  	v16 =	vld [tilespmem:$0x6E0];
	v15 =	vmul.f32 v9, v9;
	[tilespmem:$0xD50] =	vst v12  }
0x1be: {  	v17 =	vmul.f32 v62, v60;
	[tilespmem:$0xDD0] =	vst v13  }
0x1bf: {  	v18 =	vld [tilespmem:$0x8E0];
	v19 =	vmul.f32 v9, v62;
	[tilespmem:$0xE50] =	vst v15  }
0x1c0: {  	v20 =	vmul.f32 v9, v60;
	[tilespmem:$0xED0] =	vst v17  }
0x1c1: {  	v21 =	vmul.f32 v14, v14;
	[tilespmem:$0xF50] =	vst v19  }
0x1c2: {  	v22 =	vmul.f32 v16, v16;
	v23 =	vld [tilespmem:$0x4F0];
	[tilespmem:$0xFD0] =	vst v20  }
0x1c3: {  	v26 =	vmul.f32 v16, v14;
	[tilespmem:$0xD60] =	vst v21;
	v25 =	vld [tilespmem:$0x6F0]  }
0x1c4: {  	v28 =	vmul.f32 v18, v16;
	[tilespmem:$0xDE0] =	vst v22;
	v27 =	vld [tilespmem:$0x8F0]  }
0x1c5: {  	v24 =	vmul.f32 v18, v18;
	[tilespmem:$0xEE0] =	vst v26  }
0x1c6: {  	v29 =	vmul.f32 v18, v14;
	[tilespmem:$0xF60] =	vst v28  }
0x1c7: {  	[tilespmem:$0xE60] =	vst v24;
	v30 =	vmul.f32 v23, v23  }
0x1c8: {  	[tilespmem:$0xFE0] =	vst v29;
	v31 =	vmul.f32 v25, v25  }
0x1c9: {  	[tilespmem:$0xD70] =	vst v30;
	v32 =	vmul.f32 v27, v27  }
0x1ca: {  	v33 =	vmul.f32 v25, v23;
	[tilespmem:$0xDF0] =	vst v31  }
0x1cb: {  	v34 =	vmul.f32 v27, v25;
	[tilespmem:$0xE70] =	vst v32  }
0x1cc: {  	v35 =	vmul.f32 v27, v23;
	[tilespmem:$0xEF0] =	vst v33  }
0x1cd: {  	[tilespmem:$0xF70] =	vst v34  }
0x1ce: {  	s19 =	simm.s32 $0x480;
	[tilespmem:$0xFF0] =	vst v35  }
0x1cf: {  	[spmem:s0] =	stream.indirect.scatter.add.f32 [tilespmem:s19], [sflag:$0x6], $0x1, s30, s30, $0xb8;
	[tilespmem:$0x16800] =	vst v63  }
0x1d0: {  	s22 =	simm.s32 $0x680  }
0x1d1: {  	[spmem:s1] =	stream.indirect.scatter.add.f32 [tilespmem:s22], [sflag:$0x6], $0x1, s30, s30, $0xb8;
	[tilespmem:$0x16800] =	vst v63  }
0x1d2: {  	s21 =	simm.s32 $0x880  }
0x1d3: {  	[spmem:s2] =	stream.indirect.scatter.add.f32 [tilespmem:s21], [sflag:$0x6], $0x1, s30, s30, $0xb8;
	[tilespmem:$0x16800] =	vst v63  }
0x1d4: {  	_ = 	snop  }
0x1d5: {  	[spmem:s3] =	stream.indirect.scatter.add.f32 [tilespmem:s19], [sflag:$0x6], $0x1, s31, s30, $0xb8;
	[tilespmem:$0x16800] =	vst v63  }
0x1d6: {  	_ = 	snop  }
0x1d7: {  	[spmem:s4] =	stream.indirect.scatter.add.f32 [tilespmem:s22], [sflag:$0x6], $0x1, s31, s30, $0xb8;
	[tilespmem:$0x16800] =	vst v63  }
0x1d8: {  	s22 =	sld [smem:$0x7C2]  }
0x1d9: {  	[spmem:s5] =	stream.indirect.scatter.add.f32 [tilespmem:s21], [sflag:$0x6], $0x1, s31, s30, $0xb8;
	[tilespmem:$0x16800] =	vst v63  }
0x1da: {  	s15 =	sld [smem:$0x7C3]  }
0x1db: {  	[spmem:s8] =	stream.indirect.scatter.add.f32 [tilespmem:s22], [sflag:$0x6], $0x1, s31, s30, $0xb8;
	[tilespmem:$0x16800] =	vst v63  }
0x1dc: {  	s22 =	sld [smem:$0x7C4]  }
0x1dd: {  	[spmem:s9] =	stream.indirect.scatter.add.f32 [tilespmem:s15], [sflag:$0x6], $0x1, s31, s30, $0xb8;
	[tilespmem:$0x16800] =	vst v63  }
0x1de: {  	s15 =	sld [smem:$0x7C5]  }
0x1df: {  	[spmem:s10] =	stream.indirect.scatter.add.f32 [tilespmem:s22], [sflag:$0x6], $0x1, s31, s30, $0xb8;
	[tilespmem:$0x16800] =	vst v63  }
0x1e0: {  	s22 =	sld [smem:$0x7C6]  }
0x1e1: {  	[spmem:s12] =	stream.indirect.scatter.add.f32 [tilespmem:s15], [sflag:$0x6], $0x1, s31, s30, $0xb8;
	[tilespmem:$0x16800] =	vst v63  }
0x1e2: {  	s15 =	sld [smem:$0x7C7]  }
0x1e3: {  	[spmem:s13] =	stream.indirect.scatter.add.f32 [tilespmem:s22], [sflag:$0x6], $0x1, s31, s30, $0xb8;
	[tilespmem:$0x16800] =	vst v63  }
0x1e4: {  	_ = 	snop  }
0x1e5: {  	[spmem:s7] =	stream.indirect.scatter.add.f32 [tilespmem:s15], [sflag:$0x6], $0x1, s31, s30, $0xb8;
	[tilespmem:$0x16800] =	vst v63  }
0x1e6: {  	_ =	swait.ge [sflag:s28], $0x80  }
0x1e7: {  	[sflag:s28] =	ssyncset.done $0x0  }
0x1e8: {  	[sflag:s28] =	ssyncadd.s32 $0xFFFFFF80  }
0x1e9: {  	_ =	swait.ge [sflag:s28], $0x80  }
0x1ea: {  	[sflag:s28] =	ssyncset.done $0x0  }
0x1eb: {  	[sflag:s28] =	ssyncadd.s32 $0xFFFFFF80  }
0x1ec: {  	_ =	swait.ge [sflag:s28], $0x80  }
0x1ed: {  	[sflag:s28] =	ssyncset.done $0x0  }
0x1ee: {  	[sflag:s28] =	ssyncadd.s32 $0xFFFFFF80  }
0x1ef: {  	_ =	swait.ge [sflag:s28], $0x80  }
0x1f0: {  	[sflag:s28] =	ssyncset.done $0x0  }
0x1f1: {  	[sflag:s28] =	ssyncadd.s32 $0xFFFFFF80  }
0x1f2: {  	_ =	swait.ge [sflag:s28], $0x80  }
0x1f3: {  	[sflag:s28] =	ssyncset.done $0x0  }
0x1f4: {  	[sflag:s28] =	ssyncadd.s32 $0xFFFFFF80  }
0x1f5: {  	_ =	swait.ge [sflag:s28], $0x80  }
0x1f6: {  	[sflag:s28] =	ssyncset.done $0x0  }
0x1f7: {  	[sflag:s28] =	ssyncadd.s32 $0xFFFFFF80  }
0x1f8: {  	_ =	swait.ge [sflag:s28], $0x80  }
0x1f9: {  	[sflag:s28] =	ssyncset.done $0x0  }
0x1fa: {  	[sflag:s28] =	ssyncadd.s32 $0xFFFFFF80  }
0x1fb: {  	_ =	swait.ge [sflag:s28], $0x80  }
0x1fc: {  	[sflag:s28] =	ssyncset.done $0x0  }
0x1fd: {  	[sflag:s28] =	ssyncadd.s32 $0xFFFFFF80  }
0x1fe: {  	_ =	swait.ge [sflag:s28], $0x80  }
0x1ff: {  	[sflag:s28] =	ssyncset.done $0x0  }
0x200: {  	[sflag:s28] =	ssyncadd.s32 $0xFFFFFF80  }
0x201: {  	_ =	swait.ge [sflag:s28], $0x80  }
0x202: {  	[sflag:s28] =	ssyncset.done $0x0  }
0x203: {  	[sflag:s28] =	ssyncadd.s32 $0xFFFFFF80  }
0x204: {  	_ =	swait.ge [sflag:s28], $0x80  }
0x205: {  	[sflag:s28] =	ssyncset.done $0x0  }
0x206: {  	[sflag:s28] =	ssyncadd.s32 $0xFFFFFF80  }
0x207: {  	_ =	swait.ge [sflag:s28], $0x80  }
0x208: {  	s15 =	sld [smem:$0x7E3]  }
0x209: {  	p0 =	seq.s32 s18, $0x6180;
	[sflag:s28] =	ssyncset.done $0x0  }
0x20a: {  	s19 =	simm.s32 @!p0 $0x0;
	s21 =	sshrl.u32 @!p0 s20, $0x3;
	[sflag:s28] =	ssyncadd.s32 $0xFFFFFF80  }
0x20b: {  	s22 =	sadd.s32 @!p0 s15, s21;
	s15 =	smov.u32 s7;
	s7 =	smov.u32 s5  }
0x20c: {  	s5 =	smov.u32 s4;
	s4 =	smov.u32 s3;
	s3 =	smov.u32 s2  }
0x20d: {  	s2 =	smov.u32 s1;
	s1 =	smov.u32 s0;
	s0 =	simm.s32 @!p0 $0x400  }
0x20e: {  	[tilespmem:s0], [sflag:$0x1] =	stream.linear.gather @!p0 [hbm4b:s22+s19], $0x80, $0x38;
	[tilespmem:$0x16800] =	vst v63  }
0x20f: {  	s0 =	sld [smem:$0x7E5];
	_ =	sdelay $0x2  }
0x210: {  	s22 =	simm.s32 @!p0 $0x600;
	s0 =	sadd.s32 @!p0 s0, s21  }
0x211: {  	[tilespmem:s22], [sflag:$0x1] =	stream.linear.gather @!p0 [hbm4b:s0+s19], $0x80, $0x38;
	[tilespmem:$0x16800] =	vst v63  }
0x212: {  	s0 =	sld [smem:$0x7E7];
	_ =	sdelay $0x2  }
0x213: {  	s22 =	simm.s32 @!p0 $0x800;
	s0 =	sadd.s32 @!p0 s0, s21  }
0x214: {  	[tilespmem:s22], [sflag:$0x1] =	stream.linear.gather @!p0 [hbm4b:s0+s19], $0x80, $0x38;
	[tilespmem:$0x16800] =	vst v63  }
0x215: {  	s0 =	sld [smem:$0x7E9];
	_ =	sdelay $0x2  }
0x216: {  	s0 =	sadd.s32 @!p0 s0, s21  }
0x217: {  	[tilespmem:s19], [sflag:$0x1] =	stream.linear.gather @!p0 [hbm4b:s0+s19], $0x80, $0x38;
	[tilespmem:$0x16800] =	vst v63  }
0x218: {  	s0 =	sld [smem:$0x7EB];
	_ =	sdelay $0x2  }
0x219: {  	s0 =	sadd.s32 @!p0 s0, s21;
	s21 =	simm.s32 @!p0 $0x200  }
0x21a: {  	[tilespmem:s21], [sflag:$0x1] =	stream.linear.gather @!p0 [hbm4b:s0+s19], $0x80, $0x38;
	[tilespmem:$0x16800] =	vst v63  }
0x21b: {  	_ =	swait.ge [sflag:s29], $0x80  }
0x21c: {  	[sflag:s29] =	ssyncset.done $0x0  }
0x21d: {  	[sflag:s29] =	ssyncadd.s32 $0xFFFFFF80  }
0x21e: {  	_ =	swait.ge [sflag:s29], $0x80  }
0x21f: {  	[sflag:s29] =	ssyncset.done $0x0  }
0x220: {  	[sflag:s29] =	ssyncadd.s32 $0xFFFFFF80  }
0x221: {  	_ =	swait.ge [sflag:s29], $0x80  }
0x222: {  	[sflag:s29] =	ssyncset.done $0x0  }
0x223: {  	[sflag:s29] =	ssyncadd.s32 $0xFFFFFF80  }
0x224: {  	_ =	swait.ge [sflag:s29], $0x80  }
0x225: {  	[sflag:s29] =	ssyncset.done $0x0  }
0x226: {  	[sflag:s29] =	ssyncadd.s32 $0xFFFFFF80  }
0x227: {  	_ =	swait.ge [sflag:s29], $0x80  }
0x228: {  	[sflag:s29] =	ssyncset.done $0x0  }
0x229: {  	[sflag:s29] =	ssyncadd.s32 $0xFFFFFF80  }
0x22a: {  	v36 =	vld [tilespmem:$0x500]  }
0x22b: {  	v37 =	vld [tilespmem:$0x700]  }
0x22c: {  	v38 =	vld [tilespmem:$0x900];
	_ =	sdelay $0x2  }
0x22d: {  	v39 =	vmul.f32 v36, v36  }
0x22e: {  	v41 =	vld [tilespmem:$0x510];
	v40 =	vmul.f32 v37, v37  }
0x22f: {  	v43 =	vld [tilespmem:$0x710];
	v42 =	vmul.f32 v38, v38;
	[tilespmem:$0x1000] =	vst v39  }
0x230: {  	v45 =	vld [tilespmem:$0x910];
	v44 =	vmul.f32 v37, v36;
	[tilespmem:$0x1080] =	vst v40  }
0x231: {  	v1 =	vmul.f32 v38, v37;
	[tilespmem:$0x1100] =	vst v42  }
0x232: {  	v0 =	vmul.f32 v38, v36;
	[tilespmem:$0x1180] =	vst v44  }
0x233: {  	v46 =	vmul.f32 v41, v41;
	[tilespmem:$0x1200] =	vst v1  }
0x234: {  	v48 =	vld [tilespmem:$0x520];
	v47 =	vmul.f32 v43, v43;
	[tilespmem:$0x1280] =	vst v0  }
0x235: {  	v50 =	vld [tilespmem:$0x720];
	v49 =	vmul.f32 v45, v45;
	[tilespmem:$0x1010] =	vst v46  }
0x236: {  	v52 =	vld [tilespmem:$0x920];
	v51 =	vmul.f32 v43, v41;
	[tilespmem:$0x1090] =	vst v47  }
0x237: {  	v53 =	vmul.f32 v45, v43;
	[tilespmem:$0x1110] =	vst v49  }
0x238: {  	v54 =	vmul.f32 v45, v41;
	[tilespmem:$0x1190] =	vst v51  }
0x239: {  	v55 =	vmul.f32 v48, v48;
	[tilespmem:$0x1210] =	vst v53  }
0x23a: {  	v57 =	vld [tilespmem:$0x530];
	v56 =	vmul.f32 v50, v50;
	[tilespmem:$0x1290] =	vst v54  }
0x23b: {  	v59 =	vld [tilespmem:$0x730];
	v58 =	vmul.f32 v52, v52;
	[tilespmem:$0x1020] =	vst v55  }
0x23c: {  	v61 =	vld [tilespmem:$0x930];
	v60 =	vmul.f32 v50, v48;
	[tilespmem:$0x10A0] =	vst v56  }
0x23d: {  	v62 =	vmul.f32 v52, v50;
	[tilespmem:$0x1120] =	vst v58  }
0x23e: {  	v63 =	vmul.f32 v52, v48;
	[tilespmem:$0x11A0] =	vst v60  }
0x23f: {  	v4 =	vmul.f32 v57, v57;
	[tilespmem:$0x1220] =	vst v62  }
0x240: {  	v9 =	vld [tilespmem:$0x540];
	v8 =	vmul.f32 v59, v59;
	[tilespmem:$0x12A0] =	vst v63  }
0x241: {  	v11 =	vld [tilespmem:$0x740];
	v10 =	vmul.f32 v61, v61;
	[tilespmem:$0x1030] =	vst v4  }
0x242: {  	v13 =	vld [tilespmem:$0x940];
	v12 =	vmul.f32 v59, v57;
	[tilespmem:$0x10B0] =	vst v8  }
0x243: {  	v14 =	vmul.f32 v61, v59;
	[tilespmem:$0x1130] =	vst v10  }
0x244: {  	v15 =	vmul.f32 v61, v57;
	[tilespmem:$0x11B0] =	vst v12  }
0x245: {  	v16 =	vmul.f32 v9, v9;
	[tilespmem:$0x1230] =	vst v14  }
0x246: {  	v18 =	vld [tilespmem:$0x550];
	v17 =	vmul.f32 v11, v11;
	[tilespmem:$0x12B0] =	vst v15  }
0x247: {  	v20 =	vld [tilespmem:$0x750];
	v19 =	vmul.f32 v13, v13;
	[tilespmem:$0x1040] =	vst v16  }
0x248: {  	v22 =	vld [tilespmem:$0x950];
	v21 =	vmul.f32 v11, v9;
	[tilespmem:$0x10C0] =	vst v17  }
0x249: {  	v23 =	vmul.f32 v13, v11;
	[tilespmem:$0x1140] =	vst v19  }
0x24a: {  	v24 =	vmul.f32 v13, v9;
	[tilespmem:$0x11C0] =	vst v21  }
0x24b: {  	v25 =	vmul.f32 v18, v18;
	[tilespmem:$0x1240] =	vst v23  }
0x24c: {  	v27 =	vld [tilespmem:$0x560];
	v26 =	vmul.f32 v20, v20;
	[tilespmem:$0x12C0] =	vst v24  }
0x24d: {  	v29 =	vld [tilespmem:$0x760];
	v28 =	vmul.f32 v22, v22;
	[tilespmem:$0x1050] =	vst v25  }
0x24e: {  	v31 =	vld [tilespmem:$0x960];
	v30 =	vmul.f32 v20, v18;
	[tilespmem:$0x10D0] =	vst v26  }
0x24f: {  	v32 =	vmul.f32 v22, v20;
	[tilespmem:$0x1150] =	vst v28  }
0x250: {  	v33 =	vmul.f32 v22, v18;
	[tilespmem:$0x11D0] =	vst v30  }
0x251: {  	v34 =	vmul.f32 v27, v27;
	[tilespmem:$0x1250] =	vst v32  }
0x252: {  	v35 =	vmul.f32 v29, v29;
	v36 =	vld [tilespmem:$0x570];
	[tilespmem:$0x12D0] =	vst v33  }
0x253: {  	v37 =	vmul.f32 v31, v31;
	v38 =	vld [tilespmem:$0x770];
	[tilespmem:$0x1060] =	vst v34  }
0x254: {  	v41 =	vmul.f32 v31, v29;
	[tilespmem:$0x10E0] =	vst v35  }
0x255: {  	v39 =	vmul.f32 v29, v27;
	v40 =	vld [tilespmem:$0x970];
	[tilespmem:$0x1160] =	vst v37  }
0x256: {  	v42 =	vmul.f32 v31, v27;
	[tilespmem:$0x1260] =	vst v41  }
0x257: {  	[tilespmem:$0x11E0] =	vst v39;
	v43 =	vmul.f32 v36, v36  }
0x258: {  	[tilespmem:$0x12E0] =	vst v42;
	v44 =	vmul.f32 v38, v38  }
0x259: {  	v46 =	vmul.f32 v38, v36;
	[tilespmem:$0x1070] =	vst v43  }
0x25a: {  	v45 =	vmul.f32 v40, v40;
	[tilespmem:$0x10F0] =	vst v44  }
0x25b: {  	v47 =	vmul.f32 v40, v38;
	[tilespmem:$0x11F0] =	vst v46  }
0x25c: {  	v48 =	vmul.f32 v40, v36;
	[tilespmem:$0x1170] =	vst v45  }
0x25d: {  	[tilespmem:$0x1270] =	vst v47  }
0x25e: {  	s0 =	simm.s32 $0x500;
	[tilespmem:$0x12F0] =	vst v48  }
0x25f: {  	[spmem:s1] =	stream.indirect.scatter.add.f32 [tilespmem:s0], [sflag:$0x7], $0x1, s23, s30, $0xb8;
	[tilespmem:$0x16800] =	vst v63  }
0x260: {  	s21 =	simm.s32 $0x700  }
0x261: {  	[spmem:s2] =	stream.indirect.scatter.add.f32 [tilespmem:s21], [sflag:$0x7], $0x1, s23, s30, $0xb8;
	[tilespmem:$0x16800] =	vst v63  }
0x262: {  	s22 =	simm.s32 $0x900  }
0x263: {  	[spmem:s3] =	stream.indirect.scatter.add.f32 [tilespmem:s22], [sflag:$0x7], $0x1, s23, s30, $0xb8;
	[tilespmem:$0x16800] =	vst v63  }
0x264: {  	_ = 	snop  }
0x265: {  	[spmem:s4] =	stream.indirect.scatter.add.f32 [tilespmem:s0], [sflag:$0x7], $0x1, s16, s30, $0xb8;
	[tilespmem:$0x16800] =	vst v63  }
0x266: {  	_ = 	snop  }
0x267: {  	[spmem:s5] =	stream.indirect.scatter.add.f32 [tilespmem:s21], [sflag:$0x7], $0x1, s16, s30, $0xb8;
	[tilespmem:$0x16800] =	vst v63  }
0x268: {  	s21 =	sld [smem:$0x7C8]  }
0x269: {  	[spmem:s7] =	stream.indirect.scatter.add.f32 [tilespmem:s22], [sflag:$0x7], $0x1, s16, s30, $0xb8;
	[tilespmem:$0x16800] =	vst v63  }
0x26a: {  	s23 =	sld [smem:$0x7C9]  }
0x26b: {  	[spmem:s8] =	stream.indirect.scatter.add.f32 [tilespmem:s21], [sflag:$0x7], $0x1, s16, s30, $0xb8;
	[tilespmem:$0x16800] =	vst v63  }
0x26c: {  	s22 =	sld [smem:$0x7CA]  }
0x26d: {  	[spmem:s9] =	stream.indirect.scatter.add.f32 [tilespmem:s23], [sflag:$0x7], $0x1, s16, s30, $0xb8;
	[tilespmem:$0x16800] =	vst v63  }
0x26e: {  	s23 =	sld [smem:$0x7CB]  }
0x26f: {  	[spmem:s10] =	stream.indirect.scatter.add.f32 [tilespmem:s22], [sflag:$0x7], $0x1, s16, s30, $0xb8;
	[tilespmem:$0x16800] =	vst v63  }
0x270: {  	s22 =	sld [smem:$0x7CC]  }
0x271: {  	[spmem:s12] =	stream.indirect.scatter.add.f32 [tilespmem:s23], [sflag:$0x7], $0x1, s16, s30, $0xb8;
	[tilespmem:$0x16800] =	vst v63  }
0x272: {  	s23 =	sld [smem:$0x7CD]  }
0x273: {  	[spmem:s13] =	stream.indirect.scatter.add.f32 [tilespmem:s22], [sflag:$0x7], $0x1, s16, s30, $0xb8;
	[tilespmem:$0x16800] =	vst v63  }
0x274: {  	_ = 	snop  }
0x275: {  	[spmem:s15] =	stream.indirect.scatter.add.f32 [tilespmem:s23], [sflag:$0x7], $0x1, s16, s30, $0xb8;
	[tilespmem:$0x16800] =	vst v63  }
0x276: {  	_ =	swait.ge [sflag:s11], $0x80  }
0x277: {  	[sflag:s11] =	ssyncset.done $0x0  }
0x278: {  	[sflag:s11] =	ssyncadd.s32 $0xFFFFFF80  }
0x279: {  	_ =	swait.ge [sflag:s11], $0x80  }
0x27a: {  	[sflag:s11] =	ssyncset.done $0x0  }
0x27b: {  	[sflag:s11] =	ssyncadd.s32 $0xFFFFFF80  }
0x27c: {  	_ =	swait.ge [sflag:s11], $0x80  }
0x27d: {  	[sflag:s11] =	ssyncset.done $0x0  }
0x27e: {  	[sflag:s11] =	ssyncadd.s32 $0xFFFFFF80  }
0x27f: {  	_ =	swait.ge [sflag:s11], $0x80  }
0x280: {  	[sflag:s11] =	ssyncset.done $0x0  }
0x281: {  	[sflag:s11] =	ssyncadd.s32 $0xFFFFFF80  }
0x282: {  	_ =	swait.ge [sflag:s11], $0x80  }
0x283: {  	[sflag:s11] =	ssyncset.done $0x0  }
0x284: {  	[sflag:s11] =	ssyncadd.s32 $0xFFFFFF80  }
0x285: {  	_ =	swait.ge [sflag:s11], $0x80  }
0x286: {  	[sflag:s11] =	ssyncset.done $0x0  }
0x287: {  	[sflag:s11] =	ssyncadd.s32 $0xFFFFFF80  }
0x288: {  	_ =	swait.ge [sflag:s11], $0x80  }
0x289: {  	[sflag:s11] =	ssyncset.done $0x0  }
0x28a: {  	[sflag:s11] =	ssyncadd.s32 $0xFFFFFF80  }
0x28b: {  	_ =	swait.ge [sflag:s11], $0x80  }
0x28c: {  	[sflag:s11] =	ssyncset.done $0x0  }
0x28d: {  	[sflag:s11] =	ssyncadd.s32 $0xFFFFFF80  }
0x28e: {  	_ =	swait.ge [sflag:s11], $0x80  }
0x28f: {  	[sflag:s11] =	ssyncset.done $0x0  }
0x290: {  	[sflag:s11] =	ssyncadd.s32 $0xFFFFFF80  }
0x291: {  	_ =	swait.ge [sflag:s11], $0x80  }
0x292: {  	[sflag:s11] =	ssyncset.done $0x0  }
0x293: {  	[sflag:s11] =	ssyncadd.s32 $0xFFFFFF80  }
0x294: {  	_ =	swait.ge [sflag:s11], $0x80  }
0x295: {  	[sflag:s11] =	ssyncset.done $0x0  }
0x296: {  	[sflag:s11] =	ssyncadd.s32 $0xFFFFFF80  }
0x297: {  	_ =	swait.ge [sflag:s11], $0x80  }
0x298: {  	s21 =	simm.s32 @!p0 $0x480;
	s0 =	rddreg [dreg:$0x12];
	[sflag:s11] =	ssyncset.done $0x0  }
0x299: {  	s22 =	rddreg [dreg:$0x11];
	[sflag:s11] =	ssyncadd.s32 $0xFFFFFF80;
	s0 =	sadd.s32 @!p0 s18, s0  }
0x29a: {  	[tilespmem:s21], [sflag:$0x2] =	stream.linear.gather @!p0 [hbm4b:s0+s19], $0x80, $0x38;
	[tilespmem:$0x16800] =	vst v63  }
0x29b: {  	s0 =	rddreg [dreg:$0x10];
	s21 =	sadd.s32 @!p0 s18, s22;
	s22 =	simm.s32 @!p0 $0x680  }
0x29c: {  	[tilespmem:s22], [sflag:$0x2] =	stream.linear.gather @!p0 [hbm4b:s21+s19], $0x80, $0x38;
	[tilespmem:$0x16800] =	vst v63  }
0x29d: {  	s0 =	sadd.s32 @!p0 s18, s0;
	s21 =	simm.s32 @!p0 $0x880;
	s22 =	rddreg [dreg:$0xf]  }
0x29e: {  	[tilespmem:s21], [sflag:$0x2] =	stream.linear.gather @!p0 [hbm4b:s0+s19], $0x80, $0x38;
	[tilespmem:$0x16800] =	vst v63  }
0x29f: {  	s0 =	rddreg [dreg:$0xe];
	s21 =	sadd.s32 @!p0 s18, s22;
	s22 =	simm.s32 @!p0 $0x80  }
0x2a0: {  	[tilespmem:s22], [sflag:$0x2] =	stream.linear.gather @!p0 [hbm4b:s21+s19], $0x80, $0x38;
	[tilespmem:$0x16800] =	vst v63  }
0x2a1: {  	s0 =	sadd.s32 @!p0 s18, s0;
	s21 =	simm.s32 @!p0 $0x280  }
0x2a2: {  	[tilespmem:s21], [sflag:$0x2] =	stream.linear.gather @!p0 [hbm4b:s0+s19], $0x80, $0x38;
	[tilespmem:$0x16800] =	vst v63  }
0x2a3: {  	_ =	swait.ge [sflag:s6], $0x80  }
0x2a4: {  	[sflag:s6] =	ssyncset.done $0x0  }
0x2a5: {  	[sflag:s6] =	ssyncadd.s32 $0xFFFFFF80  }
0x2a6: {  	_ =	swait.ge [sflag:s6], $0x80  }
0x2a7: {  	[sflag:s6] =	ssyncset.done $0x0  }
0x2a8: {  	[sflag:s6] =	ssyncadd.s32 $0xFFFFFF80  }
0x2a9: {  	_ =	swait.ge [sflag:s6], $0x80  }
0x2aa: {  	[sflag:s6] =	ssyncset.done $0x0  }
0x2ab: {  	[sflag:s6] =	ssyncadd.s32 $0xFFFFFF80  }
0x2ac: {  	_ =	swait.ge [sflag:s6], $0x80  }
0x2ad: {  	[sflag:s6] =	ssyncset.done $0x0  }
0x2ae: {  	[sflag:s6] =	ssyncadd.s32 $0xFFFFFF80  }
0x2af: {  	_ =	swait.ge [sflag:s6], $0x80  }
0x2b0: {  	[sflag:s6] =	ssyncset.done $0x0  }
0x2b1: {  	[sflag:s6] =	ssyncadd.s32 $0xFFFFFF80  }
0x2b2: {  	v49 =	vld [tilespmem:$0x580]  }
0x2b3: {  	v50 =	vld [tilespmem:$0x780]  }
0x2b4: {  	v51 =	vld [tilespmem:$0x980];
	_ =	sdelay $0x2  }
0x2b5: {  	v52 =	vmul.f32 v49, v49  }
0x2b6: {  	v54 =	vld [tilespmem:$0x590];
	v53 =	vmul.f32 v50, v50  }
0x2b7: {  	v56 =	vld [tilespmem:$0x790];
	v55 =	vmul.f32 v51, v51;
	[tilespmem:$0x1300] =	vst v52  }
0x2b8: {  	v58 =	vld [tilespmem:$0x990];
	v57 =	vmul.f32 v50, v49;
	[tilespmem:$0x1380] =	vst v53  }
0x2b9: {  	v1 =	vmul.f32 v51, v50;
	[tilespmem:$0x1400] =	vst v55  }
0x2ba: {  	v0 =	vmul.f32 v51, v49;
	[tilespmem:$0x1480] =	vst v57  }
0x2bb: {  	v59 =	vmul.f32 v54, v54;
	[tilespmem:$0x1500] =	vst v1  }
0x2bc: {  	v61 =	vld [tilespmem:$0x5A0];
	v60 =	vmul.f32 v56, v56;
	[tilespmem:$0x1580] =	vst v0  }
0x2bd: {  	v63 =	vld [tilespmem:$0x7A0];
	v62 =	vmul.f32 v58, v58;
	[tilespmem:$0x1310] =	vst v59  }
0x2be: {  	v10 =	vld [tilespmem:$0x9A0];
	v9 =	vmul.f32 v56, v54;
	[tilespmem:$0x1390] =	vst v60  }
0x2bf: {  	v11 =	vmul.f32 v58, v56;
	[tilespmem:$0x1410] =	vst v62  }
0x2c0: {  	v12 =	vmul.f32 v58, v54;
	[tilespmem:$0x1490] =	vst v9  }
0x2c1: {  	v13 =	vmul.f32 v61, v61;
	[tilespmem:$0x1510] =	vst v11  }
0x2c2: {  	v15 =	vld [tilespmem:$0x5B0];
	v14 =	vmul.f32 v63, v63;
	[tilespmem:$0x1590] =	vst v12  }
0x2c3: {  	v17 =	vld [tilespmem:$0x7B0];
	v16 =	vmul.f32 v10, v10;
	[tilespmem:$0x1320] =	vst v13  }
0x2c4: {  	v19 =	vld [tilespmem:$0x9B0];
	v18 =	vmul.f32 v63, v61;
	[tilespmem:$0x13A0] =	vst v14  }
0x2c5: {  	v20 =	vmul.f32 v10, v63;
	[tilespmem:$0x1420] =	vst v16  }
0x2c6: {  	v21 =	vmul.f32 v10, v61;
	[tilespmem:$0x14A0] =	vst v18  }
0x2c7: {  	v22 =	vmul.f32 v15, v15;
	[tilespmem:$0x1520] =	vst v20  }
0x2c8: {  	v24 =	vld [tilespmem:$0x5C0];
	v23 =	vmul.f32 v17, v17;
	[tilespmem:$0x15A0] =	vst v21  }
0x2c9: {  	v26 =	vld [tilespmem:$0x7C0];
	v25 =	vmul.f32 v19, v19;
	[tilespmem:$0x1330] =	vst v22  }
0x2ca: {  	v28 =	vld [tilespmem:$0x9C0];
	v27 =	vmul.f32 v17, v15;
	[tilespmem:$0x13B0] =	vst v23  }
0x2cb: {  	v29 =	vmul.f32 v19, v17;
	[tilespmem:$0x1430] =	vst v25  }
0x2cc: {  	v30 =	vmul.f32 v19, v15;
	[tilespmem:$0x14B0] =	vst v27  }
0x2cd: {  	v31 =	vmul.f32 v24, v24;
	[tilespmem:$0x1530] =	vst v29  }
0x2ce: {  	v33 =	vld [tilespmem:$0x5D0];
	v32 =	vmul.f32 v26, v26;
	[tilespmem:$0x15B0] =	vst v30  }
0x2cf: {  	v35 =	vld [tilespmem:$0x7D0];
	v34 =	vmul.f32 v28, v28;
	[tilespmem:$0x1340] =	vst v31  }
0x2d0: {  	v37 =	vld [tilespmem:$0x9D0];
	v36 =	vmul.f32 v26, v24;
	[tilespmem:$0x13C0] =	vst v32  }
0x2d1: {  	v38 =	vmul.f32 v28, v26;
	[tilespmem:$0x1440] =	vst v34  }
0x2d2: {  	v39 =	vmul.f32 v28, v24;
	[tilespmem:$0x14C0] =	vst v36  }
0x2d3: {  	v40 =	vmul.f32 v33, v33;
	[tilespmem:$0x1540] =	vst v38  }
0x2d4: {  	v42 =	vld [tilespmem:$0x5E0];
	v41 =	vmul.f32 v35, v35;
	[tilespmem:$0x15C0] =	vst v39  }
0x2d5: {  	v44 =	vld [tilespmem:$0x7E0];
	v43 =	vmul.f32 v37, v37;
	[tilespmem:$0x1350] =	vst v40  }
0x2d6: {  	v45 =	vmul.f32 v35, v33;
	[tilespmem:$0x13D0] =	vst v41  }
0x2d7: {  	v46 =	vld [tilespmem:$0x9E0];
	v47 =	vmul.f32 v37, v35;
	[tilespmem:$0x1450] =	vst v43  }
0x2d8: {  	v48 =	vmul.f32 v37, v33;
	[tilespmem:$0x14D0] =	vst v45  }
0x2d9: {  	v49 =	vmul.f32 v42, v42;
	[tilespmem:$0x1550] =	vst v47  }
0x2da: {  	v50 =	vmul.f32 v44, v44;
	v51 =	vld [tilespmem:$0x5F0];
	[tilespmem:$0x15D0] =	vst v48  }
0x2db: {  	v54 =	vmul.f32 v44, v42;
	[tilespmem:$0x1360] =	vst v49;
	v53 =	vld [tilespmem:$0x7F0]  }
0x2dc: {  	v56 =	vmul.f32 v46, v44;
	[tilespmem:$0x13E0] =	vst v50;
	v55 =	vld [tilespmem:$0x9F0]  }
0x2dd: {  	v52 =	vmul.f32 v46, v46;
	[tilespmem:$0x14E0] =	vst v54  }
0x2de: {  	v57 =	vmul.f32 v46, v42;
	[tilespmem:$0x1560] =	vst v56  }
0x2df: {  	[tilespmem:$0x1460] =	vst v52;
	v58 =	vmul.f32 v51, v51  }
0x2e0: {  	[tilespmem:$0x15E0] =	vst v57;
	v59 =	vmul.f32 v53, v53  }
0x2e1: {  	[tilespmem:$0x1370] =	vst v58;
	v60 =	vmul.f32 v55, v55  }
0x2e2: {  	v61 =	vmul.f32 v53, v51;
	[tilespmem:$0x13F0] =	vst v59  }
0x2e3: {  	v62 =	vmul.f32 v55, v53;
	[tilespmem:$0x1470] =	vst v60  }
0x2e4: {  	v63 =	vmul.f32 v55, v51;
	[tilespmem:$0x14F0] =	vst v61  }
0x2e5: {  	[tilespmem:$0x1570] =	vst v62  }
0x2e6: {  	s21 =	simm.s32 $0x580;
	[tilespmem:$0x15F0] =	vst v63  }
0x2e7: {  	[spmem:s1] =	stream.indirect.scatter.add.f32 [tilespmem:s21], [sflag:$0x8], $0x1, s25, s30, $0xb8;
	[tilespmem:$0x16800] =	vst v63  }
0x2e8: {  	s22 =	simm.s32 $0x780  }
0x2e9: {  	[spmem:s2] =	stream.indirect.scatter.add.f32 [tilespmem:s22], [sflag:$0x8], $0x1, s25, s30, $0xb8;
	[tilespmem:$0x16800] =	vst v63  }
0x2ea: {  	s23 =	simm.s32 $0x980  }
0x2eb: {  	[spmem:s3] =	stream.indirect.scatter.add.f32 [tilespmem:s23], [sflag:$0x8], $0x1, s25, s30, $0xb8;
	[tilespmem:$0x16800] =	vst v63  }
0x2ec: {  	_ = 	snop  }
0x2ed: {  	[spmem:s4] =	stream.indirect.scatter.add.f32 [tilespmem:s21], [sflag:$0x8], $0x1, s24, s30, $0xb8;
	[tilespmem:$0x16800] =	vst v63  }
0x2ee: {  	_ = 	snop  }
0x2ef: {  	[spmem:s5] =	stream.indirect.scatter.add.f32 [tilespmem:s22], [sflag:$0x8], $0x1, s24, s30, $0xb8;
	[tilespmem:$0x16800] =	vst v63  }
0x2f0: {  	s19 =	sld [smem:$0x7CE]  }
0x2f1: {  	[spmem:s7] =	stream.indirect.scatter.add.f32 [tilespmem:s23], [sflag:$0x8], $0x1, s24, s30, $0xb8;
	[tilespmem:$0x16800] =	vst v63  }
0x2f2: {  	s22 =	sld [smem:$0x7CF]  }
0x2f3: {  	[spmem:s8] =	stream.indirect.scatter.add.f32 [tilespmem:s19], [sflag:$0x8], $0x1, s24, s30, $0xb8;
	[tilespmem:$0x16800] =	vst v63  }
0x2f4: {  	s23 =	sld [smem:$0x7D0]  }
0x2f5: {  	[spmem:s9] =	stream.indirect.scatter.add.f32 [tilespmem:s22], [sflag:$0x8], $0x1, s24, s30, $0xb8;
	[tilespmem:$0x16800] =	vst v63  }
0x2f6: {  	s20 =	sadd.s32 $0x200, s20;
	s18 =	sadd.s32 $0x40, s18;
	s21 =	sld [smem:$0x7D1]  }
0x2f7: {  	[spmem:s10] =	stream.indirect.scatter.add.f32 [tilespmem:s23], [sflag:$0x8], $0x1, s24, s30, $0xb8;
	[tilespmem:$0x16800] =	vst v63  }
0x2f8: {  	s0 =	smov.u32 s1;
	p0 =	sne.s32 s18, $0x61C0;
	s22 =	sld [smem:$0x7D3]  }
0x2f9: {  	[spmem:s12] =	stream.indirect.scatter.add.f32 [tilespmem:s21], [sflag:$0x8], $0x1, s24, s30, $0xb8;
	[tilespmem:$0x16800] =	vst v63  }
.Ltmp0:
0x2fa: {  	s1 =	smov.u32 s2;
	s2 =	smov.u32 s3;
	(pc) =	sbr.rel @p0 .LBB3_2-.Ltmp0, $4  }
0x2fb: {  	s25 =	simm.s32 $0x200;
	s3 =	smov.u32 s4;
	s23 =	sld [smem:$0x7D4]  }
0x2fc: {  	[spmem:s13] =	stream.indirect.scatter.add.f32 [tilespmem:s22], [sflag:$0x8], $0x1, s24, s30, $0xb8;
	[tilespmem:$0x16800] =	vst v63  }
0x2fd: {  	s4 =	smov.u32 s5;
	s5 =	smov.u32 s7;
	s7 =	smov.u32 s15  }
0x2fe: {  	[spmem:s15] =	stream.indirect.scatter.add.f32 [tilespmem:s23], [sflag:$0x8], $0x1, s24, s30, $0xb8;
	[tilespmem:$0x16800] =	vst v63  }
0x2ff: {  	s15 =	simm.s32 $0x7  }
0x300: {  	_ =	swait.ge [sflag:s15], $0x80  }
0x301: {  	[sflag:s15] =	ssyncset.done $0x0  }
0x302: {  	[sflag:s15] =	ssyncadd.s32 $0xFFFFFF80  }
0x303: {  	_ =	swait.ge [sflag:s15], $0x80  }
0x304: {  	[sflag:s15] =	ssyncset.done $0x0  }
0x305: {  	[sflag:s15] =	ssyncadd.s32 $0xFFFFFF80  }
0x306: {  	_ =	swait.ge [sflag:s15], $0x80  }
0x307: {  	[sflag:s15] =	ssyncset.done $0x0  }
0x308: {  	[sflag:s15] =	ssyncadd.s32 $0xFFFFFF80  }
0x309: {  	_ =	swait.ge [sflag:s15], $0x80  }
0x30a: {  	[sflag:s15] =	ssyncset.done $0x0  }
0x30b: {  	[sflag:s15] =	ssyncadd.s32 $0xFFFFFF80  }
0x30c: {  	_ =	swait.ge [sflag:s15], $0x80  }
0x30d: {  	[sflag:s15] =	ssyncset.done $0x0  }
0x30e: {  	[sflag:s15] =	ssyncadd.s32 $0xFFFFFF80  }
0x30f: {  	_ =	swait.ge [sflag:s15], $0x80  }
0x310: {  	[sflag:s15] =	ssyncset.done $0x0  }
0x311: {  	[sflag:s15] =	ssyncadd.s32 $0xFFFFFF80  }
0x312: {  	_ =	swait.ge [sflag:s15], $0x80  }
0x313: {  	[sflag:s15] =	ssyncset.done $0x0  }
0x314: {  	[sflag:s15] =	ssyncadd.s32 $0xFFFFFF80  }
0x315: {  	_ =	swait.ge [sflag:s15], $0x80  }
0x316: {  	[sflag:s15] =	ssyncset.done $0x0  }
0x317: {  	[sflag:s15] =	ssyncadd.s32 $0xFFFFFF80  }
0x318: {  	_ =	swait.ge [sflag:s15], $0x80  }
0x319: {  	[sflag:s15] =	ssyncset.done $0x0  }
0x31a: {  	[sflag:s15] =	ssyncadd.s32 $0xFFFFFF80  }
0x31b: {  	_ =	swait.ge [sflag:s15], $0x80  }
0x31c: {  	[sflag:s15] =	ssyncset.done $0x0  }
0x31d: {  	[sflag:s15] =	ssyncadd.s32 $0xFFFFFF80  }
0x31e: {  	_ =	swait.ge [sflag:s15], $0x80  }
0x31f: {  	[sflag:s15] =	ssyncset.done $0x0  }
0x320: {  	[sflag:s15] =	ssyncadd.s32 $0xFFFFFF80  }
0x321: {  	_ =	swait.ge [sflag:s15], $0x80  }
0x322: {  	[sflag:s15] =	ssyncset.done $0x0  }
0x323: {  	s23 =	simm.s32 $0x8;
	[sflag:s15] =	ssyncadd.s32 $0xFFFFFF80  }
0x324: {  	_ =	swait.ge [sflag:s23], $0x80  }
0x325: {  	[sflag:s23] =	ssyncset.done $0x0  }
0x326: {  	[sflag:s23] =	ssyncadd.s32 $0xFFFFFF80  }
0x327: {  	_ =	swait.ge [sflag:s23], $0x80  }
0x328: {  	[sflag:s23] =	ssyncset.done $0x0  }
0x329: {  	[sflag:s23] =	ssyncadd.s32 $0xFFFFFF80  }
0x32a: {  	_ =	swait.ge [sflag:s23], $0x80  }
0x32b: {  	[sflag:s23] =	ssyncset.done $0x0  }
0x32c: {  	[sflag:s23] =	ssyncadd.s32 $0xFFFFFF80  }
0x32d: {  	_ =	swait.ge [sflag:s23], $0x80  }
0x32e: {  	[sflag:s23] =	ssyncset.done $0x0  }
0x32f: {  	[sflag:s23] =	ssyncadd.s32 $0xFFFFFF80  }
0x330: {  	_ =	swait.ge [sflag:s23], $0x80  }
0x331: {  	[sflag:s23] =	ssyncset.done $0x0  }
0x332: {  	[sflag:s23] =	ssyncadd.s32 $0xFFFFFF80  }
0x333: {  	_ =	swait.ge [sflag:s23], $0x80  }
0x334: {  	[sflag:s23] =	ssyncset.done $0x0  }
0x335: {  	[sflag:s23] =	ssyncadd.s32 $0xFFFFFF80  }
0x336: {  	_ =	swait.ge [sflag:s23], $0x80  }
0x337: {  	[sflag:s23] =	ssyncset.done $0x0  }
0x338: {  	[sflag:s23] =	ssyncadd.s32 $0xFFFFFF80  }
0x339: {  	_ =	swait.ge [sflag:s23], $0x80  }
0x33a: {  	[sflag:s23] =	ssyncset.done $0x0  }
0x33b: {  	[sflag:s23] =	ssyncadd.s32 $0xFFFFFF80  }
0x33c: {  	_ =	swait.ge [sflag:s23], $0x80  }
0x33d: {  	[sflag:s23] =	ssyncset.done $0x0  }
0x33e: {  	[sflag:s23] =	ssyncadd.s32 $0xFFFFFF80  }
0x33f: {  	_ =	swait.ge [sflag:s23], $0x80  }
0x340: {  	[sflag:s23] =	ssyncset.done $0x0  }
0x341: {  	[sflag:s23] =	ssyncadd.s32 $0xFFFFFF80  }
0x342: {  	_ =	swait.ge [sflag:s23], $0x80  }
0x343: {  	[sflag:s23] =	ssyncset.done $0x0  }
0x344: {  	[sflag:s23] =	ssyncadd.s32 $0xFFFFFF80  }
0x345: {  	_ =	swait.ge [sflag:s23], $0x80  }
0x346: {  	[sflag:s23] =	ssyncset.done $0x0  }
0x347: {  	[sflag:s23] =	ssyncadd.s32 $0xFFFFFF80  }
0x348: {  	[bflag:$0x0] =	sbarrier.arrive $0xFFFF  }
0x349: {  	s18 =	sld [smem:$0x7D5];
	_ =	sdelay $0x1  }
0x34a: {  	s22 =	simm.s32 $0x1600  }
0x34b: {  	[tilespmem:s22], [sflag:$0x9] =	stream.linear.gather [spmem:s18], $0x1A00, $0x38;
	[tilespmem:$0x16800] =	vst v63  }
0x34c: {  	s18 =	simm.s32 $0x9  }
0x34d: {  	_ =	swait.ge [sflag:s18], $0x1A00  }
0x34e: {  	s19 =	sld [smem:$0x7ED]  }
0x34f: {  	[sflag:s18] =	ssyncset.done $0x0  }
0x350: {  	[sflag:s18] =	ssyncadd.s32 $0xFFFFE600  }
0x351: {  	[hbm4b:s19+s14] =	stream.linear.scatter [tilespmem:s22], [sflag:$0x9], $0x1A00, $0x38;
	[tilespmem:$0x16800] =	vst v63  }
0x352: {  	_ =	swait.ge [sflag:s18], $0x1A00  }
0x353: {  	s20 =	sld [smem:$0x7D6]  }
0x354: {  	[sflag:s18] =	ssyncset.done $0x0  }
0x355: {  	[sflag:s18] =	ssyncadd.s32 $0xFFFFE600  }
0x356: {  	[tilespmem:s22], [sflag:$0x9] =	stream.linear.gather [spmem:s20], $0x1A00, $0x38;
	[tilespmem:$0x16800] =	vst v63  }
0x357: {  	_ =	swait.ge [sflag:s18], $0x1A00  }
0x358: {  	s21 =	sld [smem:$0x7EE]  }
0x359: {  	[sflag:s18] =	ssyncset.done $0x0  }
0x35a: {  	[sflag:s18] =	ssyncadd.s32 $0xFFFFE600  }
0x35b: {  	[hbm4b:s21+s14] =	stream.linear.scatter [tilespmem:s22], [sflag:$0x9], $0x1A00, $0x38;
	[tilespmem:$0x16800] =	vst v63  }
0x35c: {  	_ =	swait.ge [sflag:s18], $0x1A00  }
0x35d: {  	s23 =	sld [smem:$0x7D7]  }
0x35e: {  	[sflag:s18] =	ssyncset.done $0x0  }
0x35f: {  	[sflag:s18] =	ssyncadd.s32 $0xFFFFE600  }
0x360: {  	[tilespmem:s22], [sflag:$0x9] =	stream.linear.gather [spmem:s23], $0x1A00, $0x38;
	[tilespmem:$0x16800] =	vst v63  }
0x361: {  	_ =	swait.ge [sflag:s18], $0x1A00  }
0x362: {  	s19 =	sld [smem:$0x7EF]  }
0x363: {  	[sflag:s18] =	ssyncset.done $0x0  }
0x364: {  	[sflag:s18] =	ssyncadd.s32 $0xFFFFE600  }
0x365: {  	[hbm4b:s19+s14] =	stream.linear.scatter [tilespmem:s22], [sflag:$0x9], $0x1A00, $0x38;
	[tilespmem:$0x16800] =	vst v63  }
0x366: {  	_ =	swait.ge [sflag:s18], $0x1A00  }
0x367: {  	s20 =	sld [smem:$0x7D8]  }
0x368: {  	[sflag:s18] =	ssyncset.done $0x0  }
0x369: {  	[sflag:s18] =	ssyncadd.s32 $0xFFFFE600  }
0x36a: {  	[tilespmem:s22], [sflag:$0x9] =	stream.linear.gather [spmem:s20], $0x1A00, $0x38;
	[tilespmem:$0x16800] =	vst v63  }
0x36b: {  	_ =	swait.ge [sflag:s18], $0x1A00  }
0x36c: {  	s21 =	sld [smem:$0x7F0]  }
0x36d: {  	[sflag:s18] =	ssyncset.done $0x0  }
0x36e: {  	[sflag:s18] =	ssyncadd.s32 $0xFFFFE600  }
0x36f: {  	[hbm4b:s21+s14] =	stream.linear.scatter [tilespmem:s22], [sflag:$0x9], $0x1A00, $0x38;
	[tilespmem:$0x16800] =	vst v63  }
0x370: {  	_ =	swait.ge [sflag:s18], $0x1A00  }
0x371: {  	s23 =	sld [smem:$0x7D9]  }
0x372: {  	[sflag:s18] =	ssyncset.done $0x0  }
0x373: {  	[sflag:s18] =	ssyncadd.s32 $0xFFFFE600  }
0x374: {  	[tilespmem:s22], [sflag:$0x9] =	stream.linear.gather [spmem:s23], $0x1A00, $0x38;
	[tilespmem:$0x16800] =	vst v63  }
0x375: {  	_ =	swait.ge [sflag:s18], $0x1A00  }
0x376: {  	s19 =	sld [smem:$0x7F1]  }
0x377: {  	[sflag:s18] =	ssyncset.done $0x0  }
0x378: {  	[sflag:s18] =	ssyncadd.s32 $0xFFFFE600  }
0x379: {  	[hbm4b:s19+s14] =	stream.linear.scatter [tilespmem:s22], [sflag:$0x9], $0x1A00, $0x38;
	[tilespmem:$0x16800] =	vst v63  }
0x37a: {  	_ =	swait.ge [sflag:s18], $0x1A00  }
0x37b: {  	s20 =	sld [smem:$0x7DA]  }
0x37c: {  	[sflag:s18] =	ssyncset.done $0x0  }
0x37d: {  	[sflag:s18] =	ssyncadd.s32 $0xFFFFE600  }
0x37e: {  	[tilespmem:s22], [sflag:$0x9] =	stream.linear.gather [spmem:s20], $0x1A00, $0x38;
	[tilespmem:$0x16800] =	vst v63  }
0x37f: {  	_ =	swait.ge [sflag:s18], $0x1A00  }
0x380: {  	s21 =	sld [smem:$0x7F2]  }
0x381: {  	[sflag:s18] =	ssyncset.done $0x0  }
0x382: {  	[sflag:s18] =	ssyncadd.s32 $0xFFFFE600  }
0x383: {  	[hbm4b:s21+s14] =	stream.linear.scatter [tilespmem:s22], [sflag:$0x9], $0x1A00, $0x38;
	[tilespmem:$0x16800] =	vst v63  }
0x384: {  	_ =	swait.ge [sflag:s18], $0x1A00  }
0x385: {  	s23 =	sld [smem:$0x7DB]  }
0x386: {  	[sflag:s18] =	ssyncset.done $0x0  }
0x387: {  	[sflag:s18] =	ssyncadd.s32 $0xFFFFE600  }
0x388: {  	[tilespmem:s22], [sflag:$0x9] =	stream.linear.gather [spmem:s23], $0x1A00, $0x38;
	[tilespmem:$0x16800] =	vst v63  }
0x389: {  	_ =	swait.ge [sflag:s18], $0x1A00  }
0x38a: {  	s19 =	sld [smem:$0x7F3]  }
0x38b: {  	[sflag:s18] =	ssyncset.done $0x0  }
0x38c: {  	[sflag:s18] =	ssyncadd.s32 $0xFFFFE600  }
0x38d: {  	[hbm4b:s19+s14] =	stream.linear.scatter [tilespmem:s22], [sflag:$0x9], $0x1A00, $0x38;
	[tilespmem:$0x16800] =	vst v63  }
0x38e: {  	_ =	swait.ge [sflag:s18], $0x1A00  }
0x38f: {  	s20 =	sld [smem:$0x7DC]  }
0x390: {  	[sflag:s18] =	ssyncset.done $0x0  }
0x391: {  	[sflag:s18] =	ssyncadd.s32 $0xFFFFE600  }
0x392: {  	[tilespmem:s22], [sflag:$0x9] =	stream.linear.gather [spmem:s20], $0x1A00, $0x38;
	[tilespmem:$0x16800] =	vst v63  }
0x393: {  	_ =	swait.ge [sflag:s18], $0x1A00  }
0x394: {  	s21 =	sld [smem:$0x7F4]  }
0x395: {  	[sflag:s18] =	ssyncset.done $0x0  }
0x396: {  	[sflag:s18] =	ssyncadd.s32 $0xFFFFE600  }
0x397: {  	[hbm4b:s21+s14] =	stream.linear.scatter [tilespmem:s22], [sflag:$0x9], $0x1A00, $0x38;
	[tilespmem:$0x16800] =	vst v63  }
0x398: {  	_ =	swait.ge [sflag:s18], $0x1A00  }
0x399: {  	s23 =	sld [smem:$0x7DD]  }
0x39a: {  	[sflag:s18] =	ssyncset.done $0x0  }
0x39b: {  	[sflag:s18] =	ssyncadd.s32 $0xFFFFE600  }
0x39c: {  	[tilespmem:s22], [sflag:$0x9] =	stream.linear.gather [spmem:s23], $0x1A00, $0x38;
	[tilespmem:$0x16800] =	vst v63  }
0x39d: {  	_ =	swait.ge [sflag:s18], $0x1A00  }
0x39e: {  	s19 =	sld [smem:$0x7F5]  }
0x39f: {  	[sflag:s18] =	ssyncset.done $0x0  }
0x3a0: {  	[sflag:s18] =	ssyncadd.s32 $0xFFFFE600  }
0x3a1: {  	[hbm4b:s19+s14] =	stream.linear.scatter [tilespmem:s22], [sflag:$0x9], $0x1A00, $0x38;
	[tilespmem:$0x16800] =	vst v63  }
0x3a2: {  	_ =	swait.ge [sflag:s18], $0x1A00  }
0x3a3: {  	s19 =	sld [smem:$0x7FB]  }
0x3a4: {  	[sflag:s18] =	ssyncset.done $0x0  }
0x3a5: {  	[sflag:s18] =	ssyncadd.s32 $0xFFFFE600  }
0x3a6: {  	[tilespmem:s22], [sflag:$0x9] =	stream.linear.gather [spmem:s19], $0x1A00, $0x38;
	[tilespmem:$0x16800] =	vst v63  }
0x3a7: {  	_ =	swait.ge [sflag:s18], $0x1A00  }
0x3a8: {  	s20 =	sld [smem:$0x7F6]  }
0x3a9: {  	[sflag:s18] =	ssyncset.done $0x0  }
0x3aa: {  	[sflag:s18] =	ssyncadd.s32 $0xFFFFE600  }
0x3ab: {  	[hbm4b:s20+s14] =	stream.linear.scatter [tilespmem:s22], [sflag:$0x9], $0x1A00, $0x38;
	[tilespmem:$0x16800] =	vst v63  }
0x3ac: {  	_ =	swait.ge [sflag:s18], $0x1A00  }
0x3ad: {  	s20 =	sld [smem:$0x7FC]  }
0x3ae: {  	[sflag:s18] =	ssyncset.done $0x0  }
0x3af: {  	[sflag:s18] =	ssyncadd.s32 $0xFFFFE600  }
0x3b0: {  	[tilespmem:s22], [sflag:$0x9] =	stream.linear.gather [spmem:s20], $0x1A00, $0x38;
	[tilespmem:$0x16800] =	vst v63  }
0x3b1: {  	_ =	swait.ge [sflag:s18], $0x1A00  }
0x3b2: {  	s21 =	sld [smem:$0x7F7]  }
0x3b3: {  	[sflag:s18] =	ssyncset.done $0x0  }
0x3b4: {  	[sflag:s18] =	ssyncadd.s32 $0xFFFFE600  }
0x3b5: {  	[hbm4b:s21+s14] =	stream.linear.scatter [tilespmem:s22], [sflag:$0x9], $0x1A00, $0x38;
	[tilespmem:$0x16800] =	vst v63  }
0x3b6: {  	_ =	swait.ge [sflag:s18], $0x1A00  }
0x3b7: {  	s21 =	sld [smem:$0x7FD]  }
0x3b8: {  	[sflag:s18] =	ssyncset.done $0x0  }
0x3b9: {  	[sflag:s18] =	ssyncadd.s32 $0xFFFFE600  }
0x3ba: {  	[tilespmem:s22], [sflag:$0x9] =	stream.linear.gather [spmem:s21], $0x1A00, $0x38;
	[tilespmem:$0x16800] =	vst v63  }
0x3bb: {  	_ =	swait.ge [sflag:s18], $0x1A00  }
0x3bc: {  	s23 =	sld [smem:$0x7F8]  }
0x3bd: {  	[sflag:s18] =	ssyncset.done $0x0  }
0x3be: {  	[sflag:s18] =	ssyncadd.s32 $0xFFFFE600  }
0x3bf: {  	[hbm4b:s23+s14] =	stream.linear.scatter [tilespmem:s22], [sflag:$0x9], $0x1A00, $0x38;
	[tilespmem:$0x16800] =	vst v63  }
0x3c0: {  	_ =	swait.ge [sflag:s18], $0x1A00  }
0x3c1: {  	s23 =	sld [smem:$0x7BD]  }
0x3c2: {  	[sflag:s18] =	ssyncset.done $0x0;
	s18 =	sld [smem:$0x7F9];
	_ =	sdelay $0x1  }
0x3c3: {  	s23 =	sadd.s32 $0x1, s23  }
0x3c4: {  	p0 =	sne.s32 s23, s18  }
.Ltmp1:
0x3c5: {  	_ = 	snop;
	(pc) =	sbr.rel @p0 .LBB3_1-.Ltmp1, $3  }
0x3c6: {  	_ =	sdelay $0x1  }
0x3c7: {  	s18 =	simm.s32 $0x9  }
0x3c8: {  	[sflag:s18] =	ssyncadd.s32 $0xFFFFE600  }
0x3c9: {  	_ =	sfence.sel $0x180000  }
0x3ca: {  	[bflag:$0x0] =	sbarrier.arrive $0xFFFF  }
0x3cb: {  	_ =	strace $0x90000047  }
0x3cc: {  	s0 =	stileid.u32;
	[bflag:$0x2] =	sbarrier.arrive $0xFFFF  }
0x3cd: {  	p0 =	sne.s32 s0, $0x0;
	s0 =	sld [smem:$0x7BE];
	_ =	sdelay $0x2  }
0x3ce: {  	s0 =	sadd.s32 @!p0 $0x100000, s0  }
0x3cf: {  	[sflag:s0] =	ssyncadd.tile.s32 @!p0 $0x1;
	_ =	shalt  }
.Lfunc_end3:
_tile_overlayer_lowered:
.L_overlay_start_3:
0x3d0: {  	(tag) =	ssettag $0x3  }
0x3d1: {  	s0 =	rddreg [dreg:$0x0];
	s2 =	stileid.u32  }
0x3d2: {  	s1 =	rddreg [dreg:$0x1];
	p0 =	sne.s32 s2, $0x0  }
0x3d3: {  	s3 =	rddreg [dreg:$0x2];
	[bflag:$0x3] =	sbarrier.arrive $0xFFFF;
	s2 =	simm.s32 @!p0 $0x1C09  }
0x3d4: {  	[timem:s3], [sflag:s2] =	dma.local @!p0 [hbm:s0], s1  }
0x3d5: {  	s0 =	simm.s32 @!p0 $0x9  }
0x3d6: {  	_ =	swait.ge @!p0 [sflag:s0], s1  }
0x3d7: {  	s1 =	ssub.s32 @!p0 $0x0, s1;
	[sflag:s0] =	ssyncset.done @!p0 $0x0  }
0x3d8: {  	[sflag:s0] =	ssyncadd.s32 @!p0 s1  }
0x3d9: {  	[bflag:$0x3] =	sbarrier.arrive $0xFFFF  }
0x3da: {  	_ =	shalt  }

</sc_bundles>
